<compile_context>
chip_gen: v7x
topology: tpu7x:2x2x1
jax: 0.10.2.dev20260603
libtpu: 0.0.44.dev20260713+nightly
codegen_flags: <defaults>
</compile_context>

<pallas_src>
import functools

import jax
import jax.numpy as jnp
from jax import lax
from jax.experimental import pallas as pl
from jax.experimental.pallas import tpu as pltpu
from jax.experimental.pallas import tpu_sc as plsc

NC = 2
NS = 16
NW = NC * NS
L = 16
CH = 128
DEPTH = 4
A_CH = 152
B_CH = 8



def _make_deg_kernel(kchunks, n_pad):
    rpt = n_pad // NS
    mesh = plsc.VectorSubcoreMesh(core_axis_name="c", subcore_axis_name="s")

    @functools.partial(
        pl.kernel,
        out_type=jax.ShapeDtypeStruct((NC, n_pad), jnp.float32),
        mesh=mesh,
        compiler_params=pltpu.CompilerParams(needs_layout_passes=False),
        scratch_types=[
            pltpu.VMEM((kchunks, CH), jnp.int32),
            pltpu.VMEM((n_pad,), jnp.float32),
            pltpu.VMEM((NS, rpt), jnp.float32),
            pltpu.VMEM((rpt,), jnp.float32),
            pltpu.VMEM_SHARED((NS, n_pad), jnp.float32),
        ],
    )
    def deg_kernel(col_hbm, out_hbm, col_v, hist, rbuf, accv, shared):
        c = lax.axis_index("c")
        s = lax.axis_index("s")
        w = s * NC + c
        off = pl.multiple_of(w * kchunks, 8)
        pltpu.sync_copy(col_hbm.at[pl.ds(off, kchunks)], col_v)
        z16 = jnp.zeros((L,), jnp.float32)

        @pl.loop(0, n_pad // L)
        def _(i):
            hist[pl.ds(i * L, L)] = z16

        ones = jnp.ones((L,), jnp.float32)

        @pl.loop(0, kchunks)
        def _(j):
            for k in range(CH // L):
                idx = col_v[j, pl.ds(k * L, L)]
                plsc.addupdate_scatter(hist, [idx], ones)

        pltpu.sync_copy(hist, shared.at[s])
        plsc.subcore_barrier()
        for r in range(NS):
            pltpu.sync_copy(shared.at[r, pl.ds(s * rpt, rpt)], rbuf.at[r])

        @pl.loop(0, rpt // L)
        def _(v):
            acc = rbuf[0, pl.ds(v * L, L)]
            for r in range(1, NS):
                acc = acc + rbuf[r, pl.ds(v * L, L)]
            accv[pl.ds(v * L, L)] = acc

        pltpu.sync_copy(accv, out_hbm.at[c, pl.ds(s * rpt, rpt)])

    return deg_kernel


def _make_hop_kernel(n_pad, c_dim):
    rpt = n_pad // NS
    mesh = plsc.VectorSubcoreMesh(core_axis_name="c", subcore_axis_name="s")

    @functools.partial(
        pl.kernel,
        out_type=jax.ShapeDtypeStruct((NC, n_pad, c_dim), jnp.float32),
        mesh=mesh,
        compiler_params=pltpu.CompilerParams(needs_layout_passes=False,
                                             use_tc_tiling_on_sc=False),
        scratch_types=[
            pltpu.VMEM((A_CH, CH), jnp.int32),
            pltpu.VMEM((A_CH, CH), jnp.int32),
            pltpu.VMEM_SHARED((n_pad, c_dim), jnp.float32),
        ]
        + [pltpu.VMEM((CH, c_dim), jnp.float32) for _ in range(DEPTH)]
        + [pltpu.SemaphoreType.DMA for _ in range(DEPTH)],
    )
    def hop_kernel(row_hbm, col_hbm, u_hbm, out_hbm,
                   row_v, col_v, accum, *rest):
        gbufs = rest[:DEPTH]
        sems = rest[DEPTH:2 * DEPTH]
        c = lax.axis_index("c")
        s = lax.axis_index("s")
        start = pl.multiple_of(
            jnp.where(c == 0, s * A_CH, NS * A_CH + s * B_CH), 8)
        my_n = jnp.where(c == 0, A_CH, B_CH)
        pltpu.sync_copy(row_hbm.at[pl.ds(start, A_CH)], row_v)
        pltpu.sync_copy(col_hbm.at[pl.ds(start, A_CH)], col_v)

        z16 = jnp.zeros((L,), jnp.float32)
        g0 = gbufs[0]

        @pl.loop(0, CH)
        def _(i):
            for k in range(c_dim // L):
                g0[i, pl.ds(k * L, L)] = z16

        for k in range(rpt // CH):
            pltpu.sync_copy(g0, accum.at[pl.ds(s * rpt + k * CH, CH)])
        plsc.subcore_barrier()

        for b in range(DEPTH):
            pltpu.async_copy(u_hbm.at[row_v.at[b]], gbufs[b], sems[b])

        @pl.loop(0, my_n, step=DEPTH)
        def _(j):
            for b in range(DEPTH):
                pltpu.make_async_copy(u_hbm.at[row_v.at[j + b]],
                                      gbufs[b], sems[b]).wait()
                pltpu.sync_copy(gbufs[b], accum.at[col_v.at[j + b]],
                                add=True)

                @pl.when(j + b + DEPTH < my_n)
                def _():
                    pltpu.async_copy(u_hbm.at[row_v.at[j + b + DEPTH]],
                                     gbufs[b], sems[b])

        plsc.subcore_barrier()
        pltpu.sync_copy(accum.at[pl.ds(s * rpt, rpt)],
                        out_hbm.at[c, pl.ds(s * rpt, rpt)])

    return hop_kernel



def _proj_body(x_ref, w_ref, c0_ref, c1_ref, u0_ref, dinv_ref, dsq_ref):
    deg = c0_ref[...] + c1_ref[...] + 2.0
    dinv = lax.rsqrt(deg)
    y = lax.dot_general(x_ref[...], w_ref[...], (((1,), (1,)), ((), ())),
                        preferred_element_type=jnp.float32)
    u0_ref[...] = dinv * y
    dinv_ref[...] = dinv
    dsq_ref[...] = dinv * dinv


def _combine_body(p0_ref, p1_ref, u_ref, sc_ref, out_ref):
    out_ref[...] = sc_ref[...] * (p0_ref[...] + p1_ref[...] + 2.0 * u_ref[...])


def _final_body(p0_ref, p1_ref, u_ref, dinv_ref, b_ref, out_ref):
    logits = dinv_ref[...] * (p0_ref[...] + p1_ref[...] + 2.0 * u_ref[...])
    logits = logits + b_ref[...]
    m = jnp.max(logits, axis=1, keepdims=True)
    e = jnp.exp(logits - m)
    lse = jnp.log(jnp.sum(e, axis=1, keepdims=True)) + m
    out_ref[...] = logits - lse


def _row_spec(br, cols):
    return pl.BlockSpec((br, cols), lambda i: (i, 0))


def _full_spec(shape):
    return pl.BlockSpec(shape, lambda i: (0, 0))



def kernel(x, edge_index, W, b):
    n, d = x.shape
    c_dim = W.shape[0]
    e = edge_index.shape[1]

    grain = NS * CH
    n_pad = ((n + grain - 1) // grain) * grain

    proc_chunks = NS * (A_CH + B_CH)
    assert proc_chunks * CH >= e, "edge partition must cover all edges"
    pad_chunks = NS * A_CH + (NS - 1) * B_CH + A_CH
    pad_chunks = max(pad_chunks, proc_chunks)
    kchunks = -(-proc_chunks // (NW * 8)) * 8
    deg_chunks = kchunks * NW
    pad_chunks = max(pad_chunks, deg_chunks)
    pad_chunks = -(-pad_chunks // 8) * 8
    e_pad = pad_chunks * CH

    pad = jnp.full((e_pad - e,), n, dtype=jnp.int32)
    rowp = jnp.concatenate([edge_index[0], pad]).reshape(pad_chunks, CH)
    colp = jnp.concatenate([edge_index[1], pad]).reshape(pad_chunks, CH)
    x_pad = jnp.pad(x, ((0, n_pad - n), (0, 0)))

    cnt = _make_deg_kernel(kchunks, n_pad)(colp[:deg_chunks])

    br = 1024
    grid = (n_pad // br,)
    u0, dinv, dsq = pl.pallas_call(
        _proj_body,
        grid=grid,
        in_specs=[_row_spec(br, d), _full_spec((c_dim, d)),
                  _row_spec(br, 1), _row_spec(br, 1)],
        out_specs=[_row_spec(br, c_dim), _row_spec(br, 1), _row_spec(br, 1)],
        out_shape=[jax.ShapeDtypeStruct((n_pad, c_dim), jnp.float32),
                   jax.ShapeDtypeStruct((n_pad, 1), jnp.float32),
                   jax.ShapeDtypeStruct((n_pad, 1), jnp.float32)],
    )(x_pad, W, cnt[0][:, None], cnt[1][:, None])

    hop = _make_hop_kernel(n_pad, c_dim)

    p = hop(rowp, colp, u0)
    u1 = pl.pallas_call(
        _combine_body,
        grid=grid,
        in_specs=[_row_spec(br, c_dim)] * 3 + [_row_spec(br, 1)],
        out_specs=_row_spec(br, c_dim),
        out_shape=jax.ShapeDtypeStruct((n_pad, c_dim), jnp.float32),
    )(p[0], p[1], u0, dsq)

    p2 = hop(rowp, colp, u1)
    out = pl.pallas_call(
        _final_body,
        grid=grid,
        in_specs=[_row_spec(br, c_dim)] * 3 + [_row_spec(br, 1),
                                               _full_spec((1, c_dim))],
        out_specs=_row_spec(br, c_dim),
        out_shape=jax.ShapeDtypeStruct((n_pad, c_dim), jnp.float32),
    )(p2[0], p2[1], u1, dinv, b[None, :])

    return out[:n]

# --- scband reference (transcript-rebuilt; emitter-appended) ---
"""Pipeline reference for scband-sgc-17892833755695 (READ-ONLY COPY).

The authoritative reference and input builder live on the scoring server;
editing this copy changes nothing except your own understanding.
"""

import jax, jax.numpy as jnp
import numpy as np

N = 10000
E = 320000
D = 128
C = 64
K = 2


def setup_inputs(seed: int = 0) -> dict:
    key = jax.random.key(seed)
    k1, k2, k3 = jax.random.split(key, 3)
    x = jax.random.normal(k1, (N, D), dtype=jnp.float32)
    edge_index = jax.random.randint(k2, (2, E), 0, N, dtype=jnp.int32)
    # SGConv's internal nn.Linear(in_channels, out_channels) parameters
    W = jax.random.normal(k3, (C, D), dtype=jnp.float32) * 0.05
    b = jnp.zeros((C,), dtype=jnp.float32)
    return {"x": x, "edge_index": edge_index, "W": W, "b": b}


def reference(x, edge_index, W, b):
    n = x.shape[0]
    loop = jnp.arange(n, dtype=edge_index.dtype)
    # forward() explicitly calls add_self_loops once
    row = jnp.concatenate([edge_index[0], loop])
    col = jnp.concatenate([edge_index[1], loop])
    # SGConv's gcn_norm adds self loops again (cached=True just caches this result)
    row = jnp.concatenate([row, loop])
    col = jnp.concatenate([col, loop])
    # symmetric normalization D^{-1/2} (A + I) D^{-1/2} with edge_weight = 1
    deg = jnp.zeros((n,), dtype=x.dtype).at[col].add(jnp.ones_like(row, dtype=x.dtype))
    deg_inv_sqrt = jnp.where(deg > 0, jax.lax.rsqrt(jnp.maximum(deg, 1e-12)), 0.0)
    norm = deg_inv_sqrt[row] * deg_inv_sqrt[col]
    # K propagation hops: gather from source, scale, scatter-add to target
    h = x
    for _ in range(K):
        msgs = norm[:, None] * jnp.take(h, row, axis=0)
        h = jnp.zeros_like(h).at[col].add(msgs)
    out = h @ W.T + b
    return jax.nn.log_softmax(out, axis=1)

if __name__ == "__main__":
    import jax
    _d = setup_inputs()
    print(jax.jit(kernel)(*tuple(_d.values())))

</pallas_src>

<mosaic_0001>
#map = affine_map<(d0, d1) -> (0, 0)>
module attributes {stable_mosaic.version = 14 : i64} {
  func.func @deg_kernel(%arg0: i32, %arg1: i32, %arg2: memref<2560x128xi32, #tpu.memory_space<hbm>>, %arg3: memref<2x10240xf32, #tpu.memory_space<hbm>>, %arg4: memref<80x128xi32, #tpu.memory_space<vmem>>, %arg5: memref<10240xf32, #tpu.memory_space<vmem>>, %arg6: memref<16x640xf32, #tpu.memory_space<vmem>>, %arg7: memref<640xf32, #tpu.memory_space<vmem>>, %arg8: memref<16x10240xf32, #tpu.memory_space<vmem_shared>>) attributes {dimension_semantics = [#tpu.dimension_semantics<core_parallel>, #tpu.dimension_semantics<subcore_parallel>], iteration_bounds = array<i64: 2, 16>, scalar_prefetch = 0 : i64, scratch_operands = 5 : i64, tpu.core_type = #tpu.core_type<sc_vector_subcore>, window_params = [{transform_indices = #map}, {transform_indices = #map}]} {
    %mul3A = arith.constant 2 : i32
    %mul3A_0 = arith.muli %arg1, %mul3A : i32
    %add3A = arith.addi %mul3A_0, %arg0 : i32
    %mul3A_1 = arith.constant 80 : i32
    %mul3A_2 = arith.muli %add3A, %mul3A_1 : i32
    %multiple_of3A = tpu.assume_multiple %mul3A_2, 8 : i32
    "tpu.region"() ({
      %run_scoped3A_85 = tpu.sem_alloc : memref<!tpu.dma_semaphore, #tpu.memory_space<semaphore_mem>>
      %dma_start3A = arith.constant 0 : i32
      %dma_start3A_86 = tpu.memref_slice %arg2[%multiple_of3A, %dma_start3A] : memref<2560x128xi32, #tpu.memory_space<hbm>> -> memref<80x128xi32, #tpu.memory_space<hbm>>
      %dma_start3A_87 = arith.constant 0 : i32
      %dma_start3A_88 = tpu.memref_slice %arg2[%multiple_of3A, %dma_start3A_87] : memref<2560x128xi32, #tpu.memory_space<hbm>> -> memref<80x128xi32, #tpu.memory_space<hbm>>
      tpu.enqueue_dma source(%dma_start3A_88 : memref<80x128xi32, #tpu.memory_space<hbm>>) target(%arg4 : memref<80x128xi32, #tpu.memory_space<vmem>>) target_semaphore(%run_scoped3A_85 : memref<!tpu.dma_semaphore, #tpu.memory_space<semaphore_mem>>)
      %dma_wait3A = arith.constant 0 : i32
      %dma_wait3A_89 = tpu.memref_slice %arg2[%multiple_of3A, %dma_wait3A] : memref<2560x128xi32, #tpu.memory_space<hbm>> -> memref<80x128xi32, #tpu.memory_space<hbm>>
      %dma_wait3A_90 = arith.constant 0 : i32
      %dma_wait3A_91 = tpu.memref_slice %arg2[%multiple_of3A, %dma_wait3A_90] : memref<2560x128xi32, #tpu.memory_space<hbm>> -> memref<80x128xi32, #tpu.memory_space<hbm>>
      tpu.wait_dma2 semaphore(%run_scoped3A_85 : memref<!tpu.dma_semaphore, #tpu.memory_space<semaphore_mem>>) src(%dma_wait3A_91 : memref<80x128xi32, #tpu.memory_space<hbm>>) dst(%arg4 : memref<80x128xi32, #tpu.memory_space<vmem>>)
      tpu.yield
    }) : () -> ()
    %broadcast_in_dim3A = arith.constant 0.000000e+00 : f32
    %broadcast_in_dim3A_3 = vector.broadcast %broadcast_in_dim3A : f32 to vector<16xf32>
    %scan3A = arith.constant 0 : i32
    %scan3A_4 = arith.constant 640 : i32
    %scan3A_5 = arith.addi %scan3A, %scan3A_4 : i32
    %scan3A_6 = arith.constant 1 : i32
    scf.for %scan3A_85 = %scan3A to %scan3A_5 step %scan3A_6  : i32 {
      %mul3A_86 = arith.constant 1 : i32
      %mul3A_87 = arith.muli %scan3A_85, %mul3A_86 : i32
      %add3A_88 = arith.constant 0 : i32
      %add3A_89 = arith.addi %add3A_88, %mul3A_87 : i32
      %mul3A_90 = arith.constant 16 : i32
      %mul3A_91 = arith.muli %add3A_89, %mul3A_90 : i32
      %swap3A = arith.index_cast %mul3A_91 : i32 to index
      %swap3A_92 = tpu.vector_load %arg5[%swap3A] {strides = array<i32>} : memref<10240xf32, #tpu.memory_space<vmem>>, vector<16xf32>,
      tpu.vector_store %arg5[%swap3A], %broadcast_in_dim3A_3 {strides = array<i32>} : memref<10240xf32, #tpu.memory_space<vmem>>, vector<16xf32>,
    }
    %scan3A_7 = arith.constant 640 : i32
    %broadcast_in_dim3A_8 = arith.constant 1.000000e+00 : f32
    %broadcast_in_dim3A_9 = vector.broadcast %broadcast_in_dim3A_8 : f32 to vector<16xf32>
    %scan3A_10 = arith.constant 0 : i32
    %scan3A_11 = arith.constant 80 : i32
    %scan3A_12 = arith.addi %scan3A_10, %scan3A_11 : i32
    %scan3A_13 = arith.constant 1 : i32
    scf.for %scan3A_85 = %scan3A_10 to %scan3A_12 step %scan3A_13  : i32 {
      %mul3A_86 = arith.constant 1 : i32
      %mul3A_87 = arith.muli %scan3A_85, %mul3A_86 : i32
      %add3A_88 = arith.constant 0 : i32
      %add3A_89 = arith.addi %add3A_88, %mul3A_87 : i32
      %get3A = arith.index_cast %add3A_89 : i32 to index
      %get3A_90 = arith.constant 0 : index
      %get3A_91 = tpu.vector_load %arg4[%get3A, %get3A_90] {strides = array<i32>} : memref<80x128xi32, #tpu.memory_space<vmem>>, vector<16xi32>,
      tpu.vector_store_idx %arg5[%get3A_91], %broadcast_in_dim3A_9 {add = true} : memref<10240xf32, #tpu.memory_space<vmem>>[vector<16xi32>], vector<16xf32>,
      %get3A_92 = arith.index_cast %add3A_89 : i32 to index
      %get3A_93 = arith.constant 16 : index
      %get3A_94 = tpu.vector_load %arg4[%get3A_92, %get3A_93] {strides = array<i32>} : memref<80x128xi32, #tpu.memory_space<vmem>>, vector<16xi32>,
      tpu.vector_store_idx %arg5[%get3A_94], %broadcast_in_dim3A_9 {add = true} : memref<10240xf32, #tpu.memory_space<vmem>>[vector<16xi32>], vector<16xf32>,
      %get3A_95 = arith.index_cast %add3A_89 : i32 to index
      %get3A_96 = arith.constant 32 : index
      %get3A_97 = tpu.vector_load %arg4[%get3A_95, %get3A_96] {strides = array<i32>} : memref<80x128xi32, #tpu.memory_space<vmem>>, vector<16xi32>,
      tpu.vector_store_idx %arg5[%get3A_97], %broadcast_in_dim3A_9 {add = true} : memref<10240xf32, #tpu.memory_space<vmem>>[vector<16xi32>], vector<16xf32>,
      %get3A_98 = arith.index_cast %add3A_89 : i32 to index
      %get3A_99 = arith.constant 48 : index
      %get3A_100 = tpu.vector_load %arg4[%get3A_98, %get3A_99] {strides = array<i32>} : memref<80x128xi32, #tpu.memory_space<vmem>>, vector<16xi32>,
      tpu.vector_store_idx %arg5[%get3A_100], %broadcast_in_dim3A_9 {add = true} : memref<10240xf32, #tpu.memory_space<vmem>>[vector<16xi32>], vector<16xf32>,
      %get3A_101 = arith.index_cast %add3A_89 : i32 to index
      %get3A_102 = arith.constant 64 : index
      %get3A_103 = tpu.vector_load %arg4[%get3A_101, %get3A_102] {strides = array<i32>} : memref<80x128xi32, #tpu.memory_space<vmem>>, vector<16xi32>,
      tpu.vector_store_idx %arg5[%get3A_103], %broadcast_in_dim3A_9 {add = true} : memref<10240xf32, #tpu.memory_space<vmem>>[vector<16xi32>], vector<16xf32>,
      %get3A_104 = arith.index_cast %add3A_89 : i32 to index
      %get3A_105 = arith.constant 80 : index
      %get3A_106 = tpu.vector_load %arg4[%get3A_104, %get3A_105] {strides = array<i32>} : memref<80x128xi32, #tpu.memory_space<vmem>>, vector<16xi32>,
      tpu.vector_store_idx %arg5[%get3A_106], %broadcast_in_dim3A_9 {add = true} : memref<10240xf32, #tpu.memory_space<vmem>>[vector<16xi32>], vector<16xf32>,
      %get3A_107 = arith.index_cast %add3A_89 : i32 to index
      %get3A_108 = arith.constant 96 : index
      %get3A_109 = tpu.vector_load %arg4[%get3A_107, %get3A_108] {strides = array<i32>} : memref<80x128xi32, #tpu.memory_space<vmem>>, vector<16xi32>,
      tpu.vector_store_idx %arg5[%get3A_109], %broadcast_in_dim3A_9 {add = true} : memref<10240xf32, #tpu.memory_space<vmem>>[vector<16xi32>], vector<16xf32>,
      %get3A_110 = arith.index_cast %add3A_89 : i32 to index
      %get3A_111 = arith.constant 112 : index
      %get3A_112 = tpu.vector_load %arg4[%get3A_110, %get3A_111] {strides = array<i32>} : memref<80x128xi32, #tpu.memory_space<vmem>>, vector<16xi32>,
      tpu.vector_store_idx %arg5[%get3A_112], %broadcast_in_dim3A_9 {add = true} : memref<10240xf32, #tpu.memory_space<vmem>>[vector<16xi32>], vector<16xf32>,
    }
    %scan3A_14 = arith.constant 80 : i32
    "tpu.region"() ({
      %run_scoped3A_85 = tpu.sem_alloc : memref<!tpu.dma_semaphore, #tpu.memory_space<semaphore_mem>>
      %dma_start3A = arith.constant 0 : i32
      %dma_start3A_86 = tpu.memref_slice %arg8[%arg1, %dma_start3A] : memref<16x10240xf32, #tpu.memory_space<vmem_shared>> -> memref<1x10240xf32, #tpu.memory_space<vmem_shared>>
      %dma_start3A_87 = tpu.memref_squeeze %dma_start3A_86 : memref<1x10240xf32, #tpu.memory_space<vmem_shared>> -> memref<10240xf32, #tpu.memory_space<vmem_shared>>
      %dma_start3A_88 = arith.constant 0 : i32
      %dma_start3A_89 = tpu.memref_slice %arg8[%arg1, %dma_start3A_88] : memref<16x10240xf32, #tpu.memory_space<vmem_shared>> -> memref<1x10240xf32, #tpu.memory_space<vmem_shared>>
      %dma_start3A_90 = tpu.memref_squeeze %dma_start3A_89 : memref<1x10240xf32, #tpu.memory_space<vmem_shared>> -> memref<10240xf32, #tpu.memory_space<vmem_shared>>
      tpu.enqueue_dma source(%arg5 : memref<10240xf32, #tpu.memory_space<vmem>>) target(%dma_start3A_90 : memref<10240xf32, #tpu.memory_space<vmem_shared>>) target_semaphore(%run_scoped3A_85 : memref<!tpu.dma_semaphore, #tpu.memory_space<semaphore_mem>>)
      %dma_wait3A = arith.constant 0 : i32
      %dma_wait3A_91 = tpu.memref_slice %arg8[%arg1, %dma_wait3A] : memref<16x10240xf32, #tpu.memory_space<vmem_shared>> -> memref<1x10240xf32, #tpu.memory_space<vmem_shared>>
      %dma_wait3A_92 = tpu.memref_squeeze %dma_wait3A_91 : memref<1x10240xf32, #tpu.memory_space<vmem_shared>> -> memref<10240xf32, #tpu.memory_space<vmem_shared>>
      %dma_wait3A_93 = arith.constant 0 : i32
      %dma_wait3A_94 = tpu.memref_slice %arg8[%arg1, %dma_wait3A_93] : memref<16x10240xf32, #tpu.memory_space<vmem_shared>> -> memref<1x10240xf32, #tpu.memory_space<vmem_shared>>
      %dma_wait3A_95 = tpu.memref_squeeze %dma_wait3A_94 : memref<1x10240xf32, #tpu.memory_space<vmem_shared>> -> memref<10240xf32, #tpu.memory_space<vmem_shared>>
      tpu.wait_dma2 semaphore(%run_scoped3A_85 : memref<!tpu.dma_semaphore, #tpu.memory_space<semaphore_mem>>) src(%arg5 : memref<10240xf32, #tpu.memory_space<vmem>>) dst(%dma_wait3A_95 : memref<10240xf32, #tpu.memory_space<vmem_shared>>)
      tpu.yield
    }) : () -> ()
    %barrier3A = arith.constant 0 : index
    tpu.barrier barrier_id(%barrier3A)
    %mul3A_15 = arith.constant 640 : i32
    %mul3A_16 = arith.muli %arg1, %mul3A_15 : i32
    %run_scoped3A = arith.constant 0 : i32
    %run_scoped3A_17 = arith.constant 0 : i32
    "tpu.region"() ({
      %run_scoped3A_85 = tpu.sem_alloc : memref<!tpu.dma_semaphore, #tpu.memory_space<semaphore_mem>>
      %dma_start3A = arith.constant 0 : i32
      %dma_start3A_86 = tpu.memref_slice %arg6[%run_scoped3A_17, %dma_start3A] : memref<16x640xf32, #tpu.memory_space<vmem>> -> memref<1x640xf32, #tpu.memory_space<vmem>>
      %dma_start3A_87 = tpu.memref_squeeze %dma_start3A_86 : memref<1x640xf32, #tpu.memory_space<vmem>> -> memref<640xf32, #tpu.memory_space<vmem>>
      %dma_start3A_88 = tpu.memref_slice %arg8[%run_scoped3A, %mul3A_16] : memref<16x10240xf32, #tpu.memory_space<vmem_shared>> -> memref<1x640xf32, #tpu.memory_space<vmem_shared>>
      %dma_start3A_89 = tpu.memref_squeeze %dma_start3A_88 : memref<1x640xf32, #tpu.memory_space<vmem_shared>> -> memref<640xf32, #tpu.memory_space<vmem_shared>>
      %dma_start3A_90 = arith.constant 0 : i32
      %dma_start3A_91 = tpu.memref_slice %arg6[%run_scoped3A_17, %dma_start3A_90] : memref<16x640xf32, #tpu.memory_space<vmem>> -> memref<1x640xf32, #tpu.memory_space<vmem>>
      %dma_start3A_92 = tpu.memref_squeeze %dma_start3A_91 : memref<1x640xf32, #tpu.memory_space<vmem>> -> memref<640xf32, #tpu.memory_space<vmem>>
      %dma_start3A_93 = tpu.memref_slice %arg8[%run_scoped3A, %mul3A_16] : memref<16x10240xf32, #tpu.memory_space<vmem_shared>> -> memref<1x640xf32, #tpu.memory_space<vmem_shared>>
      %dma_start3A_94 = tpu.memref_squeeze %dma_start3A_93 : memref<1x640xf32, #tpu.memory_space<vmem_shared>> -> memref<640xf32, #tpu.memory_space<vmem_shared>>
      tpu.enqueue_dma source(%dma_start3A_94 : memref<640xf32, #tpu.memory_space<vmem_shared>>) target(%dma_start3A_92 : memref<640xf32, #tpu.memory_space<vmem>>) target_semaphore(%run_scoped3A_85 : memref<!tpu.dma_semaphore, #tpu.memory_space<semaphore_mem>>)
      %dma_wait3A = arith.constant 0 : i32
      %dma_wait3A_95 = tpu.memref_slice %arg6[%run_scoped3A_17, %dma_wait3A] : memref<16x640xf32, #tpu.memory_space<vmem>> -> memref<1x640xf32, #tpu.memory_space<vmem>>
      %dma_wait3A_96 = tpu.memref_squeeze %dma_wait3A_95 : memref<1x640xf32, #tpu.memory_space<vmem>> -> memref<640xf32, #tpu.memory_space<vmem>>
      %dma_wait3A_97 = tpu.memref_slice %arg8[%run_scoped3A, %mul3A_16] : memref<16x10240xf32, #tpu.memory_space<vmem_shared>> -> memref<1x640xf32, #tpu.memory_space<vmem_shared>>
      %dma_wait3A_98 = tpu.memref_squeeze %dma_wait3A_97 : memref<1x640xf32, #tpu.memory_space<vmem_shared>> -> memref<640xf32, #tpu.memory_space<vmem_shared>>
      %dma_wait3A_99 = arith.constant 0 : i32
      %dma_wait3A_100 = tpu.memref_slice %arg6[%run_scoped3A_17, %dma_wait3A_99] : memref<16x640xf32, #tpu.memory_space<vmem>> -> memref<1x640xf32, #tpu.memory_space<vmem>>
      %dma_wait3A_101 = tpu.memref_squeeze %dma_wait3A_100 : memref<1x640xf32, #tpu.memory_space<vmem>> -> memref<640xf32, #tpu.memory_space<vmem>>
      %dma_wait3A_102 = tpu.memref_slice %arg8[%run_scoped3A, %mul3A_16] : memref<16x10240xf32, #tpu.memory_space<vmem_shared>> -> memref<1x640xf32, #tpu.memory_space<vmem_shared>>
      %dma_wait3A_103 = tpu.memref_squeeze %dma_wait3A_102 : memref<1x640xf32, #tpu.memory_space<vmem_shared>> -> memref<640xf32, #tpu.memory_space<vmem_shared>>
      tpu.wait_dma2 semaphore(%run_scoped3A_85 : memref<!tpu.dma_semaphore, #tpu.memory_space<semaphore_mem>>) src(%dma_wait3A_103 : memref<640xf32, #tpu.memory_space<vmem_shared>>) dst(%dma_wait3A_101 : memref<640xf32, #tpu.memory_space<vmem>>)
      tpu.yield
    }) : () -> ()
    %mul3A_18 = arith.constant 640 : i32
    %mul3A_19 = arith.muli %arg1, %mul3A_18 : i32
    %run_scoped3A_20 = arith.constant 1 : i32
    %run_scoped3A_21 = arith.constant 1 : i32
    "tpu.region"() ({
      %run_scoped3A_85 = tpu.sem_alloc : memref<!tpu.dma_semaphore, #tpu.memory_space<semaphore_mem>>
      %dma_start3A = arith.constant 0 : i32
      %dma_start3A_86 = tpu.memref_slice %arg6[%run_scoped3A_21, %dma_start3A] : memref<16x640xf32, #tpu.memory_space<vmem>> -> memref<1x640xf32, #tpu.memory_space<vmem>>
      %dma_start3A_87 = tpu.memref_squeeze %dma_start3A_86 : memref<1x640xf32, #tpu.memory_space<vmem>> -> memref<640xf32, #tpu.memory_space<vmem>>
      %dma_start3A_88 = tpu.memref_slice %arg8[%run_scoped3A_20, %mul3A_19] : memref<16x10240xf32, #tpu.memory_space<vmem_shared>> -> memref<1x640xf32, #tpu.memory_space<vmem_shared>>
      %dma_start3A_89 = tpu.memref_squeeze %dma_start3A_88 : memref<1x640xf32, #tpu.memory_space<vmem_shared>> -> memref<640xf32, #tpu.memory_space<vmem_shared>>
      %dma_start3A_90 = arith.constant 0 : i32
      %dma_start3A_91 = tpu.memref_slice %arg6[%run_scoped3A_21, %dma_start3A_90] : memref<16x640xf32, #tpu.memory_space<vmem>> -> memref<1x640xf32, #tpu.memory_space<vmem>>
      %dma_start3A_92 = tpu.memref_squeeze %dma_start3A_91 : memref<1x640xf32, #tpu.memory_space<vmem>> -> memref<640xf32, #tpu.memory_space<vmem>>
      %dma_start3A_93 = tpu.memref_slice %arg8[%run_scoped3A_20, %mul3A_19] : memref<16x10240xf32, #tpu.memory_space<vmem_shared>> -> memref<1x640xf32, #tpu.memory_space<vmem_shared>>
      %dma_start3A_94 = tpu.memref_squeeze %dma_start3A_93 : memref<1x640xf32, #tpu.memory_space<vmem_shared>> -> memref<640xf32, #tpu.memory_space<vmem_shared>>
      tpu.enqueue_dma source(%dma_start3A_94 : memref<640xf32, #tpu.memory_space<vmem_shared>>) target(%dma_start3A_92 : memref<640xf32, #tpu.memory_space<vmem>>) target_semaphore(%run_scoped3A_85 : memref<!tpu.dma_semaphore, #tpu.memory_space<semaphore_mem>>)
      %dma_wait3A = arith.constant 0 : i32
      %dma_wait3A_95 = tpu.memref_slice %arg6[%run_scoped3A_21, %dma_wait3A] : memref<16x640xf32, #tpu.memory_space<vmem>> -> memref<1x640xf32, #tpu.memory_space<vmem>>
      %dma_wait3A_96 = tpu.memref_squeeze %dma_wait3A_95 : memref<1x640xf32, #tpu.memory_space<vmem>> -> memref<640xf32, #tpu.memory_space<vmem>>
      %dma_wait3A_97 = tpu.memref_slice %arg8[%run_scoped3A_20, %mul3A_19] : memref<16x10240xf32, #tpu.memory_space<vmem_shared>> -> memref<1x640xf32, #tpu.memory_space<vmem_shared>>
      %dma_wait3A_98 = tpu.memref_squeeze %dma_wait3A_97 : memref<1x640xf32, #tpu.memory_space<vmem_shared>> -> memref<640xf32, #tpu.memory_space<vmem_shared>>
      %dma_wait3A_99 = arith.constant 0 : i32
      %dma_wait3A_100 = tpu.memref_slice %arg6[%run_scoped3A_21, %dma_wait3A_99] : memref<16x640xf32, #tpu.memory_space<vmem>> -> memref<1x640xf32, #tpu.memory_space<vmem>>
      %dma_wait3A_101 = tpu.memref_squeeze %dma_wait3A_100 : memref<1x640xf32, #tpu.memory_space<vmem>> -> memref<640xf32, #tpu.memory_space<vmem>>
      %dma_wait3A_102 = tpu.memref_slice %arg8[%run_scoped3A_20, %mul3A_19] : memref<16x10240xf32, #tpu.memory_space<vmem_shared>> -> memref<1x640xf32, #tpu.memory_space<vmem_shared>>
      %dma_wait3A_103 = tpu.memref_squeeze %dma_wait3A_102 : memref<1x640xf32, #tpu.memory_space<vmem_shared>> -> memref<640xf32, #tpu.memory_space<vmem_shared>>
      tpu.wait_dma2 semaphore(%run_scoped3A_85 : memref<!tpu.dma_semaphore, #tpu.memory_space<semaphore_mem>>) src(%dma_wait3A_103 : memref<640xf32, #tpu.memory_space<vmem_shared>>) dst(%dma_wait3A_101 : memref<640xf32, #tpu.memory_space<vmem>>)
      tpu.yield
    }) : () -> ()
    %mul3A_22 = arith.constant 640 : i32
    %mul3A_23 = arith.muli %arg1, %mul3A_22 : i32
    %run_scoped3A_24 = arith.constant 2 : i32
    %run_scoped3A_25 = arith.constant 2 : i32
    "tpu.region"() ({
      %run_scoped3A_85 = tpu.sem_alloc : memref<!tpu.dma_semaphore, #tpu.memory_space<semaphore_mem>>
      %dma_start3A = arith.constant 0 : i32
      %dma_start3A_86 = tpu.memref_slice %arg6[%run_scoped3A_25, %dma_start3A] : memref<16x640xf32, #tpu.memory_space<vmem>> -> memref<1x640xf32, #tpu.memory_space<vmem>>
      %dma_start3A_87 = tpu.memref_squeeze %dma_start3A_86 : memref<1x640xf32, #tpu.memory_space<vmem>> -> memref<640xf32, #tpu.memory_space<vmem>>
      %dma_start3A_88 = tpu.memref_slice %arg8[%run_scoped3A_24, %mul3A_23] : memref<16x10240xf32, #tpu.memory_space<vmem_shared>> -> memref<1x640xf32, #tpu.memory_space<vmem_shared>>
      %dma_start3A_89 = tpu.memref_squeeze %dma_start3A_88 : memref<1x640xf32, #tpu.memory_space<vmem_shared>> -> memref<640xf32, #tpu.memory_space<vmem_shared>>
      %dma_start3A_90 = arith.constant 0 : i32
      %dma_start3A_91 = tpu.memref_slice %arg6[%run_scoped3A_25, %dma_start3A_90] : memref<16x640xf32, #tpu.memory_space<vmem>> -> memref<1x640xf32, #tpu.memory_space<vmem>>
      %dma_start3A_92 = tpu.memref_squeeze %dma_start3A_91 : memref<1x640xf32, #tpu.memory_space<vmem>> -> memref<640xf32, #tpu.memory_space<vmem>>
      %dma_start3A_93 = tpu.memref_slice %arg8[%run_scoped3A_24, %mul3A_23] : memref<16x10240xf32, #tpu.memory_space<vmem_shared>> -> memref<1x640xf32, #tpu.memory_space<vmem_shared>>
      %dma_start3A_94 = tpu.memref_squeeze %dma_start3A_93 : memref<1x640xf32, #tpu.memory_space<vmem_shared>> -> memref<640xf32, #tpu.memory_space<vmem_shared>>
      tpu.enqueue_dma source(%dma_start3A_94 : memref<640xf32, #tpu.memory_space<vmem_shared>>) target(%dma_start3A_92 : memref<640xf32, #tpu.memory_space<vmem>>) target_semaphore(%run_scoped3A_85 : memref<!tpu.dma_semaphore, #tpu.memory_space<semaphore_mem>>)
      %dma_wait3A = arith.constant 0 : i32
      %dma_wait3A_95 = tpu.memref_slice %arg6[%run_scoped3A_25, %dma_wait3A] : memref<16x640xf32, #tpu.memory_space<vmem>> -> memref<1x640xf32, #tpu.memory_space<vmem>>
      %dma_wait3A_96 = tpu.memref_squeeze %dma_wait3A_95 : memref<1x640xf32, #tpu.memory_space<vmem>> -> memref<640xf32, #tpu.memory_space<vmem>>
      %dma_wait3A_97 = tpu.memref_slice %arg8[%run_scoped3A_24, %mul3A_23] : memref<16x10240xf32, #tpu.memory_space<vmem_shared>> -> memref<1x640xf32, #tpu.memory_space<vmem_shared>>
      %dma_wait3A_98 = tpu.memref_squeeze %dma_wait3A_97 : memref<1x640xf32, #tpu.memory_space<vmem_shared>> -> memref<640xf32, #tpu.memory_space<vmem_shared>>
      %dma_wait3A_99 = arith.constant 0 : i32
      %dma_wait3A_100 = tpu.memref_slice %arg6[%run_scoped3A_25, %dma_wait3A_99] : memref<16x640xf32, #tpu.memory_space<vmem>> -> memref<1x640xf32, #tpu.memory_space<vmem>>
      %dma_wait3A_101 = tpu.memref_squeeze %dma_wait3A_100 : memref<1x640xf32, #tpu.memory_space<vmem>> -> memref<640xf32, #tpu.memory_space<vmem>>
      %dma_wait3A_102 = tpu.memref_slice %arg8[%run_scoped3A_24, %mul3A_23] : memref<16x10240xf32, #tpu.memory_space<vmem_shared>> -> memref<1x640xf32, #tpu.memory_space<vmem_shared>>
      %dma_wait3A_103 = tpu.memref_squeeze %dma_wait3A_102 : memref<1x640xf32, #tpu.memory_space<vmem_shared>> -> memref<640xf32, #tpu.memory_space<vmem_shared>>
      tpu.wait_dma2 semaphore(%run_scoped3A_85 : memref<!tpu.dma_semaphore, #tpu.memory_space<semaphore_mem>>) src(%dma_wait3A_103 : memref<640xf32, #tpu.memory_space<vmem_shared>>) dst(%dma_wait3A_101 : memref<640xf32, #tpu.memory_space<vmem>>)
      tpu.yield
    }) : () -> ()
    %mul3A_26 = arith.constant 640 : i32
    %mul3A_27 = arith.muli %arg1, %mul3A_26 : i32
    %run_scoped3A_28 = arith.constant 3 : i32
    %run_scoped3A_29 = arith.constant 3 : i32
    "tpu.region"() ({
      %run_scoped3A_85 = tpu.sem_alloc : memref<!tpu.dma_semaphore, #tpu.memory_space<semaphore_mem>>
      %dma_start3A = arith.constant 0 : i32
      %dma_start3A_86 = tpu.memref_slice %arg6[%run_scoped3A_29, %dma_start3A] : memref<16x640xf32, #tpu.memory_space<vmem>> -> memref<1x640xf32, #tpu.memory_space<vmem>>
      %dma_start3A_87 = tpu.memref_squeeze %dma_start3A_86 : memref<1x640xf32, #tpu.memory_space<vmem>> -> memref<640xf32, #tpu.memory_space<vmem>>
      %dma_start3A_88 = tpu.memref_slice %arg8[%run_scoped3A_28, %mul3A_27] : memref<16x10240xf32, #tpu.memory_space<vmem_shared>> -> memref<1x640xf32, #tpu.memory_space<vmem_shared>>
      %dma_start3A_89 = tpu.memref_squeeze %dma_start3A_88 : memref<1x640xf32, #tpu.memory_space<vmem_shared>> -> memref<640xf32, #tpu.memory_space<vmem_shared>>
      %dma_start3A_90 = arith.constant 0 : i32
      %dma_start3A_91 = tpu.memref_slice %arg6[%run_scoped3A_29, %dma_start3A_90] : memref<16x640xf32, #tpu.memory_space<vmem>> -> memref<1x640xf32, #tpu.memory_space<vmem>>
      %dma_start3A_92 = tpu.memref_squeeze %dma_start3A_91 : memref<1x640xf32, #tpu.memory_space<vmem>> -> memref<640xf32, #tpu.memory_space<vmem>>
      %dma_start3A_93 = tpu.memref_slice %arg8[%run_scoped3A_28, %mul3A_27] : memref<16x10240xf32, #tpu.memory_space<vmem_shared>> -> memref<1x640xf32, #tpu.memory_space<vmem_shared>>
      %dma_start3A_94 = tpu.memref_squeeze %dma_start3A_93 : memref<1x640xf32, #tpu.memory_space<vmem_shared>> -> memref<640xf32, #tpu.memory_space<vmem_shared>>
      tpu.enqueue_dma source(%dma_start3A_94 : memref<640xf32, #tpu.memory_space<vmem_shared>>) target(%dma_start3A_92 : memref<640xf32, #tpu.memory_space<vmem>>) target_semaphore(%run_scoped3A_85 : memref<!tpu.dma_semaphore, #tpu.memory_space<semaphore_mem>>)
      %dma_wait3A = arith.constant 0 : i32
      %dma_wait3A_95 = tpu.memref_slice %arg6[%run_scoped3A_29, %dma_wait3A] : memref<16x640xf32, #tpu.memory_space<vmem>> -> memref<1x640xf32, #tpu.memory_space<vmem>>
      %dma_wait3A_96 = tpu.memref_squeeze %dma_wait3A_95 : memref<1x640xf32, #tpu.memory_space<vmem>> -> memref<640xf32, #tpu.memory_space<vmem>>
      %dma_wait3A_97 = tpu.memref_slice %arg8[%run_scoped3A_28, %mul3A_27] : memref<16x10240xf32, #tpu.memory_space<vmem_shared>> -> memref<1x640xf32, #tpu.memory_space<vmem_shared>>
      %dma_wait3A_98 = tpu.memref_squeeze %dma_wait3A_97 : memref<1x640xf32, #tpu.memory_space<vmem_shared>> -> memref<640xf32, #tpu.memory_space<vmem_shared>>
      %dma_wait3A_99 = arith.constant 0 : i32
      %dma_wait3A_100 = tpu.memref_slice %arg6[%run_scoped3A_29, %dma_wait3A_99] : memref<16x640xf32, #tpu.memory_space<vmem>> -> memref<1x640xf32, #tpu.memory_space<vmem>>
      %dma_wait3A_101 = tpu.memref_squeeze %dma_wait3A_100 : memref<1x640xf32, #tpu.memory_space<vmem>> -> memref<640xf32, #tpu.memory_space<vmem>>
      %dma_wait3A_102 = tpu.memref_slice %arg8[%run_scoped3A_28, %mul3A_27] : memref<16x10240xf32, #tpu.memory_space<vmem_shared>> -> memref<1x640xf32, #tpu.memory_space<vmem_shared>>
      %dma_wait3A_103 = tpu.memref_squeeze %dma_wait3A_102 : memref<1x640xf32, #tpu.memory_space<vmem_shared>> -> memref<640xf32, #tpu.memory_space<vmem_shared>>
      tpu.wait_dma2 semaphore(%run_scoped3A_85 : memref<!tpu.dma_semaphore, #tpu.memory_space<semaphore_mem>>) src(%dma_wait3A_103 : memref<640xf32, #tpu.memory_space<vmem_shared>>) dst(%dma_wait3A_101 : memref<640xf32, #tpu.memory_space<vmem>>)
      tpu.yield
    }) : () -> ()
    %mul3A_30 = arith.constant 640 : i32
    %mul3A_31 = arith.muli %arg1, %mul3A_30 : i32
    %run_scoped3A_32 = arith.constant 4 : i32
    %run_scoped3A_33 = arith.constant 4 : i32
    "tpu.region"() ({
      %run_scoped3A_85 = tpu.sem_alloc : memref<!tpu.dma_semaphore, #tpu.memory_space<semaphore_mem>>
      %dma_start3A = arith.constant 0 : i32
      %dma_start3A_86 = tpu.memref_slice %arg6[%run_scoped3A_33, %dma_start3A] : memref<16x640xf32, #tpu.memory_space<vmem>> -> memref<1x640xf32, #tpu.memory_space<vmem>>
      %dma_start3A_87 = tpu.memref_squeeze %dma_start3A_86 : memref<1x640xf32, #tpu.memory_space<vmem>> -> memref<640xf32, #tpu.memory_space<vmem>>
      %dma_start3A_88 = tpu.memref_slice %arg8[%run_scoped3A_32, %mul3A_31] : memref<16x10240xf32, #tpu.memory_space<vmem_shared>> -> memref<1x640xf32, #tpu.memory_space<vmem_shared>>
      %dma_start3A_89 = tpu.memref_squeeze %dma_start3A_88 : memref<1x640xf32, #tpu.memory_space<vmem_shared>> -> memref<640xf32, #tpu.memory_space<vmem_shared>>
      %dma_start3A_90 = arith.constant 0 : i32
      %dma_start3A_91 = tpu.memref_slice %arg6[%run_scoped3A_33, %dma_start3A_90] : memref<16x640xf32, #tpu.memory_space<vmem>> -> memref<1x640xf32, #tpu.memory_space<vmem>>
      %dma_start3A_92 = tpu.memref_squeeze %dma_start3A_91 : memref<1x640xf32, #tpu.memory_space<vmem>> -> memref<640xf32, #tpu.memory_space<vmem>>
      %dma_start3A_93 = tpu.memref_slice %arg8[%run_scoped3A_32, %mul3A_31] : memref<16x10240xf32, #tpu.memory_space<vmem_shared>> -> memref<1x640xf32, #tpu.memory_space<vmem_shared>>
      %dma_start3A_94 = tpu.memref_squeeze %dma_start3A_93 : memref<1x640xf32, #tpu.memory_space<vmem_shared>> -> memref<640xf32, #tpu.memory_space<vmem_shared>>
      tpu.enqueue_dma source(%dma_start3A_94 : memref<640xf32, #tpu.memory_space<vmem_shared>>) target(%dma_start3A_92 : memref<640xf32, #tpu.memory_space<vmem>>) target_semaphore(%run_scoped3A_85 : memref<!tpu.dma_semaphore, #tpu.memory_space<semaphore_mem>>)
      %dma_wait3A = arith.constant 0 : i32
      %dma_wait3A_95 = tpu.memref_slice %arg6[%run_scoped3A_33, %dma_wait3A] : memref<16x640xf32, #tpu.memory_space<vmem>> -> memref<1x640xf32, #tpu.memory_space<vmem>>
      %dma_wait3A_96 = tpu.memref_squeeze %dma_wait3A_95 : memref<1x640xf32, #tpu.memory_space<vmem>> -> memref<640xf32, #tpu.memory_space<vmem>>
      %dma_wait3A_97 = tpu.memref_slice %arg8[%run_scoped3A_32, %mul3A_31] : memref<16x10240xf32, #tpu.memory_space<vmem_shared>> -> memref<1x640xf32, #tpu.memory_space<vmem_shared>>
      %dma_wait3A_98 = tpu.memref_squeeze %dma_wait3A_97 : memref<1x640xf32, #tpu.memory_space<vmem_shared>> -> memref<640xf32, #tpu.memory_space<vmem_shared>>
      %dma_wait3A_99 = arith.constant 0 : i32
      %dma_wait3A_100 = tpu.memref_slice %arg6[%run_scoped3A_33, %dma_wait3A_99] : memref<16x640xf32, #tpu.memory_space<vmem>> -> memref<1x640xf32, #tpu.memory_space<vmem>>
      %dma_wait3A_101 = tpu.memref_squeeze %dma_wait3A_100 : memref<1x640xf32, #tpu.memory_space<vmem>> -> memref<640xf32, #tpu.memory_space<vmem>>
      %dma_wait3A_102 = tpu.memref_slice %arg8[%run_scoped3A_32, %mul3A_31] : memref<16x10240xf32, #tpu.memory_space<vmem_shared>> -> memref<1x640xf32, #tpu.memory_space<vmem_shared>>
      %dma_wait3A_103 = tpu.memref_squeeze %dma_wait3A_102 : memref<1x640xf32, #tpu.memory_space<vmem_shared>> -> memref<640xf32, #tpu.memory_space<vmem_shared>>
      tpu.wait_dma2 semaphore(%run_scoped3A_85 : memref<!tpu.dma_semaphore, #tpu.memory_space<semaphore_mem>>) src(%dma_wait3A_103 : memref<640xf32, #tpu.memory_space<vmem_shared>>) dst(%dma_wait3A_101 : memref<640xf32, #tpu.memory_space<vmem>>)
      tpu.yield
    }) : () -> ()
    %mul3A_34 = arith.constant 640 : i32
    %mul3A_35 = arith.muli %arg1, %mul3A_34 : i32
    %run_scoped3A_36 = arith.constant 5 : i32
    %run_scoped3A_37 = arith.constant 5 : i32
    "tpu.region"() ({
      %run_scoped3A_85 = tpu.sem_alloc : memref<!tpu.dma_semaphore, #tpu.memory_space<semaphore_mem>>
      %dma_start3A = arith.constant 0 : i32
      %dma_start3A_86 = tpu.memref_slice %arg6[%run_scoped3A_37, %dma_start3A] : memref<16x640xf32, #tpu.memory_space<vmem>> -> memref<1x640xf32, #tpu.memory_space<vmem>>
      %dma_start3A_87 = tpu.memref_squeeze %dma_start3A_86 : memref<1x640xf32, #tpu.memory_space<vmem>> -> memref<640xf32, #tpu.memory_space<vmem>>
      %dma_start3A_88 = tpu.memref_slice %arg8[%run_scoped3A_36, %mul3A_35] : memref<16x10240xf32, #tpu.memory_space<vmem_shared>> -> memref<1x640xf32, #tpu.memory_space<vmem_shared>>
      %dma_start3A_89 = tpu.memref_squeeze %dma_start3A_88 : memref<1x640xf32, #tpu.memory_space<vmem_shared>> -> memref<640xf32, #tpu.memory_space<vmem_shared>>
      %dma_start3A_90 = arith.constant 0 : i32
      %dma_start3A_91 = tpu.memref_slice %arg6[%run_scoped3A_37, %dma_start3A_90] : memref<16x640xf32, #tpu.memory_space<vmem>> -> memref<1x640xf32, #tpu.memory_space<vmem>>
      %dma_start3A_92 = tpu.memref_squeeze %dma_start3A_91 : memref<1x640xf32, #tpu.memory_space<vmem>> -> memref<640xf32, #tpu.memory_space<vmem>>
      %dma_start3A_93 = tpu.memref_slice %arg8[%run_scoped3A_36, %mul3A_35] : memref<16x10240xf32, #tpu.memory_space<vmem_shared>> -> memref<1x640xf32, #tpu.memory_space<vmem_shared>>
      %dma_start3A_94 = tpu.memref_squeeze %dma_start3A_93 : memref<1x640xf32, #tpu.memory_space<vmem_shared>> -> memref<640xf32, #tpu.memory_space<vmem_shared>>
      tpu.enqueue_dma source(%dma_start3A_94 : memref<640xf32, #tpu.memory_space<vmem_shared>>) target(%dma_start3A_92 : memref<640xf32, #tpu.memory_space<vmem>>) target_semaphore(%run_scoped3A_85 : memref<!tpu.dma_semaphore, #tpu.memory_space<semaphore_mem>>)
      %dma_wait3A = arith.constant 0 : i32
      %dma_wait3A_95 = tpu.memref_slice %arg6[%run_scoped3A_37, %dma_wait3A] : memref<16x640xf32, #tpu.memory_space<vmem>> -> memref<1x640xf32, #tpu.memory_space<vmem>>
      %dma_wait3A_96 = tpu.memref_squeeze %dma_wait3A_95 : memref<1x640xf32, #tpu.memory_space<vmem>> -> memref<640xf32, #tpu.memory_space<vmem>>
      %dma_wait3A_97 = tpu.memref_slice %arg8[%run_scoped3A_36, %mul3A_35] : memref<16x10240xf32, #tpu.memory_space<vmem_shared>> -> memref<1x640xf32, #tpu.memory_space<vmem_shared>>
      %dma_wait3A_98 = tpu.memref_squeeze %dma_wait3A_97 : memref<1x640xf32, #tpu.memory_space<vmem_shared>> -> memref<640xf32, #tpu.memory_space<vmem_shared>>
      %dma_wait3A_99 = arith.constant 0 : i32
      %dma_wait3A_100 = tpu.memref_slice %arg6[%run_scoped3A_37, %dma_wait3A_99] : memref<16x640xf32, #tpu.memory_space<vmem>> -> memref<1x640xf32, #tpu.memory_space<vmem>>
      %dma_wait3A_101 = tpu.memref_squeeze %dma_wait3A_100 : memref<1x640xf32, #tpu.memory_space<vmem>> -> memref<640xf32, #tpu.memory_space<vmem>>
      %dma_wait3A_102 = tpu.memref_slice %arg8[%run_scoped3A_36, %mul3A_35] : memref<16x10240xf32, #tpu.memory_space<vmem_shared>> -> memref<1x640xf32, #tpu.memory_space<vmem_shared>>
      %dma_wait3A_103 = tpu.memref_squeeze %dma_wait3A_102 : memref<1x640xf32, #tpu.memory_space<vmem_shared>> -> memref<640xf32, #tpu.memory_space<vmem_shared>>
      tpu.wait_dma2 semaphore(%run_scoped3A_85 : memref<!tpu.dma_semaphore, #tpu.memory_space<semaphore_mem>>) src(%dma_wait3A_103 : memref<640xf32, #tpu.memory_space<vmem_shared>>) dst(%dma_wait3A_101 : memref<640xf32, #tpu.memory_space<vmem>>)
      tpu.yield
    }) : () -> ()
    %mul3A_38 = arith.constant 640 : i32
    %mul3A_39 = arith.muli %arg1, %mul3A_38 : i32
    %run_scoped3A_40 = arith.constant 6 : i32
    %run_scoped3A_41 = arith.constant 6 : i32
    "tpu.region"() ({
      %run_scoped3A_85 = tpu.sem_alloc : memref<!tpu.dma_semaphore, #tpu.memory_space<semaphore_mem>>
      %dma_start3A = arith.constant 0 : i32
      %dma_start3A_86 = tpu.memref_slice %arg6[%run_scoped3A_41, %dma_start3A] : memref<16x640xf32, #tpu.memory_space<vmem>> -> memref<1x640xf32, #tpu.memory_space<vmem>>
      %dma_start3A_87 = tpu.memref_squeeze %dma_start3A_86 : memref<1x640xf32, #tpu.memory_space<vmem>> -> memref<640xf32, #tpu.memory_space<vmem>>
      %dma_start3A_88 = tpu.memref_slice %arg8[%run_scoped3A_40, %mul3A_39] : memref<16x10240xf32, #tpu.memory_space<vmem_shared>> -> memref<1x640xf32, #tpu.memory_space<vmem_shared>>
      %dma_start3A_89 = tpu.memref_squeeze %dma_start3A_88 : memref<1x640xf32, #tpu.memory_space<vmem_shared>> -> memref<640xf32, #tpu.memory_space<vmem_shared>>
      %dma_start3A_90 = arith.constant 0 : i32
      %dma_start3A_91 = tpu.memref_slice %arg6[%run_scoped3A_41, %dma_start3A_90] : memref<16x640xf32, #tpu.memory_space<vmem>> -> memref<1x640xf32, #tpu.memory_space<vmem>>
      %dma_start3A_92 = tpu.memref_squeeze %dma_start3A_91 : memref<1x640xf32, #tpu.memory_space<vmem>> -> memref<640xf32, #tpu.memory_space<vmem>>
      %dma_start3A_93 = tpu.memref_slice %arg8[%run_scoped3A_40, %mul3A_39] : memref<16x10240xf32, #tpu.memory_space<vmem_shared>> -> memref<1x640xf32, #tpu.memory_space<vmem_shared>>
      %dma_start3A_94 = tpu.memref_squeeze %dma_start3A_93 : memref<1x640xf32, #tpu.memory_space<vmem_shared>> -> memref<640xf32, #tpu.memory_space<vmem_shared>>
      tpu.enqueue_dma source(%dma_start3A_94 : memref<640xf32, #tpu.memory_space<vmem_shared>>) target(%dma_start3A_92 : memref<640xf32, #tpu.memory_space<vmem>>) target_semaphore(%run_scoped3A_85 : memref<!tpu.dma_semaphore, #tpu.memory_space<semaphore_mem>>)
      %dma_wait3A = arith.constant 0 : i32
      %dma_wait3A_95 = tpu.memref_slice %arg6[%run_scoped3A_41, %dma_wait3A] : memref<16x640xf32, #tpu.memory_space<vmem>> -> memref<1x640xf32, #tpu.memory_space<vmem>>
      %dma_wait3A_96 = tpu.memref_squeeze %dma_wait3A_95 : memref<1x640xf32, #tpu.memory_space<vmem>> -> memref<640xf32, #tpu.memory_space<vmem>>
      %dma_wait3A_97 = tpu.memref_slice %arg8[%run_scoped3A_40, %mul3A_39] : memref<16x10240xf32, #tpu.memory_space<vmem_shared>> -> memref<1x640xf32, #tpu.memory_space<vmem_shared>>
      %dma_wait3A_98 = tpu.memref_squeeze %dma_wait3A_97 : memref<1x640xf32, #tpu.memory_space<vmem_shared>> -> memref<640xf32, #tpu.memory_space<vmem_shared>>
      %dma_wait3A_99 = arith.constant 0 : i32
      %dma_wait3A_100 = tpu.memref_slice %arg6[%run_scoped3A_41, %dma_wait3A_99] : memref<16x640xf32, #tpu.memory_space<vmem>> -> memref<1x640xf32, #tpu.memory_space<vmem>>
      %dma_wait3A_101 = tpu.memref_squeeze %dma_wait3A_100 : memref<1x640xf32, #tpu.memory_space<vmem>> -> memref<640xf32, #tpu.memory_space<vmem>>
      %dma_wait3A_102 = tpu.memref_slice %arg8[%run_scoped3A_40, %mul3A_39] : memref<16x10240xf32, #tpu.memory_space<vmem_shared>> -> memref<1x640xf32, #tpu.memory_space<vmem_shared>>
      %dma_wait3A_103 = tpu.memref_squeeze %dma_wait3A_102 : memref<1x640xf32, #tpu.memory_space<vmem_shared>> -> memref<640xf32, #tpu.memory_space<vmem_shared>>
      tpu.wait_dma2 semaphore(%run_scoped3A_85 : memref<!tpu.dma_semaphore, #tpu.memory_space<semaphore_mem>>) src(%dma_wait3A_103 : memref<640xf32, #tpu.memory_space<vmem_shared>>) dst(%dma_wait3A_101 : memref<640xf32, #tpu.memory_space<vmem>>)
      tpu.yield
    }) : () -> ()
    %mul3A_42 = arith.constant 640 : i32
    %mul3A_43 = arith.muli %arg1, %mul3A_42 : i32
    %run_scoped3A_44 = arith.constant 7 : i32
    %run_scoped3A_45 = arith.constant 7 : i32
    "tpu.region"() ({
      %run_scoped3A_85 = tpu.sem_alloc : memref<!tpu.dma_semaphore, #tpu.memory_space<semaphore_mem>>
      %dma_start3A = arith.constant 0 : i32
      %dma_start3A_86 = tpu.memref_slice %arg6[%run_scoped3A_45, %dma_start3A] : memref<16x640xf32, #tpu.memory_space<vmem>> -> memref<1x640xf32, #tpu.memory_space<vmem>>
      %dma_start3A_87 = tpu.memref_squeeze %dma_start3A_86 : memref<1x640xf32, #tpu.memory_space<vmem>> -> memref<640xf32, #tpu.memory_space<vmem>>
      %dma_start3A_88 = tpu.memref_slice %arg8[%run_scoped3A_44, %mul3A_43] : memref<16x10240xf32, #tpu.memory_space<vmem_shared>> -> memref<1x640xf32, #tpu.memory_space<vmem_shared>>
      %dma_start3A_89 = tpu.memref_squeeze %dma_start3A_88 : memref<1x640xf32, #tpu.memory_space<vmem_shared>> -> memref<640xf32, #tpu.memory_space<vmem_shared>>
      %dma_start3A_90 = arith.constant 0 : i32
      %dma_start3A_91 = tpu.memref_slice %arg6[%run_scoped3A_45, %dma_start3A_90] : memref<16x640xf32, #tpu.memory_space<vmem>> -> memref<1x640xf32, #tpu.memory_space<vmem>>
      %dma_start3A_92 = tpu.memref_squeeze %dma_start3A_91 : memref<1x640xf32, #tpu.memory_space<vmem>> -> memref<640xf32, #tpu.memory_space<vmem>>
      %dma_start3A_93 = tpu.memref_slice %arg8[%run_scoped3A_44, %mul3A_43] : memref<16x10240xf32, #tpu.memory_space<vmem_shared>> -> memref<1x640xf32, #tpu.memory_space<vmem_shared>>
      %dma_start3A_94 = tpu.memref_squeeze %dma_start3A_93 : memref<1x640xf32, #tpu.memory_space<vmem_shared>> -> memref<640xf32, #tpu.memory_space<vmem_shared>>
      tpu.enqueue_dma source(%dma_start3A_94 : memref<640xf32, #tpu.memory_space<vmem_shared>>) target(%dma_start3A_92 : memref<640xf32, #tpu.memory_space<vmem>>) target_semaphore(%run_scoped3A_85 : memref<!tpu.dma_semaphore, #tpu.memory_space<semaphore_mem>>)
      %dma_wait3A = arith.constant 0 : i32
      %dma_wait3A_95 = tpu.memref_slice %arg6[%run_scoped3A_45, %dma_wait3A] : memref<16x640xf32, #tpu.memory_space<vmem>> -> memref<1x640xf32, #tpu.memory_space<vmem>>
      %dma_wait3A_96 = tpu.memref_squeeze %dma_wait3A_95 : memref<1x640xf32, #tpu.memory_space<vmem>> -> memref<640xf32, #tpu.memory_space<vmem>>
      %dma_wait3A_97 = tpu.memref_slice %arg8[%run_scoped3A_44, %mul3A_43] : memref<16x10240xf32, #tpu.memory_space<vmem_shared>> -> memref<1x640xf32, #tpu.memory_space<vmem_shared>>
      %dma_wait3A_98 = tpu.memref_squeeze %dma_wait3A_97 : memref<1x640xf32, #tpu.memory_space<vmem_shared>> -> memref<640xf32, #tpu.memory_space<vmem_shared>>
      %dma_wait3A_99 = arith.constant 0 : i32
      %dma_wait3A_100 = tpu.memref_slice %arg6[%run_scoped3A_45, %dma_wait3A_99] : memref<16x640xf32, #tpu.memory_space<vmem>> -> memref<1x640xf32, #tpu.memory_space<vmem>>
      %dma_wait3A_101 = tpu.memref_squeeze %dma_wait3A_100 : memref<1x640xf32, #tpu.memory_space<vmem>> -> memref<640xf32, #tpu.memory_space<vmem>>
      %dma_wait3A_102 = tpu.memref_slice %arg8[%run_scoped3A_44, %mul3A_43] : memref<16x10240xf32, #tpu.memory_space<vmem_shared>> -> memref<1x640xf32, #tpu.memory_space<vmem_shared>>
      %dma_wait3A_103 = tpu.memref_squeeze %dma_wait3A_102 : memref<1x640xf32, #tpu.memory_space<vmem_shared>> -> memref<640xf32, #tpu.memory_space<vmem_shared>>
      tpu.wait_dma2 semaphore(%run_scoped3A_85 : memref<!tpu.dma_semaphore, #tpu.memory_space<semaphore_mem>>) src(%dma_wait3A_103 : memref<640xf32, #tpu.memory_space<vmem_shared>>) dst(%dma_wait3A_101 : memref<640xf32, #tpu.memory_space<vmem>>)
      tpu.yield
    }) : () -> ()
    %mul3A_46 = arith.constant 640 : i32
    %mul3A_47 = arith.muli %arg1, %mul3A_46 : i32
    %run_scoped3A_48 = arith.constant 8 : i32
    %run_scoped3A_49 = arith.constant 8 : i32
    "tpu.region"() ({
      %run_scoped3A_85 = tpu.sem_alloc : memref<!tpu.dma_semaphore, #tpu.memory_space<semaphore_mem>>
      %dma_start3A = arith.constant 0 : i32
      %dma_start3A_86 = tpu.memref_slice %arg6[%run_scoped3A_49, %dma_start3A] : memref<16x640xf32, #tpu.memory_space<vmem>> -> memref<1x640xf32, #tpu.memory_space<vmem>>
      %dma_start3A_87 = tpu.memref_squeeze %dma_start3A_86 : memref<1x640xf32, #tpu.memory_space<vmem>> -> memref<640xf32, #tpu.memory_space<vmem>>
      %dma_start3A_88 = tpu.memref_slice %arg8[%run_scoped3A_48, %mul3A_47] : memref<16x10240xf32, #tpu.memory_space<vmem_shared>> -> memref<1x640xf32, #tpu.memory_space<vmem_shared>>
      %dma_start3A_89 = tpu.memref_squeeze %dma_start3A_88 : memref<1x640xf32, #tpu.memory_space<vmem_shared>> -> memref<640xf32, #tpu.memory_space<vmem_shared>>
      %dma_start3A_90 = arith.constant 0 : i32
      %dma_start3A_91 = tpu.memref_slice %arg6[%run_scoped3A_49, %dma_start3A_90] : memref<16x640xf32, #tpu.memory_space<vmem>> -> memref<1x640xf32, #tpu.memory_space<vmem>>
      %dma_start3A_92 = tpu.memref_squeeze %dma_start3A_91 : memref<1x640xf32, #tpu.memory_space<vmem>> -> memref<640xf32, #tpu.memory_space<vmem>>
      %dma_start3A_93 = tpu.memref_slice %arg8[%run_scoped3A_48, %mul3A_47] : memref<16x10240xf32, #tpu.memory_space<vmem_shared>> -> memref<1x640xf32, #tpu.memory_space<vmem_shared>>
      %dma_start3A_94 = tpu.memref_squeeze %dma_start3A_93 : memref<1x640xf32, #tpu.memory_space<vmem_shared>> -> memref<640xf32, #tpu.memory_space<vmem_shared>>
      tpu.enqueue_dma source(%dma_start3A_94 : memref<640xf32, #tpu.memory_space<vmem_shared>>) target(%dma_start3A_92 : memref<640xf32, #tpu.memory_space<vmem>>) target_semaphore(%run_scoped3A_85 : memref<!tpu.dma_semaphore, #tpu.memory_space<semaphore_mem>>)
      %dma_wait3A = arith.constant 0 : i32
      %dma_wait3A_95 = tpu.memref_slice %arg6[%run_scoped3A_49, %dma_wait3A] : memref<16x640xf32, #tpu.memory_space<vmem>> -> memref<1x640xf32, #tpu.memory_space<vmem>>
      %dma_wait3A_96 = tpu.memref_squeeze %dma_wait3A_95 : memref<1x640xf32, #tpu.memory_space<vmem>> -> memref<640xf32, #tpu.memory_space<vmem>>
      %dma_wait3A_97 = tpu.memref_slice %arg8[%run_scoped3A_48, %mul3A_47] : memref<16x10240xf32, #tpu.memory_space<vmem_shared>> -> memref<1x640xf32, #tpu.memory_space<vmem_shared>>
      %dma_wait3A_98 = tpu.memref_squeeze %dma_wait3A_97 : memref<1x640xf32, #tpu.memory_space<vmem_shared>> -> memref<640xf32, #tpu.memory_space<vmem_shared>>
      %dma_wait3A_99 = arith.constant 0 : i32
      %dma_wait3A_100 = tpu.memref_slice %arg6[%run_scoped3A_49, %dma_wait3A_99] : memref<16x640xf32, #tpu.memory_space<vmem>> -> memref<1x640xf32, #tpu.memory_space<vmem>>
      %dma_wait3A_101 = tpu.memref_squeeze %dma_wait3A_100 : memref<1x640xf32, #tpu.memory_space<vmem>> -> memref<640xf32, #tpu.memory_space<vmem>>
      %dma_wait3A_102 = tpu.memref_slice %arg8[%run_scoped3A_48, %mul3A_47] : memref<16x10240xf32, #tpu.memory_space<vmem_shared>> -> memref<1x640xf32, #tpu.memory_space<vmem_shared>>
      %dma_wait3A_103 = tpu.memref_squeeze %dma_wait3A_102 : memref<1x640xf32, #tpu.memory_space<vmem_shared>> -> memref<640xf32, #tpu.memory_space<vmem_shared>>
      tpu.wait_dma2 semaphore(%run_scoped3A_85 : memref<!tpu.dma_semaphore, #tpu.memory_space<semaphore_mem>>) src(%dma_wait3A_103 : memref<640xf32, #tpu.memory_space<vmem_shared>>) dst(%dma_wait3A_101 : memref<640xf32, #tpu.memory_space<vmem>>)
      tpu.yield
    }) : () -> ()
    %mul3A_50 = arith.constant 640 : i32
    %mul3A_51 = arith.muli %arg1, %mul3A_50 : i32
    %run_scoped3A_52 = arith.constant 9 : i32
    %run_scoped3A_53 = arith.constant 9 : i32
    "tpu.region"() ({
      %run_scoped3A_85 = tpu.sem_alloc : memref<!tpu.dma_semaphore, #tpu.memory_space<semaphore_mem>>
      %dma_start3A = arith.constant 0 : i32
      %dma_start3A_86 = tpu.memref_slice %arg6[%run_scoped3A_53, %dma_start3A] : memref<16x640xf32, #tpu.memory_space<vmem>> -> memref<1x640xf32, #tpu.memory_space<vmem>>
      %dma_start3A_87 = tpu.memref_squeeze %dma_start3A_86 : memref<1x640xf32, #tpu.memory_space<vmem>> -> memref<640xf32, #tpu.memory_space<vmem>>
      %dma_start3A_88 = tpu.memref_slice %arg8[%run_scoped3A_52, %mul3A_51] : memref<16x10240xf32, #tpu.memory_space<vmem_shared>> -> memref<1x640xf32, #tpu.memory_space<vmem_shared>>
      %dma_start3A_89 = tpu.memref_squeeze %dma_start3A_88 : memref<1x640xf32, #tpu.memory_space<vmem_shared>> -> memref<640xf32, #tpu.memory_space<vmem_shared>>
      %dma_start3A_90 = arith.constant 0 : i32
      %dma_start3A_91 = tpu.memref_slice %arg6[%run_scoped3A_53, %dma_start3A_90] : memref<16x640xf32, #tpu.memory_space<vmem>> -> memref<1x640xf32, #tpu.memory_space<vmem>>
      %dma_start3A_92 = tpu.memref_squeeze %dma_start3A_91 : memref<1x640xf32, #tpu.memory_space<vmem>> -> memref<640xf32, #tpu.memory_space<vmem>>
      %dma_start3A_93 = tpu.memref_slice %arg8[%run_scoped3A_52, %mul3A_51] : memref<16x10240xf32, #tpu.memory_space<vmem_shared>> -> memref<1x640xf32, #tpu.memory_space<vmem_shared>>
      %dma_start3A_94 = tpu.memref_squeeze %dma_start3A_93 : memref<1x640xf32, #tpu.memory_space<vmem_shared>> -> memref<640xf32, #tpu.memory_space<vmem_shared>>
      tpu.enqueue_dma source(%dma_start3A_94 : memref<640xf32, #tpu.memory_space<vmem_shared>>) target(%dma_start3A_92 : memref<640xf32, #tpu.memory_space<vmem>>) target_semaphore(%run_scoped3A_85 : memref<!tpu.dma_semaphore, #tpu.memory_space<semaphore_mem>>)
      %dma_wait3A = arith.constant 0 : i32
      %dma_wait3A_95 = tpu.memref_slice %arg6[%run_scoped3A_53, %dma_wait3A] : memref<16x640xf32, #tpu.memory_space<vmem>> -> memref<1x640xf32, #tpu.memory_space<vmem>>
      %dma_wait3A_96 = tpu.memref_squeeze %dma_wait3A_95 : memref<1x640xf32, #tpu.memory_space<vmem>> -> memref<640xf32, #tpu.memory_space<vmem>>
      %dma_wait3A_97 = tpu.memref_slice %arg8[%run_scoped3A_52, %mul3A_51] : memref<16x10240xf32, #tpu.memory_space<vmem_shared>> -> memref<1x640xf32, #tpu.memory_space<vmem_shared>>
      %dma_wait3A_98 = tpu.memref_squeeze %dma_wait3A_97 : memref<1x640xf32, #tpu.memory_space<vmem_shared>> -> memref<640xf32, #tpu.memory_space<vmem_shared>>
      %dma_wait3A_99 = arith.constant 0 : i32
      %dma_wait3A_100 = tpu.memref_slice %arg6[%run_scoped3A_53, %dma_wait3A_99] : memref<16x640xf32, #tpu.memory_space<vmem>> -> memref<1x640xf32, #tpu.memory_space<vmem>>
      %dma_wait3A_101 = tpu.memref_squeeze %dma_wait3A_100 : memref<1x640xf32, #tpu.memory_space<vmem>> -> memref<640xf32, #tpu.memory_space<vmem>>
      %dma_wait3A_102 = tpu.memref_slice %arg8[%run_scoped3A_52, %mul3A_51] : memref<16x10240xf32, #tpu.memory_space<vmem_shared>> -> memref<1x640xf32, #tpu.memory_space<vmem_shared>>
      %dma_wait3A_103 = tpu.memref_squeeze %dma_wait3A_102 : memref<1x640xf32, #tpu.memory_space<vmem_shared>> -> memref<640xf32, #tpu.memory_space<vmem_shared>>
      tpu.wait_dma2 semaphore(%run_scoped3A_85 : memref<!tpu.dma_semaphore, #tpu.memory_space<semaphore_mem>>) src(%dma_wait3A_103 : memref<640xf32, #tpu.memory_space<vmem_shared>>) dst(%dma_wait3A_101 : memref<640xf32, #tpu.memory_space<vmem>>)
      tpu.yield
    }) : () -> ()
    %mul3A_54 = arith.constant 640 : i32
    %mul3A_55 = arith.muli %arg1, %mul3A_54 : i32
    %run_scoped3A_56 = arith.constant 10 : i32
    %run_scoped3A_57 = arith.constant 10 : i32
    "tpu.region"() ({
      %run_scoped3A_85 = tpu.sem_alloc : memref<!tpu.dma_semaphore, #tpu.memory_space<semaphore_mem>>
      %dma_start3A = arith.constant 0 : i32
      %dma_start3A_86 = tpu.memref_slice %arg6[%run_scoped3A_57, %dma_start3A] : memref<16x640xf32, #tpu.memory_space<vmem>> -> memref<1x640xf32, #tpu.memory_space<vmem>>
      %dma_start3A_87 = tpu.memref_squeeze %dma_start3A_86 : memref<1x640xf32, #tpu.memory_space<vmem>> -> memref<640xf32, #tpu.memory_space<vmem>>
      %dma_start3A_88 = tpu.memref_slice %arg8[%run_scoped3A_56, %mul3A_55] : memref<16x10240xf32, #tpu.memory_space<vmem_shared>> -> memref<1x640xf32, #tpu.memory_space<vmem_shared>>
      %dma_start3A_89 = tpu.memref_squeeze %dma_start3A_88 : memref<1x640xf32, #tpu.memory_space<vmem_shared>> -> memref<640xf32, #tpu.memory_space<vmem_shared>>
      %dma_start3A_90 = arith.constant 0 : i32
      %dma_start3A_91 = tpu.memref_slice %arg6[%run_scoped3A_57, %dma_start3A_90] : memref<16x640xf32, #tpu.memory_space<vmem>> -> memref<1x640xf32, #tpu.memory_space<vmem>>
      %dma_start3A_92 = tpu.memref_squeeze %dma_start3A_91 : memref<1x640xf32, #tpu.memory_space<vmem>> -> memref<640xf32, #tpu.memory_space<vmem>>
      %dma_start3A_93 = tpu.memref_slice %arg8[%run_scoped3A_56, %mul3A_55] : memref<16x10240xf32, #tpu.memory_space<vmem_shared>> -> memref<1x640xf32, #tpu.memory_space<vmem_shared>>
      %dma_start3A_94 = tpu.memref_squeeze %dma_start3A_93 : memref<1x640xf32, #tpu.memory_space<vmem_shared>> -> memref<640xf32, #tpu.memory_space<vmem_shared>>
      tpu.enqueue_dma source(%dma_start3A_94 : memref<640xf32, #tpu.memory_space<vmem_shared>>) target(%dma_start3A_92 : memref<640xf32, #tpu.memory_space<vmem>>) target_semaphore(%run_scoped3A_85 : memref<!tpu.dma_semaphore, #tpu.memory_space<semaphore_mem>>)
      %dma_wait3A = arith.constant 0 : i32
      %dma_wait3A_95 = tpu.memref_slice %arg6[%run_scoped3A_57, %dma_wait3A] : memref<16x640xf32, #tpu.memory_space<vmem>> -> memref<1x640xf32, #tpu.memory_space<vmem>>
      %dma_wait3A_96 = tpu.memref_squeeze %dma_wait3A_95 : memref<1x640xf32, #tpu.memory_space<vmem>> -> memref<640xf32, #tpu.memory_space<vmem>>
      %dma_wait3A_97 = tpu.memref_slice %arg8[%run_scoped3A_56, %mul3A_55] : memref<16x10240xf32, #tpu.memory_space<vmem_shared>> -> memref<1x640xf32, #tpu.memory_space<vmem_shared>>
      %dma_wait3A_98 = tpu.memref_squeeze %dma_wait3A_97 : memref<1x640xf32, #tpu.memory_space<vmem_shared>> -> memref<640xf32, #tpu.memory_space<vmem_shared>>
      %dma_wait3A_99 = arith.constant 0 : i32
      %dma_wait3A_100 = tpu.memref_slice %arg6[%run_scoped3A_57, %dma_wait3A_99] : memref<16x640xf32, #tpu.memory_space<vmem>> -> memref<1x640xf32, #tpu.memory_space<vmem>>
      %dma_wait3A_101 = tpu.memref_squeeze %dma_wait3A_100 : memref<1x640xf32, #tpu.memory_space<vmem>> -> memref<640xf32, #tpu.memory_space<vmem>>
      %dma_wait3A_102 = tpu.memref_slice %arg8[%run_scoped3A_56, %mul3A_55] : memref<16x10240xf32, #tpu.memory_space<vmem_shared>> -> memref<1x640xf32, #tpu.memory_space<vmem_shared>>
      %dma_wait3A_103 = tpu.memref_squeeze %dma_wait3A_102 : memref<1x640xf32, #tpu.memory_space<vmem_shared>> -> memref<640xf32, #tpu.memory_space<vmem_shared>>
      tpu.wait_dma2 semaphore(%run_scoped3A_85 : memref<!tpu.dma_semaphore, #tpu.memory_space<semaphore_mem>>) src(%dma_wait3A_103 : memref<640xf32, #tpu.memory_space<vmem_shared>>) dst(%dma_wait3A_101 : memref<640xf32, #tpu.memory_space<vmem>>)
      tpu.yield
    }) : () -> ()
    %mul3A_58 = arith.constant 640 : i32
    %mul3A_59 = arith.muli %arg1, %mul3A_58 : i32
    %run_scoped3A_60 = arith.constant 11 : i32
    %run_scoped3A_61 = arith.constant 11 : i32
    "tpu.region"() ({
      %run_scoped3A_85 = tpu.sem_alloc : memref<!tpu.dma_semaphore, #tpu.memory_space<semaphore_mem>>
      %dma_start3A = arith.constant 0 : i32
      %dma_start3A_86 = tpu.memref_slice %arg6[%run_scoped3A_61, %dma_start3A] : memref<16x640xf32, #tpu.memory_space<vmem>> -> memref<1x640xf32, #tpu.memory_space<vmem>>
      %dma_start3A_87 = tpu.memref_squeeze %dma_start3A_86 : memref<1x640xf32, #tpu.memory_space<vmem>> -> memref<640xf32, #tpu.memory_space<vmem>>
      %dma_start3A_88 = tpu.memref_slice %arg8[%run_scoped3A_60, %mul3A_59] : memref<16x10240xf32, #tpu.memory_space<vmem_shared>> -> memref<1x640xf32, #tpu.memory_space<vmem_shared>>
      %dma_start3A_89 = tpu.memref_squeeze %dma_start3A_88 : memref<1x640xf32, #tpu.memory_space<vmem_shared>> -> memref<640xf32, #tpu.memory_space<vmem_shared>>
      %dma_start3A_90 = arith.constant 0 : i32
      %dma_start3A_91 = tpu.memref_slice %arg6[%run_scoped3A_61, %dma_start3A_90] : memref<16x640xf32, #tpu.memory_space<vmem>> -> memref<1x640xf32, #tpu.memory_space<vmem>>
      %dma_start3A_92 = tpu.memref_squeeze %dma_start3A_91 : memref<1x640xf32, #tpu.memory_space<vmem>> -> memref<640xf32, #tpu.memory_space<vmem>>
      %dma_start3A_93 = tpu.memref_slice %arg8[%run_scoped3A_60, %mul3A_59] : memref<16x10240xf32, #tpu.memory_space<vmem_shared>> -> memref<1x640xf32, #tpu.memory_space<vmem_shared>>
      %dma_start3A_94 = tpu.memref_squeeze %dma_start3A_93 : memref<1x640xf32, #tpu.memory_space<vmem_shared>> -> memref<640xf32, #tpu.memory_space<vmem_shared>>
      tpu.enqueue_dma source(%dma_start3A_94 : memref<640xf32, #tpu.memory_space<vmem_shared>>) target(%dma_start3A_92 : memref<640xf32, #tpu.memory_space<vmem>>) target_semaphore(%run_scoped3A_85 : memref<!tpu.dma_semaphore, #tpu.memory_space<semaphore_mem>>)
      %dma_wait3A = arith.constant 0 : i32
      %dma_wait3A_95 = tpu.memref_slice %arg6[%run_scoped3A_61, %dma_wait3A] : memref<16x640xf32, #tpu.memory_space<vmem>> -> memref<1x640xf32, #tpu.memory_space<vmem>>
      %dma_wait3A_96 = tpu.memref_squeeze %dma_wait3A_95 : memref<1x640xf32, #tpu.memory_space<vmem>> -> memref<640xf32, #tpu.memory_space<vmem>>
      %dma_wait3A_97 = tpu.memref_slice %arg8[%run_scoped3A_60, %mul3A_59] : memref<16x10240xf32, #tpu.memory_space<vmem_shared>> -> memref<1x640xf32, #tpu.memory_space<vmem_shared>>
      %dma_wait3A_98 = tpu.memref_squeeze %dma_wait3A_97 : memref<1x640xf32, #tpu.memory_space<vmem_shared>> -> memref<640xf32, #tpu.memory_space<vmem_shared>>
      %dma_wait3A_99 = arith.constant 0 : i32
      %dma_wait3A_100 = tpu.memref_slice %arg6[%run_scoped3A_61, %dma_wait3A_99] : memref<16x640xf32, #tpu.memory_space<vmem>> -> memref<1x640xf32, #tpu.memory_space<vmem>>
      %dma_wait3A_101 = tpu.memref_squeeze %dma_wait3A_100 : memref<1x640xf32, #tpu.memory_space<vmem>> -> memref<640xf32, #tpu.memory_space<vmem>>
      %dma_wait3A_102 = tpu.memref_slice %arg8[%run_scoped3A_60, %mul3A_59] : memref<16x10240xf32, #tpu.memory_space<vmem_shared>> -> memref<1x640xf32, #tpu.memory_space<vmem_shared>>
      %dma_wait3A_103 = tpu.memref_squeeze %dma_wait3A_102 : memref<1x640xf32, #tpu.memory_space<vmem_shared>> -> memref<640xf32, #tpu.memory_space<vmem_shared>>
      tpu.wait_dma2 semaphore(%run_scoped3A_85 : memref<!tpu.dma_semaphore, #tpu.memory_space<semaphore_mem>>) src(%dma_wait3A_103 : memref<640xf32, #tpu.memory_space<vmem_shared>>) dst(%dma_wait3A_101 : memref<640xf32, #tpu.memory_space<vmem>>)
      tpu.yield
    }) : () -> ()
    %mul3A_62 = arith.constant 640 : i32
    %mul3A_63 = arith.muli %arg1, %mul3A_62 : i32
    %run_scoped3A_64 = arith.constant 12 : i32
    %run_scoped3A_65 = arith.constant 12 : i32
    "tpu.region"() ({
      %run_scoped3A_85 = tpu.sem_alloc : memref<!tpu.dma_semaphore, #tpu.memory_space<semaphore_mem>>
      %dma_start3A = arith.constant 0 : i32
      %dma_start3A_86 = tpu.memref_slice %arg6[%run_scoped3A_65, %dma_start3A] : memref<16x640xf32, #tpu.memory_space<vmem>> -> memref<1x640xf32, #tpu.memory_space<vmem>>
      %dma_start3A_87 = tpu.memref_squeeze %dma_start3A_86 : memref<1x640xf32, #tpu.memory_space<vmem>> -> memref<640xf32, #tpu.memory_space<vmem>>
      %dma_start3A_88 = tpu.memref_slice %arg8[%run_scoped3A_64, %mul3A_63] : memref<16x10240xf32, #tpu.memory_space<vmem_shared>> -> memref<1x640xf32, #tpu.memory_space<vmem_shared>>
      %dma_start3A_89 = tpu.memref_squeeze %dma_start3A_88 : memref<1x640xf32, #tpu.memory_space<vmem_shared>> -> memref<640xf32, #tpu.memory_space<vmem_shared>>
      %dma_start3A_90 = arith.constant 0 : i32
      %dma_start3A_91 = tpu.memref_slice %arg6[%run_scoped3A_65, %dma_start3A_90] : memref<16x640xf32, #tpu.memory_space<vmem>> -> memref<1x640xf32, #tpu.memory_space<vmem>>
      %dma_start3A_92 = tpu.memref_squeeze %dma_start3A_91 : memref<1x640xf32, #tpu.memory_space<vmem>> -> memref<640xf32, #tpu.memory_space<vmem>>
      %dma_start3A_93 = tpu.memref_slice %arg8[%run_scoped3A_64, %mul3A_63] : memref<16x10240xf32, #tpu.memory_space<vmem_shared>> -> memref<1x640xf32, #tpu.memory_space<vmem_shared>>
      %dma_start3A_94 = tpu.memref_squeeze %dma_start3A_93 : memref<1x640xf32, #tpu.memory_space<vmem_shared>> -> memref<640xf32, #tpu.memory_space<vmem_shared>>
      tpu.enqueue_dma source(%dma_start3A_94 : memref<640xf32, #tpu.memory_space<vmem_shared>>) target(%dma_start3A_92 : memref<640xf32, #tpu.memory_space<vmem>>) target_semaphore(%run_scoped3A_85 : memref<!tpu.dma_semaphore, #tpu.memory_space<semaphore_mem>>)
      %dma_wait3A = arith.constant 0 : i32
      %dma_wait3A_95 = tpu.memref_slice %arg6[%run_scoped3A_65, %dma_wait3A] : memref<16x640xf32, #tpu.memory_space<vmem>> -> memref<1x640xf32, #tpu.memory_space<vmem>>
      %dma_wait3A_96 = tpu.memref_squeeze %dma_wait3A_95 : memref<1x640xf32, #tpu.memory_space<vmem>> -> memref<640xf32, #tpu.memory_space<vmem>>
      %dma_wait3A_97 = tpu.memref_slice %arg8[%run_scoped3A_64, %mul3A_63] : memref<16x10240xf32, #tpu.memory_space<vmem_shared>> -> memref<1x640xf32, #tpu.memory_space<vmem_shared>>
      %dma_wait3A_98 = tpu.memref_squeeze %dma_wait3A_97 : memref<1x640xf32, #tpu.memory_space<vmem_shared>> -> memref<640xf32, #tpu.memory_space<vmem_shared>>
      %dma_wait3A_99 = arith.constant 0 : i32
      %dma_wait3A_100 = tpu.memref_slice %arg6[%run_scoped3A_65, %dma_wait3A_99] : memref<16x640xf32, #tpu.memory_space<vmem>> -> memref<1x640xf32, #tpu.memory_space<vmem>>
      %dma_wait3A_101 = tpu.memref_squeeze %dma_wait3A_100 : memref<1x640xf32, #tpu.memory_space<vmem>> -> memref<640xf32, #tpu.memory_space<vmem>>
      %dma_wait3A_102 = tpu.memref_slice %arg8[%run_scoped3A_64, %mul3A_63] : memref<16x10240xf32, #tpu.memory_space<vmem_shared>> -> memref<1x640xf32, #tpu.memory_space<vmem_shared>>
      %dma_wait3A_103 = tpu.memref_squeeze %dma_wait3A_102 : memref<1x640xf32, #tpu.memory_space<vmem_shared>> -> memref<640xf32, #tpu.memory_space<vmem_shared>>
      tpu.wait_dma2 semaphore(%run_scoped3A_85 : memref<!tpu.dma_semaphore, #tpu.memory_space<semaphore_mem>>) src(%dma_wait3A_103 : memref<640xf32, #tpu.memory_space<vmem_shared>>) dst(%dma_wait3A_101 : memref<640xf32, #tpu.memory_space<vmem>>)
      tpu.yield
    }) : () -> ()
    %mul3A_66 = arith.constant 640 : i32
    %mul3A_67 = arith.muli %arg1, %mul3A_66 : i32
    %run_scoped3A_68 = arith.constant 13 : i32
    %run_scoped3A_69 = arith.constant 13 : i32
    "tpu.region"() ({
      %run_scoped3A_85 = tpu.sem_alloc : memref<!tpu.dma_semaphore, #tpu.memory_space<semaphore_mem>>
      %dma_start3A = arith.constant 0 : i32
      %dma_start3A_86 = tpu.memref_slice %arg6[%run_scoped3A_69, %dma_start3A] : memref<16x640xf32, #tpu.memory_space<vmem>> -> memref<1x640xf32, #tpu.memory_space<vmem>>
      %dma_start3A_87 = tpu.memref_squeeze %dma_start3A_86 : memref<1x640xf32, #tpu.memory_space<vmem>> -> memref<640xf32, #tpu.memory_space<vmem>>
      %dma_start3A_88 = tpu.memref_slice %arg8[%run_scoped3A_68, %mul3A_67] : memref<16x10240xf32, #tpu.memory_space<vmem_shared>> -> memref<1x640xf32, #tpu.memory_space<vmem_shared>>
      %dma_start3A_89 = tpu.memref_squeeze %dma_start3A_88 : memref<1x640xf32, #tpu.memory_space<vmem_shared>> -> memref<640xf32, #tpu.memory_space<vmem_shared>>
      %dma_start3A_90 = arith.constant 0 : i32
      %dma_start3A_91 = tpu.memref_slice %arg6[%run_scoped3A_69, %dma_start3A_90] : memref<16x640xf32, #tpu.memory_space<vmem>> -> memref<1x640xf32, #tpu.memory_space<vmem>>
      %dma_start3A_92 = tpu.memref_squeeze %dma_start3A_91 : memref<1x640xf32, #tpu.memory_space<vmem>> -> memref<640xf32, #tpu.memory_space<vmem>>
      %dma_start3A_93 = tpu.memref_slice %arg8[%run_scoped3A_68, %mul3A_67] : memref<16x10240xf32, #tpu.memory_space<vmem_shared>> -> memref<1x640xf32, #tpu.memory_space<vmem_shared>>
      %dma_start3A_94 = tpu.memref_squeeze %dma_start3A_93 : memref<1x640xf32, #tpu.memory_space<vmem_shared>> -> memref<640xf32, #tpu.memory_space<vmem_shared>>
      tpu.enqueue_dma source(%dma_start3A_94 : memref<640xf32, #tpu.memory_space<vmem_shared>>) target(%dma_start3A_92 : memref<640xf32, #tpu.memory_space<vmem>>) target_semaphore(%run_scoped3A_85 : memref<!tpu.dma_semaphore, #tpu.memory_space<semaphore_mem>>)
      %dma_wait3A = arith.constant 0 : i32
      %dma_wait3A_95 = tpu.memref_slice %arg6[%run_scoped3A_69, %dma_wait3A] : memref<16x640xf32, #tpu.memory_space<vmem>> -> memref<1x640xf32, #tpu.memory_space<vmem>>
      %dma_wait3A_96 = tpu.memref_squeeze %dma_wait3A_95 : memref<1x640xf32, #tpu.memory_space<vmem>> -> memref<640xf32, #tpu.memory_space<vmem>>
      %dma_wait3A_97 = tpu.memref_slice %arg8[%run_scoped3A_68, %mul3A_67] : memref<16x10240xf32, #tpu.memory_space<vmem_shared>> -> memref<1x640xf32, #tpu.memory_space<vmem_shared>>
      %dma_wait3A_98 = tpu.memref_squeeze %dma_wait3A_97 : memref<1x640xf32, #tpu.memory_space<vmem_shared>> -> memref<640xf32, #tpu.memory_space<vmem_shared>>
      %dma_wait3A_99 = arith.constant 0 : i32
      %dma_wait3A_100 = tpu.memref_slice %arg6[%run_scoped3A_69, %dma_wait3A_99] : memref<16x640xf32, #tpu.memory_space<vmem>> -> memref<1x640xf32, #tpu.memory_space<vmem>>
      %dma_wait3A_101 = tpu.memref_squeeze %dma_wait3A_100 : memref<1x640xf32, #tpu.memory_space<vmem>> -> memref<640xf32, #tpu.memory_space<vmem>>
      %dma_wait3A_102 = tpu.memref_slice %arg8[%run_scoped3A_68, %mul3A_67] : memref<16x10240xf32, #tpu.memory_space<vmem_shared>> -> memref<1x640xf32, #tpu.memory_space<vmem_shared>>
      %dma_wait3A_103 = tpu.memref_squeeze %dma_wait3A_102 : memref<1x640xf32, #tpu.memory_space<vmem_shared>> -> memref<640xf32, #tpu.memory_space<vmem_shared>>
      tpu.wait_dma2 semaphore(%run_scoped3A_85 : memref<!tpu.dma_semaphore, #tpu.memory_space<semaphore_mem>>) src(%dma_wait3A_103 : memref<640xf32, #tpu.memory_space<vmem_shared>>) dst(%dma_wait3A_101 : memref<640xf32, #tpu.memory_space<vmem>>)
      tpu.yield
    }) : () -> ()
    %mul3A_70 = arith.constant 640 : i32
    %mul3A_71 = arith.muli %arg1, %mul3A_70 : i32
    %run_scoped3A_72 = arith.constant 14 : i32
    %run_scoped3A_73 = arith.constant 14 : i32
    "tpu.region"() ({
      %run_scoped3A_85 = tpu.sem_alloc : memref<!tpu.dma_semaphore, #tpu.memory_space<semaphore_mem>>
      %dma_start3A = arith.constant 0 : i32
      %dma_start3A_86 = tpu.memref_slice %arg6[%run_scoped3A_73, %dma_start3A] : memref<16x640xf32, #tpu.memory_space<vmem>> -> memref<1x640xf32, #tpu.memory_space<vmem>>
      %dma_start3A_87 = tpu.memref_squeeze %dma_start3A_86 : memref<1x640xf32, #tpu.memory_space<vmem>> -> memref<640xf32, #tpu.memory_space<vmem>>
      %dma_start3A_88 = tpu.memref_slice %arg8[%run_scoped3A_72, %mul3A_71] : memref<16x10240xf32, #tpu.memory_space<vmem_shared>> -> memref<1x640xf32, #tpu.memory_space<vmem_shared>>
      %dma_start3A_89 = tpu.memref_squeeze %dma_start3A_88 : memref<1x640xf32, #tpu.memory_space<vmem_shared>> -> memref<640xf32, #tpu.memory_space<vmem_shared>>
      %dma_start3A_90 = arith.constant 0 : i32
      %dma_start3A_91 = tpu.memref_slice %arg6[%run_scoped3A_73, %dma_start3A_90] : memref<16x640xf32, #tpu.memory_space<vmem>> -> memref<1x640xf32, #tpu.memory_space<vmem>>
      %dma_start3A_92 = tpu.memref_squeeze %dma_start3A_91 : memref<1x640xf32, #tpu.memory_space<vmem>> -> memref<640xf32, #tpu.memory_space<vmem>>
      %dma_start3A_93 = tpu.memref_slice %arg8[%run_scoped3A_72, %mul3A_71] : memref<16x10240xf32, #tpu.memory_space<vmem_shared>> -> memref<1x640xf32, #tpu.memory_space<vmem_shared>>
      %dma_start3A_94 = tpu.memref_squeeze %dma_start3A_93 : memref<1x640xf32, #tpu.memory_space<vmem_shared>> -> memref<640xf32, #tpu.memory_space<vmem_shared>>
      tpu.enqueue_dma source(%dma_start3A_94 : memref<640xf32, #tpu.memory_space<vmem_shared>>) target(%dma_start3A_92 : memref<640xf32, #tpu.memory_space<vmem>>) target_semaphore(%run_scoped3A_85 : memref<!tpu.dma_semaphore, #tpu.memory_space<semaphore_mem>>)
      %dma_wait3A = arith.constant 0 : i32
      %dma_wait3A_95 = tpu.memref_slice %arg6[%run_scoped3A_73, %dma_wait3A] : memref<16x640xf32, #tpu.memory_space<vmem>> -> memref<1x640xf32, #tpu.memory_space<vmem>>
      %dma_wait3A_96 = tpu.memref_squeeze %dma_wait3A_95 : memref<1x640xf32, #tpu.memory_space<vmem>> -> memref<640xf32, #tpu.memory_space<vmem>>
      %dma_wait3A_97 = tpu.memref_slice %arg8[%run_scoped3A_72, %mul3A_71] : memref<16x10240xf32, #tpu.memory_space<vmem_shared>> -> memref<1x640xf32, #tpu.memory_space<vmem_shared>>
      %dma_wait3A_98 = tpu.memref_squeeze %dma_wait3A_97 : memref<1x640xf32, #tpu.memory_space<vmem_shared>> -> memref<640xf32, #tpu.memory_space<vmem_shared>>
      %dma_wait3A_99 = arith.constant 0 : i32
      %dma_wait3A_100 = tpu.memref_slice %arg6[%run_scoped3A_73, %dma_wait3A_99] : memref<16x640xf32, #tpu.memory_space<vmem>> -> memref<1x640xf32, #tpu.memory_space<vmem>>
      %dma_wait3A_101 = tpu.memref_squeeze %dma_wait3A_100 : memref<1x640xf32, #tpu.memory_space<vmem>> -> memref<640xf32, #tpu.memory_space<vmem>>
      %dma_wait3A_102 = tpu.memref_slice %arg8[%run_scoped3A_72, %mul3A_71] : memref<16x10240xf32, #tpu.memory_space<vmem_shared>> -> memref<1x640xf32, #tpu.memory_space<vmem_shared>>
      %dma_wait3A_103 = tpu.memref_squeeze %dma_wait3A_102 : memref<1x640xf32, #tpu.memory_space<vmem_shared>> -> memref<640xf32, #tpu.memory_space<vmem_shared>>
      tpu.wait_dma2 semaphore(%run_scoped3A_85 : memref<!tpu.dma_semaphore, #tpu.memory_space<semaphore_mem>>) src(%dma_wait3A_103 : memref<640xf32, #tpu.memory_space<vmem_shared>>) dst(%dma_wait3A_101 : memref<640xf32, #tpu.memory_space<vmem>>)
      tpu.yield
    }) : () -> ()
    %mul3A_74 = arith.constant 640 : i32
    %mul3A_75 = arith.muli %arg1, %mul3A_74 : i32
    %run_scoped3A_76 = arith.constant 15 : i32
    %run_scoped3A_77 = arith.constant 15 : i32
    "tpu.region"() ({
      %run_scoped3A_85 = tpu.sem_alloc : memref<!tpu.dma_semaphore, #tpu.memory_space<semaphore_mem>>
      %dma_start3A = arith.constant 0 : i32
      %dma_start3A_86 = tpu.memref_slice %arg6[%run_scoped3A_77, %dma_start3A] : memref<16x640xf32, #tpu.memory_space<vmem>> -> memref<1x640xf32, #tpu.memory_space<vmem>>
      %dma_start3A_87 = tpu.memref_squeeze %dma_start3A_86 : memref<1x640xf32, #tpu.memory_space<vmem>> -> memref<640xf32, #tpu.memory_space<vmem>>
      %dma_start3A_88 = tpu.memref_slice %arg8[%run_scoped3A_76, %mul3A_75] : memref<16x10240xf32, #tpu.memory_space<vmem_shared>> -> memref<1x640xf32, #tpu.memory_space<vmem_shared>>
      %dma_start3A_89 = tpu.memref_squeeze %dma_start3A_88 : memref<1x640xf32, #tpu.memory_space<vmem_shared>> -> memref<640xf32, #tpu.memory_space<vmem_shared>>
      %dma_start3A_90 = arith.constant 0 : i32
      %dma_start3A_91 = tpu.memref_slice %arg6[%run_scoped3A_77, %dma_start3A_90] : memref<16x640xf32, #tpu.memory_space<vmem>> -> memref<1x640xf32, #tpu.memory_space<vmem>>
      %dma_start3A_92 = tpu.memref_squeeze %dma_start3A_91 : memref<1x640xf32, #tpu.memory_space<vmem>> -> memref<640xf32, #tpu.memory_space<vmem>>
      %dma_start3A_93 = tpu.memref_slice %arg8[%run_scoped3A_76, %mul3A_75] : memref<16x10240xf32, #tpu.memory_space<vmem_shared>> -> memref<1x640xf32, #tpu.memory_space<vmem_shared>>
      %dma_start3A_94 = tpu.memref_squeeze %dma_start3A_93 : memref<1x640xf32, #tpu.memory_space<vmem_shared>> -> memref<640xf32, #tpu.memory_space<vmem_shared>>
      tpu.enqueue_dma source(%dma_start3A_94 : memref<640xf32, #tpu.memory_space<vmem_shared>>) target(%dma_start3A_92 : memref<640xf32, #tpu.memory_space<vmem>>) target_semaphore(%run_scoped3A_85 : memref<!tpu.dma_semaphore, #tpu.memory_space<semaphore_mem>>)
      %dma_wait3A = arith.constant 0 : i32
      %dma_wait3A_95 = tpu.memref_slice %arg6[%run_scoped3A_77, %dma_wait3A] : memref<16x640xf32, #tpu.memory_space<vmem>> -> memref<1x640xf32, #tpu.memory_space<vmem>>
      %dma_wait3A_96 = tpu.memref_squeeze %dma_wait3A_95 : memref<1x640xf32, #tpu.memory_space<vmem>> -> memref<640xf32, #tpu.memory_space<vmem>>
      %dma_wait3A_97 = tpu.memref_slice %arg8[%run_scoped3A_76, %mul3A_75] : memref<16x10240xf32, #tpu.memory_space<vmem_shared>> -> memref<1x640xf32, #tpu.memory_space<vmem_shared>>
      %dma_wait3A_98 = tpu.memref_squeeze %dma_wait3A_97 : memref<1x640xf32, #tpu.memory_space<vmem_shared>> -> memref<640xf32, #tpu.memory_space<vmem_shared>>
      %dma_wait3A_99 = arith.constant 0 : i32
      %dma_wait3A_100 = tpu.memref_slice %arg6[%run_scoped3A_77, %dma_wait3A_99] : memref<16x640xf32, #tpu.memory_space<vmem>> -> memref<1x640xf32, #tpu.memory_space<vmem>>
      %dma_wait3A_101 = tpu.memref_squeeze %dma_wait3A_100 : memref<1x640xf32, #tpu.memory_space<vmem>> -> memref<640xf32, #tpu.memory_space<vmem>>
      %dma_wait3A_102 = tpu.memref_slice %arg8[%run_scoped3A_76, %mul3A_75] : memref<16x10240xf32, #tpu.memory_space<vmem_shared>> -> memref<1x640xf32, #tpu.memory_space<vmem_shared>>
      %dma_wait3A_103 = tpu.memref_squeeze %dma_wait3A_102 : memref<1x640xf32, #tpu.memory_space<vmem_shared>> -> memref<640xf32, #tpu.memory_space<vmem_shared>>
      tpu.wait_dma2 semaphore(%run_scoped3A_85 : memref<!tpu.dma_semaphore, #tpu.memory_space<semaphore_mem>>) src(%dma_wait3A_103 : memref<640xf32, #tpu.memory_space<vmem_shared>>) dst(%dma_wait3A_101 : memref<640xf32, #tpu.memory_space<vmem>>)
      tpu.yield
    }) : () -> ()
    %scan3A_78 = arith.constant 0 : i32
    %scan3A_79 = arith.constant 40 : i32
    %scan3A_80 = arith.addi %scan3A_78, %scan3A_79 : i32
    %scan3A_81 = arith.constant 1 : i32
    scf.for %scan3A_85 = %scan3A_78 to %scan3A_80 step %scan3A_81  : i32 {
      %mul3A_86 = arith.constant 1 : i32
      %mul3A_87 = arith.muli %scan3A_85, %mul3A_86 : i32
      %add3A_88 = arith.constant 0 : i32
      %add3A_89 = arith.addi %add3A_88, %mul3A_87 : i32
      %mul3A_90 = arith.constant 16 : i32
      %mul3A_91 = arith.muli %add3A_89, %mul3A_90 : i32
      %get3A = arith.constant 0 : i32
      %get3A_92 = arith.index_cast %get3A : i32 to index
      %get3A_93 = arith.index_cast %mul3A_91 : i32 to index
      %get3A_94 = tpu.vector_load %arg6[%get3A_92, %get3A_93] {strides = array<i32>} : memref<16x640xf32, #tpu.memory_space<vmem>>, vector<16xf32>,
      %mul3A_95 = arith.constant 16 : i32
      %mul3A_96 = arith.muli %add3A_89, %mul3A_95 : i32
      %get3A_97 = arith.constant 1 : i32
      %get3A_98 = arith.index_cast %get3A_97 : i32 to index
      %get3A_99 = arith.index_cast %mul3A_96 : i32 to index
      %get3A_100 = tpu.vector_load %arg6[%get3A_98, %get3A_99] {strides = array<i32>} : memref<16x640xf32, #tpu.memory_space<vmem>>, vector<16xf32>,
      %add3A_101 = arith.addf %get3A_94, %get3A_100 : vector<16xf32>
      %mul3A_102 = arith.constant 16 : i32
      %mul3A_103 = arith.muli %add3A_89, %mul3A_102 : i32
      %get3A_104 = arith.constant 2 : i32
      %get3A_105 = arith.index_cast %get3A_104 : i32 to index
      %get3A_106 = arith.index_cast %mul3A_103 : i32 to index
      %get3A_107 = tpu.vector_load %arg6[%get3A_105, %get3A_106] {strides = array<i32>} : memref<16x640xf32, #tpu.memory_space<vmem>>, vector<16xf32>,
      %add3A_108 = arith.addf %add3A_101, %get3A_107 : vector<16xf32>
      %mul3A_109 = arith.constant 16 : i32
      %mul3A_110 = arith.muli %add3A_89, %mul3A_109 : i32
      %get3A_111 = arith.constant 3 : i32
      %get3A_112 = arith.index_cast %get3A_111 : i32 to index
      %get3A_113 = arith.index_cast %mul3A_110 : i32 to index
      %get3A_114 = tpu.vector_load %arg6[%get3A_112, %get3A_113] {strides = array<i32>} : memref<16x640xf32, #tpu.memory_space<vmem>>, vector<16xf32>,
      %add3A_115 = arith.addf %add3A_108, %get3A_114 : vector<16xf32>
      %mul3A_116 = arith.constant 16 : i32
      %mul3A_117 = arith.muli %add3A_89, %mul3A_116 : i32
      %get3A_118 = arith.constant 4 : i32
      %get3A_119 = arith.index_cast %get3A_118 : i32 to index
      %get3A_120 = arith.index_cast %mul3A_117 : i32 to index
      %get3A_121 = tpu.vector_load %arg6[%get3A_119, %get3A_120] {strides = array<i32>} : memref<16x640xf32, #tpu.memory_space<vmem>>, vector<16xf32>,
      %add3A_122 = arith.addf %add3A_115, %get3A_121 : vector<16xf32>
      %mul3A_123 = arith.constant 16 : i32
      %mul3A_124 = arith.muli %add3A_89, %mul3A_123 : i32
      %get3A_125 = arith.constant 5 : i32
      %get3A_126 = arith.index_cast %get3A_125 : i32 to index
      %get3A_127 = arith.index_cast %mul3A_124 : i32 to index
      %get3A_128 = tpu.vector_load %arg6[%get3A_126, %get3A_127] {strides = array<i32>} : memref<16x640xf32, #tpu.memory_space<vmem>>, vector<16xf32>,
      %add3A_129 = arith.addf %add3A_122, %get3A_128 : vector<16xf32>
      %mul3A_130 = arith.constant 16 : i32
      %mul3A_131 = arith.muli %add3A_89, %mul3A_130 : i32
      %get3A_132 = arith.constant 6 : i32
      %get3A_133 = arith.index_cast %get3A_132 : i32 to index
      %get3A_134 = arith.index_cast %mul3A_131 : i32 to index
      %get3A_135 = tpu.vector_load %arg6[%get3A_133, %get3A_134] {strides = array<i32>} : memref<16x640xf32, #tpu.memory_space<vmem>>, vector<16xf32>,
      %add3A_136 = arith.addf %add3A_129, %get3A_135 : vector<16xf32>
      %mul3A_137 = arith.constant 16 : i32
      %mul3A_138 = arith.muli %add3A_89, %mul3A_137 : i32
      %get3A_139 = arith.constant 7 : i32
      %get3A_140 = arith.index_cast %get3A_139 : i32 to index
      %get3A_141 = arith.index_cast %mul3A_138 : i32 to index
      %get3A_142 = tpu.vector_load %arg6[%get3A_140, %get3A_141] {strides = array<i32>} : memref<16x640xf32, #tpu.memory_space<vmem>>, vector<16xf32>,
      %add3A_143 = arith.addf %add3A_136, %get3A_142 : vector<16xf32>
      %mul3A_144 = arith.constant 16 : i32
      %mul3A_145 = arith.muli %add3A_89, %mul3A_144 : i32
      %get3A_146 = arith.constant 8 : i32
      %get3A_147 = arith.index_cast %get3A_146 : i32 to index
      %get3A_148 = arith.index_cast %mul3A_145 : i32 to index
      %get3A_149 = tpu.vector_load %arg6[%get3A_147, %get3A_148] {strides = array<i32>} : memref<16x640xf32, #tpu.memory_space<vmem>>, vector<16xf32>,
      %add3A_150 = arith.addf %add3A_143, %get3A_149 : vector<16xf32>
      %mul3A_151 = arith.constant 16 : i32
      %mul3A_152 = arith.muli %add3A_89, %mul3A_151 : i32
      %get3A_153 = arith.constant 9 : i32
      %get3A_154 = arith.index_cast %get3A_153 : i32 to index
      %get3A_155 = arith.index_cast %mul3A_152 : i32 to index
      %get3A_156 = tpu.vector_load %arg6[%get3A_154, %get3A_155] {strides = array<i32>} : memref<16x640xf32, #tpu.memory_space<vmem>>, vector<16xf32>,
      %add3A_157 = arith.addf %add3A_150, %get3A_156 : vector<16xf32>
      %mul3A_158 = arith.constant 16 : i32
      %mul3A_159 = arith.muli %add3A_89, %mul3A_158 : i32
      %get3A_160 = arith.constant 10 : i32
      %get3A_161 = arith.index_cast %get3A_160 : i32 to index
      %get3A_162 = arith.index_cast %mul3A_159 : i32 to index
      %get3A_163 = tpu.vector_load %arg6[%get3A_161, %get3A_162] {strides = array<i32>} : memref<16x640xf32, #tpu.memory_space<vmem>>, vector<16xf32>,
      %add3A_164 = arith.addf %add3A_157, %get3A_163 : vector<16xf32>
      %mul3A_165 = arith.constant 16 : i32
      %mul3A_166 = arith.muli %add3A_89, %mul3A_165 : i32
      %get3A_167 = arith.constant 11 : i32
      %get3A_168 = arith.index_cast %get3A_167 : i32 to index
      %get3A_169 = arith.index_cast %mul3A_166 : i32 to index
      %get3A_170 = tpu.vector_load %arg6[%get3A_168, %get3A_169] {strides = array<i32>} : memref<16x640xf32, #tpu.memory_space<vmem>>, vector<16xf32>,
      %add3A_171 = arith.addf %add3A_164, %get3A_170 : vector<16xf32>
      %mul3A_172 = arith.constant 16 : i32
      %mul3A_173 = arith.muli %add3A_89, %mul3A_172 : i32
      %get3A_174 = arith.constant 12 : i32
      %get3A_175 = arith.index_cast %get3A_174 : i32 to index
      %get3A_176 = arith.index_cast %mul3A_173 : i32 to index
      %get3A_177 = tpu.vector_load %arg6[%get3A_175, %get3A_176] {strides = array<i32>} : memref<16x640xf32, #tpu.memory_space<vmem>>, vector<16xf32>,
      %add3A_178 = arith.addf %add3A_171, %get3A_177 : vector<16xf32>
      %mul3A_179 = arith.constant 16 : i32
      %mul3A_180 = arith.muli %add3A_89, %mul3A_179 : i32
      %get3A_181 = arith.constant 13 : i32
      %get3A_182 = arith.index_cast %get3A_181 : i32 to index
      %get3A_183 = arith.index_cast %mul3A_180 : i32 to index
      %get3A_184 = tpu.vector_load %arg6[%get3A_182, %get3A_183] {strides = array<i32>} : memref<16x640xf32, #tpu.memory_space<vmem>>, vector<16xf32>,
      %add3A_185 = arith.addf %add3A_178, %get3A_184 : vector<16xf32>
      %mul3A_186 = arith.constant 16 : i32
      %mul3A_187 = arith.muli %add3A_89, %mul3A_186 : i32
      %get3A_188 = arith.constant 14 : i32
      %get3A_189 = arith.index_cast %get3A_188 : i32 to index
      %get3A_190 = arith.index_cast %mul3A_187 : i32 to index
      %get3A_191 = tpu.vector_load %arg6[%get3A_189, %get3A_190] {strides = array<i32>} : memref<16x640xf32, #tpu.memory_space<vmem>>, vector<16xf32>,
      %add3A_192 = arith.addf %add3A_185, %get3A_191 : vector<16xf32>
      %mul3A_193 = arith.constant 16 : i32
      %mul3A_194 = arith.muli %add3A_89, %mul3A_193 : i32
      %get3A_195 = arith.constant 15 : i32
      %get3A_196 = arith.index_cast %get3A_195 : i32 to index
      %get3A_197 = arith.index_cast %mul3A_194 : i32 to index
      %get3A_198 = tpu.vector_load %arg6[%get3A_196, %get3A_197] {strides = array<i32>} : memref<16x640xf32, #tpu.memory_space<vmem>>, vector<16xf32>,
      %add3A_199 = arith.addf %add3A_192, %get3A_198 : vector<16xf32>
      %mul3A_200 = arith.constant 16 : i32
      %mul3A_201 = arith.muli %add3A_89, %mul3A_200 : i32
      %swap3A = arith.index_cast %mul3A_201 : i32 to index
      %swap3A_202 = tpu.vector_load %arg7[%swap3A] {strides = array<i32>} : memref<640xf32, #tpu.memory_space<vmem>>, vector<16xf32>,
      tpu.vector_store %arg7[%swap3A], %add3A_199 {strides = array<i32>} : memref<640xf32, #tpu.memory_space<vmem>>, vector<16xf32>,
    }
    %scan3A_82 = arith.constant 40 : i32
    %mul3A_83 = arith.constant 640 : i32
    %mul3A_84 = arith.muli %arg1, %mul3A_83 : i32
    "tpu.region"() ({
      %run_scoped3A_85 = tpu.sem_alloc : memref<!tpu.dma_semaphore, #tpu.memory_space<semaphore_mem>>
      %dma_start3A = tpu.memref_slice %arg3[%arg0, %mul3A_84] : memref<2x10240xf32, #tpu.memory_space<hbm>> -> memref<1x640xf32, #tpu.memory_space<hbm>>
      %dma_start3A_86 = tpu.memref_squeeze %dma_start3A : memref<1x640xf32, #tpu.memory_space<hbm>> -> memref<640xf32, #tpu.memory_space<hbm>>
      %dma_start3A_87 = tpu.memref_slice %arg3[%arg0, %mul3A_84] : memref<2x10240xf32, #tpu.memory_space<hbm>> -> memref<1x640xf32, #tpu.memory_space<hbm>>
      %dma_start3A_88 = tpu.memref_squeeze %dma_start3A_87 : memref<1x640xf32, #tpu.memory_space<hbm>> -> memref<640xf32, #tpu.memory_space<hbm>>
      tpu.enqueue_dma source(%arg7 : memref<640xf32, #tpu.memory_space<vmem>>) target(%dma_start3A_88 : memref<640xf32, #tpu.memory_space<hbm>>) target_semaphore(%run_scoped3A_85 : memref<!tpu.dma_semaphore, #tpu.memory_space<semaphore_mem>>)
      %dma_wait3A = tpu.memref_slice %arg3[%arg0, %mul3A_84] : memref<2x10240xf32, #tpu.memory_space<hbm>> -> memref<1x640xf32, #tpu.memory_space<hbm>>
      %dma_wait3A_89 = tpu.memref_squeeze %dma_wait3A : memref<1x640xf32, #tpu.memory_space<hbm>> -> memref<640xf32, #tpu.memory_space<hbm>>
      %dma_wait3A_90 = tpu.memref_slice %arg3[%arg0, %mul3A_84] : memref<2x10240xf32, #tpu.memory_space<hbm>> -> memref<1x640xf32, #tpu.memory_space<hbm>>
      %dma_wait3A_91 = tpu.memref_squeeze %dma_wait3A_90 : memref<1x640xf32, #tpu.memory_space<hbm>> -> memref<640xf32, #tpu.memory_space<hbm>>
      tpu.wait_dma2 semaphore(%run_scoped3A_85 : memref<!tpu.dma_semaphore, #tpu.memory_space<semaphore_mem>>) src(%arg7 : memref<640xf32, #tpu.memory_space<vmem>>) dst(%dma_wait3A_91 : memref<640xf32, #tpu.memory_space<hbm>>)
      tpu.yield
    }) : () -> ()
    return
  }
}

#map = affine_map<(d0, d1) -> (0, 0)>
#map1 = affine_map<(d0, d1) -> (0, 0, 0)>
module attributes {stable_mosaic.version = 14 : i64} {
  func.func @hop_kernel(%arg0: i32, %arg1: i32, %arg2: memref<2704x128xi32, #tpu.memory_space<hbm>>, %arg3: memref<2704x128xi32, #tpu.memory_space<hbm>>, %arg4: memref<10240x64xf32, #tpu.memory_space<hbm>>, %arg5: memref<2x10240x64xf32, #tpu.memory_space<hbm>>, %arg6: memref<152x128xi32, #tpu.memory_space<vmem>>, %arg7: memref<152x128xi32, #tpu.memory_space<vmem>>, %arg8: memref<10240x64xf32, #tpu.memory_space<vmem_shared>>, %arg9: memref<128x64xf32, #tpu.memory_space<vmem>>, %arg10: memref<128x64xf32, #tpu.memory_space<vmem>>, %arg11: memref<128x64xf32, #tpu.memory_space<vmem>>, %arg12: memref<128x64xf32, #tpu.memory_space<vmem>>, %arg13: memref<!tpu.dma_semaphore, #tpu.memory_space<semaphore_mem>>, %arg14: memref<!tpu.dma_semaphore, #tpu.memory_space<semaphore_mem>>, %arg15: memref<!tpu.dma_semaphore, #tpu.memory_space<semaphore_mem>>, %arg16: memref<!tpu.dma_semaphore, #tpu.memory_space<semaphore_mem>>) attributes {dimension_semantics = [#tpu.dimension_semantics<core_parallel>, #tpu.dimension_semantics<subcore_parallel>], iteration_bounds = array<i64: 2, 16>, scalar_prefetch = 0 : i64, scratch_operands = 11 : i64, tpu.core_type = #tpu.core_type<sc_vector_subcore>, window_params = [{transform_indices = #map}, {transform_indices = #map}, {transform_indices = #map}, {transform_indices = #map1}]} {
    %eq3A = arith.constant 0 : i32
    %eq3A_0 = arith.cmpi eq, %arg0, %eq3A : i32
    %mul3A = arith.constant 152 : i32
    %mul3A_1 = arith.muli %arg1, %mul3A : i32
    %mul3A_2 = arith.constant 8 : i32
    %mul3A_3 = arith.muli %arg1, %mul3A_2 : i32
    %add3A = arith.constant 2432 : i32
    %add3A_4 = arith.addi %add3A, %mul3A_3 : i32
    %select_n3A = arith.select %eq3A_0, %mul3A_1, %add3A_4 : i32
    %multiple_of3A = tpu.assume_multiple %select_n3A, 8 : i32
    %eq3A_5 = arith.constant 0 : i32
    %eq3A_6 = arith.cmpi eq, %arg0, %eq3A_5 : i32
    %jit3A = arith.constant 152 : i32
    %jit3A_7 = arith.constant 8 : i32
    %select_n3A_8 = arith.select %eq3A_6, %jit3A, %jit3A_7 : i32
    "tpu.region"() ({
      %run_scoped3A = tpu.sem_alloc : memref<!tpu.dma_semaphore, #tpu.memory_space<semaphore_mem>>
      %dma_start3A_82 = arith.constant 0 : i32
      %dma_start3A_83 = tpu.memref_slice %arg2[%multiple_of3A, %dma_start3A_82] : memref<2704x128xi32, #tpu.memory_space<hbm>> -> memref<152x128xi32, #tpu.memory_space<hbm>>
      %dma_start3A_84 = arith.constant 0 : i32
      %dma_start3A_85 = tpu.memref_slice %arg2[%multiple_of3A, %dma_start3A_84] : memref<2704x128xi32, #tpu.memory_space<hbm>> -> memref<152x128xi32, #tpu.memory_space<hbm>>
      tpu.enqueue_dma source(%dma_start3A_85 : memref<152x128xi32, #tpu.memory_space<hbm>>) target(%arg6 : memref<152x128xi32, #tpu.memory_space<vmem>>) target_semaphore(%run_scoped3A : memref<!tpu.dma_semaphore, #tpu.memory_space<semaphore_mem>>)
      %dma_wait3A = arith.constant 0 : i32
      %dma_wait3A_86 = tpu.memref_slice %arg2[%multiple_of3A, %dma_wait3A] : memref<2704x128xi32, #tpu.memory_space<hbm>> -> memref<152x128xi32, #tpu.memory_space<hbm>>
      %dma_wait3A_87 = arith.constant 0 : i32
      %dma_wait3A_88 = tpu.memref_slice %arg2[%multiple_of3A, %dma_wait3A_87] : memref<2704x128xi32, #tpu.memory_space<hbm>> -> memref<152x128xi32, #tpu.memory_space<hbm>>
      tpu.wait_dma2 semaphore(%run_scoped3A : memref<!tpu.dma_semaphore, #tpu.memory_space<semaphore_mem>>) src(%dma_wait3A_88 : memref<152x128xi32, #tpu.memory_space<hbm>>) dst(%arg6 : memref<152x128xi32, #tpu.memory_space<vmem>>)
      tpu.yield
    }) : () -> ()
    "tpu.region"() ({
      %run_scoped3A = tpu.sem_alloc : memref<!tpu.dma_semaphore, #tpu.memory_space<semaphore_mem>>
      %dma_start3A_82 = arith.constant 0 : i32
      %dma_start3A_83 = tpu.memref_slice %arg3[%multiple_of3A, %dma_start3A_82] : memref<2704x128xi32, #tpu.memory_space<hbm>> -> memref<152x128xi32, #tpu.memory_space<hbm>>
      %dma_start3A_84 = arith.constant 0 : i32
      %dma_start3A_85 = tpu.memref_slice %arg3[%multiple_of3A, %dma_start3A_84] : memref<2704x128xi32, #tpu.memory_space<hbm>> -> memref<152x128xi32, #tpu.memory_space<hbm>>
      tpu.enqueue_dma source(%dma_start3A_85 : memref<152x128xi32, #tpu.memory_space<hbm>>) target(%arg7 : memref<152x128xi32, #tpu.memory_space<vmem>>) target_semaphore(%run_scoped3A : memref<!tpu.dma_semaphore, #tpu.memory_space<semaphore_mem>>)
      %dma_wait3A = arith.constant 0 : i32
      %dma_wait3A_86 = tpu.memref_slice %arg3[%multiple_of3A, %dma_wait3A] : memref<2704x128xi32, #tpu.memory_space<hbm>> -> memref<152x128xi32, #tpu.memory_space<hbm>>
      %dma_wait3A_87 = arith.constant 0 : i32
      %dma_wait3A_88 = tpu.memref_slice %arg3[%multiple_of3A, %dma_wait3A_87] : memref<2704x128xi32, #tpu.memory_space<hbm>> -> memref<152x128xi32, #tpu.memory_space<hbm>>
      tpu.wait_dma2 semaphore(%run_scoped3A : memref<!tpu.dma_semaphore, #tpu.memory_space<semaphore_mem>>) src(%dma_wait3A_88 : memref<152x128xi32, #tpu.memory_space<hbm>>) dst(%arg7 : memref<152x128xi32, #tpu.memory_space<vmem>>)
      tpu.yield
    }) : () -> ()
    %broadcast_in_dim3A = arith.constant 0.000000e+00 : f32
    %broadcast_in_dim3A_9 = vector.broadcast %broadcast_in_dim3A : f32 to vector<16xf32>
    %scan3A = arith.constant 0 : i32
    %scan3A_10 = arith.constant 128 : i32
    %scan3A_11 = arith.addi %scan3A, %scan3A_10 : i32
    %scan3A_12 = arith.constant 1 : i32
    scf.for %scan3A_82 = %scan3A to %scan3A_11 step %scan3A_12  : i32 {
      %mul3A_83 = arith.constant 1 : i32
      %mul3A_84 = arith.muli %scan3A_82, %mul3A_83 : i32
      %add3A_85 = arith.constant 0 : i32
      %add3A_86 = arith.addi %add3A_85, %mul3A_84 : i32
      %swap3A = arith.index_cast %add3A_86 : i32 to index
      %swap3A_87 = arith.constant 0 : index
      %swap3A_88 = tpu.vector_load %arg9[%swap3A, %swap3A_87] {strides = array<i32>} : memref<128x64xf32, #tpu.memory_space<vmem>>, vector<16xf32>,
      tpu.vector_store %arg9[%swap3A, %swap3A_87], %broadcast_in_dim3A_9 {strides = array<i32>} : memref<128x64xf32, #tpu.memory_space<vmem>>, vector<16xf32>,
      %swap3A_89 = arith.index_cast %add3A_86 : i32 to index
      %swap3A_90 = arith.constant 16 : index
      %swap3A_91 = tpu.vector_load %arg9[%swap3A_89, %swap3A_90] {strides = array<i32>} : memref<128x64xf32, #tpu.memory_space<vmem>>, vector<16xf32>,
      tpu.vector_store %arg9[%swap3A_89, %swap3A_90], %broadcast_in_dim3A_9 {strides = array<i32>} : memref<128x64xf32, #tpu.memory_space<vmem>>, vector<16xf32>,
      %swap3A_92 = arith.index_cast %add3A_86 : i32 to index
      %swap3A_93 = arith.constant 32 : index
      %swap3A_94 = tpu.vector_load %arg9[%swap3A_92, %swap3A_93] {strides = array<i32>} : memref<128x64xf32, #tpu.memory_space<vmem>>, vector<16xf32>,
      tpu.vector_store %arg9[%swap3A_92, %swap3A_93], %broadcast_in_dim3A_9 {strides = array<i32>} : memref<128x64xf32, #tpu.memory_space<vmem>>, vector<16xf32>,
      %swap3A_95 = arith.index_cast %add3A_86 : i32 to index
      %swap3A_96 = arith.constant 48 : index
      %swap3A_97 = tpu.vector_load %arg9[%swap3A_95, %swap3A_96] {strides = array<i32>} : memref<128x64xf32, #tpu.memory_space<vmem>>, vector<16xf32>,
      tpu.vector_store %arg9[%swap3A_95, %swap3A_96], %broadcast_in_dim3A_9 {strides = array<i32>} : memref<128x64xf32, #tpu.memory_space<vmem>>, vector<16xf32>,
    }
    %scan3A_13 = arith.constant 128 : i32
    %mul3A_14 = arith.constant 640 : i32
    %mul3A_15 = arith.muli %arg1, %mul3A_14 : i32
    %add3A_16 = arith.constant 0 : i32
    %add3A_17 = arith.addi %mul3A_15, %add3A_16 : i32
    "tpu.region"() ({
      %run_scoped3A = tpu.sem_alloc : memref<!tpu.dma_semaphore, #tpu.memory_space<semaphore_mem>>
      %dma_start3A_82 = arith.constant 0 : i32
      %dma_start3A_83 = tpu.memref_slice %arg8[%add3A_17, %dma_start3A_82] : memref<10240x64xf32, #tpu.memory_space<vmem_shared>> -> memref<128x64xf32, #tpu.memory_space<vmem_shared>>
      %dma_start3A_84 = arith.constant 0 : i32
      %dma_start3A_85 = tpu.memref_slice %arg8[%add3A_17, %dma_start3A_84] : memref<10240x64xf32, #tpu.memory_space<vmem_shared>> -> memref<128x64xf32, #tpu.memory_space<vmem_shared>>
      tpu.enqueue_dma source(%arg9 : memref<128x64xf32, #tpu.memory_space<vmem>>) target(%dma_start3A_85 : memref<128x64xf32, #tpu.memory_space<vmem_shared>>) target_semaphore(%run_scoped3A : memref<!tpu.dma_semaphore, #tpu.memory_space<semaphore_mem>>)
      %dma_wait3A = arith.constant 0 : i32
      %dma_wait3A_86 = tpu.memref_slice %arg8[%add3A_17, %dma_wait3A] : memref<10240x64xf32, #tpu.memory_space<vmem_shared>> -> memref<128x64xf32, #tpu.memory_space<vmem_shared>>
      %dma_wait3A_87 = arith.constant 0 : i32
      %dma_wait3A_88 = tpu.memref_slice %arg8[%add3A_17, %dma_wait3A_87] : memref<10240x64xf32, #tpu.memory_space<vmem_shared>> -> memref<128x64xf32, #tpu.memory_space<vmem_shared>>
      tpu.wait_dma2 semaphore(%run_scoped3A : memref<!tpu.dma_semaphore, #tpu.memory_space<semaphore_mem>>) src(%arg9 : memref<128x64xf32, #tpu.memory_space<vmem>>) dst(%dma_wait3A_88 : memref<128x64xf32, #tpu.memory_space<vmem_shared>>)
      tpu.yield
    }) : () -> ()
    %mul3A_18 = arith.constant 640 : i32
    %mul3A_19 = arith.muli %arg1, %mul3A_18 : i32
    %add3A_20 = arith.constant 128 : i32
    %add3A_21 = arith.addi %mul3A_19, %add3A_20 : i32
    "tpu.region"() ({
      %run_scoped3A = tpu.sem_alloc : memref<!tpu.dma_semaphore, #tpu.memory_space<semaphore_mem>>
      %dma_start3A_82 = arith.constant 0 : i32
      %dma_start3A_83 = tpu.memref_slice %arg8[%add3A_21, %dma_start3A_82] : memref<10240x64xf32, #tpu.memory_space<vmem_shared>> -> memref<128x64xf32, #tpu.memory_space<vmem_shared>>
      %dma_start3A_84 = arith.constant 0 : i32
      %dma_start3A_85 = tpu.memref_slice %arg8[%add3A_21, %dma_start3A_84] : memref<10240x64xf32, #tpu.memory_space<vmem_shared>> -> memref<128x64xf32, #tpu.memory_space<vmem_shared>>
      tpu.enqueue_dma source(%arg9 : memref<128x64xf32, #tpu.memory_space<vmem>>) target(%dma_start3A_85 : memref<128x64xf32, #tpu.memory_space<vmem_shared>>) target_semaphore(%run_scoped3A : memref<!tpu.dma_semaphore, #tpu.memory_space<semaphore_mem>>)
      %dma_wait3A = arith.constant 0 : i32
      %dma_wait3A_86 = tpu.memref_slice %arg8[%add3A_21, %dma_wait3A] : memref<10240x64xf32, #tpu.memory_space<vmem_shared>> -> memref<128x64xf32, #tpu.memory_space<vmem_shared>>
      %dma_wait3A_87 = arith.constant 0 : i32
      %dma_wait3A_88 = tpu.memref_slice %arg8[%add3A_21, %dma_wait3A_87] : memref<10240x64xf32, #tpu.memory_space<vmem_shared>> -> memref<128x64xf32, #tpu.memory_space<vmem_shared>>
      tpu.wait_dma2 semaphore(%run_scoped3A : memref<!tpu.dma_semaphore, #tpu.memory_space<semaphore_mem>>) src(%arg9 : memref<128x64xf32, #tpu.memory_space<vmem>>) dst(%dma_wait3A_88 : memref<128x64xf32, #tpu.memory_space<vmem_shared>>)
      tpu.yield
    }) : () -> ()
    %mul3A_22 = arith.constant 640 : i32
    %mul3A_23 = arith.muli %arg1, %mul3A_22 : i32
    %add3A_24 = arith.constant 256 : i32
    %add3A_25 = arith.addi %mul3A_23, %add3A_24 : i32
    "tpu.region"() ({
      %run_scoped3A = tpu.sem_alloc : memref<!tpu.dma_semaphore, #tpu.memory_space<semaphore_mem>>
      %dma_start3A_82 = arith.constant 0 : i32
      %dma_start3A_83 = tpu.memref_slice %arg8[%add3A_25, %dma_start3A_82] : memref<10240x64xf32, #tpu.memory_space<vmem_shared>> -> memref<128x64xf32, #tpu.memory_space<vmem_shared>>
      %dma_start3A_84 = arith.constant 0 : i32
      %dma_start3A_85 = tpu.memref_slice %arg8[%add3A_25, %dma_start3A_84] : memref<10240x64xf32, #tpu.memory_space<vmem_shared>> -> memref<128x64xf32, #tpu.memory_space<vmem_shared>>
      tpu.enqueue_dma source(%arg9 : memref<128x64xf32, #tpu.memory_space<vmem>>) target(%dma_start3A_85 : memref<128x64xf32, #tpu.memory_space<vmem_shared>>) target_semaphore(%run_scoped3A : memref<!tpu.dma_semaphore, #tpu.memory_space<semaphore_mem>>)
      %dma_wait3A = arith.constant 0 : i32
      %dma_wait3A_86 = tpu.memref_slice %arg8[%add3A_25, %dma_wait3A] : memref<10240x64xf32, #tpu.memory_space<vmem_shared>> -> memref<128x64xf32, #tpu.memory_space<vmem_shared>>
      %dma_wait3A_87 = arith.constant 0 : i32
      %dma_wait3A_88 = tpu.memref_slice %arg8[%add3A_25, %dma_wait3A_87] : memref<10240x64xf32, #tpu.memory_space<vmem_shared>> -> memref<128x64xf32, #tpu.memory_space<vmem_shared>>
      tpu.wait_dma2 semaphore(%run_scoped3A : memref<!tpu.dma_semaphore, #tpu.memory_space<semaphore_mem>>) src(%arg9 : memref<128x64xf32, #tpu.memory_space<vmem>>) dst(%dma_wait3A_88 : memref<128x64xf32, #tpu.memory_space<vmem_shared>>)
      tpu.yield
    }) : () -> ()
    %mul3A_26 = arith.constant 640 : i32
    %mul3A_27 = arith.muli %arg1, %mul3A_26 : i32
    %add3A_28 = arith.constant 384 : i32
    %add3A_29 = arith.addi %mul3A_27, %add3A_28 : i32
    "tpu.region"() ({
      %run_scoped3A = tpu.sem_alloc : memref<!tpu.dma_semaphore, #tpu.memory_space<semaphore_mem>>
      %dma_start3A_82 = arith.constant 0 : i32
      %dma_start3A_83 = tpu.memref_slice %arg8[%add3A_29, %dma_start3A_82] : memref<10240x64xf32, #tpu.memory_space<vmem_shared>> -> memref<128x64xf32, #tpu.memory_space<vmem_shared>>
      %dma_start3A_84 = arith.constant 0 : i32
      %dma_start3A_85 = tpu.memref_slice %arg8[%add3A_29, %dma_start3A_84] : memref<10240x64xf32, #tpu.memory_space<vmem_shared>> -> memref<128x64xf32, #tpu.memory_space<vmem_shared>>
      tpu.enqueue_dma source(%arg9 : memref<128x64xf32, #tpu.memory_space<vmem>>) target(%dma_start3A_85 : memref<128x64xf32, #tpu.memory_space<vmem_shared>>) target_semaphore(%run_scoped3A : memref<!tpu.dma_semaphore, #tpu.memory_space<semaphore_mem>>)
      %dma_wait3A = arith.constant 0 : i32
      %dma_wait3A_86 = tpu.memref_slice %arg8[%add3A_29, %dma_wait3A] : memref<10240x64xf32, #tpu.memory_space<vmem_shared>> -> memref<128x64xf32, #tpu.memory_space<vmem_shared>>
      %dma_wait3A_87 = arith.constant 0 : i32
      %dma_wait3A_88 = tpu.memref_slice %arg8[%add3A_29, %dma_wait3A_87] : memref<10240x64xf32, #tpu.memory_space<vmem_shared>> -> memref<128x64xf32, #tpu.memory_space<vmem_shared>>
      tpu.wait_dma2 semaphore(%run_scoped3A : memref<!tpu.dma_semaphore, #tpu.memory_space<semaphore_mem>>) src(%arg9 : memref<128x64xf32, #tpu.memory_space<vmem>>) dst(%dma_wait3A_88 : memref<128x64xf32, #tpu.memory_space<vmem_shared>>)
      tpu.yield
    }) : () -> ()
    %mul3A_30 = arith.constant 640 : i32
    %mul3A_31 = arith.muli %arg1, %mul3A_30 : i32
    %add3A_32 = arith.constant 512 : i32
    %add3A_33 = arith.addi %mul3A_31, %add3A_32 : i32
    "tpu.region"() ({
      %run_scoped3A = tpu.sem_alloc : memref<!tpu.dma_semaphore, #tpu.memory_space<semaphore_mem>>
      %dma_start3A_82 = arith.constant 0 : i32
      %dma_start3A_83 = tpu.memref_slice %arg8[%add3A_33, %dma_start3A_82] : memref<10240x64xf32, #tpu.memory_space<vmem_shared>> -> memref<128x64xf32, #tpu.memory_space<vmem_shared>>
      %dma_start3A_84 = arith.constant 0 : i32
      %dma_start3A_85 = tpu.memref_slice %arg8[%add3A_33, %dma_start3A_84] : memref<10240x64xf32, #tpu.memory_space<vmem_shared>> -> memref<128x64xf32, #tpu.memory_space<vmem_shared>>
      tpu.enqueue_dma source(%arg9 : memref<128x64xf32, #tpu.memory_space<vmem>>) target(%dma_start3A_85 : memref<128x64xf32, #tpu.memory_space<vmem_shared>>) target_semaphore(%run_scoped3A : memref<!tpu.dma_semaphore, #tpu.memory_space<semaphore_mem>>)
      %dma_wait3A = arith.constant 0 : i32
      %dma_wait3A_86 = tpu.memref_slice %arg8[%add3A_33, %dma_wait3A] : memref<10240x64xf32, #tpu.memory_space<vmem_shared>> -> memref<128x64xf32, #tpu.memory_space<vmem_shared>>
      %dma_wait3A_87 = arith.constant 0 : i32
      %dma_wait3A_88 = tpu.memref_slice %arg8[%add3A_33, %dma_wait3A_87] : memref<10240x64xf32, #tpu.memory_space<vmem_shared>> -> memref<128x64xf32, #tpu.memory_space<vmem_shared>>
      tpu.wait_dma2 semaphore(%run_scoped3A : memref<!tpu.dma_semaphore, #tpu.memory_space<semaphore_mem>>) src(%arg9 : memref<128x64xf32, #tpu.memory_space<vmem>>) dst(%dma_wait3A_88 : memref<128x64xf32, #tpu.memory_space<vmem_shared>>)
      tpu.yield
    }) : () -> ()
    %barrier3A = arith.constant 0 : index
    tpu.barrier barrier_id(%barrier3A)
    %dma_start3A = arith.constant 0 : i32
    %dma_start3A_34 = arith.constant 0 : i32
    %dma_start3A_35 = tpu.memref_slice %arg6[%dma_start3A, %dma_start3A_34] : memref<152x128xi32, #tpu.memory_space<vmem>> -> memref<1x128xi32, #tpu.memory_space<vmem>>
    %dma_start3A_36 = tpu.memref_squeeze %dma_start3A_35 : memref<1x128xi32, #tpu.memory_space<vmem>> -> memref<128xi32, #tpu.memory_space<vmem>>
    %dma_start3A_37 = arith.constant 0 : i32
    %dma_start3A_38 = arith.constant 0 : i32
    %dma_start3A_39 = tpu.memref_slice %arg4[%dma_start3A_37, %dma_start3A_38] : memref<10240x64xf32, #tpu.memory_space<hbm>> -> memref<10240x64xf32, #tpu.memory_space<hbm>>
    tpu.enqueue_indirect_dma source(%dma_start3A_39 : memref<10240x64xf32, #tpu.memory_space<hbm>>) target(%arg9 : memref<128x64xf32, #tpu.memory_space<vmem>>) offsets(%dma_start3A_36 : memref<128xi32, #tpu.memory_space<vmem>>) semaphore(%arg13 : memref<!tpu.dma_semaphore, #tpu.memory_space<semaphore_mem>>)
    %dma_start3A_40 = arith.constant 1 : i32
    %dma_start3A_41 = arith.constant 0 : i32
    %dma_start3A_42 = tpu.memref_slice %arg6[%dma_start3A_40, %dma_start3A_41] : memref<152x128xi32, #tpu.memory_space<vmem>> -> memref<1x128xi32, #tpu.memory_space<vmem>>
    %dma_start3A_43 = tpu.memref_squeeze %dma_start3A_42 : memref<1x128xi32, #tpu.memory_space<vmem>> -> memref<128xi32, #tpu.memory_space<vmem>>
    %dma_start3A_44 = arith.constant 0 : i32
    %dma_start3A_45 = arith.constant 0 : i32
    %dma_start3A_46 = tpu.memref_slice %arg4[%dma_start3A_44, %dma_start3A_45] : memref<10240x64xf32, #tpu.memory_space<hbm>> -> memref<10240x64xf32, #tpu.memory_space<hbm>>
    tpu.enqueue_indirect_dma source(%dma_start3A_46 : memref<10240x64xf32, #tpu.memory_space<hbm>>) target(%arg10 : memref<128x64xf32, #tpu.memory_space<vmem>>) offsets(%dma_start3A_43 : memref<128xi32, #tpu.memory_space<vmem>>) semaphore(%arg14 : memref<!tpu.dma_semaphore, #tpu.memory_space<semaphore_mem>>)
    %dma_start3A_47 = arith.constant 2 : i32
    %dma_start3A_48 = arith.constant 0 : i32
    %dma_start3A_49 = tpu.memref_slice %arg6[%dma_start3A_47, %dma_start3A_48] : memref<152x128xi32, #tpu.memory_space<vmem>> -> memref<1x128xi32, #tpu.memory_space<vmem>>
    %dma_start3A_50 = tpu.memref_squeeze %dma_start3A_49 : memref<1x128xi32, #tpu.memory_space<vmem>> -> memref<128xi32, #tpu.memory_space<vmem>>
    %dma_start3A_51 = arith.constant 0 : i32
    %dma_start3A_52 = arith.constant 0 : i32
    %dma_start3A_53 = tpu.memref_slice %arg4[%dma_start3A_51, %dma_start3A_52] : memref<10240x64xf32, #tpu.memory_space<hbm>> -> memref<10240x64xf32, #tpu.memory_space<hbm>>
    tpu.enqueue_indirect_dma source(%dma_start3A_53 : memref<10240x64xf32, #tpu.memory_space<hbm>>) target(%arg11 : memref<128x64xf32, #tpu.memory_space<vmem>>) offsets(%dma_start3A_50 : memref<128xi32, #tpu.memory_space<vmem>>) semaphore(%arg15 : memref<!tpu.dma_semaphore, #tpu.memory_space<semaphore_mem>>)
    %dma_start3A_54 = arith.constant 3 : i32
    %dma_start3A_55 = arith.constant 0 : i32
    %dma_start3A_56 = tpu.memref_slice %arg6[%dma_start3A_54, %dma_start3A_55] : memref<152x128xi32, #tpu.memory_space<vmem>> -> memref<1x128xi32, #tpu.memory_space<vmem>>
    %dma_start3A_57 = tpu.memref_squeeze %dma_start3A_56 : memref<1x128xi32, #tpu.memory_space<vmem>> -> memref<128xi32, #tpu.memory_space<vmem>>
    %dma_start3A_58 = arith.constant 0 : i32
    %dma_start3A_59 = arith.constant 0 : i32
    %dma_start3A_60 = tpu.memref_slice %arg4[%dma_start3A_58, %dma_start3A_59] : memref<10240x64xf32, #tpu.memory_space<hbm>> -> memref<10240x64xf32, #tpu.memory_space<hbm>>
    tpu.enqueue_indirect_dma source(%dma_start3A_60 : memref<10240x64xf32, #tpu.memory_space<hbm>>) target(%arg12 : memref<128x64xf32, #tpu.memory_space<vmem>>) offsets(%dma_start3A_57 : memref<128xi32, #tpu.memory_space<vmem>>) semaphore(%arg16 : memref<!tpu.dma_semaphore, #tpu.memory_space<semaphore_mem>>)
    %sub3A = arith.constant 0 : i32
    %sub3A_61 = arith.subi %select_n3A_8, %sub3A : i32
    %sub3A_62 = arith.constant 4 : i32
    %sub3A_63 = arith.constant 1 : i32
    %sub3A_64 = arith.subi %sub3A_62, %sub3A_63 : i32
    %add3A_65 = arith.addi %sub3A_61, %sub3A_64 : i32
    %div3A = arith.constant 4 : i32
    %div3A_66 = arith.divsi %add3A_65, %div3A : i32
    %while3A = arith.constant 4 : i32
    %while3A_67 = arith.constant 0 : i32
    %while3A_68 = arith.constant 0 : i32
    %while3A_69 = arith.subi %div3A_66, %while3A_68 : i32
    %while3A_70 = arith.addi %while3A_68, %while3A_69 : i32
    %while3A_71 = arith.constant 1 : i32
    %while3A_72 = arith.divsi %while3A_69, %while3A_71 : i32
    %while3A_73 = arith.muli %while3A_72, %while3A_71 : i32
    %while3A_74 = arith.addi %while3A_68, %while3A_73 : i32
    %while3A_75 = arith.constant 1 : i32
    scf.for %while3A_82 = %while3A_68 to %while3A_74 step %while3A_75  : i32 {
      %mul3A_83 = arith.muli %while3A_82, %while3A : i32
      %add3A_84 = arith.addi %while3A_67, %mul3A_83 : i32
      %add3A_85 = arith.constant 0 : i32
      %add3A_86 = arith.addi %add3A_84, %add3A_85 : i32
      %dma_wait3A = arith.constant 0 : i32
      %dma_wait3A_87 = tpu.memref_slice %arg6[%add3A_86, %dma_wait3A] : memref<152x128xi32, #tpu.memory_space<vmem>> -> memref<1x128xi32, #tpu.memory_space<vmem>>
      %dma_wait3A_88 = tpu.memref_squeeze %dma_wait3A_87 : memref<1x128xi32, #tpu.memory_space<vmem>> -> memref<128xi32, #tpu.memory_space<vmem>>
      %dma_wait3A_89 = arith.constant 0 : i32
      %dma_wait3A_90 = arith.constant 0 : i32
      %dma_wait3A_91 = tpu.memref_slice %arg4[%dma_wait3A_89, %dma_wait3A_90] : memref<10240x64xf32, #tpu.memory_space<hbm>> -> memref<10240x64xf32, #tpu.memory_space<hbm>>
      tpu.wait_indirect_dma semaphore(%arg13 : memref<!tpu.dma_semaphore, #tpu.memory_space<semaphore_mem>>) src(%dma_wait3A_91 : memref<10240x64xf32, #tpu.memory_space<hbm>>) dst(%arg9 : memref<128x64xf32, #tpu.memory_space<vmem>>)
      %add3A_92 = arith.constant 0 : i32
      %add3A_93 = arith.addi %add3A_84, %add3A_92 : i32
      "tpu.region"() ({
        %run_scoped3A = tpu.sem_alloc : memref<!tpu.dma_semaphore, #tpu.memory_space<semaphore_mem>>
        %dma_start3A_153 = arith.constant 0 : i32
        %dma_start3A_154 = tpu.memref_slice %arg7[%add3A_93, %dma_start3A_153] : memref<152x128xi32, #tpu.memory_space<vmem>> -> memref<1x128xi32, #tpu.memory_space<vmem>>
        %dma_start3A_155 = tpu.memref_squeeze %dma_start3A_154 : memref<1x128xi32, #tpu.memory_space<vmem>> -> memref<128xi32, #tpu.memory_space<vmem>>
        %dma_start3A_156 = arith.constant 0 : i32
        %dma_start3A_157 = arith.constant 0 : i32
        %dma_start3A_158 = tpu.memref_slice %arg8[%dma_start3A_156, %dma_start3A_157] : memref<10240x64xf32, #tpu.memory_space<vmem_shared>> -> memref<10240x64xf32, #tpu.memory_space<vmem_shared>>
        tpu.enqueue_indirect_dma source(%arg9 : memref<128x64xf32, #tpu.memory_space<vmem>>) target(%dma_start3A_158 : memref<10240x64xf32, #tpu.memory_space<vmem_shared>>) offsets(%dma_start3A_155 : memref<128xi32, #tpu.memory_space<vmem>>) semaphore(%run_scoped3A : memref<!tpu.dma_semaphore, #tpu.memory_space<semaphore_mem>>) {add = true}
        %dma_wait3A_159 = arith.constant 0 : i32
        %dma_wait3A_160 = tpu.memref_slice %arg7[%add3A_93, %dma_wait3A_159] : memref<152x128xi32, #tpu.memory_space<vmem>> -> memref<1x128xi32, #tpu.memory_space<vmem>>
        %dma_wait3A_161 = tpu.memref_squeeze %dma_wait3A_160 : memref<1x128xi32, #tpu.memory_space<vmem>> -> memref<128xi32, #tpu.memory_space<vmem>>
        %dma_wait3A_162 = arith.constant 0 : i32
        %dma_wait3A_163 = arith.constant 0 : i32
        %dma_wait3A_164 = tpu.memref_slice %arg8[%dma_wait3A_162, %dma_wait3A_163] : memref<10240x64xf32, #tpu.memory_space<vmem_shared>> -> memref<10240x64xf32, #tpu.memory_space<vmem_shared>>
        tpu.wait_indirect_dma semaphore(%run_scoped3A : memref<!tpu.dma_semaphore, #tpu.memory_space<semaphore_mem>>) src(%arg9 : memref<128x64xf32, #tpu.memory_space<vmem>>) dst(%dma_wait3A_164 : memref<10240x64xf32, #tpu.memory_space<vmem_shared>>)
        tpu.yield
      }) : () -> ()
      %add3A_94 = arith.constant 0 : i32
      %add3A_95 = arith.addi %add3A_84, %add3A_94 : i32
      %add3A_96 = arith.constant 4 : i32
      %add3A_97 = arith.addi %add3A_95, %add3A_96 : i32
      %lt3A = arith.cmpi slt, %add3A_97, %select_n3A_8 : i32
      %convert_element_type3A = arith.extui %lt3A : i1 to i32
      %cond3A = arith.constant 0 : i32
      %cond3A_98 = arith.cmpi ne, %convert_element_type3A, %cond3A : i32
      scf.if %cond3A_98 {
        %add3A_153 = arith.constant 0 : i32
        %add3A_154 = arith.addi %add3A_84, %add3A_153 : i32
        %add3A_155 = arith.constant 4 : i32
        %add3A_156 = arith.addi %add3A_154, %add3A_155 : i32
        %dma_start3A_157 = arith.constant 0 : i32
        %dma_start3A_158 = tpu.memref_slice %arg6[%add3A_156, %dma_start3A_157] : memref<152x128xi32, #tpu.memory_space<vmem>> -> memref<1x128xi32, #tpu.memory_space<vmem>>
        %dma_start3A_159 = tpu.memref_squeeze %dma_start3A_158 : memref<1x128xi32, #tpu.memory_space<vmem>> -> memref<128xi32, #tpu.memory_space<vmem>>
        %dma_start3A_160 = arith.constant 0 : i32
        %dma_start3A_161 = arith.constant 0 : i32
        %dma_start3A_162 = tpu.memref_slice %arg4[%dma_start3A_160, %dma_start3A_161] : memref<10240x64xf32, #tpu.memory_space<hbm>> -> memref<10240x64xf32, #tpu.memory_space<hbm>>
        tpu.enqueue_indirect_dma source(%dma_start3A_162 : memref<10240x64xf32, #tpu.memory_space<hbm>>) target(%arg9 : memref<128x64xf32, #tpu.memory_space<vmem>>) offsets(%dma_start3A_159 : memref<128xi32, #tpu.memory_space<vmem>>) semaphore(%arg13 : memref<!tpu.dma_semaphore, #tpu.memory_space<semaphore_mem>>)
      } else {
      }
      %add3A_99 = arith.constant 1 : i32
      %add3A_100 = arith.addi %add3A_84, %add3A_99 : i32
      %dma_wait3A_101 = arith.constant 0 : i32
      %dma_wait3A_102 = tpu.memref_slice %arg6[%add3A_100, %dma_wait3A_101] : memref<152x128xi32, #tpu.memory_space<vmem>> -> memref<1x128xi32, #tpu.memory_space<vmem>>
      %dma_wait3A_103 = tpu.memref_squeeze %dma_wait3A_102 : memref<1x128xi32, #tpu.memory_space<vmem>> -> memref<128xi32, #tpu.memory_space<vmem>>
      %dma_wait3A_104 = arith.constant 0 : i32
      %dma_wait3A_105 = arith.constant 0 : i32
      %dma_wait3A_106 = tpu.memref_slice %arg4[%dma_wait3A_104, %dma_wait3A_105] : memref<10240x64xf32, #tpu.memory_space<hbm>> -> memref<10240x64xf32, #tpu.memory_space<hbm>>
      tpu.wait_indirect_dma semaphore(%arg14 : memref<!tpu.dma_semaphore, #tpu.memory_space<semaphore_mem>>) src(%dma_wait3A_106 : memref<10240x64xf32, #tpu.memory_space<hbm>>) dst(%arg10 : memref<128x64xf32, #tpu.memory_space<vmem>>)
      %add3A_107 = arith.constant 1 : i32
      %add3A_108 = arith.addi %add3A_84, %add3A_107 : i32
      "tpu.region"() ({
        %run_scoped3A = tpu.sem_alloc : memref<!tpu.dma_semaphore, #tpu.memory_space<semaphore_mem>>
        %dma_start3A_153 = arith.constant 0 : i32
        %dma_start3A_154 = tpu.memref_slice %arg7[%add3A_108, %dma_start3A_153] : memref<152x128xi32, #tpu.memory_space<vmem>> -> memref<1x128xi32, #tpu.memory_space<vmem>>
        %dma_start3A_155 = tpu.memref_squeeze %dma_start3A_154 : memref<1x128xi32, #tpu.memory_space<vmem>> -> memref<128xi32, #tpu.memory_space<vmem>>
        %dma_start3A_156 = arith.constant 0 : i32
        %dma_start3A_157 = arith.constant 0 : i32
        %dma_start3A_158 = tpu.memref_slice %arg8[%dma_start3A_156, %dma_start3A_157] : memref<10240x64xf32, #tpu.memory_space<vmem_shared>> -> memref<10240x64xf32, #tpu.memory_space<vmem_shared>>
        tpu.enqueue_indirect_dma source(%arg10 : memref<128x64xf32, #tpu.memory_space<vmem>>) target(%dma_start3A_158 : memref<10240x64xf32, #tpu.memory_space<vmem_shared>>) offsets(%dma_start3A_155 : memref<128xi32, #tpu.memory_space<vmem>>) semaphore(%run_scoped3A : memref<!tpu.dma_semaphore, #tpu.memory_space<semaphore_mem>>) {add = true}
        %dma_wait3A_159 = arith.constant 0 : i32
        %dma_wait3A_160 = tpu.memref_slice %arg7[%add3A_108, %dma_wait3A_159] : memref<152x128xi32, #tpu.memory_space<vmem>> -> memref<1x128xi32, #tpu.memory_space<vmem>>
        %dma_wait3A_161 = tpu.memref_squeeze %dma_wait3A_160 : memref<1x128xi32, #tpu.memory_space<vmem>> -> memref<128xi32, #tpu.memory_space<vmem>>
        %dma_wait3A_162 = arith.constant 0 : i32
        %dma_wait3A_163 = arith.constant 0 : i32
        %dma_wait3A_164 = tpu.memref_slice %arg8[%dma_wait3A_162, %dma_wait3A_163] : memref<10240x64xf32, #tpu.memory_space<vmem_shared>> -> memref<10240x64xf32, #tpu.memory_space<vmem_shared>>
        tpu.wait_indirect_dma semaphore(%run_scoped3A : memref<!tpu.dma_semaphore, #tpu.memory_space<semaphore_mem>>) src(%arg10 : memref<128x64xf32, #tpu.memory_space<vmem>>) dst(%dma_wait3A_164 : memref<10240x64xf32, #tpu.memory_space<vmem_shared>>)
        tpu.yield
      }) : () -> ()
      %add3A_109 = arith.constant 1 : i32
      %add3A_110 = arith.addi %add3A_84, %add3A_109 : i32
      %add3A_111 = arith.constant 4 : i32
      %add3A_112 = arith.addi %add3A_110, %add3A_111 : i32
      %lt3A_113 = arith.cmpi slt, %add3A_112, %select_n3A_8 : i32
      %convert_element_type3A_114 = arith.extui %lt3A_113 : i1 to i32
      %cond3A_115 = arith.constant 0 : i32
      %cond3A_116 = arith.cmpi ne, %convert_element_type3A_114, %cond3A_115 : i32
      scf.if %cond3A_116 {
        %add3A_153 = arith.constant 1 : i32
        %add3A_154 = arith.addi %add3A_84, %add3A_153 : i32
        %add3A_155 = arith.constant 4 : i32
        %add3A_156 = arith.addi %add3A_154, %add3A_155 : i32
        %dma_start3A_157 = arith.constant 0 : i32
        %dma_start3A_158 = tpu.memref_slice %arg6[%add3A_156, %dma_start3A_157] : memref<152x128xi32, #tpu.memory_space<vmem>> -> memref<1x128xi32, #tpu.memory_space<vmem>>
        %dma_start3A_159 = tpu.memref_squeeze %dma_start3A_158 : memref<1x128xi32, #tpu.memory_space<vmem>> -> memref<128xi32, #tpu.memory_space<vmem>>
        %dma_start3A_160 = arith.constant 0 : i32
        %dma_start3A_161 = arith.constant 0 : i32
        %dma_start3A_162 = tpu.memref_slice %arg4[%dma_start3A_160, %dma_start3A_161] : memref<10240x64xf32, #tpu.memory_space<hbm>> -> memref<10240x64xf32, #tpu.memory_space<hbm>>
        tpu.enqueue_indirect_dma source(%dma_start3A_162 : memref<10240x64xf32, #tpu.memory_space<hbm>>) target(%arg10 : memref<128x64xf32, #tpu.memory_space<vmem>>) offsets(%dma_start3A_159 : memref<128xi32, #tpu.memory_space<vmem>>) semaphore(%arg14 : memref<!tpu.dma_semaphore, #tpu.memory_space<semaphore_mem>>)
      } else {
      }
      %add3A_117 = arith.constant 2 : i32
      %add3A_118 = arith.addi %add3A_84, %add3A_117 : i32
      %dma_wait3A_119 = arith.constant 0 : i32
      %dma_wait3A_120 = tpu.memref_slice %arg6[%add3A_118, %dma_wait3A_119] : memref<152x128xi32, #tpu.memory_space<vmem>> -> memref<1x128xi32, #tpu.memory_space<vmem>>
      %dma_wait3A_121 = tpu.memref_squeeze %dma_wait3A_120 : memref<1x128xi32, #tpu.memory_space<vmem>> -> memref<128xi32, #tpu.memory_space<vmem>>
      %dma_wait3A_122 = arith.constant 0 : i32
      %dma_wait3A_123 = arith.constant 0 : i32
      %dma_wait3A_124 = tpu.memref_slice %arg4[%dma_wait3A_122, %dma_wait3A_123] : memref<10240x64xf32, #tpu.memory_space<hbm>> -> memref<10240x64xf32, #tpu.memory_space<hbm>>
      tpu.wait_indirect_dma semaphore(%arg15 : memref<!tpu.dma_semaphore, #tpu.memory_space<semaphore_mem>>) src(%dma_wait3A_124 : memref<10240x64xf32, #tpu.memory_space<hbm>>) dst(%arg11 : memref<128x64xf32, #tpu.memory_space<vmem>>)
      %add3A_125 = arith.constant 2 : i32
      %add3A_126 = arith.addi %add3A_84, %add3A_125 : i32
      "tpu.region"() ({
        %run_scoped3A = tpu.sem_alloc : memref<!tpu.dma_semaphore, #tpu.memory_space<semaphore_mem>>
        %dma_start3A_153 = arith.constant 0 : i32
        %dma_start3A_154 = tpu.memref_slice %arg7[%add3A_126, %dma_start3A_153] : memref<152x128xi32, #tpu.memory_space<vmem>> -> memref<1x128xi32, #tpu.memory_space<vmem>>
        %dma_start3A_155 = tpu.memref_squeeze %dma_start3A_154 : memref<1x128xi32, #tpu.memory_space<vmem>> -> memref<128xi32, #tpu.memory_space<vmem>>
        %dma_start3A_156 = arith.constant 0 : i32
        %dma_start3A_157 = arith.constant 0 : i32
        %dma_start3A_158 = tpu.memref_slice %arg8[%dma_start3A_156, %dma_start3A_157] : memref<10240x64xf32, #tpu.memory_space<vmem_shared>> -> memref<10240x64xf32, #tpu.memory_space<vmem_shared>>
        tpu.enqueue_indirect_dma source(%arg11 : memref<128x64xf32, #tpu.memory_space<vmem>>) target(%dma_start3A_158 : memref<10240x64xf32, #tpu.memory_space<vmem_shared>>) offsets(%dma_start3A_155 : memref<128xi32, #tpu.memory_space<vmem>>) semaphore(%run_scoped3A : memref<!tpu.dma_semaphore, #tpu.memory_space<semaphore_mem>>) {add = true}
        %dma_wait3A_159 = arith.constant 0 : i32
        %dma_wait3A_160 = tpu.memref_slice %arg7[%add3A_126, %dma_wait3A_159] : memref<152x128xi32, #tpu.memory_space<vmem>> -> memref<1x128xi32, #tpu.memory_space<vmem>>
        %dma_wait3A_161 = tpu.memref_squeeze %dma_wait3A_160 : memref<1x128xi32, #tpu.memory_space<vmem>> -> memref<128xi32, #tpu.memory_space<vmem>>
        %dma_wait3A_162 = arith.constant 0 : i32
        %dma_wait3A_163 = arith.constant 0 : i32
        %dma_wait3A_164 = tpu.memref_slice %arg8[%dma_wait3A_162, %dma_wait3A_163] : memref<10240x64xf32, #tpu.memory_space<vmem_shared>> -> memref<10240x64xf32, #tpu.memory_space<vmem_shared>>
        tpu.wait_indirect_dma semaphore(%run_scoped3A : memref<!tpu.dma_semaphore, #tpu.memory_space<semaphore_mem>>) src(%arg11 : memref<128x64xf32, #tpu.memory_space<vmem>>) dst(%dma_wait3A_164 : memref<10240x64xf32, #tpu.memory_space<vmem_shared>>)
        tpu.yield
      }) : () -> ()
      %add3A_127 = arith.constant 2 : i32
      %add3A_128 = arith.addi %add3A_84, %add3A_127 : i32
      %add3A_129 = arith.constant 4 : i32
      %add3A_130 = arith.addi %add3A_128, %add3A_129 : i32
      %lt3A_131 = arith.cmpi slt, %add3A_130, %select_n3A_8 : i32
      %convert_element_type3A_132 = arith.extui %lt3A_131 : i1 to i32
      %cond3A_133 = arith.constant 0 : i32
      %cond3A_134 = arith.cmpi ne, %convert_element_type3A_132, %cond3A_133 : i32
      scf.if %cond3A_134 {
        %add3A_153 = arith.constant 2 : i32
        %add3A_154 = arith.addi %add3A_84, %add3A_153 : i32
        %add3A_155 = arith.constant 4 : i32
        %add3A_156 = arith.addi %add3A_154, %add3A_155 : i32
        %dma_start3A_157 = arith.constant 0 : i32
        %dma_start3A_158 = tpu.memref_slice %arg6[%add3A_156, %dma_start3A_157] : memref<152x128xi32, #tpu.memory_space<vmem>> -> memref<1x128xi32, #tpu.memory_space<vmem>>
        %dma_start3A_159 = tpu.memref_squeeze %dma_start3A_158 : memref<1x128xi32, #tpu.memory_space<vmem>> -> memref<128xi32, #tpu.memory_space<vmem>>
        %dma_start3A_160 = arith.constant 0 : i32
        %dma_start3A_161 = arith.constant 0 : i32
        %dma_start3A_162 = tpu.memref_slice %arg4[%dma_start3A_160, %dma_start3A_161] : memref<10240x64xf32, #tpu.memory_space<hbm>> -> memref<10240x64xf32, #tpu.memory_space<hbm>>
        tpu.enqueue_indirect_dma source(%dma_start3A_162 : memref<10240x64xf32, #tpu.memory_space<hbm>>) target(%arg11 : memref<128x64xf32, #tpu.memory_space<vmem>>) offsets(%dma_start3A_159 : memref<128xi32, #tpu.memory_space<vmem>>) semaphore(%arg15 : memref<!tpu.dma_semaphore, #tpu.memory_space<semaphore_mem>>)
      } else {
      }
      %add3A_135 = arith.constant 3 : i32
      %add3A_136 = arith.addi %add3A_84, %add3A_135 : i32
      %dma_wait3A_137 = arith.constant 0 : i32
      %dma_wait3A_138 = tpu.memref_slice %arg6[%add3A_136, %dma_wait3A_137] : memref<152x128xi32, #tpu.memory_space<vmem>> -> memref<1x128xi32, #tpu.memory_space<vmem>>
      %dma_wait3A_139 = tpu.memref_squeeze %dma_wait3A_138 : memref<1x128xi32, #tpu.memory_space<vmem>> -> memref<128xi32, #tpu.memory_space<vmem>>
      %dma_wait3A_140 = arith.constant 0 : i32
      %dma_wait3A_141 = arith.constant 0 : i32
      %dma_wait3A_142 = tpu.memref_slice %arg4[%dma_wait3A_140, %dma_wait3A_141] : memref<10240x64xf32, #tpu.memory_space<hbm>> -> memref<10240x64xf32, #tpu.memory_space<hbm>>
      tpu.wait_indirect_dma semaphore(%arg16 : memref<!tpu.dma_semaphore, #tpu.memory_space<semaphore_mem>>) src(%dma_wait3A_142 : memref<10240x64xf32, #tpu.memory_space<hbm>>) dst(%arg12 : memref<128x64xf32, #tpu.memory_space<vmem>>)
      %add3A_143 = arith.constant 3 : i32
      %add3A_144 = arith.addi %add3A_84, %add3A_143 : i32
      "tpu.region"() ({
        %run_scoped3A = tpu.sem_alloc : memref<!tpu.dma_semaphore, #tpu.memory_space<semaphore_mem>>
        %dma_start3A_153 = arith.constant 0 : i32
        %dma_start3A_154 = tpu.memref_slice %arg7[%add3A_144, %dma_start3A_153] : memref<152x128xi32, #tpu.memory_space<vmem>> -> memref<1x128xi32, #tpu.memory_space<vmem>>
        %dma_start3A_155 = tpu.memref_squeeze %dma_start3A_154 : memref<1x128xi32, #tpu.memory_space<vmem>> -> memref<128xi32, #tpu.memory_space<vmem>>
        %dma_start3A_156 = arith.constant 0 : i32
        %dma_start3A_157 = arith.constant 0 : i32
        %dma_start3A_158 = tpu.memref_slice %arg8[%dma_start3A_156, %dma_start3A_157] : memref<10240x64xf32, #tpu.memory_space<vmem_shared>> -> memref<10240x64xf32, #tpu.memory_space<vmem_shared>>
        tpu.enqueue_indirect_dma source(%arg12 : memref<128x64xf32, #tpu.memory_space<vmem>>) target(%dma_start3A_158 : memref<10240x64xf32, #tpu.memory_space<vmem_shared>>) offsets(%dma_start3A_155 : memref<128xi32, #tpu.memory_space<vmem>>) semaphore(%run_scoped3A : memref<!tpu.dma_semaphore, #tpu.memory_space<semaphore_mem>>) {add = true}
        %dma_wait3A_159 = arith.constant 0 : i32
        %dma_wait3A_160 = tpu.memref_slice %arg7[%add3A_144, %dma_wait3A_159] : memref<152x128xi32, #tpu.memory_space<vmem>> -> memref<1x128xi32, #tpu.memory_space<vmem>>
        %dma_wait3A_161 = tpu.memref_squeeze %dma_wait3A_160 : memref<1x128xi32, #tpu.memory_space<vmem>> -> memref<128xi32, #tpu.memory_space<vmem>>
        %dma_wait3A_162 = arith.constant 0 : i32
        %dma_wait3A_163 = arith.constant 0 : i32
        %dma_wait3A_164 = tpu.memref_slice %arg8[%dma_wait3A_162, %dma_wait3A_163] : memref<10240x64xf32, #tpu.memory_space<vmem_shared>> -> memref<10240x64xf32, #tpu.memory_space<vmem_shared>>
        tpu.wait_indirect_dma semaphore(%run_scoped3A : memref<!tpu.dma_semaphore, #tpu.memory_space<semaphore_mem>>) src(%arg12 : memref<128x64xf32, #tpu.memory_space<vmem>>) dst(%dma_wait3A_164 : memref<10240x64xf32, #tpu.memory_space<vmem_shared>>)
        tpu.yield
      }) : () -> ()
      %add3A_145 = arith.constant 3 : i32
      %add3A_146 = arith.addi %add3A_84, %add3A_145 : i32
      %add3A_147 = arith.constant 4 : i32
      %add3A_148 = arith.addi %add3A_146, %add3A_147 : i32
      %lt3A_149 = arith.cmpi slt, %add3A_148, %select_n3A_8 : i32
      %convert_element_type3A_150 = arith.extui %lt3A_149 : i1 to i32
      %cond3A_151 = arith.constant 0 : i32
      %cond3A_152 = arith.cmpi ne, %convert_element_type3A_150, %cond3A_151 : i32
      scf.if %cond3A_152 {
        %add3A_153 = arith.constant 3 : i32
        %add3A_154 = arith.addi %add3A_84, %add3A_153 : i32
        %add3A_155 = arith.constant 4 : i32
        %add3A_156 = arith.addi %add3A_154, %add3A_155 : i32
        %dma_start3A_157 = arith.constant 0 : i32
        %dma_start3A_158 = tpu.memref_slice %arg6[%add3A_156, %dma_start3A_157] : memref<152x128xi32, #tpu.memory_space<vmem>> -> memref<1x128xi32, #tpu.memory_space<vmem>>
        %dma_start3A_159 = tpu.memref_squeeze %dma_start3A_158 : memref<1x128xi32, #tpu.memory_space<vmem>> -> memref<128xi32, #tpu.memory_space<vmem>>
        %dma_start3A_160 = arith.constant 0 : i32
        %dma_start3A_161 = arith.constant 0 : i32
        %dma_start3A_162 = tpu.memref_slice %arg4[%dma_start3A_160, %dma_start3A_161] : memref<10240x64xf32, #tpu.memory_space<hbm>> -> memref<10240x64xf32, #tpu.memory_space<hbm>>
        tpu.enqueue_indirect_dma source(%dma_start3A_162 : memref<10240x64xf32, #tpu.memory_space<hbm>>) target(%arg12 : memref<128x64xf32, #tpu.memory_space<vmem>>) offsets(%dma_start3A_159 : memref<128xi32, #tpu.memory_space<vmem>>) semaphore(%arg16 : memref<!tpu.dma_semaphore, #tpu.memory_space<semaphore_mem>>)
      } else {
      }
    }
    %while3A_76 = arith.constant 1 : i32
    scf.for %while3A_82 = %while3A_74 to %while3A_70 step %while3A_76  : i32 {
      %mul3A_83 = arith.muli %while3A_82, %while3A : i32
      %add3A_84 = arith.addi %while3A_67, %mul3A_83 : i32
      %add3A_85 = arith.constant 0 : i32
      %add3A_86 = arith.addi %add3A_84, %add3A_85 : i32
      %dma_wait3A = arith.constant 0 : i32
      %dma_wait3A_87 = tpu.memref_slice %arg6[%add3A_86, %dma_wait3A] : memref<152x128xi32, #tpu.memory_space<vmem>> -> memref<1x128xi32, #tpu.memory_space<vmem>>
      %dma_wait3A_88 = tpu.memref_squeeze %dma_wait3A_87 : memref<1x128xi32, #tpu.memory_space<vmem>> -> memref<128xi32, #tpu.memory_space<vmem>>
      %dma_wait3A_89 = arith.constant 0 : i32
      %dma_wait3A_90 = arith.constant 0 : i32
      %dma_wait3A_91 = tpu.memref_slice %arg4[%dma_wait3A_89, %dma_wait3A_90] : memref<10240x64xf32, #tpu.memory_space<hbm>> -> memref<10240x64xf32, #tpu.memory_space<hbm>>
      tpu.wait_indirect_dma semaphore(%arg13 : memref<!tpu.dma_semaphore, #tpu.memory_space<semaphore_mem>>) src(%dma_wait3A_91 : memref<10240x64xf32, #tpu.memory_space<hbm>>) dst(%arg9 : memref<128x64xf32, #tpu.memory_space<vmem>>)
      %add3A_92 = arith.constant 0 : i32
      %add3A_93 = arith.addi %add3A_84, %add3A_92 : i32
      "tpu.region"() ({
        %run_scoped3A = tpu.sem_alloc : memref<!tpu.dma_semaphore, #tpu.memory_space<semaphore_mem>>
        %dma_start3A_153 = arith.constant 0 : i32
        %dma_start3A_154 = tpu.memref_slice %arg7[%add3A_93, %dma_start3A_153] : memref<152x128xi32, #tpu.memory_space<vmem>> -> memref<1x128xi32, #tpu.memory_space<vmem>>
        %dma_start3A_155 = tpu.memref_squeeze %dma_start3A_154 : memref<1x128xi32, #tpu.memory_space<vmem>> -> memref<128xi32, #tpu.memory_space<vmem>>
        %dma_start3A_156 = arith.constant 0 : i32
        %dma_start3A_157 = arith.constant 0 : i32
        %dma_start3A_158 = tpu.memref_slice %arg8[%dma_start3A_156, %dma_start3A_157] : memref<10240x64xf32, #tpu.memory_space<vmem_shared>> -> memref<10240x64xf32, #tpu.memory_space<vmem_shared>>
        tpu.enqueue_indirect_dma source(%arg9 : memref<128x64xf32, #tpu.memory_space<vmem>>) target(%dma_start3A_158 : memref<10240x64xf32, #tpu.memory_space<vmem_shared>>) offsets(%dma_start3A_155 : memref<128xi32, #tpu.memory_space<vmem>>) semaphore(%run_scoped3A : memref<!tpu.dma_semaphore, #tpu.memory_space<semaphore_mem>>) {add = true}
        %dma_wait3A_159 = arith.constant 0 : i32
        %dma_wait3A_160 = tpu.memref_slice %arg7[%add3A_93, %dma_wait3A_159] : memref<152x128xi32, #tpu.memory_space<vmem>> -> memref<1x128xi32, #tpu.memory_space<vmem>>
        %dma_wait3A_161 = tpu.memref_squeeze %dma_wait3A_160 : memref<1x128xi32, #tpu.memory_space<vmem>> -> memref<128xi32, #tpu.memory_space<vmem>>
        %dma_wait3A_162 = arith.constant 0 : i32
        %dma_wait3A_163 = arith.constant 0 : i32
        %dma_wait3A_164 = tpu.memref_slice %arg8[%dma_wait3A_162, %dma_wait3A_163] : memref<10240x64xf32, #tpu.memory_space<vmem_shared>> -> memref<10240x64xf32, #tpu.memory_space<vmem_shared>>
        tpu.wait_indirect_dma semaphore(%run_scoped3A : memref<!tpu.dma_semaphore, #tpu.memory_space<semaphore_mem>>) src(%arg9 : memref<128x64xf32, #tpu.memory_space<vmem>>) dst(%dma_wait3A_164 : memref<10240x64xf32, #tpu.memory_space<vmem_shared>>)
        tpu.yield
      }) : () -> ()
      %add3A_94 = arith.constant 0 : i32
      %add3A_95 = arith.addi %add3A_84, %add3A_94 : i32
      %add3A_96 = arith.constant 4 : i32
      %add3A_97 = arith.addi %add3A_95, %add3A_96 : i32
      %lt3A = arith.cmpi slt, %add3A_97, %select_n3A_8 : i32
      %convert_element_type3A = arith.extui %lt3A : i1 to i32
      %cond3A = arith.constant 0 : i32
      %cond3A_98 = arith.cmpi ne, %convert_element_type3A, %cond3A : i32
      scf.if %cond3A_98 {
        %add3A_153 = arith.constant 0 : i32
        %add3A_154 = arith.addi %add3A_84, %add3A_153 : i32
        %add3A_155 = arith.constant 4 : i32
        %add3A_156 = arith.addi %add3A_154, %add3A_155 : i32
        %dma_start3A_157 = arith.constant 0 : i32
        %dma_start3A_158 = tpu.memref_slice %arg6[%add3A_156, %dma_start3A_157] : memref<152x128xi32, #tpu.memory_space<vmem>> -> memref<1x128xi32, #tpu.memory_space<vmem>>
        %dma_start3A_159 = tpu.memref_squeeze %dma_start3A_158 : memref<1x128xi32, #tpu.memory_space<vmem>> -> memref<128xi32, #tpu.memory_space<vmem>>
        %dma_start3A_160 = arith.constant 0 : i32
        %dma_start3A_161 = arith.constant 0 : i32
        %dma_start3A_162 = tpu.memref_slice %arg4[%dma_start3A_160, %dma_start3A_161] : memref<10240x64xf32, #tpu.memory_space<hbm>> -> memref<10240x64xf32, #tpu.memory_space<hbm>>
        tpu.enqueue_indirect_dma source(%dma_start3A_162 : memref<10240x64xf32, #tpu.memory_space<hbm>>) target(%arg9 : memref<128x64xf32, #tpu.memory_space<vmem>>) offsets(%dma_start3A_159 : memref<128xi32, #tpu.memory_space<vmem>>) semaphore(%arg13 : memref<!tpu.dma_semaphore, #tpu.memory_space<semaphore_mem>>)
      } else {
      }
      %add3A_99 = arith.constant 1 : i32
      %add3A_100 = arith.addi %add3A_84, %add3A_99 : i32
      %dma_wait3A_101 = arith.constant 0 : i32
      %dma_wait3A_102 = tpu.memref_slice %arg6[%add3A_100, %dma_wait3A_101] : memref<152x128xi32, #tpu.memory_space<vmem>> -> memref<1x128xi32, #tpu.memory_space<vmem>>
      %dma_wait3A_103 = tpu.memref_squeeze %dma_wait3A_102 : memref<1x128xi32, #tpu.memory_space<vmem>> -> memref<128xi32, #tpu.memory_space<vmem>>
      %dma_wait3A_104 = arith.constant 0 : i32
      %dma_wait3A_105 = arith.constant 0 : i32
      %dma_wait3A_106 = tpu.memref_slice %arg4[%dma_wait3A_104, %dma_wait3A_105] : memref<10240x64xf32, #tpu.memory_space<hbm>> -> memref<10240x64xf32, #tpu.memory_space<hbm>>
      tpu.wait_indirect_dma semaphore(%arg14 : memref<!tpu.dma_semaphore, #tpu.memory_space<semaphore_mem>>) src(%dma_wait3A_106 : memref<10240x64xf32, #tpu.memory_space<hbm>>) dst(%arg10 : memref<128x64xf32, #tpu.memory_space<vmem>>)
      %add3A_107 = arith.constant 1 : i32
      %add3A_108 = arith.addi %add3A_84, %add3A_107 : i32
      "tpu.region"() ({
        %run_scoped3A = tpu.sem_alloc : memref<!tpu.dma_semaphore, #tpu.memory_space<semaphore_mem>>
        %dma_start3A_153 = arith.constant 0 : i32
        %dma_start3A_154 = tpu.memref_slice %arg7[%add3A_108, %dma_start3A_153] : memref<152x128xi32, #tpu.memory_space<vmem>> -> memref<1x128xi32, #tpu.memory_space<vmem>>
        %dma_start3A_155 = tpu.memref_squeeze %dma_start3A_154 : memref<1x128xi32, #tpu.memory_space<vmem>> -> memref<128xi32, #tpu.memory_space<vmem>>
        %dma_start3A_156 = arith.constant 0 : i32
        %dma_start3A_157 = arith.constant 0 : i32
        %dma_start3A_158 = tpu.memref_slice %arg8[%dma_start3A_156, %dma_start3A_157] : memref<10240x64xf32, #tpu.memory_space<vmem_shared>> -> memref<10240x64xf32, #tpu.memory_space<vmem_shared>>
        tpu.enqueue_indirect_dma source(%arg10 : memref<128x64xf32, #tpu.memory_space<vmem>>) target(%dma_start3A_158 : memref<10240x64xf32, #tpu.memory_space<vmem_shared>>) offsets(%dma_start3A_155 : memref<128xi32, #tpu.memory_space<vmem>>) semaphore(%run_scoped3A : memref<!tpu.dma_semaphore, #tpu.memory_space<semaphore_mem>>) {add = true}
        %dma_wait3A_159 = arith.constant 0 : i32
        %dma_wait3A_160 = tpu.memref_slice %arg7[%add3A_108, %dma_wait3A_159] : memref<152x128xi32, #tpu.memory_space<vmem>> -> memref<1x128xi32, #tpu.memory_space<vmem>>
        %dma_wait3A_161 = tpu.memref_squeeze %dma_wait3A_160 : memref<1x128xi32, #tpu.memory_space<vmem>> -> memref<128xi32, #tpu.memory_space<vmem>>
        %dma_wait3A_162 = arith.constant 0 : i32
        %dma_wait3A_163 = arith.constant 0 : i32
        %dma_wait3A_164 = tpu.memref_slice %arg8[%dma_wait3A_162, %dma_wait3A_163] : memref<10240x64xf32, #tpu.memory_space<vmem_shared>> -> memref<10240x64xf32, #tpu.memory_space<vmem_shared>>
        tpu.wait_indirect_dma semaphore(%run_scoped3A : memref<!tpu.dma_semaphore, #tpu.memory_space<semaphore_mem>>) src(%arg10 : memref<128x64xf32, #tpu.memory_space<vmem>>) dst(%dma_wait3A_164 : memref<10240x64xf32, #tpu.memory_space<vmem_shared>>)
        tpu.yield
      }) : () -> ()
      %add3A_109 = arith.constant 1 : i32
      %add3A_110 = arith.addi %add3A_84, %add3A_109 : i32
      %add3A_111 = arith.constant 4 : i32
      %add3A_112 = arith.addi %add3A_110, %add3A_111 : i32
      %lt3A_113 = arith.cmpi slt, %add3A_112, %select_n3A_8 : i32
      %convert_element_type3A_114 = arith.extui %lt3A_113 : i1 to i32
      %cond3A_115 = arith.constant 0 : i32
      %cond3A_116 = arith.cmpi ne, %convert_element_type3A_114, %cond3A_115 : i32
      scf.if %cond3A_116 {
        %add3A_153 = arith.constant 1 : i32
        %add3A_154 = arith.addi %add3A_84, %add3A_153 : i32
        %add3A_155 = arith.constant 4 : i32
        %add3A_156 = arith.addi %add3A_154, %add3A_155 : i32
        %dma_start3A_157 = arith.constant 0 : i32
        %dma_start3A_158 = tpu.memref_slice %arg6[%add3A_156, %dma_start3A_157] : memref<152x128xi32, #tpu.memory_space<vmem>> -> memref<1x128xi32, #tpu.memory_space<vmem>>
        %dma_start3A_159 = tpu.memref_squeeze %dma_start3A_158 : memref<1x128xi32, #tpu.memory_space<vmem>> -> memref<128xi32, #tpu.memory_space<vmem>>
        %dma_start3A_160 = arith.constant 0 : i32
        %dma_start3A_161 = arith.constant 0 : i32
        %dma_start3A_162 = tpu.memref_slice %arg4[%dma_start3A_160, %dma_start3A_161] : memref<10240x64xf32, #tpu.memory_space<hbm>> -> memref<10240x64xf32, #tpu.memory_space<hbm>>
        tpu.enqueue_indirect_dma source(%dma_start3A_162 : memref<10240x64xf32, #tpu.memory_space<hbm>>) target(%arg10 : memref<128x64xf32, #tpu.memory_space<vmem>>) offsets(%dma_start3A_159 : memref<128xi32, #tpu.memory_space<vmem>>) semaphore(%arg14 : memref<!tpu.dma_semaphore, #tpu.memory_space<semaphore_mem>>)
      } else {
      }
      %add3A_117 = arith.constant 2 : i32
      %add3A_118 = arith.addi %add3A_84, %add3A_117 : i32
      %dma_wait3A_119 = arith.constant 0 : i32
      %dma_wait3A_120 = tpu.memref_slice %arg6[%add3A_118, %dma_wait3A_119] : memref<152x128xi32, #tpu.memory_space<vmem>> -> memref<1x128xi32, #tpu.memory_space<vmem>>
      %dma_wait3A_121 = tpu.memref_squeeze %dma_wait3A_120 : memref<1x128xi32, #tpu.memory_space<vmem>> -> memref<128xi32, #tpu.memory_space<vmem>>
      %dma_wait3A_122 = arith.constant 0 : i32
      %dma_wait3A_123 = arith.constant 0 : i32
      %dma_wait3A_124 = tpu.memref_slice %arg4[%dma_wait3A_122, %dma_wait3A_123] : memref<10240x64xf32, #tpu.memory_space<hbm>> -> memref<10240x64xf32, #tpu.memory_space<hbm>>
      tpu.wait_indirect_dma semaphore(%arg15 : memref<!tpu.dma_semaphore, #tpu.memory_space<semaphore_mem>>) src(%dma_wait3A_124 : memref<10240x64xf32, #tpu.memory_space<hbm>>) dst(%arg11 : memref<128x64xf32, #tpu.memory_space<vmem>>)
      %add3A_125 = arith.constant 2 : i32
      %add3A_126 = arith.addi %add3A_84, %add3A_125 : i32
      "tpu.region"() ({
        %run_scoped3A = tpu.sem_alloc : memref<!tpu.dma_semaphore, #tpu.memory_space<semaphore_mem>>
        %dma_start3A_153 = arith.constant 0 : i32
        %dma_start3A_154 = tpu.memref_slice %arg7[%add3A_126, %dma_start3A_153] : memref<152x128xi32, #tpu.memory_space<vmem>> -> memref<1x128xi32, #tpu.memory_space<vmem>>
        %dma_start3A_155 = tpu.memref_squeeze %dma_start3A_154 : memref<1x128xi32, #tpu.memory_space<vmem>> -> memref<128xi32, #tpu.memory_space<vmem>>
        %dma_start3A_156 = arith.constant 0 : i32
        %dma_start3A_157 = arith.constant 0 : i32
        %dma_start3A_158 = tpu.memref_slice %arg8[%dma_start3A_156, %dma_start3A_157] : memref<10240x64xf32, #tpu.memory_space<vmem_shared>> -> memref<10240x64xf32, #tpu.memory_space<vmem_shared>>
        tpu.enqueue_indirect_dma source(%arg11 : memref<128x64xf32, #tpu.memory_space<vmem>>) target(%dma_start3A_158 : memref<10240x64xf32, #tpu.memory_space<vmem_shared>>) offsets(%dma_start3A_155 : memref<128xi32, #tpu.memory_space<vmem>>) semaphore(%run_scoped3A : memref<!tpu.dma_semaphore, #tpu.memory_space<semaphore_mem>>) {add = true}
        %dma_wait3A_159 = arith.constant 0 : i32
        %dma_wait3A_160 = tpu.memref_slice %arg7[%add3A_126, %dma_wait3A_159] : memref<152x128xi32, #tpu.memory_space<vmem>> -> memref<1x128xi32, #tpu.memory_space<vmem>>
        %dma_wait3A_161 = tpu.memref_squeeze %dma_wait3A_160 : memref<1x128xi32, #tpu.memory_space<vmem>> -> memref<128xi32, #tpu.memory_space<vmem>>
        %dma_wait3A_162 = arith.constant 0 : i32
        %dma_wait3A_163 = arith.constant 0 : i32
        %dma_wait3A_164 = tpu.memref_slice %arg8[%dma_wait3A_162, %dma_wait3A_163] : memref<10240x64xf32, #tpu.memory_space<vmem_shared>> -> memref<10240x64xf32, #tpu.memory_space<vmem_shared>>
        tpu.wait_indirect_dma semaphore(%run_scoped3A : memref<!tpu.dma_semaphore, #tpu.memory_space<semaphore_mem>>) src(%arg11 : memref<128x64xf32, #tpu.memory_space<vmem>>) dst(%dma_wait3A_164 : memref<10240x64xf32, #tpu.memory_space<vmem_shared>>)
        tpu.yield
      }) : () -> ()
      %add3A_127 = arith.constant 2 : i32
      %add3A_128 = arith.addi %add3A_84, %add3A_127 : i32
      %add3A_129 = arith.constant 4 : i32
      %add3A_130 = arith.addi %add3A_128, %add3A_129 : i32
      %lt3A_131 = arith.cmpi slt, %add3A_130, %select_n3A_8 : i32
      %convert_element_type3A_132 = arith.extui %lt3A_131 : i1 to i32
      %cond3A_133 = arith.constant 0 : i32
      %cond3A_134 = arith.cmpi ne, %convert_element_type3A_132, %cond3A_133 : i32
      scf.if %cond3A_134 {
        %add3A_153 = arith.constant 2 : i32
        %add3A_154 = arith.addi %add3A_84, %add3A_153 : i32
        %add3A_155 = arith.constant 4 : i32
        %add3A_156 = arith.addi %add3A_154, %add3A_155 : i32
        %dma_start3A_157 = arith.constant 0 : i32
        %dma_start3A_158 = tpu.memref_slice %arg6[%add3A_156, %dma_start3A_157] : memref<152x128xi32, #tpu.memory_space<vmem>> -> memref<1x128xi32, #tpu.memory_space<vmem>>
        %dma_start3A_159 = tpu.memref_squeeze %dma_start3A_158 : memref<1x128xi32, #tpu.memory_space<vmem>> -> memref<128xi32, #tpu.memory_space<vmem>>
        %dma_start3A_160 = arith.constant 0 : i32
        %dma_start3A_161 = arith.constant 0 : i32
        %dma_start3A_162 = tpu.memref_slice %arg4[%dma_start3A_160, %dma_start3A_161] : memref<10240x64xf32, #tpu.memory_space<hbm>> -> memref<10240x64xf32, #tpu.memory_space<hbm>>
        tpu.enqueue_indirect_dma source(%dma_start3A_162 : memref<10240x64xf32, #tpu.memory_space<hbm>>) target(%arg11 : memref<128x64xf32, #tpu.memory_space<vmem>>) offsets(%dma_start3A_159 : memref<128xi32, #tpu.memory_space<vmem>>) semaphore(%arg15 : memref<!tpu.dma_semaphore, #tpu.memory_space<semaphore_mem>>)
      } else {
      }
      %add3A_135 = arith.constant 3 : i32
      %add3A_136 = arith.addi %add3A_84, %add3A_135 : i32
      %dma_wait3A_137 = arith.constant 0 : i32
      %dma_wait3A_138 = tpu.memref_slice %arg6[%add3A_136, %dma_wait3A_137] : memref<152x128xi32, #tpu.memory_space<vmem>> -> memref<1x128xi32, #tpu.memory_space<vmem>>
      %dma_wait3A_139 = tpu.memref_squeeze %dma_wait3A_138 : memref<1x128xi32, #tpu.memory_space<vmem>> -> memref<128xi32, #tpu.memory_space<vmem>>
      %dma_wait3A_140 = arith.constant 0 : i32
      %dma_wait3A_141 = arith.constant 0 : i32
      %dma_wait3A_142 = tpu.memref_slice %arg4[%dma_wait3A_140, %dma_wait3A_141] : memref<10240x64xf32, #tpu.memory_space<hbm>> -> memref<10240x64xf32, #tpu.memory_space<hbm>>
      tpu.wait_indirect_dma semaphore(%arg16 : memref<!tpu.dma_semaphore, #tpu.memory_space<semaphore_mem>>) src(%dma_wait3A_142 : memref<10240x64xf32, #tpu.memory_space<hbm>>) dst(%arg12 : memref<128x64xf32, #tpu.memory_space<vmem>>)
      %add3A_143 = arith.constant 3 : i32
      %add3A_144 = arith.addi %add3A_84, %add3A_143 : i32
      "tpu.region"() ({
        %run_scoped3A = tpu.sem_alloc : memref<!tpu.dma_semaphore, #tpu.memory_space<semaphore_mem>>
        %dma_start3A_153 = arith.constant 0 : i32
        %dma_start3A_154 = tpu.memref_slice %arg7[%add3A_144, %dma_start3A_153] : memref<152x128xi32, #tpu.memory_space<vmem>> -> memref<1x128xi32, #tpu.memory_space<vmem>>
        %dma_start3A_155 = tpu.memref_squeeze %dma_start3A_154 : memref<1x128xi32, #tpu.memory_space<vmem>> -> memref<128xi32, #tpu.memory_space<vmem>>
        %dma_start3A_156 = arith.constant 0 : i32
        %dma_start3A_157 = arith.constant 0 : i32
        %dma_start3A_158 = tpu.memref_slice %arg8[%dma_start3A_156, %dma_start3A_157] : memref<10240x64xf32, #tpu.memory_space<vmem_shared>> -> memref<10240x64xf32, #tpu.memory_space<vmem_shared>>
        tpu.enqueue_indirect_dma source(%arg12 : memref<128x64xf32, #tpu.memory_space<vmem>>) target(%dma_start3A_158 : memref<10240x64xf32, #tpu.memory_space<vmem_shared>>) offsets(%dma_start3A_155 : memref<128xi32, #tpu.memory_space<vmem>>) semaphore(%run_scoped3A : memref<!tpu.dma_semaphore, #tpu.memory_space<semaphore_mem>>) {add = true}
        %dma_wait3A_159 = arith.constant 0 : i32
        %dma_wait3A_160 = tpu.memref_slice %arg7[%add3A_144, %dma_wait3A_159] : memref<152x128xi32, #tpu.memory_space<vmem>> -> memref<1x128xi32, #tpu.memory_space<vmem>>
        %dma_wait3A_161 = tpu.memref_squeeze %dma_wait3A_160 : memref<1x128xi32, #tpu.memory_space<vmem>> -> memref<128xi32, #tpu.memory_space<vmem>>
        %dma_wait3A_162 = arith.constant 0 : i32
        %dma_wait3A_163 = arith.constant 0 : i32
        %dma_wait3A_164 = tpu.memref_slice %arg8[%dma_wait3A_162, %dma_wait3A_163] : memref<10240x64xf32, #tpu.memory_space<vmem_shared>> -> memref<10240x64xf32, #tpu.memory_space<vmem_shared>>
        tpu.wait_indirect_dma semaphore(%run_scoped3A : memref<!tpu.dma_semaphore, #tpu.memory_space<semaphore_mem>>) src(%arg12 : memref<128x64xf32, #tpu.memory_space<vmem>>) dst(%dma_wait3A_164 : memref<10240x64xf32, #tpu.memory_space<vmem_shared>>)
        tpu.yield
      }) : () -> ()
      %add3A_145 = arith.constant 3 : i32
      %add3A_146 = arith.addi %add3A_84, %add3A_145 : i32
      %add3A_147 = arith.constant 4 : i32
      %add3A_148 = arith.addi %add3A_146, %add3A_147 : i32
      %lt3A_149 = arith.cmpi slt, %add3A_148, %select_n3A_8 : i32
      %convert_element_type3A_150 = arith.extui %lt3A_149 : i1 to i32
      %cond3A_151 = arith.constant 0 : i32
      %cond3A_152 = arith.cmpi ne, %convert_element_type3A_150, %cond3A_151 : i32
      scf.if %cond3A_152 {
        %add3A_153 = arith.constant 3 : i32
        %add3A_154 = arith.addi %add3A_84, %add3A_153 : i32
        %add3A_155 = arith.constant 4 : i32
        %add3A_156 = arith.addi %add3A_154, %add3A_155 : i32
        %dma_start3A_157 = arith.constant 0 : i32
        %dma_start3A_158 = tpu.memref_slice %arg6[%add3A_156, %dma_start3A_157] : memref<152x128xi32, #tpu.memory_space<vmem>> -> memref<1x128xi32, #tpu.memory_space<vmem>>
        %dma_start3A_159 = tpu.memref_squeeze %dma_start3A_158 : memref<1x128xi32, #tpu.memory_space<vmem>> -> memref<128xi32, #tpu.memory_space<vmem>>
        %dma_start3A_160 = arith.constant 0 : i32
        %dma_start3A_161 = arith.constant 0 : i32
        %dma_start3A_162 = tpu.memref_slice %arg4[%dma_start3A_160, %dma_start3A_161] : memref<10240x64xf32, #tpu.memory_space<hbm>> -> memref<10240x64xf32, #tpu.memory_space<hbm>>
        tpu.enqueue_indirect_dma source(%dma_start3A_162 : memref<10240x64xf32, #tpu.memory_space<hbm>>) target(%arg12 : memref<128x64xf32, #tpu.memory_space<vmem>>) offsets(%dma_start3A_159 : memref<128xi32, #tpu.memory_space<vmem>>) semaphore(%arg16 : memref<!tpu.dma_semaphore, #tpu.memory_space<semaphore_mem>>)
      } else {
      }
    }
    %barrier3A_77 = arith.constant 0 : index
    tpu.barrier barrier_id(%barrier3A_77)
    %mul3A_78 = arith.constant 640 : i32
    %mul3A_79 = arith.muli %arg1, %mul3A_78 : i32
    %mul3A_80 = arith.constant 640 : i32
    %mul3A_81 = arith.muli %arg1, %mul3A_80 : i32
    "tpu.region"() ({
      %run_scoped3A = tpu.sem_alloc : memref<!tpu.dma_semaphore, #tpu.memory_space<semaphore_mem>>
      %dma_start3A_82 = arith.constant 0 : i32
      %dma_start3A_83 = tpu.memref_slice %arg5[%arg0, %mul3A_81, %dma_start3A_82] : memref<2x10240x64xf32, #tpu.memory_space<hbm>> -> memref<1x640x64xf32, #tpu.memory_space<hbm>>
      %dma_start3A_84 = tpu.memref_squeeze %dma_start3A_83 : memref<1x640x64xf32, #tpu.memory_space<hbm>> -> memref<640x64xf32, #tpu.memory_space<hbm>>
      %dma_start3A_85 = arith.constant 0 : i32
      %dma_start3A_86 = tpu.memref_slice %arg8[%mul3A_79, %dma_start3A_85] : memref<10240x64xf32, #tpu.memory_space<vmem_shared>> -> memref<640x64xf32, #tpu.memory_space<vmem_shared>>
      tpu.enqueue_dma source(%dma_start3A_86 : memref<640x64xf32, #tpu.memory_space<vmem_shared>>) target(%dma_start3A_84 : memref<640x64xf32, #tpu.memory_space<hbm>>) target_semaphore(%run_scoped3A : memref<!tpu.dma_semaphore, #tpu.memory_space<semaphore_mem>>)
      %dma_wait3A = arith.constant 0 : i32
      %dma_wait3A_87 = tpu.memref_slice %arg5[%arg0, %mul3A_81, %dma_wait3A] : memref<2x10240x64xf32, #tpu.memory_space<hbm>> -> memref<1x640x64xf32, #tpu.memory_space<hbm>>
      %dma_wait3A_88 = tpu.memref_squeeze %dma_wait3A_87 : memref<1x640x64xf32, #tpu.memory_space<hbm>> -> memref<640x64xf32, #tpu.memory_space<hbm>>
      %dma_wait3A_89 = arith.constant 0 : i32
      %dma_wait3A_90 = tpu.memref_slice %arg8[%mul3A_79, %dma_wait3A_89] : memref<10240x64xf32, #tpu.memory_space<vmem_shared>> -> memref<640x64xf32, #tpu.memory_space<vmem_shared>>
      tpu.wait_dma2 semaphore(%run_scoped3A : memref<!tpu.dma_semaphore, #tpu.memory_space<semaphore_mem>>) src(%dma_wait3A_90 : memref<640x64xf32, #tpu.memory_space<vmem_shared>>) dst(%dma_wait3A_88 : memref<640x64xf32, #tpu.memory_space<hbm>>)
      tpu.yield
    }) : () -> ()
    return
  }
}

#map = affine_map<(d0, d1) -> (0, 0)>
#map1 = affine_map<(d0, d1) -> (0, 0, 0)>
module attributes {stable_mosaic.version = 14 : i64} {
  func.func @hop_kernel(%arg0: i32, %arg1: i32, %arg2: memref<2704x128xi32, #tpu.memory_space<hbm>>, %arg3: memref<2704x128xi32, #tpu.memory_space<hbm>>, %arg4: memref<10240x64xf32, #tpu.memory_space<hbm>>, %arg5: memref<2x10240x64xf32, #tpu.memory_space<hbm>>, %arg6: memref<152x128xi32, #tpu.memory_space<vmem>>, %arg7: memref<152x128xi32, #tpu.memory_space<vmem>>, %arg8: memref<10240x64xf32, #tpu.memory_space<vmem_shared>>, %arg9: memref<128x64xf32, #tpu.memory_space<vmem>>, %arg10: memref<128x64xf32, #tpu.memory_space<vmem>>, %arg11: memref<128x64xf32, #tpu.memory_space<vmem>>, %arg12: memref<128x64xf32, #tpu.memory_space<vmem>>, %arg13: memref<!tpu.dma_semaphore, #tpu.memory_space<semaphore_mem>>, %arg14: memref<!tpu.dma_semaphore, #tpu.memory_space<semaphore_mem>>, %arg15: memref<!tpu.dma_semaphore, #tpu.memory_space<semaphore_mem>>, %arg16: memref<!tpu.dma_semaphore, #tpu.memory_space<semaphore_mem>>) attributes {dimension_semantics = [#tpu.dimension_semantics<core_parallel>, #tpu.dimension_semantics<subcore_parallel>], iteration_bounds = array<i64: 2, 16>, scalar_prefetch = 0 : i64, scratch_operands = 11 : i64, tpu.core_type = #tpu.core_type<sc_vector_subcore>, window_params = [{transform_indices = #map}, {transform_indices = #map}, {transform_indices = #map}, {transform_indices = #map1}]} {
    %eq3A = arith.constant 0 : i32
    %eq3A_0 = arith.cmpi eq, %arg0, %eq3A : i32
    %mul3A = arith.constant 152 : i32
    %mul3A_1 = arith.muli %arg1, %mul3A : i32
    %mul3A_2 = arith.constant 8 : i32
    %mul3A_3 = arith.muli %arg1, %mul3A_2 : i32
    %add3A = arith.constant 2432 : i32
    %add3A_4 = arith.addi %add3A, %mul3A_3 : i32
    %select_n3A = arith.select %eq3A_0, %mul3A_1, %add3A_4 : i32
    %multiple_of3A = tpu.assume_multiple %select_n3A, 8 : i32
    %eq3A_5 = arith.constant 0 : i32
    %eq3A_6 = arith.cmpi eq, %arg0, %eq3A_5 : i32
    %jit3A = arith.constant 152 : i32
    %jit3A_7 = arith.constant 8 : i32
    %select_n3A_8 = arith.select %eq3A_6, %jit3A, %jit3A_7 : i32
    "tpu.region"() ({
      %run_scoped3A = tpu.sem_alloc : memref<!tpu.dma_semaphore, #tpu.memory_space<semaphore_mem>>
      %dma_start3A_82 = arith.constant 0 : i32
      %dma_start3A_83 = tpu.memref_slice %arg2[%multiple_of3A, %dma_start3A_82] : memref<2704x128xi32, #tpu.memory_space<hbm>> -> memref<152x128xi32, #tpu.memory_space<hbm>>
      %dma_start3A_84 = arith.constant 0 : i32
      %dma_start3A_85 = tpu.memref_slice %arg2[%multiple_of3A, %dma_start3A_84] : memref<2704x128xi32, #tpu.memory_space<hbm>> -> memref<152x128xi32, #tpu.memory_space<hbm>>
      tpu.enqueue_dma source(%dma_start3A_85 : memref<152x128xi32, #tpu.memory_space<hbm>>) target(%arg6 : memref<152x128xi32, #tpu.memory_space<vmem>>) target_semaphore(%run_scoped3A : memref<!tpu.dma_semaphore, #tpu.memory_space<semaphore_mem>>)
      %dma_wait3A = arith.constant 0 : i32
      %dma_wait3A_86 = tpu.memref_slice %arg2[%multiple_of3A, %dma_wait3A] : memref<2704x128xi32, #tpu.memory_space<hbm>> -> memref<152x128xi32, #tpu.memory_space<hbm>>
      %dma_wait3A_87 = arith.constant 0 : i32
      %dma_wait3A_88 = tpu.memref_slice %arg2[%multiple_of3A, %dma_wait3A_87] : memref<2704x128xi32, #tpu.memory_space<hbm>> -> memref<152x128xi32, #tpu.memory_space<hbm>>
      tpu.wait_dma2 semaphore(%run_scoped3A : memref<!tpu.dma_semaphore, #tpu.memory_space<semaphore_mem>>) src(%dma_wait3A_88 : memref<152x128xi32, #tpu.memory_space<hbm>>) dst(%arg6 : memref<152x128xi32, #tpu.memory_space<vmem>>)
      tpu.yield
    }) : () -> ()
    "tpu.region"() ({
      %run_scoped3A = tpu.sem_alloc : memref<!tpu.dma_semaphore, #tpu.memory_space<semaphore_mem>>
      %dma_start3A_82 = arith.constant 0 : i32
      %dma_start3A_83 = tpu.memref_slice %arg3[%multiple_of3A, %dma_start3A_82] : memref<2704x128xi32, #tpu.memory_space<hbm>> -> memref<152x128xi32, #tpu.memory_space<hbm>>
      %dma_start3A_84 = arith.constant 0 : i32
      %dma_start3A_85 = tpu.memref_slice %arg3[%multiple_of3A, %dma_start3A_84] : memref<2704x128xi32, #tpu.memory_space<hbm>> -> memref<152x128xi32, #tpu.memory_space<hbm>>
      tpu.enqueue_dma source(%dma_start3A_85 : memref<152x128xi32, #tpu.memory_space<hbm>>) target(%arg7 : memref<152x128xi32, #tpu.memory_space<vmem>>) target_semaphore(%run_scoped3A : memref<!tpu.dma_semaphore, #tpu.memory_space<semaphore_mem>>)
      %dma_wait3A = arith.constant 0 : i32
      %dma_wait3A_86 = tpu.memref_slice %arg3[%multiple_of3A, %dma_wait3A] : memref<2704x128xi32, #tpu.memory_space<hbm>> -> memref<152x128xi32, #tpu.memory_space<hbm>>
      %dma_wait3A_87 = arith.constant 0 : i32
      %dma_wait3A_88 = tpu.memref_slice %arg3[%multiple_of3A, %dma_wait3A_87] : memref<2704x128xi32, #tpu.memory_space<hbm>> -> memref<152x128xi32, #tpu.memory_space<hbm>>
      tpu.wait_dma2 semaphore(%run_scoped3A : memref<!tpu.dma_semaphore, #tpu.memory_space<semaphore_mem>>) src(%dma_wait3A_88 : memref<152x128xi32, #tpu.memory_space<hbm>>) dst(%arg7 : memref<152x128xi32, #tpu.memory_space<vmem>>)
      tpu.yield
    }) : () -> ()
    %broadcast_in_dim3A = arith.constant 0.000000e+00 : f32
    %broadcast_in_dim3A_9 = vector.broadcast %broadcast_in_dim3A : f32 to vector<16xf32>
    %scan3A = arith.constant 0 : i32
    %scan3A_10 = arith.constant 128 : i32
    %scan3A_11 = arith.addi %scan3A, %scan3A_10 : i32
    %scan3A_12 = arith.constant 1 : i32
    scf.for %scan3A_82 = %scan3A to %scan3A_11 step %scan3A_12  : i32 {
      %mul3A_83 = arith.constant 1 : i32
      %mul3A_84 = arith.muli %scan3A_82, %mul3A_83 : i32
      %add3A_85 = arith.constant 0 : i32
      %add3A_86 = arith.addi %add3A_85, %mul3A_84 : i32
      %swap3A = arith.index_cast %add3A_86 : i32 to index
      %swap3A_87 = arith.constant 0 : index
      %swap3A_88 = tpu.vector_load %arg9[%swap3A, %swap3A_87] {strides = array<i32>} : memref<128x64xf32, #tpu.memory_space<vmem>>, vector<16xf32>,
      tpu.vector_store %arg9[%swap3A, %swap3A_87], %broadcast_in_dim3A_9 {strides = array<i32>} : memref<128x64xf32, #tpu.memory_space<vmem>>, vector<16xf32>,
      %swap3A_89 = arith.index_cast %add3A_86 : i32 to index
      %swap3A_90 = arith.constant 16 : index
      %swap3A_91 = tpu.vector_load %arg9[%swap3A_89, %swap3A_90] {strides = array<i32>} : memref<128x64xf32, #tpu.memory_space<vmem>>, vector<16xf32>,
      tpu.vector_store %arg9[%swap3A_89, %swap3A_90], %broadcast_in_dim3A_9 {strides = array<i32>} : memref<128x64xf32, #tpu.memory_space<vmem>>, vector<16xf32>,
      %swap3A_92 = arith.index_cast %add3A_86 : i32 to index
      %swap3A_93 = arith.constant 32 : index
      %swap3A_94 = tpu.vector_load %arg9[%swap3A_92, %swap3A_93] {strides = array<i32>} : memref<128x64xf32, #tpu.memory_space<vmem>>, vector<16xf32>,
      tpu.vector_store %arg9[%swap3A_92, %swap3A_93], %broadcast_in_dim3A_9 {strides = array<i32>} : memref<128x64xf32, #tpu.memory_space<vmem>>, vector<16xf32>,
      %swap3A_95 = arith.index_cast %add3A_86 : i32 to index
      %swap3A_96 = arith.constant 48 : index
      %swap3A_97 = tpu.vector_load %arg9[%swap3A_95, %swap3A_96] {strides = array<i32>} : memref<128x64xf32, #tpu.memory_space<vmem>>, vector<16xf32>,
      tpu.vector_store %arg9[%swap3A_95, %swap3A_96], %broadcast_in_dim3A_9 {strides = array<i32>} : memref<128x64xf32, #tpu.memory_space<vmem>>, vector<16xf32>,
    }
    %scan3A_13 = arith.constant 128 : i32
    %mul3A_14 = arith.constant 640 : i32
    %mul3A_15 = arith.muli %arg1, %mul3A_14 : i32
    %add3A_16 = arith.constant 0 : i32
    %add3A_17 = arith.addi %mul3A_15, %add3A_16 : i32
    "tpu.region"() ({
      %run_scoped3A = tpu.sem_alloc : memref<!tpu.dma_semaphore, #tpu.memory_space<semaphore_mem>>
      %dma_start3A_82 = arith.constant 0 : i32
      %dma_start3A_83 = tpu.memref_slice %arg8[%add3A_17, %dma_start3A_82] : memref<10240x64xf32, #tpu.memory_space<vmem_shared>> -> memref<128x64xf32, #tpu.memory_space<vmem_shared>>
      %dma_start3A_84 = arith.constant 0 : i32
      %dma_start3A_85 = tpu.memref_slice %arg8[%add3A_17, %dma_start3A_84] : memref<10240x64xf32, #tpu.memory_space<vmem_shared>> -> memref<128x64xf32, #tpu.memory_space<vmem_shared>>
      tpu.enqueue_dma source(%arg9 : memref<128x64xf32, #tpu.memory_space<vmem>>) target(%dma_start3A_85 : memref<128x64xf32, #tpu.memory_space<vmem_shared>>) target_semaphore(%run_scoped3A : memref<!tpu.dma_semaphore, #tpu.memory_space<semaphore_mem>>)
      %dma_wait3A = arith.constant 0 : i32
      %dma_wait3A_86 = tpu.memref_slice %arg8[%add3A_17, %dma_wait3A] : memref<10240x64xf32, #tpu.memory_space<vmem_shared>> -> memref<128x64xf32, #tpu.memory_space<vmem_shared>>
      %dma_wait3A_87 = arith.constant 0 : i32
      %dma_wait3A_88 = tpu.memref_slice %arg8[%add3A_17, %dma_wait3A_87] : memref<10240x64xf32, #tpu.memory_space<vmem_shared>> -> memref<128x64xf32, #tpu.memory_space<vmem_shared>>
      tpu.wait_dma2 semaphore(%run_scoped3A : memref<!tpu.dma_semaphore, #tpu.memory_space<semaphore_mem>>) src(%arg9 : memref<128x64xf32, #tpu.memory_space<vmem>>) dst(%dma_wait3A_88 : memref<128x64xf32, #tpu.memory_space<vmem_shared>>)
      tpu.yield
    }) : () -> ()
    %mul3A_18 = arith.constant 640 : i32
    %mul3A_19 = arith.muli %arg1, %mul3A_18 : i32
    %add3A_20 = arith.constant 128 : i32
    %add3A_21 = arith.addi %mul3A_19, %add3A_20 : i32
    "tpu.region"() ({
      %run_scoped3A = tpu.sem_alloc : memref<!tpu.dma_semaphore, #tpu.memory_space<semaphore_mem>>
      %dma_start3A_82 = arith.constant 0 : i32
      %dma_start3A_83 = tpu.memref_slice %arg8[%add3A_21, %dma_start3A_82] : memref<10240x64xf32, #tpu.memory_space<vmem_shared>> -> memref<128x64xf32, #tpu.memory_space<vmem_shared>>
      %dma_start3A_84 = arith.constant 0 : i32
      %dma_start3A_85 = tpu.memref_slice %arg8[%add3A_21, %dma_start3A_84] : memref<10240x64xf32, #tpu.memory_space<vmem_shared>> -> memref<128x64xf32, #tpu.memory_space<vmem_shared>>
      tpu.enqueue_dma source(%arg9 : memref<128x64xf32, #tpu.memory_space<vmem>>) target(%dma_start3A_85 : memref<128x64xf32, #tpu.memory_space<vmem_shared>>) target_semaphore(%run_scoped3A : memref<!tpu.dma_semaphore, #tpu.memory_space<semaphore_mem>>)
      %dma_wait3A = arith.constant 0 : i32
      %dma_wait3A_86 = tpu.memref_slice %arg8[%add3A_21, %dma_wait3A] : memref<10240x64xf32, #tpu.memory_space<vmem_shared>> -> memref<128x64xf32, #tpu.memory_space<vmem_shared>>
      %dma_wait3A_87 = arith.constant 0 : i32
      %dma_wait3A_88 = tpu.memref_slice %arg8[%add3A_21, %dma_wait3A_87] : memref<10240x64xf32, #tpu.memory_space<vmem_shared>> -> memref<128x64xf32, #tpu.memory_space<vmem_shared>>
      tpu.wait_dma2 semaphore(%run_scoped3A : memref<!tpu.dma_semaphore, #tpu.memory_space<semaphore_mem>>) src(%arg9 : memref<128x64xf32, #tpu.memory_space<vmem>>) dst(%dma_wait3A_88 : memref<128x64xf32, #tpu.memory_space<vmem_shared>>)
      tpu.yield
    }) : () -> ()
    %mul3A_22 = arith.constant 640 : i32
    %mul3A_23 = arith.muli %arg1, %mul3A_22 : i32
    %add3A_24 = arith.constant 256 : i32
    %add3A_25 = arith.addi %mul3A_23, %add3A_24 : i32
    "tpu.region"() ({
      %run_scoped3A = tpu.sem_alloc : memref<!tpu.dma_semaphore, #tpu.memory_space<semaphore_mem>>
      %dma_start3A_82 = arith.constant 0 : i32
      %dma_start3A_83 = tpu.memref_slice %arg8[%add3A_25, %dma_start3A_82] : memref<10240x64xf32, #tpu.memory_space<vmem_shared>> -> memref<128x64xf32, #tpu.memory_space<vmem_shared>>
      %dma_start3A_84 = arith.constant 0 : i32
      %dma_start3A_85 = tpu.memref_slice %arg8[%add3A_25, %dma_start3A_84] : memref<10240x64xf32, #tpu.memory_space<vmem_shared>> -> memref<128x64xf32, #tpu.memory_space<vmem_shared>>
      tpu.enqueue_dma source(%arg9 : memref<128x64xf32, #tpu.memory_space<vmem>>) target(%dma_start3A_85 : memref<128x64xf32, #tpu.memory_space<vmem_shared>>) target_semaphore(%run_scoped3A : memref<!tpu.dma_semaphore, #tpu.memory_space<semaphore_mem>>)
      %dma_wait3A = arith.constant 0 : i32
      %dma_wait3A_86 = tpu.memref_slice %arg8[%add3A_25, %dma_wait3A] : memref<10240x64xf32, #tpu.memory_space<vmem_shared>> -> memref<128x64xf32, #tpu.memory_space<vmem_shared>>
      %dma_wait3A_87 = arith.constant 0 : i32
      %dma_wait3A_88 = tpu.memref_slice %arg8[%add3A_25, %dma_wait3A_87] : memref<10240x64xf32, #tpu.memory_space<vmem_shared>> -> memref<128x64xf32, #tpu.memory_space<vmem_shared>>
      tpu.wait_dma2 semaphore(%run_scoped3A : memref<!tpu.dma_semaphore, #tpu.memory_space<semaphore_mem>>) src(%arg9 : memref<128x64xf32, #tpu.memory_space<vmem>>) dst(%dma_wait3A_88 : memref<128x64xf32, #tpu.memory_space<vmem_shared>>)
      tpu.yield
    }) : () -> ()
    %mul3A_26 = arith.constant 640 : i32
    %mul3A_27 = arith.muli %arg1, %mul3A_26 : i32
    %add3A_28 = arith.constant 384 : i32
    %add3A_29 = arith.addi %mul3A_27, %add3A_28 : i32
    "tpu.region"() ({
      %run_scoped3A = tpu.sem_alloc : memref<!tpu.dma_semaphore, #tpu.memory_space<semaphore_mem>>
      %dma_start3A_82 = arith.constant 0 : i32
      %dma_start3A_83 = tpu.memref_slice %arg8[%add3A_29, %dma_start3A_82] : memref<10240x64xf32, #tpu.memory_space<vmem_shared>> -> memref<128x64xf32, #tpu.memory_space<vmem_shared>>
      %dma_start3A_84 = arith.constant 0 : i32
      %dma_start3A_85 = tpu.memref_slice %arg8[%add3A_29, %dma_start3A_84] : memref<10240x64xf32, #tpu.memory_space<vmem_shared>> -> memref<128x64xf32, #tpu.memory_space<vmem_shared>>
      tpu.enqueue_dma source(%arg9 : memref<128x64xf32, #tpu.memory_space<vmem>>) target(%dma_start3A_85 : memref<128x64xf32, #tpu.memory_space<vmem_shared>>) target_semaphore(%run_scoped3A : memref<!tpu.dma_semaphore, #tpu.memory_space<semaphore_mem>>)
      %dma_wait3A = arith.constant 0 : i32
      %dma_wait3A_86 = tpu.memref_slice %arg8[%add3A_29, %dma_wait3A] : memref<10240x64xf32, #tpu.memory_space<vmem_shared>> -> memref<128x64xf32, #tpu.memory_space<vmem_shared>>
      %dma_wait3A_87 = arith.constant 0 : i32
      %dma_wait3A_88 = tpu.memref_slice %arg8[%add3A_29, %dma_wait3A_87] : memref<10240x64xf32, #tpu.memory_space<vmem_shared>> -> memref<128x64xf32, #tpu.memory_space<vmem_shared>>
      tpu.wait_dma2 semaphore(%run_scoped3A : memref<!tpu.dma_semaphore, #tpu.memory_space<semaphore_mem>>) src(%arg9 : memref<128x64xf32, #tpu.memory_space<vmem>>) dst(%dma_wait3A_88 : memref<128x64xf32, #tpu.memory_space<vmem_shared>>)
      tpu.yield
    }) : () -> ()
    %mul3A_30 = arith.constant 640 : i32
    %mul3A_31 = arith.muli %arg1, %mul3A_30 : i32
    %add3A_32 = arith.constant 512 : i32
    %add3A_33 = arith.addi %mul3A_31, %add3A_32 : i32
    "tpu.region"() ({
      %run_scoped3A = tpu.sem_alloc : memref<!tpu.dma_semaphore, #tpu.memory_space<semaphore_mem>>
      %dma_start3A_82 = arith.constant 0 : i32
      %dma_start3A_83 = tpu.memref_slice %arg8[%add3A_33, %dma_start3A_82] : memref<10240x64xf32, #tpu.memory_space<vmem_shared>> -> memref<128x64xf32, #tpu.memory_space<vmem_shared>>
      %dma_start3A_84 = arith.constant 0 : i32
      %dma_start3A_85 = tpu.memref_slice %arg8[%add3A_33, %dma_start3A_84] : memref<10240x64xf32, #tpu.memory_space<vmem_shared>> -> memref<128x64xf32, #tpu.memory_space<vmem_shared>>
      tpu.enqueue_dma source(%arg9 : memref<128x64xf32, #tpu.memory_space<vmem>>) target(%dma_start3A_85 : memref<128x64xf32, #tpu.memory_space<vmem_shared>>) target_semaphore(%run_scoped3A : memref<!tpu.dma_semaphore, #tpu.memory_space<semaphore_mem>>)
      %dma_wait3A = arith.constant 0 : i32
      %dma_wait3A_86 = tpu.memref_slice %arg8[%add3A_33, %dma_wait3A] : memref<10240x64xf32, #tpu.memory_space<vmem_shared>> -> memref<128x64xf32, #tpu.memory_space<vmem_shared>>
      %dma_wait3A_87 = arith.constant 0 : i32
      %dma_wait3A_88 = tpu.memref_slice %arg8[%add3A_33, %dma_wait3A_87] : memref<10240x64xf32, #tpu.memory_space<vmem_shared>> -> memref<128x64xf32, #tpu.memory_space<vmem_shared>>
      tpu.wait_dma2 semaphore(%run_scoped3A : memref<!tpu.dma_semaphore, #tpu.memory_space<semaphore_mem>>) src(%arg9 : memref<128x64xf32, #tpu.memory_space<vmem>>) dst(%dma_wait3A_88 : memref<128x64xf32, #tpu.memory_space<vmem_shared>>)
      tpu.yield
    }) : () -> ()
    %barrier3A = arith.constant 0 : index
    tpu.barrier barrier_id(%barrier3A)
    %dma_start3A = arith.constant 0 : i32
    %dma_start3A_34 = arith.constant 0 : i32
    %dma_start3A_35 = tpu.memref_slice %arg6[%dma_start3A, %dma_start3A_34] : memref<152x128xi32, #tpu.memory_space<vmem>> -> memref<1x128xi32, #tpu.memory_space<vmem>>
    %dma_start3A_36 = tpu.memref_squeeze %dma_start3A_35 : memref<1x128xi32, #tpu.memory_space<vmem>> -> memref<128xi32, #tpu.memory_space<vmem>>
    %dma_start3A_37 = arith.constant 0 : i32
    %dma_start3A_38 = arith.constant 0 : i32
    %dma_start3A_39 = tpu.memref_slice %arg4[%dma_start3A_37, %dma_start3A_38] : memref<10240x64xf32, #tpu.memory_space<hbm>> -> memref<10240x64xf32, #tpu.memory_space<hbm>>
    tpu.enqueue_indirect_dma source(%dma_start3A_39 : memref<10240x64xf32, #tpu.memory_space<hbm>>) target(%arg9 : memref<128x64xf32, #tpu.memory_space<vmem>>) offsets(%dma_start3A_36 : memref<128xi32, #tpu.memory_space<vmem>>) semaphore(%arg13 : memref<!tpu.dma_semaphore, #tpu.memory_space<semaphore_mem>>)
    %dma_start3A_40 = arith.constant 1 : i32
    %dma_start3A_41 = arith.constant 0 : i32
    %dma_start3A_42 = tpu.memref_slice %arg6[%dma_start3A_40, %dma_start3A_41] : memref<152x128xi32, #tpu.memory_space<vmem>> -> memref<1x128xi32, #tpu.memory_space<vmem>>
    %dma_start3A_43 = tpu.memref_squeeze %dma_start3A_42 : memref<1x128xi32, #tpu.memory_space<vmem>> -> memref<128xi32, #tpu.memory_space<vmem>>
    %dma_start3A_44 = arith.constant 0 : i32
    %dma_start3A_45 = arith.constant 0 : i32
    %dma_start3A_46 = tpu.memref_slice %arg4[%dma_start3A_44, %dma_start3A_45] : memref<10240x64xf32, #tpu.memory_space<hbm>> -> memref<10240x64xf32, #tpu.memory_space<hbm>>
    tpu.enqueue_indirect_dma source(%dma_start3A_46 : memref<10240x64xf32, #tpu.memory_space<hbm>>) target(%arg10 : memref<128x64xf32, #tpu.memory_space<vmem>>) offsets(%dma_start3A_43 : memref<128xi32, #tpu.memory_space<vmem>>) semaphore(%arg14 : memref<!tpu.dma_semaphore, #tpu.memory_space<semaphore_mem>>)
    %dma_start3A_47 = arith.constant 2 : i32
    %dma_start3A_48 = arith.constant 0 : i32
    %dma_start3A_49 = tpu.memref_slice %arg6[%dma_start3A_47, %dma_start3A_48] : memref<152x128xi32, #tpu.memory_space<vmem>> -> memref<1x128xi32, #tpu.memory_space<vmem>>
    %dma_start3A_50 = tpu.memref_squeeze %dma_start3A_49 : memref<1x128xi32, #tpu.memory_space<vmem>> -> memref<128xi32, #tpu.memory_space<vmem>>
    %dma_start3A_51 = arith.constant 0 : i32
    %dma_start3A_52 = arith.constant 0 : i32
    %dma_start3A_53 = tpu.memref_slice %arg4[%dma_start3A_51, %dma_start3A_52] : memref<10240x64xf32, #tpu.memory_space<hbm>> -> memref<10240x64xf32, #tpu.memory_space<hbm>>
    tpu.enqueue_indirect_dma source(%dma_start3A_53 : memref<10240x64xf32, #tpu.memory_space<hbm>>) target(%arg11 : memref<128x64xf32, #tpu.memory_space<vmem>>) offsets(%dma_start3A_50 : memref<128xi32, #tpu.memory_space<vmem>>) semaphore(%arg15 : memref<!tpu.dma_semaphore, #tpu.memory_space<semaphore_mem>>)
    %dma_start3A_54 = arith.constant 3 : i32
    %dma_start3A_55 = arith.constant 0 : i32
    %dma_start3A_56 = tpu.memref_slice %arg6[%dma_start3A_54, %dma_start3A_55] : memref<152x128xi32, #tpu.memory_space<vmem>> -> memref<1x128xi32, #tpu.memory_space<vmem>>
    %dma_start3A_57 = tpu.memref_squeeze %dma_start3A_56 : memref<1x128xi32, #tpu.memory_space<vmem>> -> memref<128xi32, #tpu.memory_space<vmem>>
    %dma_start3A_58 = arith.constant 0 : i32
    %dma_start3A_59 = arith.constant 0 : i32
    %dma_start3A_60 = tpu.memref_slice %arg4[%dma_start3A_58, %dma_start3A_59] : memref<10240x64xf32, #tpu.memory_space<hbm>> -> memref<10240x64xf32, #tpu.memory_space<hbm>>
    tpu.enqueue_indirect_dma source(%dma_start3A_60 : memref<10240x64xf32, #tpu.memory_space<hbm>>) target(%arg12 : memref<128x64xf32, #tpu.memory_space<vmem>>) offsets(%dma_start3A_57 : memref<128xi32, #tpu.memory_space<vmem>>) semaphore(%arg16 : memref<!tpu.dma_semaphore, #tpu.memory_space<semaphore_mem>>)
    %sub3A = arith.constant 0 : i32
    %sub3A_61 = arith.subi %select_n3A_8, %sub3A : i32
    %sub3A_62 = arith.constant 4 : i32
    %sub3A_63 = arith.constant 1 : i32
    %sub3A_64 = arith.subi %sub3A_62, %sub3A_63 : i32
    %add3A_65 = arith.addi %sub3A_61, %sub3A_64 : i32
    %div3A = arith.constant 4 : i32
    %div3A_66 = arith.divsi %add3A_65, %div3A : i32
    %while3A = arith.constant 4 : i32
    %while3A_67 = arith.constant 0 : i32
    %while3A_68 = arith.constant 0 : i32
    %while3A_69 = arith.subi %div3A_66, %while3A_68 : i32
    %while3A_70 = arith.addi %while3A_68, %while3A_69 : i32
    %while3A_71 = arith.constant 1 : i32
    %while3A_72 = arith.divsi %while3A_69, %while3A_71 : i32
    %while3A_73 = arith.muli %while3A_72, %while3A_71 : i32
    %while3A_74 = arith.addi %while3A_68, %while3A_73 : i32
    %while3A_75 = arith.constant 1 : i32
    scf.for %while3A_82 = %while3A_68 to %while3A_74 step %while3A_75  : i32 {
      %mul3A_83 = arith.muli %while3A_82, %while3A : i32
      %add3A_84 = arith.addi %while3A_67, %mul3A_83 : i32
      %add3A_85 = arith.constant 0 : i32
      %add3A_86 = arith.addi %add3A_84, %add3A_85 : i32
      %dma_wait3A = arith.constant 0 : i32
      %dma_wait3A_87 = tpu.memref_slice %arg6[%add3A_86, %dma_wait3A] : memref<152x128xi32, #tpu.memory_space<vmem>> -> memref<1x128xi32, #tpu.memory_space<vmem>>
      %dma_wait3A_88 = tpu.memref_squeeze %dma_wait3A_87 : memref<1x128xi32, #tpu.memory_space<vmem>> -> memref<128xi32, #tpu.memory_space<vmem>>
      %dma_wait3A_89 = arith.constant 0 : i32
      %dma_wait3A_90 = arith.constant 0 : i32
      %dma_wait3A_91 = tpu.memref_slice %arg4[%dma_wait3A_89, %dma_wait3A_90] : memref<10240x64xf32, #tpu.memory_space<hbm>> -> memref<10240x64xf32, #tpu.memory_space<hbm>>
      tpu.wait_indirect_dma semaphore(%arg13 : memref<!tpu.dma_semaphore, #tpu.memory_space<semaphore_mem>>) src(%dma_wait3A_91 : memref<10240x64xf32, #tpu.memory_space<hbm>>) dst(%arg9 : memref<128x64xf32, #tpu.memory_space<vmem>>)
      %add3A_92 = arith.constant 0 : i32
      %add3A_93 = arith.addi %add3A_84, %add3A_92 : i32
      "tpu.region"() ({
        %run_scoped3A = tpu.sem_alloc : memref<!tpu.dma_semaphore, #tpu.memory_space<semaphore_mem>>
        %dma_start3A_153 = arith.constant 0 : i32
        %dma_start3A_154 = tpu.memref_slice %arg7[%add3A_93, %dma_start3A_153] : memref<152x128xi32, #tpu.memory_space<vmem>> -> memref<1x128xi32, #tpu.memory_space<vmem>>
        %dma_start3A_155 = tpu.memref_squeeze %dma_start3A_154 : memref<1x128xi32, #tpu.memory_space<vmem>> -> memref<128xi32, #tpu.memory_space<vmem>>
        %dma_start3A_156 = arith.constant 0 : i32
        %dma_start3A_157 = arith.constant 0 : i32
        %dma_start3A_158 = tpu.memref_slice %arg8[%dma_start3A_156, %dma_start3A_157] : memref<10240x64xf32, #tpu.memory_space<vmem_shared>> -> memref<10240x64xf32, #tpu.memory_space<vmem_shared>>
        tpu.enqueue_indirect_dma source(%arg9 : memref<128x64xf32, #tpu.memory_space<vmem>>) target(%dma_start3A_158 : memref<10240x64xf32, #tpu.memory_space<vmem_shared>>) offsets(%dma_start3A_155 : memref<128xi32, #tpu.memory_space<vmem>>) semaphore(%run_scoped3A : memref<!tpu.dma_semaphore, #tpu.memory_space<semaphore_mem>>) {add = true}
        %dma_wait3A_159 = arith.constant 0 : i32
        %dma_wait3A_160 = tpu.memref_slice %arg7[%add3A_93, %dma_wait3A_159] : memref<152x128xi32, #tpu.memory_space<vmem>> -> memref<1x128xi32, #tpu.memory_space<vmem>>
        %dma_wait3A_161 = tpu.memref_squeeze %dma_wait3A_160 : memref<1x128xi32, #tpu.memory_space<vmem>> -> memref<128xi32, #tpu.memory_space<vmem>>
        %dma_wait3A_162 = arith.constant 0 : i32
        %dma_wait3A_163 = arith.constant 0 : i32
        %dma_wait3A_164 = tpu.memref_slice %arg8[%dma_wait3A_162, %dma_wait3A_163] : memref<10240x64xf32, #tpu.memory_space<vmem_shared>> -> memref<10240x64xf32, #tpu.memory_space<vmem_shared>>
        tpu.wait_indirect_dma semaphore(%run_scoped3A : memref<!tpu.dma_semaphore, #tpu.memory_space<semaphore_mem>>) src(%arg9 : memref<128x64xf32, #tpu.memory_space<vmem>>) dst(%dma_wait3A_164 : memref<10240x64xf32, #tpu.memory_space<vmem_shared>>)
        tpu.yield
      }) : () -> ()
      %add3A_94 = arith.constant 0 : i32
      %add3A_95 = arith.addi %add3A_84, %add3A_94 : i32
      %add3A_96 = arith.constant 4 : i32
      %add3A_97 = arith.addi %add3A_95, %add3A_96 : i32
      %lt3A = arith.cmpi slt, %add3A_97, %select_n3A_8 : i32
      %convert_element_type3A = arith.extui %lt3A : i1 to i32
      %cond3A = arith.constant 0 : i32
      %cond3A_98 = arith.cmpi ne, %convert_element_type3A, %cond3A : i32
      scf.if %cond3A_98 {
        %add3A_153 = arith.constant 0 : i32
        %add3A_154 = arith.addi %add3A_84, %add3A_153 : i32
        %add3A_155 = arith.constant 4 : i32
        %add3A_156 = arith.addi %add3A_154, %add3A_155 : i32
        %dma_start3A_157 = arith.constant 0 : i32
        %dma_start3A_158 = tpu.memref_slice %arg6[%add3A_156, %dma_start3A_157] : memref<152x128xi32, #tpu.memory_space<vmem>> -> memref<1x128xi32, #tpu.memory_space<vmem>>
        %dma_start3A_159 = tpu.memref_squeeze %dma_start3A_158 : memref<1x128xi32, #tpu.memory_space<vmem>> -> memref<128xi32, #tpu.memory_space<vmem>>
        %dma_start3A_160 = arith.constant 0 : i32
        %dma_start3A_161 = arith.constant 0 : i32
        %dma_start3A_162 = tpu.memref_slice %arg4[%dma_start3A_160, %dma_start3A_161] : memref<10240x64xf32, #tpu.memory_space<hbm>> -> memref<10240x64xf32, #tpu.memory_space<hbm>>
        tpu.enqueue_indirect_dma source(%dma_start3A_162 : memref<10240x64xf32, #tpu.memory_space<hbm>>) target(%arg9 : memref<128x64xf32, #tpu.memory_space<vmem>>) offsets(%dma_start3A_159 : memref<128xi32, #tpu.memory_space<vmem>>) semaphore(%arg13 : memref<!tpu.dma_semaphore, #tpu.memory_space<semaphore_mem>>)
      } else {
      }
      %add3A_99 = arith.constant 1 : i32
      %add3A_100 = arith.addi %add3A_84, %add3A_99 : i32
      %dma_wait3A_101 = arith.constant 0 : i32
      %dma_wait3A_102 = tpu.memref_slice %arg6[%add3A_100, %dma_wait3A_101] : memref<152x128xi32, #tpu.memory_space<vmem>> -> memref<1x128xi32, #tpu.memory_space<vmem>>
      %dma_wait3A_103 = tpu.memref_squeeze %dma_wait3A_102 : memref<1x128xi32, #tpu.memory_space<vmem>> -> memref<128xi32, #tpu.memory_space<vmem>>
      %dma_wait3A_104 = arith.constant 0 : i32
      %dma_wait3A_105 = arith.constant 0 : i32
      %dma_wait3A_106 = tpu.memref_slice %arg4[%dma_wait3A_104, %dma_wait3A_105] : memref<10240x64xf32, #tpu.memory_space<hbm>> -> memref<10240x64xf32, #tpu.memory_space<hbm>>
      tpu.wait_indirect_dma semaphore(%arg14 : memref<!tpu.dma_semaphore, #tpu.memory_space<semaphore_mem>>) src(%dma_wait3A_106 : memref<10240x64xf32, #tpu.memory_space<hbm>>) dst(%arg10 : memref<128x64xf32, #tpu.memory_space<vmem>>)
      %add3A_107 = arith.constant 1 : i32
      %add3A_108 = arith.addi %add3A_84, %add3A_107 : i32
      "tpu.region"() ({
        %run_scoped3A = tpu.sem_alloc : memref<!tpu.dma_semaphore, #tpu.memory_space<semaphore_mem>>
        %dma_start3A_153 = arith.constant 0 : i32
        %dma_start3A_154 = tpu.memref_slice %arg7[%add3A_108, %dma_start3A_153] : memref<152x128xi32, #tpu.memory_space<vmem>> -> memref<1x128xi32, #tpu.memory_space<vmem>>
        %dma_start3A_155 = tpu.memref_squeeze %dma_start3A_154 : memref<1x128xi32, #tpu.memory_space<vmem>> -> memref<128xi32, #tpu.memory_space<vmem>>
        %dma_start3A_156 = arith.constant 0 : i32
        %dma_start3A_157 = arith.constant 0 : i32
        %dma_start3A_158 = tpu.memref_slice %arg8[%dma_start3A_156, %dma_start3A_157] : memref<10240x64xf32, #tpu.memory_space<vmem_shared>> -> memref<10240x64xf32, #tpu.memory_space<vmem_shared>>
        tpu.enqueue_indirect_dma source(%arg10 : memref<128x64xf32, #tpu.memory_space<vmem>>) target(%dma_start3A_158 : memref<10240x64xf32, #tpu.memory_space<vmem_shared>>) offsets(%dma_start3A_155 : memref<128xi32, #tpu.memory_space<vmem>>) semaphore(%run_scoped3A : memref<!tpu.dma_semaphore, #tpu.memory_space<semaphore_mem>>) {add = true}
        %dma_wait3A_159 = arith.constant 0 : i32
        %dma_wait3A_160 = tpu.memref_slice %arg7[%add3A_108, %dma_wait3A_159] : memref<152x128xi32, #tpu.memory_space<vmem>> -> memref<1x128xi32, #tpu.memory_space<vmem>>
        %dma_wait3A_161 = tpu.memref_squeeze %dma_wait3A_160 : memref<1x128xi32, #tpu.memory_space<vmem>> -> memref<128xi32, #tpu.memory_space<vmem>>
        %dma_wait3A_162 = arith.constant 0 : i32
        %dma_wait3A_163 = arith.constant 0 : i32
        %dma_wait3A_164 = tpu.memref_slice %arg8[%dma_wait3A_162, %dma_wait3A_163] : memref<10240x64xf32, #tpu.memory_space<vmem_shared>> -> memref<10240x64xf32, #tpu.memory_space<vmem_shared>>
        tpu.wait_indirect_dma semaphore(%run_scoped3A : memref<!tpu.dma_semaphore, #tpu.memory_space<semaphore_mem>>) src(%arg10 : memref<128x64xf32, #tpu.memory_space<vmem>>) dst(%dma_wait3A_164 : memref<10240x64xf32, #tpu.memory_space<vmem_shared>>)
        tpu.yield
      }) : () -> ()
      %add3A_109 = arith.constant 1 : i32
      %add3A_110 = arith.addi %add3A_84, %add3A_109 : i32
      %add3A_111 = arith.constant 4 : i32
      %add3A_112 = arith.addi %add3A_110, %add3A_111 : i32
      %lt3A_113 = arith.cmpi slt, %add3A_112, %select_n3A_8 : i32
      %convert_element_type3A_114 = arith.extui %lt3A_113 : i1 to i32
      %cond3A_115 = arith.constant 0 : i32
      %cond3A_116 = arith.cmpi ne, %convert_element_type3A_114, %cond3A_115 : i32
      scf.if %cond3A_116 {
        %add3A_153 = arith.constant 1 : i32
        %add3A_154 = arith.addi %add3A_84, %add3A_153 : i32
        %add3A_155 = arith.constant 4 : i32
        %add3A_156 = arith.addi %add3A_154, %add3A_155 : i32
        %dma_start3A_157 = arith.constant 0 : i32
        %dma_start3A_158 = tpu.memref_slice %arg6[%add3A_156, %dma_start3A_157] : memref<152x128xi32, #tpu.memory_space<vmem>> -> memref<1x128xi32, #tpu.memory_space<vmem>>
        %dma_start3A_159 = tpu.memref_squeeze %dma_start3A_158 : memref<1x128xi32, #tpu.memory_space<vmem>> -> memref<128xi32, #tpu.memory_space<vmem>>
        %dma_start3A_160 = arith.constant 0 : i32
        %dma_start3A_161 = arith.constant 0 : i32
        %dma_start3A_162 = tpu.memref_slice %arg4[%dma_start3A_160, %dma_start3A_161] : memref<10240x64xf32, #tpu.memory_space<hbm>> -> memref<10240x64xf32, #tpu.memory_space<hbm>>
        tpu.enqueue_indirect_dma source(%dma_start3A_162 : memref<10240x64xf32, #tpu.memory_space<hbm>>) target(%arg10 : memref<128x64xf32, #tpu.memory_space<vmem>>) offsets(%dma_start3A_159 : memref<128xi32, #tpu.memory_space<vmem>>) semaphore(%arg14 : memref<!tpu.dma_semaphore, #tpu.memory_space<semaphore_mem>>)
      } else {
      }
      %add3A_117 = arith.constant 2 : i32
      %add3A_118 = arith.addi %add3A_84, %add3A_117 : i32
      %dma_wait3A_119 = arith.constant 0 : i32
      %dma_wait3A_120 = tpu.memref_slice %arg6[%add3A_118, %dma_wait3A_119] : memref<152x128xi32, #tpu.memory_space<vmem>> -> memref<1x128xi32, #tpu.memory_space<vmem>>
      %dma_wait3A_121 = tpu.memref_squeeze %dma_wait3A_120 : memref<1x128xi32, #tpu.memory_space<vmem>> -> memref<128xi32, #tpu.memory_space<vmem>>
      %dma_wait3A_122 = arith.constant 0 : i32
      %dma_wait3A_123 = arith.constant 0 : i32
      %dma_wait3A_124 = tpu.memref_slice %arg4[%dma_wait3A_122, %dma_wait3A_123] : memref<10240x64xf32, #tpu.memory_space<hbm>> -> memref<10240x64xf32, #tpu.memory_space<hbm>>
      tpu.wait_indirect_dma semaphore(%arg15 : memref<!tpu.dma_semaphore, #tpu.memory_space<semaphore_mem>>) src(%dma_wait3A_124 : memref<10240x64xf32, #tpu.memory_space<hbm>>) dst(%arg11 : memref<128x64xf32, #tpu.memory_space<vmem>>)
      %add3A_125 = arith.constant 2 : i32
      %add3A_126 = arith.addi %add3A_84, %add3A_125 : i32
      "tpu.region"() ({
        %run_scoped3A = tpu.sem_alloc : memref<!tpu.dma_semaphore, #tpu.memory_space<semaphore_mem>>
        %dma_start3A_153 = arith.constant 0 : i32
        %dma_start3A_154 = tpu.memref_slice %arg7[%add3A_126, %dma_start3A_153] : memref<152x128xi32, #tpu.memory_space<vmem>> -> memref<1x128xi32, #tpu.memory_space<vmem>>
        %dma_start3A_155 = tpu.memref_squeeze %dma_start3A_154 : memref<1x128xi32, #tpu.memory_space<vmem>> -> memref<128xi32, #tpu.memory_space<vmem>>
        %dma_start3A_156 = arith.constant 0 : i32
        %dma_start3A_157 = arith.constant 0 : i32
        %dma_start3A_158 = tpu.memref_slice %arg8[%dma_start3A_156, %dma_start3A_157] : memref<10240x64xf32, #tpu.memory_space<vmem_shared>> -> memref<10240x64xf32, #tpu.memory_space<vmem_shared>>
        tpu.enqueue_indirect_dma source(%arg11 : memref<128x64xf32, #tpu.memory_space<vmem>>) target(%dma_start3A_158 : memref<10240x64xf32, #tpu.memory_space<vmem_shared>>) offsets(%dma_start3A_155 : memref<128xi32, #tpu.memory_space<vmem>>) semaphore(%run_scoped3A : memref<!tpu.dma_semaphore, #tpu.memory_space<semaphore_mem>>) {add = true}
        %dma_wait3A_159 = arith.constant 0 : i32
        %dma_wait3A_160 = tpu.memref_slice %arg7[%add3A_126, %dma_wait3A_159] : memref<152x128xi32, #tpu.memory_space<vmem>> -> memref<1x128xi32, #tpu.memory_space<vmem>>
        %dma_wait3A_161 = tpu.memref_squeeze %dma_wait3A_160 : memref<1x128xi32, #tpu.memory_space<vmem>> -> memref<128xi32, #tpu.memory_space<vmem>>
        %dma_wait3A_162 = arith.constant 0 : i32
        %dma_wait3A_163 = arith.constant 0 : i32
        %dma_wait3A_164 = tpu.memref_slice %arg8[%dma_wait3A_162, %dma_wait3A_163] : memref<10240x64xf32, #tpu.memory_space<vmem_shared>> -> memref<10240x64xf32, #tpu.memory_space<vmem_shared>>
        tpu.wait_indirect_dma semaphore(%run_scoped3A : memref<!tpu.dma_semaphore, #tpu.memory_space<semaphore_mem>>) src(%arg11 : memref<128x64xf32, #tpu.memory_space<vmem>>) dst(%dma_wait3A_164 : memref<10240x64xf32, #tpu.memory_space<vmem_shared>>)
        tpu.yield
      }) : () -> ()
      %add3A_127 = arith.constant 2 : i32
      %add3A_128 = arith.addi %add3A_84, %add3A_127 : i32
      %add3A_129 = arith.constant 4 : i32
      %add3A_130 = arith.addi %add3A_128, %add3A_129 : i32
      %lt3A_131 = arith.cmpi slt, %add3A_130, %select_n3A_8 : i32
      %convert_element_type3A_132 = arith.extui %lt3A_131 : i1 to i32
      %cond3A_133 = arith.constant 0 : i32
      %cond3A_134 = arith.cmpi ne, %convert_element_type3A_132, %cond3A_133 : i32
      scf.if %cond3A_134 {
        %add3A_153 = arith.constant 2 : i32
        %add3A_154 = arith.addi %add3A_84, %add3A_153 : i32
        %add3A_155 = arith.constant 4 : i32
        %add3A_156 = arith.addi %add3A_154, %add3A_155 : i32
        %dma_start3A_157 = arith.constant 0 : i32
        %dma_start3A_158 = tpu.memref_slice %arg6[%add3A_156, %dma_start3A_157] : memref<152x128xi32, #tpu.memory_space<vmem>> -> memref<1x128xi32, #tpu.memory_space<vmem>>
        %dma_start3A_159 = tpu.memref_squeeze %dma_start3A_158 : memref<1x128xi32, #tpu.memory_space<vmem>> -> memref<128xi32, #tpu.memory_space<vmem>>
        %dma_start3A_160 = arith.constant 0 : i32
        %dma_start3A_161 = arith.constant 0 : i32
        %dma_start3A_162 = tpu.memref_slice %arg4[%dma_start3A_160, %dma_start3A_161] : memref<10240x64xf32, #tpu.memory_space<hbm>> -> memref<10240x64xf32, #tpu.memory_space<hbm>>
        tpu.enqueue_indirect_dma source(%dma_start3A_162 : memref<10240x64xf32, #tpu.memory_space<hbm>>) target(%arg11 : memref<128x64xf32, #tpu.memory_space<vmem>>) offsets(%dma_start3A_159 : memref<128xi32, #tpu.memory_space<vmem>>) semaphore(%arg15 : memref<!tpu.dma_semaphore, #tpu.memory_space<semaphore_mem>>)
      } else {
      }
      %add3A_135 = arith.constant 3 : i32
      %add3A_136 = arith.addi %add3A_84, %add3A_135 : i32
      %dma_wait3A_137 = arith.constant 0 : i32
      %dma_wait3A_138 = tpu.memref_slice %arg6[%add3A_136, %dma_wait3A_137] : memref<152x128xi32, #tpu.memory_space<vmem>> -> memref<1x128xi32, #tpu.memory_space<vmem>>
      %dma_wait3A_139 = tpu.memref_squeeze %dma_wait3A_138 : memref<1x128xi32, #tpu.memory_space<vmem>> -> memref<128xi32, #tpu.memory_space<vmem>>
      %dma_wait3A_140 = arith.constant 0 : i32
      %dma_wait3A_141 = arith.constant 0 : i32
      %dma_wait3A_142 = tpu.memref_slice %arg4[%dma_wait3A_140, %dma_wait3A_141] : memref<10240x64xf32, #tpu.memory_space<hbm>> -> memref<10240x64xf32, #tpu.memory_space<hbm>>
      tpu.wait_indirect_dma semaphore(%arg16 : memref<!tpu.dma_semaphore, #tpu.memory_space<semaphore_mem>>) src(%dma_wait3A_142 : memref<10240x64xf32, #tpu.memory_space<hbm>>) dst(%arg12 : memref<128x64xf32, #tpu.memory_space<vmem>>)
      %add3A_143 = arith.constant 3 : i32
      %add3A_144 = arith.addi %add3A_84, %add3A_143 : i32
      "tpu.region"() ({
        %run_scoped3A = tpu.sem_alloc : memref<!tpu.dma_semaphore, #tpu.memory_space<semaphore_mem>>
        %dma_start3A_153 = arith.constant 0 : i32
        %dma_start3A_154 = tpu.memref_slice %arg7[%add3A_144, %dma_start3A_153] : memref<152x128xi32, #tpu.memory_space<vmem>> -> memref<1x128xi32, #tpu.memory_space<vmem>>
        %dma_start3A_155 = tpu.memref_squeeze %dma_start3A_154 : memref<1x128xi32, #tpu.memory_space<vmem>> -> memref<128xi32, #tpu.memory_space<vmem>>
        %dma_start3A_156 = arith.constant 0 : i32
        %dma_start3A_157 = arith.constant 0 : i32
        %dma_start3A_158 = tpu.memref_slice %arg8[%dma_start3A_156, %dma_start3A_157] : memref<10240x64xf32, #tpu.memory_space<vmem_shared>> -> memref<10240x64xf32, #tpu.memory_space<vmem_shared>>
        tpu.enqueue_indirect_dma source(%arg12 : memref<128x64xf32, #tpu.memory_space<vmem>>) target(%dma_start3A_158 : memref<10240x64xf32, #tpu.memory_space<vmem_shared>>) offsets(%dma_start3A_155 : memref<128xi32, #tpu.memory_space<vmem>>) semaphore(%run_scoped3A : memref<!tpu.dma_semaphore, #tpu.memory_space<semaphore_mem>>) {add = true}
        %dma_wait3A_159 = arith.constant 0 : i32
        %dma_wait3A_160 = tpu.memref_slice %arg7[%add3A_144, %dma_wait3A_159] : memref<152x128xi32, #tpu.memory_space<vmem>> -> memref<1x128xi32, #tpu.memory_space<vmem>>
        %dma_wait3A_161 = tpu.memref_squeeze %dma_wait3A_160 : memref<1x128xi32, #tpu.memory_space<vmem>> -> memref<128xi32, #tpu.memory_space<vmem>>
        %dma_wait3A_162 = arith.constant 0 : i32
        %dma_wait3A_163 = arith.constant 0 : i32
        %dma_wait3A_164 = tpu.memref_slice %arg8[%dma_wait3A_162, %dma_wait3A_163] : memref<10240x64xf32, #tpu.memory_space<vmem_shared>> -> memref<10240x64xf32, #tpu.memory_space<vmem_shared>>
        tpu.wait_indirect_dma semaphore(%run_scoped3A : memref<!tpu.dma_semaphore, #tpu.memory_space<semaphore_mem>>) src(%arg12 : memref<128x64xf32, #tpu.memory_space<vmem>>) dst(%dma_wait3A_164 : memref<10240x64xf32, #tpu.memory_space<vmem_shared>>)
        tpu.yield
      }) : () -> ()
      %add3A_145 = arith.constant 3 : i32
      %add3A_146 = arith.addi %add3A_84, %add3A_145 : i32
      %add3A_147 = arith.constant 4 : i32
      %add3A_148 = arith.addi %add3A_146, %add3A_147 : i32
      %lt3A_149 = arith.cmpi slt, %add3A_148, %select_n3A_8 : i32
      %convert_element_type3A_150 = arith.extui %lt3A_149 : i1 to i32
      %cond3A_151 = arith.constant 0 : i32
      %cond3A_152 = arith.cmpi ne, %convert_element_type3A_150, %cond3A_151 : i32
      scf.if %cond3A_152 {
        %add3A_153 = arith.constant 3 : i32
        %add3A_154 = arith.addi %add3A_84, %add3A_153 : i32
        %add3A_155 = arith.constant 4 : i32
        %add3A_156 = arith.addi %add3A_154, %add3A_155 : i32
        %dma_start3A_157 = arith.constant 0 : i32
        %dma_start3A_158 = tpu.memref_slice %arg6[%add3A_156, %dma_start3A_157] : memref<152x128xi32, #tpu.memory_space<vmem>> -> memref<1x128xi32, #tpu.memory_space<vmem>>
        %dma_start3A_159 = tpu.memref_squeeze %dma_start3A_158 : memref<1x128xi32, #tpu.memory_space<vmem>> -> memref<128xi32, #tpu.memory_space<vmem>>
        %dma_start3A_160 = arith.constant 0 : i32
        %dma_start3A_161 = arith.constant 0 : i32
        %dma_start3A_162 = tpu.memref_slice %arg4[%dma_start3A_160, %dma_start3A_161] : memref<10240x64xf32, #tpu.memory_space<hbm>> -> memref<10240x64xf32, #tpu.memory_space<hbm>>
        tpu.enqueue_indirect_dma source(%dma_start3A_162 : memref<10240x64xf32, #tpu.memory_space<hbm>>) target(%arg12 : memref<128x64xf32, #tpu.memory_space<vmem>>) offsets(%dma_start3A_159 : memref<128xi32, #tpu.memory_space<vmem>>) semaphore(%arg16 : memref<!tpu.dma_semaphore, #tpu.memory_space<semaphore_mem>>)
      } else {
      }
    }
    %while3A_76 = arith.constant 1 : i32
    scf.for %while3A_82 = %while3A_74 to %while3A_70 step %while3A_76  : i32 {
      %mul3A_83 = arith.muli %while3A_82, %while3A : i32
      %add3A_84 = arith.addi %while3A_67, %mul3A_83 : i32
      %add3A_85 = arith.constant 0 : i32
      %add3A_86 = arith.addi %add3A_84, %add3A_85 : i32
      %dma_wait3A = arith.constant 0 : i32
      %dma_wait3A_87 = tpu.memref_slice %arg6[%add3A_86, %dma_wait3A] : memref<152x128xi32, #tpu.memory_space<vmem>> -> memref<1x128xi32, #tpu.memory_space<vmem>>
      %dma_wait3A_88 = tpu.memref_squeeze %dma_wait3A_87 : memref<1x128xi32, #tpu.memory_space<vmem>> -> memref<128xi32, #tpu.memory_space<vmem>>
      %dma_wait3A_89 = arith.constant 0 : i32
      %dma_wait3A_90 = arith.constant 0 : i32
      %dma_wait3A_91 = tpu.memref_slice %arg4[%dma_wait3A_89, %dma_wait3A_90] : memref<10240x64xf32, #tpu.memory_space<hbm>> -> memref<10240x64xf32, #tpu.memory_space<hbm>>
      tpu.wait_indirect_dma semaphore(%arg13 : memref<!tpu.dma_semaphore, #tpu.memory_space<semaphore_mem>>) src(%dma_wait3A_91 : memref<10240x64xf32, #tpu.memory_space<hbm>>) dst(%arg9 : memref<128x64xf32, #tpu.memory_space<vmem>>)
      %add3A_92 = arith.constant 0 : i32
      %add3A_93 = arith.addi %add3A_84, %add3A_92 : i32
      "tpu.region"() ({
        %run_scoped3A = tpu.sem_alloc : memref<!tpu.dma_semaphore, #tpu.memory_space<semaphore_mem>>
        %dma_start3A_153 = arith.constant 0 : i32
        %dma_start3A_154 = tpu.memref_slice %arg7[%add3A_93, %dma_start3A_153] : memref<152x128xi32, #tpu.memory_space<vmem>> -> memref<1x128xi32, #tpu.memory_space<vmem>>
        %dma_start3A_155 = tpu.memref_squeeze %dma_start3A_154 : memref<1x128xi32, #tpu.memory_space<vmem>> -> memref<128xi32, #tpu.memory_space<vmem>>
        %dma_start3A_156 = arith.constant 0 : i32
        %dma_start3A_157 = arith.constant 0 : i32
        %dma_start3A_158 = tpu.memref_slice %arg8[%dma_start3A_156, %dma_start3A_157] : memref<10240x64xf32, #tpu.memory_space<vmem_shared>> -> memref<10240x64xf32, #tpu.memory_space<vmem_shared>>
        tpu.enqueue_indirect_dma source(%arg9 : memref<128x64xf32, #tpu.memory_space<vmem>>) target(%dma_start3A_158 : memref<10240x64xf32, #tpu.memory_space<vmem_shared>>) offsets(%dma_start3A_155 : memref<128xi32, #tpu.memory_space<vmem>>) semaphore(%run_scoped3A : memref<!tpu.dma_semaphore, #tpu.memory_space<semaphore_mem>>) {add = true}
        %dma_wait3A_159 = arith.constant 0 : i32
        %dma_wait3A_160 = tpu.memref_slice %arg7[%add3A_93, %dma_wait3A_159] : memref<152x128xi32, #tpu.memory_space<vmem>> -> memref<1x128xi32, #tpu.memory_space<vmem>>
        %dma_wait3A_161 = tpu.memref_squeeze %dma_wait3A_160 : memref<1x128xi32, #tpu.memory_space<vmem>> -> memref<128xi32, #tpu.memory_space<vmem>>
        %dma_wait3A_162 = arith.constant 0 : i32
        %dma_wait3A_163 = arith.constant 0 : i32
        %dma_wait3A_164 = tpu.memref_slice %arg8[%dma_wait3A_162, %dma_wait3A_163] : memref<10240x64xf32, #tpu.memory_space<vmem_shared>> -> memref<10240x64xf32, #tpu.memory_space<vmem_shared>>
        tpu.wait_indirect_dma semaphore(%run_scoped3A : memref<!tpu.dma_semaphore, #tpu.memory_space<semaphore_mem>>) src(%arg9 : memref<128x64xf32, #tpu.memory_space<vmem>>) dst(%dma_wait3A_164 : memref<10240x64xf32, #tpu.memory_space<vmem_shared>>)
        tpu.yield
      }) : () -> ()
      %add3A_94 = arith.constant 0 : i32
      %add3A_95 = arith.addi %add3A_84, %add3A_94 : i32
      %add3A_96 = arith.constant 4 : i32
      %add3A_97 = arith.addi %add3A_95, %add3A_96 : i32
      %lt3A = arith.cmpi slt, %add3A_97, %select_n3A_8 : i32
      %convert_element_type3A = arith.extui %lt3A : i1 to i32
      %cond3A = arith.constant 0 : i32
      %cond3A_98 = arith.cmpi ne, %convert_element_type3A, %cond3A : i32
      scf.if %cond3A_98 {
        %add3A_153 = arith.constant 0 : i32
        %add3A_154 = arith.addi %add3A_84, %add3A_153 : i32
        %add3A_155 = arith.constant 4 : i32
        %add3A_156 = arith.addi %add3A_154, %add3A_155 : i32
        %dma_start3A_157 = arith.constant 0 : i32
        %dma_start3A_158 = tpu.memref_slice %arg6[%add3A_156, %dma_start3A_157] : memref<152x128xi32, #tpu.memory_space<vmem>> -> memref<1x128xi32, #tpu.memory_space<vmem>>
        %dma_start3A_159 = tpu.memref_squeeze %dma_start3A_158 : memref<1x128xi32, #tpu.memory_space<vmem>> -> memref<128xi32, #tpu.memory_space<vmem>>
        %dma_start3A_160 = arith.constant 0 : i32
        %dma_start3A_161 = arith.constant 0 : i32
        %dma_start3A_162 = tpu.memref_slice %arg4[%dma_start3A_160, %dma_start3A_161] : memref<10240x64xf32, #tpu.memory_space<hbm>> -> memref<10240x64xf32, #tpu.memory_space<hbm>>
        tpu.enqueue_indirect_dma source(%dma_start3A_162 : memref<10240x64xf32, #tpu.memory_space<hbm>>) target(%arg9 : memref<128x64xf32, #tpu.memory_space<vmem>>) offsets(%dma_start3A_159 : memref<128xi32, #tpu.memory_space<vmem>>) semaphore(%arg13 : memref<!tpu.dma_semaphore, #tpu.memory_space<semaphore_mem>>)
      } else {
      }
      %add3A_99 = arith.constant 1 : i32
      %add3A_100 = arith.addi %add3A_84, %add3A_99 : i32
      %dma_wait3A_101 = arith.constant 0 : i32
      %dma_wait3A_102 = tpu.memref_slice %arg6[%add3A_100, %dma_wait3A_101] : memref<152x128xi32, #tpu.memory_space<vmem>> -> memref<1x128xi32, #tpu.memory_space<vmem>>
      %dma_wait3A_103 = tpu.memref_squeeze %dma_wait3A_102 : memref<1x128xi32, #tpu.memory_space<vmem>> -> memref<128xi32, #tpu.memory_space<vmem>>
      %dma_wait3A_104 = arith.constant 0 : i32
      %dma_wait3A_105 = arith.constant 0 : i32
      %dma_wait3A_106 = tpu.memref_slice %arg4[%dma_wait3A_104, %dma_wait3A_105] : memref<10240x64xf32, #tpu.memory_space<hbm>> -> memref<10240x64xf32, #tpu.memory_space<hbm>>
      tpu.wait_indirect_dma semaphore(%arg14 : memref<!tpu.dma_semaphore, #tpu.memory_space<semaphore_mem>>) src(%dma_wait3A_106 : memref<10240x64xf32, #tpu.memory_space<hbm>>) dst(%arg10 : memref<128x64xf32, #tpu.memory_space<vmem>>)
      %add3A_107 = arith.constant 1 : i32
      %add3A_108 = arith.addi %add3A_84, %add3A_107 : i32
      "tpu.region"() ({
        %run_scoped3A = tpu.sem_alloc : memref<!tpu.dma_semaphore, #tpu.memory_space<semaphore_mem>>
        %dma_start3A_153 = arith.constant 0 : i32
        %dma_start3A_154 = tpu.memref_slice %arg7[%add3A_108, %dma_start3A_153] : memref<152x128xi32, #tpu.memory_space<vmem>> -> memref<1x128xi32, #tpu.memory_space<vmem>>
        %dma_start3A_155 = tpu.memref_squeeze %dma_start3A_154 : memref<1x128xi32, #tpu.memory_space<vmem>> -> memref<128xi32, #tpu.memory_space<vmem>>
        %dma_start3A_156 = arith.constant 0 : i32
        %dma_start3A_157 = arith.constant 0 : i32
        %dma_start3A_158 = tpu.memref_slice %arg8[%dma_start3A_156, %dma_start3A_157] : memref<10240x64xf32, #tpu.memory_space<vmem_shared>> -> memref<10240x64xf32, #tpu.memory_space<vmem_shared>>
        tpu.enqueue_indirect_dma source(%arg10 : memref<128x64xf32, #tpu.memory_space<vmem>>) target(%dma_start3A_158 : memref<10240x64xf32, #tpu.memory_space<vmem_shared>>) offsets(%dma_start3A_155 : memref<128xi32, #tpu.memory_space<vmem>>) semaphore(%run_scoped3A : memref<!tpu.dma_semaphore, #tpu.memory_space<semaphore_mem>>) {add = true}
        %dma_wait3A_159 = arith.constant 0 : i32
        %dma_wait3A_160 = tpu.memref_slice %arg7[%add3A_108, %dma_wait3A_159] : memref<152x128xi32, #tpu.memory_space<vmem>> -> memref<1x128xi32, #tpu.memory_space<vmem>>
        %dma_wait3A_161 = tpu.memref_squeeze %dma_wait3A_160 : memref<1x128xi32, #tpu.memory_space<vmem>> -> memref<128xi32, #tpu.memory_space<vmem>>
        %dma_wait3A_162 = arith.constant 0 : i32
        %dma_wait3A_163 = arith.constant 0 : i32
        %dma_wait3A_164 = tpu.memref_slice %arg8[%dma_wait3A_162, %dma_wait3A_163] : memref<10240x64xf32, #tpu.memory_space<vmem_shared>> -> memref<10240x64xf32, #tpu.memory_space<vmem_shared>>
        tpu.wait_indirect_dma semaphore(%run_scoped3A : memref<!tpu.dma_semaphore, #tpu.memory_space<semaphore_mem>>) src(%arg10 : memref<128x64xf32, #tpu.memory_space<vmem>>) dst(%dma_wait3A_164 : memref<10240x64xf32, #tpu.memory_space<vmem_shared>>)
        tpu.yield
      }) : () -> ()
      %add3A_109 = arith.constant 1 : i32
      %add3A_110 = arith.addi %add3A_84, %add3A_109 : i32
      %add3A_111 = arith.constant 4 : i32
      %add3A_112 = arith.addi %add3A_110, %add3A_111 : i32
      %lt3A_113 = arith.cmpi slt, %add3A_112, %select_n3A_8 : i32
      %convert_element_type3A_114 = arith.extui %lt3A_113 : i1 to i32
      %cond3A_115 = arith.constant 0 : i32
      %cond3A_116 = arith.cmpi ne, %convert_element_type3A_114, %cond3A_115 : i32
      scf.if %cond3A_116 {
        %add3A_153 = arith.constant 1 : i32
        %add3A_154 = arith.addi %add3A_84, %add3A_153 : i32
        %add3A_155 = arith.constant 4 : i32
        %add3A_156 = arith.addi %add3A_154, %add3A_155 : i32
        %dma_start3A_157 = arith.constant 0 : i32
        %dma_start3A_158 = tpu.memref_slice %arg6[%add3A_156, %dma_start3A_157] : memref<152x128xi32, #tpu.memory_space<vmem>> -> memref<1x128xi32, #tpu.memory_space<vmem>>
        %dma_start3A_159 = tpu.memref_squeeze %dma_start3A_158 : memref<1x128xi32, #tpu.memory_space<vmem>> -> memref<128xi32, #tpu.memory_space<vmem>>
        %dma_start3A_160 = arith.constant 0 : i32
        %dma_start3A_161 = arith.constant 0 : i32
        %dma_start3A_162 = tpu.memref_slice %arg4[%dma_start3A_160, %dma_start3A_161] : memref<10240x64xf32, #tpu.memory_space<hbm>> -> memref<10240x64xf32, #tpu.memory_space<hbm>>
        tpu.enqueue_indirect_dma source(%dma_start3A_162 : memref<10240x64xf32, #tpu.memory_space<hbm>>) target(%arg10 : memref<128x64xf32, #tpu.memory_space<vmem>>) offsets(%dma_start3A_159 : memref<128xi32, #tpu.memory_space<vmem>>) semaphore(%arg14 : memref<!tpu.dma_semaphore, #tpu.memory_space<semaphore_mem>>)
      } else {
      }
      %add3A_117 = arith.constant 2 : i32
      %add3A_118 = arith.addi %add3A_84, %add3A_117 : i32
      %dma_wait3A_119 = arith.constant 0 : i32
      %dma_wait3A_120 = tpu.memref_slice %arg6[%add3A_118, %dma_wait3A_119] : memref<152x128xi32, #tpu.memory_space<vmem>> -> memref<1x128xi32, #tpu.memory_space<vmem>>
      %dma_wait3A_121 = tpu.memref_squeeze %dma_wait3A_120 : memref<1x128xi32, #tpu.memory_space<vmem>> -> memref<128xi32, #tpu.memory_space<vmem>>
      %dma_wait3A_122 = arith.constant 0 : i32
      %dma_wait3A_123 = arith.constant 0 : i32
      %dma_wait3A_124 = tpu.memref_slice %arg4[%dma_wait3A_122, %dma_wait3A_123] : memref<10240x64xf32, #tpu.memory_space<hbm>> -> memref<10240x64xf32, #tpu.memory_space<hbm>>
      tpu.wait_indirect_dma semaphore(%arg15 : memref<!tpu.dma_semaphore, #tpu.memory_space<semaphore_mem>>) src(%dma_wait3A_124 : memref<10240x64xf32, #tpu.memory_space<hbm>>) dst(%arg11 : memref<128x64xf32, #tpu.memory_space<vmem>>)
      %add3A_125 = arith.constant 2 : i32
      %add3A_126 = arith.addi %add3A_84, %add3A_125 : i32
      "tpu.region"() ({
        %run_scoped3A = tpu.sem_alloc : memref<!tpu.dma_semaphore, #tpu.memory_space<semaphore_mem>>
        %dma_start3A_153 = arith.constant 0 : i32
        %dma_start3A_154 = tpu.memref_slice %arg7[%add3A_126, %dma_start3A_153] : memref<152x128xi32, #tpu.memory_space<vmem>> -> memref<1x128xi32, #tpu.memory_space<vmem>>
        %dma_start3A_155 = tpu.memref_squeeze %dma_start3A_154 : memref<1x128xi32, #tpu.memory_space<vmem>> -> memref<128xi32, #tpu.memory_space<vmem>>
        %dma_start3A_156 = arith.constant 0 : i32
        %dma_start3A_157 = arith.constant 0 : i32
        %dma_start3A_158 = tpu.memref_slice %arg8[%dma_start3A_156, %dma_start3A_157] : memref<10240x64xf32, #tpu.memory_space<vmem_shared>> -> memref<10240x64xf32, #tpu.memory_space<vmem_shared>>
        tpu.enqueue_indirect_dma source(%arg11 : memref<128x64xf32, #tpu.memory_space<vmem>>) target(%dma_start3A_158 : memref<10240x64xf32, #tpu.memory_space<vmem_shared>>) offsets(%dma_start3A_155 : memref<128xi32, #tpu.memory_space<vmem>>) semaphore(%run_scoped3A : memref<!tpu.dma_semaphore, #tpu.memory_space<semaphore_mem>>) {add = true}
        %dma_wait3A_159 = arith.constant 0 : i32
        %dma_wait3A_160 = tpu.memref_slice %arg7[%add3A_126, %dma_wait3A_159] : memref<152x128xi32, #tpu.memory_space<vmem>> -> memref<1x128xi32, #tpu.memory_space<vmem>>
        %dma_wait3A_161 = tpu.memref_squeeze %dma_wait3A_160 : memref<1x128xi32, #tpu.memory_space<vmem>> -> memref<128xi32, #tpu.memory_space<vmem>>
        %dma_wait3A_162 = arith.constant 0 : i32
        %dma_wait3A_163 = arith.constant 0 : i32
        %dma_wait3A_164 = tpu.memref_slice %arg8[%dma_wait3A_162, %dma_wait3A_163] : memref<10240x64xf32, #tpu.memory_space<vmem_shared>> -> memref<10240x64xf32, #tpu.memory_space<vmem_shared>>
        tpu.wait_indirect_dma semaphore(%run_scoped3A : memref<!tpu.dma_semaphore, #tpu.memory_space<semaphore_mem>>) src(%arg11 : memref<128x64xf32, #tpu.memory_space<vmem>>) dst(%dma_wait3A_164 : memref<10240x64xf32, #tpu.memory_space<vmem_shared>>)
        tpu.yield
      }) : () -> ()
      %add3A_127 = arith.constant 2 : i32
      %add3A_128 = arith.addi %add3A_84, %add3A_127 : i32
      %add3A_129 = arith.constant 4 : i32
      %add3A_130 = arith.addi %add3A_128, %add3A_129 : i32
      %lt3A_131 = arith.cmpi slt, %add3A_130, %select_n3A_8 : i32
      %convert_element_type3A_132 = arith.extui %lt3A_131 : i1 to i32
      %cond3A_133 = arith.constant 0 : i32
      %cond3A_134 = arith.cmpi ne, %convert_element_type3A_132, %cond3A_133 : i32
      scf.if %cond3A_134 {
        %add3A_153 = arith.constant 2 : i32
        %add3A_154 = arith.addi %add3A_84, %add3A_153 : i32
        %add3A_155 = arith.constant 4 : i32
        %add3A_156 = arith.addi %add3A_154, %add3A_155 : i32
        %dma_start3A_157 = arith.constant 0 : i32
        %dma_start3A_158 = tpu.memref_slice %arg6[%add3A_156, %dma_start3A_157] : memref<152x128xi32, #tpu.memory_space<vmem>> -> memref<1x128xi32, #tpu.memory_space<vmem>>
        %dma_start3A_159 = tpu.memref_squeeze %dma_start3A_158 : memref<1x128xi32, #tpu.memory_space<vmem>> -> memref<128xi32, #tpu.memory_space<vmem>>
        %dma_start3A_160 = arith.constant 0 : i32
        %dma_start3A_161 = arith.constant 0 : i32
        %dma_start3A_162 = tpu.memref_slice %arg4[%dma_start3A_160, %dma_start3A_161] : memref<10240x64xf32, #tpu.memory_space<hbm>> -> memref<10240x64xf32, #tpu.memory_space<hbm>>
        tpu.enqueue_indirect_dma source(%dma_start3A_162 : memref<10240x64xf32, #tpu.memory_space<hbm>>) target(%arg11 : memref<128x64xf32, #tpu.memory_space<vmem>>) offsets(%dma_start3A_159 : memref<128xi32, #tpu.memory_space<vmem>>) semaphore(%arg15 : memref<!tpu.dma_semaphore, #tpu.memory_space<semaphore_mem>>)
      } else {
      }
      %add3A_135 = arith.constant 3 : i32
      %add3A_136 = arith.addi %add3A_84, %add3A_135 : i32
      %dma_wait3A_137 = arith.constant 0 : i32
      %dma_wait3A_138 = tpu.memref_slice %arg6[%add3A_136, %dma_wait3A_137] : memref<152x128xi32, #tpu.memory_space<vmem>> -> memref<1x128xi32, #tpu.memory_space<vmem>>
      %dma_wait3A_139 = tpu.memref_squeeze %dma_wait3A_138 : memref<1x128xi32, #tpu.memory_space<vmem>> -> memref<128xi32, #tpu.memory_space<vmem>>
      %dma_wait3A_140 = arith.constant 0 : i32
      %dma_wait3A_141 = arith.constant 0 : i32
      %dma_wait3A_142 = tpu.memref_slice %arg4[%dma_wait3A_140, %dma_wait3A_141] : memref<10240x64xf32, #tpu.memory_space<hbm>> -> memref<10240x64xf32, #tpu.memory_space<hbm>>
      tpu.wait_indirect_dma semaphore(%arg16 : memref<!tpu.dma_semaphore, #tpu.memory_space<semaphore_mem>>) src(%dma_wait3A_142 : memref<10240x64xf32, #tpu.memory_space<hbm>>) dst(%arg12 : memref<128x64xf32, #tpu.memory_space<vmem>>)
      %add3A_143 = arith.constant 3 : i32
      %add3A_144 = arith.addi %add3A_84, %add3A_143 : i32
      "tpu.region"() ({
        %run_scoped3A = tpu.sem_alloc : memref<!tpu.dma_semaphore, #tpu.memory_space<semaphore_mem>>
        %dma_start3A_153 = arith.constant 0 : i32
        %dma_start3A_154 = tpu.memref_slice %arg7[%add3A_144, %dma_start3A_153] : memref<152x128xi32, #tpu.memory_space<vmem>> -> memref<1x128xi32, #tpu.memory_space<vmem>>
        %dma_start3A_155 = tpu.memref_squeeze %dma_start3A_154 : memref<1x128xi32, #tpu.memory_space<vmem>> -> memref<128xi32, #tpu.memory_space<vmem>>
        %dma_start3A_156 = arith.constant 0 : i32
        %dma_start3A_157 = arith.constant 0 : i32
        %dma_start3A_158 = tpu.memref_slice %arg8[%dma_start3A_156, %dma_start3A_157] : memref<10240x64xf32, #tpu.memory_space<vmem_shared>> -> memref<10240x64xf32, #tpu.memory_space<vmem_shared>>
        tpu.enqueue_indirect_dma source(%arg12 : memref<128x64xf32, #tpu.memory_space<vmem>>) target(%dma_start3A_158 : memref<10240x64xf32, #tpu.memory_space<vmem_shared>>) offsets(%dma_start3A_155 : memref<128xi32, #tpu.memory_space<vmem>>) semaphore(%run_scoped3A : memref<!tpu.dma_semaphore, #tpu.memory_space<semaphore_mem>>) {add = true}
        %dma_wait3A_159 = arith.constant 0 : i32
        %dma_wait3A_160 = tpu.memref_slice %arg7[%add3A_144, %dma_wait3A_159] : memref<152x128xi32, #tpu.memory_space<vmem>> -> memref<1x128xi32, #tpu.memory_space<vmem>>
        %dma_wait3A_161 = tpu.memref_squeeze %dma_wait3A_160 : memref<1x128xi32, #tpu.memory_space<vmem>> -> memref<128xi32, #tpu.memory_space<vmem>>
        %dma_wait3A_162 = arith.constant 0 : i32
        %dma_wait3A_163 = arith.constant 0 : i32
        %dma_wait3A_164 = tpu.memref_slice %arg8[%dma_wait3A_162, %dma_wait3A_163] : memref<10240x64xf32, #tpu.memory_space<vmem_shared>> -> memref<10240x64xf32, #tpu.memory_space<vmem_shared>>
        tpu.wait_indirect_dma semaphore(%run_scoped3A : memref<!tpu.dma_semaphore, #tpu.memory_space<semaphore_mem>>) src(%arg12 : memref<128x64xf32, #tpu.memory_space<vmem>>) dst(%dma_wait3A_164 : memref<10240x64xf32, #tpu.memory_space<vmem_shared>>)
        tpu.yield
      }) : () -> ()
      %add3A_145 = arith.constant 3 : i32
      %add3A_146 = arith.addi %add3A_84, %add3A_145 : i32
      %add3A_147 = arith.constant 4 : i32
      %add3A_148 = arith.addi %add3A_146, %add3A_147 : i32
      %lt3A_149 = arith.cmpi slt, %add3A_148, %select_n3A_8 : i32
      %convert_element_type3A_150 = arith.extui %lt3A_149 : i1 to i32
      %cond3A_151 = arith.constant 0 : i32
      %cond3A_152 = arith.cmpi ne, %convert_element_type3A_150, %cond3A_151 : i32
      scf.if %cond3A_152 {
        %add3A_153 = arith.constant 3 : i32
        %add3A_154 = arith.addi %add3A_84, %add3A_153 : i32
        %add3A_155 = arith.constant 4 : i32
        %add3A_156 = arith.addi %add3A_154, %add3A_155 : i32
        %dma_start3A_157 = arith.constant 0 : i32
        %dma_start3A_158 = tpu.memref_slice %arg6[%add3A_156, %dma_start3A_157] : memref<152x128xi32, #tpu.memory_space<vmem>> -> memref<1x128xi32, #tpu.memory_space<vmem>>
        %dma_start3A_159 = tpu.memref_squeeze %dma_start3A_158 : memref<1x128xi32, #tpu.memory_space<vmem>> -> memref<128xi32, #tpu.memory_space<vmem>>
        %dma_start3A_160 = arith.constant 0 : i32
        %dma_start3A_161 = arith.constant 0 : i32
        %dma_start3A_162 = tpu.memref_slice %arg4[%dma_start3A_160, %dma_start3A_161] : memref<10240x64xf32, #tpu.memory_space<hbm>> -> memref<10240x64xf32, #tpu.memory_space<hbm>>
        tpu.enqueue_indirect_dma source(%dma_start3A_162 : memref<10240x64xf32, #tpu.memory_space<hbm>>) target(%arg12 : memref<128x64xf32, #tpu.memory_space<vmem>>) offsets(%dma_start3A_159 : memref<128xi32, #tpu.memory_space<vmem>>) semaphore(%arg16 : memref<!tpu.dma_semaphore, #tpu.memory_space<semaphore_mem>>)
      } else {
      }
    }
    %barrier3A_77 = arith.constant 0 : index
    tpu.barrier barrier_id(%barrier3A_77)
    %mul3A_78 = arith.constant 640 : i32
    %mul3A_79 = arith.muli %arg1, %mul3A_78 : i32
    %mul3A_80 = arith.constant 640 : i32
    %mul3A_81 = arith.muli %arg1, %mul3A_80 : i32
    "tpu.region"() ({
      %run_scoped3A = tpu.sem_alloc : memref<!tpu.dma_semaphore, #tpu.memory_space<semaphore_mem>>
      %dma_start3A_82 = arith.constant 0 : i32
      %dma_start3A_83 = tpu.memref_slice %arg5[%arg0, %mul3A_81, %dma_start3A_82] : memref<2x10240x64xf32, #tpu.memory_space<hbm>> -> memref<1x640x64xf32, #tpu.memory_space<hbm>>
      %dma_start3A_84 = tpu.memref_squeeze %dma_start3A_83 : memref<1x640x64xf32, #tpu.memory_space<hbm>> -> memref<640x64xf32, #tpu.memory_space<hbm>>
      %dma_start3A_85 = arith.constant 0 : i32
      %dma_start3A_86 = tpu.memref_slice %arg8[%mul3A_79, %dma_start3A_85] : memref<10240x64xf32, #tpu.memory_space<vmem_shared>> -> memref<640x64xf32, #tpu.memory_space<vmem_shared>>
      tpu.enqueue_dma source(%dma_start3A_86 : memref<640x64xf32, #tpu.memory_space<vmem_shared>>) target(%dma_start3A_84 : memref<640x64xf32, #tpu.memory_space<hbm>>) target_semaphore(%run_scoped3A : memref<!tpu.dma_semaphore, #tpu.memory_space<semaphore_mem>>)
      %dma_wait3A = arith.constant 0 : i32
      %dma_wait3A_87 = tpu.memref_slice %arg5[%arg0, %mul3A_81, %dma_wait3A] : memref<2x10240x64xf32, #tpu.memory_space<hbm>> -> memref<1x640x64xf32, #tpu.memory_space<hbm>>
      %dma_wait3A_88 = tpu.memref_squeeze %dma_wait3A_87 : memref<1x640x64xf32, #tpu.memory_space<hbm>> -> memref<640x64xf32, #tpu.memory_space<hbm>>
      %dma_wait3A_89 = arith.constant 0 : i32
      %dma_wait3A_90 = tpu.memref_slice %arg8[%mul3A_79, %dma_wait3A_89] : memref<10240x64xf32, #tpu.memory_space<vmem_shared>> -> memref<640x64xf32, #tpu.memory_space<vmem_shared>>
      tpu.wait_dma2 semaphore(%run_scoped3A : memref<!tpu.dma_semaphore, #tpu.memory_space<semaphore_mem>>) src(%dma_wait3A_90 : memref<640x64xf32, #tpu.memory_space<vmem_shared>>) dst(%dma_wait3A_88 : memref<640x64xf32, #tpu.memory_space<hbm>>)
      tpu.yield
    }) : () -> ()
    return
  }
}

module attributes {stable_mosaic.version = 14 : i64} {
  func.func @_proj_body(%arg0: i32, %arg1: memref<1024x128xf32, #tpu.memory_space<vmem>>, %arg2: memref<64x128xf32, #tpu.memory_space<vmem>>, %arg3: memref<1024x1xf32, #tpu.memory_space<vmem>>, %arg4: memref<1024x1xf32, #tpu.memory_space<vmem>>, %arg5: memref<1024x64xf32, #tpu.memory_space<vmem>>, %arg6: memref<1024x1xf32, #tpu.memory_space<vmem>>, %arg7: memref<1024x1xf32, #tpu.memory_space<vmem>>) attributes {dimension_semantics = [#tpu.dimension_semantics<arbitrary>], iteration_bounds = array<i64: 10>, scalar_prefetch = 0 : i64, scratch_operands = 0 : i64, tpu.core_type = #tpu.core_type<tc>, window_params = [{transform_indices = @transform_0, window_bounds = array<i64: 1024, 128>}, {pipeline_mode = #tpu.pipeline_mode<synchronous>, transform_indices = @transform_1, window_bounds = array<i64: 64, 128>}, {transform_indices = @transform_2, window_bounds = array<i64: 1024, 1>}, {transform_indices = @transform_3, window_bounds = array<i64: 1024, 1>}, {transform_indices = @transform_4, window_bounds = array<i64: 1024, 64>}, {transform_indices = @transform_5, window_bounds = array<i64: 1024, 1>}, {transform_indices = @transform_6, window_bounds = array<i64: 1024, 1>}]} {
    %get3A = arith.constant 0 : index
    %get3A_0 = arith.constant 0 : index
    %get3A_1 = vector.load %arg3[%get3A, %get3A_0] : memref<1024x1xf32, #tpu.memory_space<vmem>>, vector<1024x1xf32>
    %get3A_2 = arith.constant 0 : index
    %get3A_3 = arith.constant 0 : index
    %get3A_4 = vector.load %arg4[%get3A_2, %get3A_3] : memref<1024x1xf32, #tpu.memory_space<vmem>>, vector<1024x1xf32>
    %add3A = arith.addf %get3A_1, %get3A_4 : vector<1024x1xf32>
    %add3A_5 = arith.constant 2.000000e+00 : f32
    %add3A_6 = vector.broadcast %add3A_5 : f32 to vector<1024x1xf32>
    %add3A_7 = arith.addf %add3A, %add3A_6 : vector<1024x1xf32>
    %rsqrt3A = math.rsqrt %add3A_7 : vector<1024x1xf32>
    %get3A_8 = arith.constant 0 : index
    %get3A_9 = arith.constant 0 : index
    %get3A_10 = vector.load %arg1[%get3A_8, %get3A_9] : memref<1024x128xf32, #tpu.memory_space<vmem>>, vector<1024x128xf32>
    %get3A_11 = arith.constant 0 : index
    %get3A_12 = arith.constant 0 : index
    %get3A_13 = vector.load %arg2[%get3A_11, %get3A_12] : memref<64x128xf32, #tpu.memory_space<vmem>>, vector<64x128xf32>
    %dot_general3A = arith.constant dense<0.000000e+00> : vector<1024x64xf32>
    %dot_general3A_14 = tpu.matmul %get3A_10, %get3A_13, %dot_general3A {dimension_numbers = #tpu.dot_dimension_numbers<[1], [1], [0], [0], [0, 0, 1, 0], [], []>, transpose_lhs_hint = false} : vector<1024x128xf32>, vector<64x128xf32>, vector<1024x64xf32> -> vector<1024x64xf32>
    %mul3A = vector.broadcast %rsqrt3A : vector<1024x1xf32> to vector<1024x64xf32>
    %mul3A_15 = arith.mulf %mul3A, %dot_general3A_14 : vector<1024x64xf32>
    %swap3A = arith.constant 0 : index
    %swap3A_16 = arith.constant 0 : index
    %swap3A_17 = vector.load %arg5[%swap3A, %swap3A_16] : memref<1024x64xf32, #tpu.memory_space<vmem>>, vector<1024x64xf32>
    tpu.vector_store %arg5[%swap3A, %swap3A_16], %mul3A_15 {strides = array<i32>} : memref<1024x64xf32, #tpu.memory_space<vmem>>, vector<1024x64xf32>,
    %swap3A_18 = arith.constant 0 : index
    %swap3A_19 = arith.constant 0 : index
    %swap3A_20 = vector.load %arg6[%swap3A_18, %swap3A_19] : memref<1024x1xf32, #tpu.memory_space<vmem>>, vector<1024x1xf32>
    tpu.vector_store %arg6[%swap3A_18, %swap3A_19], %rsqrt3A {strides = array<i32>} : memref<1024x1xf32, #tpu.memory_space<vmem>>, vector<1024x1xf32>,
    %mul3A_21 = arith.mulf %rsqrt3A, %rsqrt3A : vector<1024x1xf32>
    %swap3A_22 = arith.constant 0 : index
    %swap3A_23 = arith.constant 0 : index
    %swap3A_24 = vector.load %arg7[%swap3A_22, %swap3A_23] : memref<1024x1xf32, #tpu.memory_space<vmem>>, vector<1024x1xf32>
    tpu.vector_store %arg7[%swap3A_22, %swap3A_23], %mul3A_21 {strides = array<i32>} : memref<1024x1xf32, #tpu.memory_space<vmem>>, vector<1024x1xf32>,
    return
  }
  func.func @transform_0(%arg0: i32) -> (i32, i32) {
    %c0_i32 = arith.constant 0 : i32
    %c0_i32_0 = arith.constant 0 : i32
    return %arg0, %c0_i32 : i32, i32
  }
  func.func @transform_1(%arg0: i32) -> (i32, i32) {
    %c0_i32 = arith.constant 0 : i32
    %c0_i32_0 = arith.constant 0 : i32
    %c0_i32_1 = arith.constant 0 : i32
    return %c0_i32, %c0_i32_0 : i32, i32
  }
  func.func @transform_2(%arg0: i32) -> (i32, i32) {
    %c0_i32 = arith.constant 0 : i32
    %c0_i32_0 = arith.constant 0 : i32
    return %arg0, %c0_i32 : i32, i32
  }
  func.func @transform_3(%arg0: i32) -> (i32, i32) {
    %c0_i32 = arith.constant 0 : i32
    %c0_i32_0 = arith.constant 0 : i32
    return %arg0, %c0_i32 : i32, i32
  }
  func.func @transform_4(%arg0: i32) -> (i32, i32) {
    %c0_i32 = arith.constant 0 : i32
    %c0_i32_0 = arith.constant 0 : i32
    return %arg0, %c0_i32 : i32, i32
  }
  func.func @transform_5(%arg0: i32) -> (i32, i32) {
    %c0_i32 = arith.constant 0 : i32
    %c0_i32_0 = arith.constant 0 : i32
    return %arg0, %c0_i32 : i32, i32
  }
  func.func @transform_6(%arg0: i32) -> (i32, i32) {
    %c0_i32 = arith.constant 0 : i32
    %c0_i32_0 = arith.constant 0 : i32
    return %arg0, %c0_i32 : i32, i32
  }
}

module attributes {stable_mosaic.version = 14 : i64} {
  func.func @_combine_body(%arg0: i32, %arg1: memref<1024x64xf32, #tpu.memory_space<vmem>>, %arg2: memref<1024x64xf32, #tpu.memory_space<vmem>>, %arg3: memref<1024x64xf32, #tpu.memory_space<vmem>>, %arg4: memref<1024x1xf32, #tpu.memory_space<vmem>>, %arg5: memref<1024x64xf32, #tpu.memory_space<vmem>>) attributes {dimension_semantics = [#tpu.dimension_semantics<arbitrary>], iteration_bounds = array<i64: 10>, scalar_prefetch = 0 : i64, scratch_operands = 0 : i64, tpu.core_type = #tpu.core_type<tc>, window_params = [{transform_indices = @transform_0, window_bounds = array<i64: 1024, 64>}, {transform_indices = @transform_1, window_bounds = array<i64: 1024, 64>}, {transform_indices = @transform_2, window_bounds = array<i64: 1024, 64>}, {transform_indices = @transform_3, window_bounds = array<i64: 1024, 1>}, {transform_indices = @transform_4, window_bounds = array<i64: 1024, 64>}]} {
    %get3A = arith.constant 0 : index
    %get3A_0 = arith.constant 0 : index
    %get3A_1 = vector.load %arg4[%get3A, %get3A_0] : memref<1024x1xf32, #tpu.memory_space<vmem>>, vector<1024x1xf32>
    %get3A_2 = arith.constant 0 : index
    %get3A_3 = arith.constant 0 : index
    %get3A_4 = vector.load %arg1[%get3A_2, %get3A_3] : memref<1024x64xf32, #tpu.memory_space<vmem>>, vector<1024x64xf32>
    %get3A_5 = arith.constant 0 : index
    %get3A_6 = arith.constant 0 : index
    %get3A_7 = vector.load %arg2[%get3A_5, %get3A_6] : memref<1024x64xf32, #tpu.memory_space<vmem>>, vector<1024x64xf32>
    %add3A = arith.addf %get3A_4, %get3A_7 : vector<1024x64xf32>
    %get3A_8 = arith.constant 0 : index
    %get3A_9 = arith.constant 0 : index
    %get3A_10 = vector.load %arg3[%get3A_8, %get3A_9] : memref<1024x64xf32, #tpu.memory_space<vmem>>, vector<1024x64xf32>
    %mul3A = arith.constant 2.000000e+00 : f32
    %mul3A_11 = vector.broadcast %mul3A : f32 to vector<1024x64xf32>
    %mul3A_12 = arith.mulf %mul3A_11, %get3A_10 : vector<1024x64xf32>
    %add3A_13 = arith.addf %add3A, %mul3A_12 : vector<1024x64xf32>
    %mul3A_14 = vector.broadcast %get3A_1 : vector<1024x1xf32> to vector<1024x64xf32>
    %mul3A_15 = arith.mulf %mul3A_14, %add3A_13 : vector<1024x64xf32>
    %swap3A = arith.constant 0 : index
    %swap3A_16 = arith.constant 0 : index
    %swap3A_17 = vector.load %arg5[%swap3A, %swap3A_16] : memref<1024x64xf32, #tpu.memory_space<vmem>>, vector<1024x64xf32>
    tpu.vector_store %arg5[%swap3A, %swap3A_16], %mul3A_15 {strides = array<i32>} : memref<1024x64xf32, #tpu.memory_space<vmem>>, vector<1024x64xf32>,
    return
  }
  func.func @transform_0(%arg0: i32) -> (i32, i32) {
    %c0_i32 = arith.constant 0 : i32
    %c0_i32_0 = arith.constant 0 : i32
    return %arg0, %c0_i32 : i32, i32
  }
  func.func @transform_1(%arg0: i32) -> (i32, i32) {
    %c0_i32 = arith.constant 0 : i32
    %c0_i32_0 = arith.constant 0 : i32
    return %arg0, %c0_i32 : i32, i32
  }
  func.func @transform_2(%arg0: i32) -> (i32, i32) {
    %c0_i32 = arith.constant 0 : i32
    %c0_i32_0 = arith.constant 0 : i32
    return %arg0, %c0_i32 : i32, i32
  }
  func.func @transform_3(%arg0: i32) -> (i32, i32) {
    %c0_i32 = arith.constant 0 : i32
    %c0_i32_0 = arith.constant 0 : i32
    return %arg0, %c0_i32 : i32, i32
  }
  func.func @transform_4(%arg0: i32) -> (i32, i32) {
    %c0_i32 = arith.constant 0 : i32
    %c0_i32_0 = arith.constant 0 : i32
    return %arg0, %c0_i32 : i32, i32
  }
}

module attributes {stable_mosaic.version = 14 : i64} {
  func.func @_final_body(%arg0: i32, %arg1: memref<1024x64xf32, #tpu.memory_space<vmem>>, %arg2: memref<1024x64xf32, #tpu.memory_space<vmem>>, %arg3: memref<1024x64xf32, #tpu.memory_space<vmem>>, %arg4: memref<1024x1xf32, #tpu.memory_space<vmem>>, %arg5: memref<1x64xf32, #tpu.memory_space<vmem>>, %arg6: memref<1024x64xf32, #tpu.memory_space<vmem>>) attributes {dimension_semantics = [#tpu.dimension_semantics<arbitrary>], iteration_bounds = array<i64: 10>, scalar_prefetch = 0 : i64, scratch_operands = 0 : i64, tpu.core_type = #tpu.core_type<tc>, window_params = [{transform_indices = @transform_0, window_bounds = array<i64: 1024, 64>}, {transform_indices = @transform_1, window_bounds = array<i64: 1024, 64>}, {transform_indices = @transform_2, window_bounds = array<i64: 1024, 64>}, {transform_indices = @transform_3, window_bounds = array<i64: 1024, 1>}, {pipeline_mode = #tpu.pipeline_mode<synchronous>, transform_indices = @transform_4, window_bounds = array<i64: 1, 64>}, {transform_indices = @transform_5, window_bounds = array<i64: 1024, 64>}]} {
    %get3A = arith.constant 0 : index
    %get3A_0 = arith.constant 0 : index
    %get3A_1 = vector.load %arg4[%get3A, %get3A_0] : memref<1024x1xf32, #tpu.memory_space<vmem>>, vector<1024x1xf32>
    %get3A_2 = arith.constant 0 : index
    %get3A_3 = arith.constant 0 : index
    %get3A_4 = vector.load %arg1[%get3A_2, %get3A_3] : memref<1024x64xf32, #tpu.memory_space<vmem>>, vector<1024x64xf32>
    %get3A_5 = arith.constant 0 : index
    %get3A_6 = arith.constant 0 : index
    %get3A_7 = vector.load %arg2[%get3A_5, %get3A_6] : memref<1024x64xf32, #tpu.memory_space<vmem>>, vector<1024x64xf32>
    %add3A = arith.addf %get3A_4, %get3A_7 : vector<1024x64xf32>
    %get3A_8 = arith.constant 0 : index
    %get3A_9 = arith.constant 0 : index
    %get3A_10 = vector.load %arg3[%get3A_8, %get3A_9] : memref<1024x64xf32, #tpu.memory_space<vmem>>, vector<1024x64xf32>
    %mul3A = arith.constant 2.000000e+00 : f32
    %mul3A_11 = vector.broadcast %mul3A : f32 to vector<1024x64xf32>
    %mul3A_12 = arith.mulf %mul3A_11, %get3A_10 : vector<1024x64xf32>
    %add3A_13 = arith.addf %add3A, %mul3A_12 : vector<1024x64xf32>
    %mul3A_14 = vector.broadcast %get3A_1 : vector<1024x1xf32> to vector<1024x64xf32>
    %mul3A_15 = arith.mulf %mul3A_14, %add3A_13 : vector<1024x64xf32>
    %get3A_16 = arith.constant 0 : index
    %get3A_17 = arith.constant 0 : index
    %get3A_18 = vector.load %arg5[%get3A_16, %get3A_17] : memref<1x64xf32, #tpu.memory_space<vmem>>, vector<1x64xf32>
    %add3A_19 = vector.broadcast %get3A_18 : vector<1x64xf32> to vector<1024x64xf32>
    %add3A_20 = arith.addf %mul3A_15, %add3A_19 : vector<1024x64xf32>
    %reduce_max3A = arith.constant dense<0xFF800000> : vector<1024xf32>
    %reduce_max3A_21 = vector.multi_reduction <maximumf>, %add3A_20, %reduce_max3A [1] : vector<1024x64xf32> to vector<1024xf32>
    %broadcast_in_dim3A = vector.shape_cast %reduce_max3A_21 : vector<1024xf32> to vector<1024x1xf32>
    %sub3A = vector.broadcast %broadcast_in_dim3A : vector<1024x1xf32> to vector<1024x64xf32>
    %sub3A_22 = arith.subf %add3A_20, %sub3A : vector<1024x64xf32>
    %exp3A = math.exp %sub3A_22 : vector<1024x64xf32>
    %reduce_sum3A = arith.constant dense<0.000000e+00> : vector<1024xf32>
    %reduce_sum3A_23 = vector.multi_reduction <add>, %exp3A, %reduce_sum3A [1] : vector<1024x64xf32> to vector<1024xf32>
    %broadcast_in_dim3A_24 = vector.shape_cast %reduce_sum3A_23 : vector<1024xf32> to vector<1024x1xf32>
    %log3A = math.log %broadcast_in_dim3A_24 : vector<1024x1xf32>
    %add3A_25 = arith.addf %log3A, %broadcast_in_dim3A : vector<1024x1xf32>
    %sub3A_26 = vector.broadcast %add3A_25 : vector<1024x1xf32> to vector<1024x64xf32>
    %sub3A_27 = arith.subf %add3A_20, %sub3A_26 : vector<1024x64xf32>
    %swap3A = arith.constant 0 : index
    %swap3A_28 = arith.constant 0 : index
    %swap3A_29 = vector.load %arg6[%swap3A, %swap3A_28] : memref<1024x64xf32, #tpu.memory_space<vmem>>, vector<1024x64xf32>
    tpu.vector_store %arg6[%swap3A, %swap3A_28], %sub3A_27 {strides = array<i32>} : memref<1024x64xf32, #tpu.memory_space<vmem>>, vector<1024x64xf32>,
    return
  }
  func.func @transform_0(%arg0: i32) -> (i32, i32) {
    %c0_i32 = arith.constant 0 : i32
    %c0_i32_0 = arith.constant 0 : i32
    return %arg0, %c0_i32 : i32, i32
  }
  func.func @transform_1(%arg0: i32) -> (i32, i32) {
    %c0_i32 = arith.constant 0 : i32
    %c0_i32_0 = arith.constant 0 : i32
    return %arg0, %c0_i32 : i32, i32
  }
  func.func @transform_2(%arg0: i32) -> (i32, i32) {
    %c0_i32 = arith.constant 0 : i32
    %c0_i32_0 = arith.constant 0 : i32
    return %arg0, %c0_i32 : i32, i32
  }
  func.func @transform_3(%arg0: i32) -> (i32, i32) {
    %c0_i32 = arith.constant 0 : i32
    %c0_i32_0 = arith.constant 0 : i32
    return %arg0, %c0_i32 : i32, i32
  }
  func.func @transform_4(%arg0: i32) -> (i32, i32) {
    %c0_i32 = arith.constant 0 : i32
    %c0_i32_0 = arith.constant 0 : i32
    %c0_i32_1 = arith.constant 0 : i32
    return %c0_i32, %c0_i32_0 : i32, i32
  }
  func.func @transform_5(%arg0: i32) -> (i32, i32) {
    %c0_i32 = arith.constant 0 : i32
    %c0_i32_0 = arith.constant 0 : i32
    return %arg0, %c0_i32 : i32, i32
  }
}

</mosaic_0001>

<sc_bundles>
// kernel: kernel.11.cloned.1.call-start
scs
__scs_entry_jumppad:
0x0: {  	(pc) =	sbr.rel $0x88, $3  }
0x1: {  	(tag) =	ssettag $0x0;
	lr =	simm.s32 $0x1  }
0x2: {  	[smem:$0x3F9D] =	sst lr;
	_ =	strace $0xD0000000  }
0x3: {  	_ = 	snop  }
0x4: {  	_ = 	snop  }
0x5: {  	_ = 	snop  }
0x6: {  	_ = 	snop  }
0x7: {  	_ = 	snop  }
__scs_overlays_trampoline_lowered:
0x8: {  	[smem:$0x3FAC] =	sst s0  }
0x9: {  	[smem:$0x3FAD] =	sst s1  }
0xa: {  	[smem:$0x3FAE] =	sst s2  }
0xb: {  	[smem:$0x3FAF] =	sst s3  }
0xc: {  	[smem:$0x3FB0] =	sst s4  }
0xd: {  	[smem:$0x3FB1] =	sst s5  }
0xe: {  	[smem:$0x3FB2] =	sst s6  }
0xf: {  	[smem:$0x3FB3] =	sst s7  }
0x10: {  	[smem:$0x3FB4] =	sst s8  }
0x11: {  	[smem:$0x3FB5] =	sst s9;
	s0 =	simm.s32 @!p0 $0x0  }
0x12: {  	s1 =	sld [smem:$0x3F9B];
	s0 =	simm.s32 @p0 $0x1  }
0x13: {  	[smem:$0x3FB6] =	sst s0;
	s0 =	simm.s32 @!p1 $0x0  }
0x14: {  	s2 =	sld [smem:$0x3F9A];
	s0 =	simm.s32 @p1 $0x1  }
0x15: {  	[smem:$0x3FB7] =	sst s0;
	s0 =	simm.s32 @!p2 $0x0  }
0x16: {  	s3 =	sld [smem:$0x3FDB];
	s0 =	simm.s32 @p2 $0x1  }
0x17: {  	s4 =	simm.s32 $0x1BF5;
	[smem:$0x3FB9] =	sst s0  }
0x18: {  	s0 =	sld [smem:$0x3F9C];
	_ =	swait.ge [sflag:s4], $0x0  }
0x19: {  	s7 =	sld [smem:$0x3F9D]  }
0x1a: {  	s8 =	sadd.s32 $0xFFFFE003, lr  }
0x1b: {  	s9 =	sadd.s32 $0xFFFFFEF7, lr;
	s5 =	simm.s32 $0xFFFFFFFF;
	p2 =	slt.u32 s8, $0xFFFFF086  }
0x1c: {  	p1 =	slt.u32 s9, $0xF7A;
	s5 =	simm.s32 @!p2 $0x0  }
0x1d: {  	s5 =	simm.s32 @p1 $0x1;
	p0 =	seq.s32 s7, s2  }
0x1e: {  	s7 =	smul.u32 @!p0 $0xF7A, s2;
	p2 =	seq.s32 @!p0 s5, $0x0  }
0x1f: {  	s9 =	smul.u32 $0xF7A, s1;
	s8 =	simm.s32 @!p0 $0x1BF5;
	p2 =	por !p2, p0  }
0x20: {  	[sflag:s8] =	ssyncset.s32 @!p0 $0xFFFFF086;
	s6 =	sadd.s32 @!p0 s3, s7;
	s7 =	simm.s32 @!p0 $0x108  }
0x21: {  	s3 =	sadd.s32 s3, s9;
	s6 =	sadd.s32 @!p0 $0x88, s6;
	s7 =	simm.s32 @p2 $0x1082  }
0x22: {  	[simem:s7], [sflag:s8] =	dma.local @!p0 [hbm:s6], $0xF7A  }
0x23: {  	s9 =	sor.u32 $0xD0000000, s2;
	s6 =	simm.s32 $0x108;
	_ =	swait.ge @!p0 [sflag:s8], $0x0  }
0x24: {  	s3 =	sadd.s32 $0x88, s3;
	s6 =	simm.s32 @!p1 $0x1082;
	[sflag:s4] =	ssyncset.s32 $0xFFFFF086  }
0x25: {  	[simem:s6], [sflag:s4] =	dma.local [hbm:s3], $0xF7A  }
0x26: {  	[smem:$0x3F9D] =	sst s1;
	(tag) =	ssettag s2;
	_ =	strace s9  }
0x27: {  	s1 =	sld [smem:$0x3FAD]  }
0x28: {  	s2 =	sld [smem:$0x3FAE]  }
0x29: {  	s4 =	sld [smem:$0x3FB0]  }
0x2a: {  	p0 =	seq.s32 s5, $0x0;
	s5 =	sld [smem:$0x3FB1]  }
0x2b: {  	s6 =	sld [smem:$0x3FB2]  }
0x2c: {  	s7 =	sld [smem:$0x3FB3]  }
0x2d: {  	s3 =	simm.s32 $0x108;
	s8 =	sld [smem:$0x3FB4]  }
0x2e: {  	s3 =	simm.s32 @!p0 $0x1082;
	s9 =	sld [smem:$0x3FB5]  }
0x2f: {  	lr =	sadd.s32 s0, s3;
	s0 =	sld [smem:$0x3FAC]  }
0x30: {  	s3 =	sld [smem:$0x3FAF]  }
0x31: {  	[smem:$0x3FB8] =	sst s10  }
0x32: {  	s10 =	sld [smem:$0x3FB6];
	_ =	sdelay $0x3  }
0x33: {  	p0 =	seq.s32 s10, $0x1;
	s10 =	sld [smem:$0x3FB8];
	_ =	sdelay $0x3  }
0x34: {  	[smem:$0x3FB8] =	sst s10  }
0x35: {  	s10 =	sld [smem:$0x3FB7];
	_ =	sdelay $0x3  }
0x36: {  	p1 =	seq.s32 s10, $0x1;
	s10 =	sld [smem:$0x3FB8];
	_ =	sdelay $0x3  }
0x37: {  	[smem:$0x3FB8] =	sst s10  }
0x38: {  	s10 =	sld [smem:$0x3FB9]  }
0x39: {  	_ = 	snop;
	(pc) =	sbr.ind lr, $3  }
0x3a: {  	_ = 	snop  }
0x3b: {  	_ = 	snop  }
0x3c: {  	p2 =	seq.s32 s10, $0x1;
	s10 =	sld [smem:$0x3FB8]  }
0x3d: {  	_ =	shalt  }
0x3e: {  	_ =	shalt  }
0x3f: {  	_ =	shalt  }
0x40: {  	_ =	shalt  }
0x41: {  	_ =	shalt  }
0x42: {  	_ =	shalt  }
0x43: {  	_ =	shalt  }
0x44: {  	_ =	shalt  }
0x45: {  	_ =	shalt  }
0x46: {  	_ =	shalt  }
0x47: {  	_ =	shalt  }
0x48: {  	_ =	shalt  }
0x49: {  	_ =	shalt  }
0x4a: {  	_ =	shalt  }
0x4b: {  	_ =	shalt  }
0x4c: {  	_ =	shalt  }
0x4d: {  	_ =	shalt  }
0x4e: {  	_ =	shalt  }
0x4f: {  	_ =	shalt  }
0x50: {  	_ =	shalt  }
0x51: {  	_ =	shalt  }
0x52: {  	_ =	shalt  }
0x53: {  	_ =	shalt  }
0x54: {  	_ =	shalt  }
0x55: {  	_ =	shalt  }
0x56: {  	_ =	shalt  }
0x57: {  	_ =	shalt  }
0x58: {  	_ =	shalt  }
0x59: {  	_ =	shalt  }
0x5a: {  	_ =	shalt  }
0x5b: {  	_ =	shalt  }
0x5c: {  	_ =	shalt  }
0x5d: {  	_ =	shalt  }
0x5e: {  	_ =	shalt  }
0x5f: {  	_ =	shalt  }
0x60: {  	_ =	shalt  }
0x61: {  	_ =	shalt  }
0x62: {  	_ =	shalt  }
0x63: {  	_ =	shalt  }
0x64: {  	_ =	shalt  }
0x65: {  	_ =	shalt  }
0x66: {  	_ =	shalt  }
0x67: {  	_ =	shalt  }
0x68: {  	_ =	shalt  }
0x69: {  	_ =	shalt  }
0x6a: {  	_ =	shalt  }
0x6b: {  	_ =	shalt  }
0x6c: {  	_ =	shalt  }
0x6d: {  	_ =	shalt  }
0x6e: {  	_ =	shalt  }
0x6f: {  	_ =	shalt  }
0x70: {  	_ =	shalt  }
0x71: {  	_ =	shalt  }
0x72: {  	_ =	shalt  }
0x73: {  	_ =	shalt  }
0x74: {  	_ =	shalt  }
0x75: {  	_ =	shalt  }
0x76: {  	_ =	shalt  }
0x77: {  	_ =	shalt  }
0x78: {  	_ =	shalt  }
0x79: {  	_ =	shalt  }
0x7a: {  	_ =	shalt  }
0x7b: {  	_ =	shalt  }
0x7c: {  	_ =	shalt  }
0x7d: {  	_ =	shalt  }
0x7e: {  	_ =	shalt  }
0x7f: {  	_ =	shalt  }
0x80: {  	_ =	shalt  }
0x81: {  	_ =	shalt  }
0x82: {  	_ =	shalt  }
0x83: {  	_ =	shalt  }
0x84: {  	_ =	shalt  }
0x85: {  	_ =	shalt  }
0x86: {  	_ =	shalt  }
0x87: {  	_ =	shalt  }
.Lfunc_end0:
.L_simem_size_0:
called_computation.1_lowered:
.L_overlay_start_0:
0x88: {  	s2 =	sld [smem:$0x3FD9]  }
0x89: {  	s3 =	sld [smem:$0x3FFE];
	_ =	sdelay $0x1  }
0x8a: {  	s1 =	srdreg.scid  }
0x8b: {  	s0 =	sand.u32 $0x1, s1  }
0x8c: {  	s17 =	sshll.u32 s0, $0xA;
	s2 =	sadd.s32 s3, s2  }
0x8d: {  	s2 =	sadd.s32 s2, s17  }
0x8e: {  	[smem:$0x3FC4] =	sst s2  }
0x8f: {  	_ = 	snop  }
0x90: {  	s2 =	sld [smem:$0x3FD0];
	(tm) =	ssettm $0x1  }
0x91: {  	s18 =	sld [smem:$0x3FFB];
	_ =	sdelay $0x3  }
0x92: {  	_ =	strace s18  }
0x93: {  	s3 =	sld [smem:$0x3FFC];
	_ =	sdelay $0x3  }
0x94: {  	_ =	strace s3  }
0x95: {  	s3 =	sld [smem:$0x3FFD];
	_ =	sdelay $0x3  }
0x96: {  	_ =	strace s3  }
0x97: {  	_ =	strace $0x8FFFFFFF  }
0x98: {  	s19 =	sld [smem:$0x3FDB];
	_ =	sdelay $0x1  }
0x99: {  	s4 =	simm.s32 $_scs_section_size  }
0x9a: {  	s5 =	simm.s32 $_size__tile_overlayer_lowered;
	s6 =	simm.s32 $_tile_overlayer_lowered  }
0x9b: {  	s22 =	simm.s32 $0x1BFF;
	s21 =	sshll.u32 s6, $0x1;
	s3 =	sadd.s32 s4, s19  }
0x9c: {  	s7 =	simm.s32 $0x0;
	s20 =	sshll.u32 s5, $0x1;
	s5 =	sadd.s32 s21, s3  }
0x9d: {  	[timem:s7], [sflag:s22] =	dma.local [hbm:s5], s20  }
0x9e: {  	_ =	swait.ge [sflag:s22], s20  }
0x9f: {  	s4 =	ssub.s32 $0x0, s20;
	[sflag:s22] =	ssyncset.done $0x0  }
0xa0: {  	[sflag:s22] =	ssyncadd.s32 s4;
	_ =	sdelay $0x1  }
0xa1: {  	s23 =	simm.s32 $0x1B8B  }
0xa2: {  	_ =	swait.ge [sflag:s23], $0x1  }
0xa3: {  	[sflag:s23] =	ssyncset.done $0x0  }
0xa4: {  	s25 =	simm.s32 $0x1B8E;
	s24 =	sld [smem:$0x3FFE];
	[sflag:s23] =	ssyncadd.s32 $0xFFFFFFFF  }
0xa5: {  	s26 =	simm.s32 $execute0_lowered;
	[smem:$0x3FD2] =	sst s25  }
0xa6: {  	s5 =	sshll.u32 s26, $0x1;
	_ =	strace $0x80000049;
	[dreg:$0x1] =	wrdreg $0xFFFFFFFF  }
0xa7: {  	s28 =	simm.s32 $_size_execute0_lowered;
	s3 =	sadd.s32 s3, s5;
	[dreg:$0x0] =	wrdreg $0x0  }
0xa8: {  	s5 =	sshll.u32 s28, $0x1;
	[dreg:$0x2] =	wrdreg s3  }
0xa9: {  	[dreg:$0x3] =	wrdreg s5  }
0xaa: {  	[dreg:$0x4] =	wrdreg $0xC0  }
0xab: {  	_ =	task [dreg:s7], $0x5FFFF  }
0xac: {  	[dreg:$0x1] =	wrdreg $0xFFFFFFFF  }
0xad: {  	[dreg:$0x0] =	wrdreg $0x60  }
0xae: {  	[dreg:$0x2] =	wrdreg s2  }
0xaf: {  	[dreg:$0x3] =	wrdreg s24  }
0xb0: {  	[dreg:$0x4] =	wrdreg $0x98000  }
0xb1: {  	[dreg:$0x5] =	wrdreg $0x9  }
0xb2: {  	_ =	task.clear_ibuf [dreg:s7], $0x6FFFF;
	_ =	strace $0x90000049  }
0xb3: {  	s29 =	simm.s32 $0x9;
	_ =	strace $0x8000004B  }
0xb4: {  	_ =	swait.ge [sflag:s29], $0x1  }
0xb5: {  	[sflag:s29] =	ssyncadd.s32 $0xFFFFFFFF  }
0xb6: {  	_ =	strace $0x9000004B  }
0xb7: {  	_ =	sfence  }
0xb8: {  	s30 =	sld [smem:$0x0];
	_ =	sdelay $0x2  }
0xb9: {  	s31 =	sshll.u32 s1, $0xD;
	s1 =	sshrl.u32 s1, $0x2  }
0xba: {  	s3 =	sand.u32 $0x4000, s31;
	s1 =	sadd.s32 s1, s30  }
0xbb: {  	s0 =	sor.u32 s3, s0;
	s1 =	sshll.u32 s1, $0x11  }
0xbc: {  	s0 =	sor.u32 s1, s0  }
0xbd: {  	s0 =	sadd.s32 $0x8F2B, s0  }
0xbe: {  	[sflag:s0] =	ssyncadd.remote.s32 $0x1  }
0xbf: {  	_ =	sfence.sel $0xFFFF  }
0xc0: {  	[dreg:$0x0] =	wrdreg $0xFFFFFFFF;
	(pc) =	sbr.abs _section_cstart, $3  }
0xc1: {  	[dreg:$0x1] =	wrdreg $0xFFFFFFFF  }
0xc2: {  	_ =	task.clear_ibuf [dreg:s7], $0x2FFFF;
	_ =	strace $0x9FFFFFFF  }
0xc3: {  	(tm) =	ssettm $0x7FFFFFFF  }
tec
execute0_lowered:
.L_overlay_start_1:
0x0: {  	(tag) =	ssettag $0x1  }
0x1: {  	s6 =	rddreg [dreg:$0x0]  }
0x2: {  	s5 =	rddreg [dreg:$0x1]  }
0x3: {  	s1 =	rddreg [dreg:$0x2]  }
0x4: {  	s3 =	simm.s32 $0x0;
	s4 =	srdreg.scid;
	s0 =	stileid.u32  }
0x5: {  	s17 =	simm.s32 $0x13800;
	s18 =	simm.s32 $0x80;
	s19 =	simm.s32 $0x15800  }
0x6: {  	s21 =	simm.s32 $0x17800;
	s22 =	simm.s32 $0x180;
	s23 =	simm.s32 $0x19800  }
0x7: {  	s24 =	simm.s32 $0x1;
	s25 =	simm.s32 $0x2;
	s26 =	simm.s32 $0x3  }
0x8: {  	s28 =	simm.s32 $0x4;
	s7 =	sand.u32 $0x1, s4;
	s4 =	smul.u32 $0x98, s0  }
0x9: {  	s29 =	simm.s32 $0x0;
	[smem:$0x7FF] =	sst s3;
	s9 =	smul.u32 $0xA000, s0  }
0xa: {  	s8 =	sshll.u32 s0, $0x3;
	s12 =	smul.u32 $0x28000, s0;
	p0 =	seq.s32 s7, $0x0  }
0xb: {  	s8 =	sor.u32 $0x980, s8;
	s10 =	smul.u32 $0xA0000, s7;
	_ =	strace $0x8000004A  }
0xc: {  	s7 =	ssub.s32 $0x2, s7;
	s8 =	smov.u32 @p0 s4;
	s4 =	sadd.s32 $0x67000, s5  }
0xd: {  	s30 =	sshrl.u32 s7, $0x1;
	s31 =	sshrl.u32 s12, $0x2;
	s8 =	sshll.u32 s8, $0x4  }
0xe: {  	s10 =	sadd.s32 s9, s10;
	s14 =	ssub.s32 s7, s30;
	s12 =	sadd.s32 s31, s1  }
0xf: {  	s11 =	sadd.s32 s8, s5;
	s10 =	sshrl.u32 s10, $0x3;
	s6 =	sadd.s32 s6, s8  }
0x10: {  	s8 =	sadd.s32 s9, s1;
	s13 =	sadd.s32 s10, s5;
	s5 =	simm.s32 $0x98  }
0x11: {  	s9 =	sadd.s32 $0x2000, s12;
	s14 =	smax.u32 s14, $0x1;
	s5 =	simm.s32 @!p0 $0x8  }
0x12: {  	s7 =	sadd.s32 $0xC600, s11;
	s10 =	sadd.s32 $0x4000, s12;
	s15 =	sshll.u32 s5, $0x9  }
0x13: {  	s11 =	sadd.s32 $0x6000, s12;
	s12 =	sadd.s32 $0x8000, s12;
	s15 =	sadd.s32 $0xFFFFF800, s15  }
0x14: {  	v0 =	vimm.f32 $0.0e+00;
	s13 =	sadd.s32 $0x7B000, s13;
	[dreg:$0x4] =	wrdreg s15;
	s15 =	simm.s32 $0x5  }
.LBB2_1:
0x15: {  	[tilespmem:s3], [sflag:$0x5] =	stream.linear.gather [hbm4b:s6+s3], $0x4C00, $0x38;
	[tilespmem:$0x1B800] =	vst v63  }
0x16: {  	_ =	swait.ge [sflag:s15], $0x4C00  }
0x17: {  	[sflag:s15] =	ssyncset.done $0x0  }
0x18: {  	s0 =	simm.s32 $0x4C00;
	[sflag:s15] =	ssyncadd.s32 $0xFFFFB400  }
0x19: {  	[tilespmem:s0], [sflag:$0x5] =	stream.linear.gather [hbm4b:s7+s3], $0x4C00, $0x38;
	[tilespmem:$0x1B800] =	vst v63  }
0x1a: {  	_ =	swait.ge [sflag:s15], $0x4C00  }
0x1b: {  	[sflag:s15] =	ssyncset.done $0x0  }
0x1c: {  	s31 =	simm.s32 $0x100;
	s30 =	simm.s32 $0x0;
	[sflag:s15] =	ssyncadd.s32 $0xFFFFB400  }
.LBB2_2:
0x1d: {  	p0 =	sne.s32 s31, $0x7F00;
	[tilespmem:s30+$0x13830] =	vst v0;
	s0 =	smov.u32 s31;
	s31 =	sadd.s32 $0x100, s31  }
.Ltmp0:
0x1e: {  	[tilespmem:s30+$0x13820] =	vst v0;
	(pc) =	sbr.rel @p0 .LBB2_2-.Ltmp0, $3  }
0x1f: {  	[tilespmem:s30+$0x13800] =	vst v0  }
0x20: {  	[tilespmem:s30+$0x13810] =	vst v0;
	_ =	sdelay $0x1  }
0x21: {  	s30 =	sshra.s32 s0, $0x2  }
0x22: {  	[tilespmem:s30+$0x13830] =	vst v0  }
0x23: {  	[tilespmem:s30+$0x13820] =	vst v0  }
0x24: {  	[tilespmem:s30+$0x13800] =	vst v0  }
0x25: {  	[tilespmem:s30+$0x13810] =	vst v0  }
0x26: {  	[spmem:s8] =	stream.linear.scatter [tilespmem:s17], [sflag:$0x5], $0x2000, $0x38;
	[tilespmem:$0x1B800] =	vst v63  }
0x27: {  	_ =	swait.ge [sflag:s15], $0x2000  }
0x28: {  	[sflag:s15] =	ssyncset.done $0x0  }
0x29: {  	[sflag:s15] =	ssyncadd.s32 $0xFFFFE000  }
0x2a: {  	[spmem:s9] =	stream.linear.scatter [tilespmem:s17], [sflag:$0x5], $0x2000, $0x38;
	[tilespmem:$0x1B800] =	vst v63  }
0x2b: {  	_ =	swait.ge [sflag:s15], $0x2000  }
0x2c: {  	[sflag:s15] =	ssyncset.done $0x0  }
0x2d: {  	[sflag:s15] =	ssyncadd.s32 $0xFFFFE000  }
0x2e: {  	[spmem:s10] =	stream.linear.scatter [tilespmem:s17], [sflag:$0x5], $0x2000, $0x38;
	[tilespmem:$0x1B800] =	vst v63  }
0x2f: {  	_ =	swait.ge [sflag:s15], $0x2000  }
0x30: {  	[sflag:s15] =	ssyncset.done $0x0  }
0x31: {  	[sflag:s15] =	ssyncadd.s32 $0xFFFFE000  }
0x32: {  	[spmem:s11] =	stream.linear.scatter [tilespmem:s17], [sflag:$0x5], $0x2000, $0x38;
	[tilespmem:$0x1B800] =	vst v63  }
0x33: {  	_ =	swait.ge [sflag:s15], $0x2000  }
0x34: {  	[sflag:s15] =	ssyncset.done $0x0  }
0x35: {  	[sflag:s15] =	ssyncadd.s32 $0xFFFFE000  }
0x36: {  	[spmem:s12] =	stream.linear.scatter [tilespmem:s17], [sflag:$0x5], $0x2000, $0x38;
	[tilespmem:$0x1B800] =	vst v63  }
0x37: {  	_ =	swait.ge [sflag:s15], $0x2000  }
0x38: {  	[sflag:s15] =	ssyncset.done $0x0  }
0x39: {  	[sflag:s15] =	ssyncadd.s32 $0xFFFFE000  }
0x3a: {  	s30 =	simm.s32 $0x0;
	[bflag:$0x0] =	sbarrier.arrive $0xFFFF  }
0x3b: {  	[tilespmem:s17], [sflag:$0x1] =	stream.indirect.gather [hbm4b:s4+s18], $0x40, s30, s18, $0xb8;
	[tilespmem:$0x1B800] =	vst v63  }
0x3c: {  	_ = 	snop  }
0x3d: {  	[tilespmem:s19], [sflag:$0x2] =	stream.indirect.gather [hbm4b:s4+s18], $0x40, s18, s18, $0xb8;
	[tilespmem:$0x1B800] =	vst v63  }
0x3e: {  	s0 =	simm.s32 $0x100  }
0x3f: {  	[tilespmem:s21], [sflag:$0x3] =	stream.indirect.gather [hbm4b:s4+s18], $0x40, s0, s18, $0xb8;
	[tilespmem:$0x1B800] =	vst v63  }
0x40: {  	s31 =	simm.s32 $0x7  }
0x41: {  	[tilespmem:s23], [sflag:$0x4] =	stream.indirect.gather [hbm4b:s4+s18], $0x40, s22, s18, $0xb8;
	[tilespmem:$0x1B800] =	vst v63  }
.LBB2_4:
0x42: {  	_ =	swait.ge [sflag:s24], $0x2000  }
0x43: {  	s0 =	sshra.s32 s30, $0x2;
	[sflag:s24] =	ssyncset.done $0x0  }
0x44: {  	s20 =	sadd.s32 $0xFFFFFFFD, s31;
	s2 =	sadd.s32 $0x4C00, s0;
	[sflag:s24] =	ssyncadd.s32 $0xFFFFE000  }
0x45: {  	[spmem:s1] =	stream.indirect.scatter.add.f32 [tilespmem:s17], [sflag:$0x5], $0x40, s2, s18, $0xb8;
	[tilespmem:$0x1B800] =	vst v63  }
0x46: {  	p0 =	sge.u32 s20, s5;
	_ =	swait.ge [sflag:s15], $0x2000  }
0x47: {  	s16 =	simm.s32 @!p0 $0x80;
	s2 =	sshra.s32 @!p0 s30, $0x2;
	[sflag:s15] =	ssyncset.done $0x0  }
0x48: {  	s20 =	simm.s32 @!p0 $0x13800;
	s2 =	sadd.s32 @!p0 $0x200, s2;
	[sflag:s15] =	ssyncadd.s32 $0xFFFFE000  }
0x49: {  	[tilespmem:s20], [sflag:$0x1] =	stream.indirect.gather @!p0 [hbm4b:s4+s16], $0x40, s2, s16, $0xb8;
	[tilespmem:$0x1B800] =	vst v63  }
0x4a: {  	_ =	swait.ge [sflag:s25], $0x2000  }
0x4b: {  	[sflag:s25] =	ssyncset.done $0x0  }
0x4c: {  	s16 =	sadd.s32 $0x4C80, s0;
	s20 =	sadd.s32 $0xFFFFFFFE, s31;
	[sflag:s25] =	ssyncadd.s32 $0xFFFFE000  }
0x4d: {  	[spmem:s1] =	stream.indirect.scatter.add.f32 [tilespmem:s19], [sflag:$0x5], $0x40, s16, s18, $0xb8;
	[tilespmem:$0x1B800] =	vst v63  }
0x4e: {  	p0 =	sge.u32 s20, s5;
	_ =	swait.ge [sflag:s15], $0x2000  }
0x4f: {  	s2 =	sshra.s32 @!p0 s30, $0x2;
	s20 =	simm.s32 @!p0 $0x15800;
	[sflag:s15] =	ssyncset.done $0x0  }
0x50: {  	s2 =	sadd.s32 @!p0 $0x280, s2;
	s16 =	simm.s32 @!p0 $0x80;
	[sflag:s15] =	ssyncadd.s32 $0xFFFFE000  }
0x51: {  	[tilespmem:s20], [sflag:$0x2] =	stream.indirect.gather @!p0 [hbm4b:s4+s16], $0x40, s2, s16, $0xb8;
	[tilespmem:$0x1B800] =	vst v63  }
0x52: {  	_ =	swait.ge [sflag:s26], $0x2000  }
0x53: {  	[sflag:s26] =	ssyncset.done $0x0  }
0x54: {  	s16 =	sadd.s32 $0x4D00, s0;
	s20 =	sadd.s32 $0xFFFFFFFF, s31;
	[sflag:s26] =	ssyncadd.s32 $0xFFFFE000  }
0x55: {  	[spmem:s1] =	stream.indirect.scatter.add.f32 [tilespmem:s21], [sflag:$0x5], $0x40, s16, s18, $0xb8;
	[tilespmem:$0x1B800] =	vst v63  }
0x56: {  	p0 =	sge.u32 s20, s5;
	_ =	swait.ge [sflag:s15], $0x2000  }
0x57: {  	s2 =	sshra.s32 @!p0 s30, $0x2;
	s20 =	simm.s32 @!p0 $0x17800;
	[sflag:s15] =	ssyncset.done $0x0  }
0x58: {  	s2 =	sadd.s32 @!p0 $0x300, s2;
	s16 =	simm.s32 @!p0 $0x80;
	[sflag:s15] =	ssyncadd.s32 $0xFFFFE000  }
0x59: {  	[tilespmem:s20], [sflag:$0x3] =	stream.indirect.gather @!p0 [hbm4b:s4+s16], $0x40, s2, s16, $0xb8;
	[tilespmem:$0x1B800] =	vst v63  }
0x5a: {  	_ =	swait.ge [sflag:s28], $0x2000  }
0x5b: {  	[sflag:s28] =	ssyncset.done $0x0  }
0x5c: {  	s0 =	sadd.s32 $0x4D80, s0;
	p0 =	sge.u32 s31, s5;
	[sflag:s28] =	ssyncadd.s32 $0xFFFFE000  }
0x5d: {  	[spmem:s1] =	stream.indirect.scatter.add.f32 [tilespmem:s23], [sflag:$0x5], $0x40, s0, s18, $0xb8;
	[tilespmem:$0x1B800] =	vst v63  }
0x5e: {  	s2 =	simm.s32 @!p0 $0x80;
	s16 =	simm.s32 @!p0 $0x19800;
	_ =	swait.ge [sflag:s15], $0x2000  }
0x5f: {  	s0 =	sshra.s32 @!p0 s30, $0x2;
	s30 =	sadd.s32 $0x800, s30;
	[sflag:s15] =	ssyncset.done $0x0  }
0x60: {  	s0 =	sadd.s32 @!p0 $0x380, s0;
	s20 =	rddreg [dreg:$0x4];
	[sflag:s15] =	ssyncadd.s32 $0xFFFFE000  }
0x61: {  	[tilespmem:s16], [sflag:$0x4] =	stream.indirect.gather @!p0 [hbm4b:s4+s2], $0x40, s0, s2, $0xb8;
	[tilespmem:$0x1B800] =	vst v63  }
0x62: {  	p0 =	sne.s32 s20, s30  }
.Ltmp1:
0x63: {  	_ = 	snop;
	(pc) =	sbr.rel @p0 .LBB2_4-.Ltmp1, $2  }
0x64: {  	_ =	sdelay $0x2  }
0x65: {  	s31 =	sadd.s32 $0x4, s31  }
0x66: {  	_ =	swait.ge [sflag:s24], $0x2000  }
0x67: {  	s0 =	sshra.s32 s30, $0x2;
	[sflag:s24] =	ssyncset.done $0x0  }
0x68: {  	s20 =	sadd.s32 $0xFFFFFFFD, s31;
	s2 =	sadd.s32 $0x4C00, s0;
	[sflag:s24] =	ssyncadd.s32 $0xFFFFE000  }
0x69: {  	[spmem:s1] =	stream.indirect.scatter.add.f32 [tilespmem:s17], [sflag:$0x5], $0x40, s2, s18, $0xb8;
	[tilespmem:$0x1B800] =	vst v63  }
0x6a: {  	p0 =	sge.u32 s20, s5;
	_ =	swait.ge [sflag:s15], $0x2000  }
0x6b: {  	s16 =	simm.s32 @!p0 $0x80;
	s2 =	sshra.s32 @!p0 s30, $0x2;
	[sflag:s15] =	ssyncset.done $0x0  }
0x6c: {  	s20 =	simm.s32 @!p0 $0x13800;
	s2 =	sadd.s32 @!p0 $0x200, s2;
	[sflag:s15] =	ssyncadd.s32 $0xFFFFE000  }
0x6d: {  	[tilespmem:s20], [sflag:$0x1] =	stream.indirect.gather @!p0 [hbm4b:s4+s16], $0x40, s2, s16, $0xb8;
	[tilespmem:$0x1B800] =	vst v63  }
0x6e: {  	_ =	swait.ge [sflag:s25], $0x2000  }
0x6f: {  	[sflag:s25] =	ssyncset.done $0x0  }
0x70: {  	s16 =	sadd.s32 $0x4C80, s0;
	s20 =	sadd.s32 $0xFFFFFFFE, s31;
	[sflag:s25] =	ssyncadd.s32 $0xFFFFE000  }
0x71: {  	[spmem:s1] =	stream.indirect.scatter.add.f32 [tilespmem:s19], [sflag:$0x5], $0x40, s16, s18, $0xb8;
	[tilespmem:$0x1B800] =	vst v63  }
0x72: {  	p0 =	sge.u32 s20, s5;
	_ =	swait.ge [sflag:s15], $0x2000  }
0x73: {  	s2 =	sshra.s32 @!p0 s30, $0x2;
	s20 =	simm.s32 @!p0 $0x15800;
	[sflag:s15] =	ssyncset.done $0x0  }
0x74: {  	s2 =	sadd.s32 @!p0 $0x280, s2;
	s16 =	simm.s32 @!p0 $0x80;
	[sflag:s15] =	ssyncadd.s32 $0xFFFFE000  }
0x75: {  	[tilespmem:s20], [sflag:$0x2] =	stream.indirect.gather @!p0 [hbm4b:s4+s16], $0x40, s2, s16, $0xb8;
	[tilespmem:$0x1B800] =	vst v63  }
0x76: {  	_ =	swait.ge [sflag:s26], $0x2000  }
0x77: {  	[sflag:s26] =	ssyncset.done $0x0  }
0x78: {  	s16 =	sadd.s32 $0x4D00, s0;
	s20 =	sadd.s32 $0xFFFFFFFF, s31;
	[sflag:s26] =	ssyncadd.s32 $0xFFFFE000  }
0x79: {  	[spmem:s1] =	stream.indirect.scatter.add.f32 [tilespmem:s21], [sflag:$0x5], $0x40, s16, s18, $0xb8;
	[tilespmem:$0x1B800] =	vst v63  }
0x7a: {  	p0 =	sge.u32 s20, s5;
	_ =	swait.ge [sflag:s15], $0x2000  }
0x7b: {  	s2 =	sshra.s32 @!p0 s30, $0x2;
	s20 =	simm.s32 @!p0 $0x17800;
	[sflag:s15] =	ssyncset.done $0x0  }
0x7c: {  	s2 =	sadd.s32 @!p0 $0x300, s2;
	s16 =	simm.s32 @!p0 $0x80;
	[sflag:s15] =	ssyncadd.s32 $0xFFFFE000  }
0x7d: {  	[tilespmem:s20], [sflag:$0x3] =	stream.indirect.gather @!p0 [hbm4b:s4+s16], $0x40, s2, s16, $0xb8;
	[tilespmem:$0x1B800] =	vst v63  }
0x7e: {  	_ =	swait.ge [sflag:s28], $0x2000  }
0x7f: {  	[sflag:s28] =	ssyncset.done $0x0  }
0x80: {  	s0 =	sadd.s32 $0x4D80, s0;
	p0 =	sge.u32 s31, s5;
	[sflag:s28] =	ssyncadd.s32 $0xFFFFE000  }
0x81: {  	[spmem:s1] =	stream.indirect.scatter.add.f32 [tilespmem:s23], [sflag:$0x5], $0x40, s0, s18, $0xb8;
	[tilespmem:$0x1B800] =	vst v63  }
0x82: {  	s29 =	sadd.s32 $0x1, s29;
	s2 =	simm.s32 @!p0 $0x80;
	_ =	swait.ge [sflag:s15], $0x2000  }
0x83: {  	s16 =	simm.s32 @!p0 $0x19800;
	s0 =	sshra.s32 @!p0 s30, $0x2;
	[sflag:s15] =	ssyncset.done $0x0  }
0x84: {  	s30 =	stileid.u32;
	s0 =	sadd.s32 @!p0 $0x380, s0;
	[sflag:s15] =	ssyncadd.s32 $0xFFFFE000  }
0x85: {  	[tilespmem:s16], [sflag:$0x4] =	stream.indirect.gather @!p0 [hbm4b:s4+s2], $0x40, s0, s2, $0xb8;
	[tilespmem:$0x1B800] =	vst v63  }
0x86: {  	s31 =	sshrl.u32 s8, $0x3;
	s0 =	sshll.u32 s30, $0x6;
	p0 =	sne.s32 s29, s14  }
.Ltmp2:
0x87: {  	[bflag:$0x0] =	sbarrier.arrive $0xFFFF;
	s0 =	sor.u32 $0x1C05, s0;
	(pc) =	sbr.rel @p0 .LBB2_1-.Ltmp2, $4  }
0x88: {  	[hbm:s13], [sflag:s0] =	dma.local [spmem:s31], $0x1400  }
0x89: {  	_ =	swait.ge [sflag:s15], $0x1400  }
0x8a: {  	[sflag:s15] =	ssyncset.done $0x0  }
0x8b: {  	[sflag:s15] =	ssyncadd.s32 $0xFFFFEC00  }
0x8c: {  	_ =	sfence.sel $0x180000  }
0x8d: {  	[bflag:$0x0] =	sbarrier.arrive $0xFFFF  }
0x8e: {  	_ =	strace $0x9000004A  }
0x8f: {  	s0 =	stileid.u32;
	[bflag:$0x2] =	sbarrier.arrive $0xFFFF  }
0x90: {  	p0 =	sne.s32 s0, $0x0;
	s0 =	rddreg [dreg:$0x3]  }
0x91: {  	s0 =	sadd.s32 @!p0 $0x100000, s0  }
0x92: {  	[sflag:s0] =	ssyncadd.tile.s32 @!p0 $0x1;
	_ =	shalt  }
.Lfunc_end2:
_tile_overlayer_lowered:
.L_overlay_start_2:
0x93: {  	(tag) =	ssettag $0x2  }
0x94: {  	s0 =	rddreg [dreg:$0x0];
	s2 =	stileid.u32  }
0x95: {  	s1 =	rddreg [dreg:$0x1];
	p0 =	sne.s32 s2, $0x0  }
0x96: {  	s3 =	rddreg [dreg:$0x2];
	[bflag:$0x3] =	sbarrier.arrive $0xFFFF;
	s2 =	simm.s32 @!p0 $0x1C05  }
0x97: {  	[timem:s3], [sflag:s2] =	dma.local @!p0 [hbm:s0], s1  }
0x98: {  	s0 =	simm.s32 @!p0 $0x5  }
0x99: {  	_ =	swait.ge @!p0 [sflag:s0], s1  }
0x9a: {  	s1 =	ssub.s32 @!p0 $0x0, s1;
	[sflag:s0] =	ssyncset.done @!p0 $0x0  }
0x9b: {  	[sflag:s0] =	ssyncadd.s32 @!p0 s1  }
0x9c: {  	[bflag:$0x3] =	sbarrier.arrive $0xFFFF  }
0x9d: {  	_ =	shalt  }

// kernel: kernel.14.cloned.1.call-start
scs
__scs_entry_jumppad:
0x0: {  	(pc) =	sbr.rel $0x88, $3  }
0x1: {  	(tag) =	ssettag $0x0;
	lr =	simm.s32 $0x1  }
0x2: {  	[smem:$0x3F9D] =	sst lr;
	_ =	strace $0xD0000000  }
0x3: {  	_ = 	snop  }
0x4: {  	_ = 	snop  }
0x5: {  	_ = 	snop  }
0x6: {  	_ = 	snop  }
0x7: {  	_ = 	snop  }
__scs_overlays_trampoline_lowered:
0x8: {  	[smem:$0x3FAC] =	sst s0  }
0x9: {  	[smem:$0x3FAD] =	sst s1  }
0xa: {  	[smem:$0x3FAE] =	sst s2  }
0xb: {  	[smem:$0x3FAF] =	sst s3  }
0xc: {  	[smem:$0x3FB0] =	sst s4  }
0xd: {  	[smem:$0x3FB1] =	sst s5  }
0xe: {  	[smem:$0x3FB2] =	sst s6  }
0xf: {  	[smem:$0x3FB3] =	sst s7  }
0x10: {  	[smem:$0x3FB4] =	sst s8  }
0x11: {  	[smem:$0x3FB5] =	sst s9;
	s0 =	simm.s32 @!p0 $0x0  }
0x12: {  	s1 =	sld [smem:$0x3F9B];
	s0 =	simm.s32 @p0 $0x1  }
0x13: {  	[smem:$0x3FB6] =	sst s0;
	s0 =	simm.s32 @!p1 $0x0  }
0x14: {  	s2 =	sld [smem:$0x3F9A];
	s0 =	simm.s32 @p1 $0x1  }
0x15: {  	[smem:$0x3FB7] =	sst s0;
	s0 =	simm.s32 @!p2 $0x0  }
0x16: {  	s3 =	sld [smem:$0x3FDB];
	s0 =	simm.s32 @p2 $0x1  }
0x17: {  	s4 =	simm.s32 $0x1BF5;
	[smem:$0x3FB9] =	sst s0  }
0x18: {  	s0 =	sld [smem:$0x3F9C];
	_ =	swait.ge [sflag:s4], $0x0  }
0x19: {  	s7 =	sld [smem:$0x3F9D]  }
0x1a: {  	s8 =	sadd.s32 $0xFFFFE003, lr  }
0x1b: {  	s9 =	sadd.s32 $0xFFFFFEF7, lr;
	s5 =	simm.s32 $0xFFFFFFFF;
	p2 =	slt.u32 s8, $0xFFFFF086  }
0x1c: {  	p1 =	slt.u32 s9, $0xF7A;
	s5 =	simm.s32 @!p2 $0x0  }
0x1d: {  	s5 =	simm.s32 @p1 $0x1;
	p0 =	seq.s32 s7, s2  }
0x1e: {  	s7 =	smul.u32 @!p0 $0xF7A, s2;
	p2 =	seq.s32 @!p0 s5, $0x0  }
0x1f: {  	s9 =	smul.u32 $0xF7A, s1;
	s8 =	simm.s32 @!p0 $0x1BF5;
	p2 =	por !p2, p0  }
0x20: {  	[sflag:s8] =	ssyncset.s32 @!p0 $0xFFFFF086;
	s6 =	sadd.s32 @!p0 s3, s7;
	s7 =	simm.s32 @!p0 $0x108  }
0x21: {  	s3 =	sadd.s32 s3, s9;
	s6 =	sadd.s32 @!p0 $0x88, s6;
	s7 =	simm.s32 @p2 $0x1082  }
0x22: {  	[simem:s7], [sflag:s8] =	dma.local @!p0 [hbm:s6], $0xF7A  }
0x23: {  	s9 =	sor.u32 $0xD0000000, s2;
	s6 =	simm.s32 $0x108;
	_ =	swait.ge @!p0 [sflag:s8], $0x0  }
0x24: {  	s3 =	sadd.s32 $0x88, s3;
	s6 =	simm.s32 @!p1 $0x1082;
	[sflag:s4] =	ssyncset.s32 $0xFFFFF086  }
0x25: {  	[simem:s6], [sflag:s4] =	dma.local [hbm:s3], $0xF7A  }
0x26: {  	[smem:$0x3F9D] =	sst s1;
	(tag) =	ssettag s2;
	_ =	strace s9  }
0x27: {  	s1 =	sld [smem:$0x3FAD]  }
0x28: {  	s2 =	sld [smem:$0x3FAE]  }
0x29: {  	s4 =	sld [smem:$0x3FB0]  }
0x2a: {  	p0 =	seq.s32 s5, $0x0;
	s5 =	sld [smem:$0x3FB1]  }
0x2b: {  	s6 =	sld [smem:$0x3FB2]  }
0x2c: {  	s7 =	sld [smem:$0x3FB3]  }
0x2d: {  	s3 =	simm.s32 $0x108;
	s8 =	sld [smem:$0x3FB4]  }
0x2e: {  	s3 =	simm.s32 @!p0 $0x1082;
	s9 =	sld [smem:$0x3FB5]  }
0x2f: {  	lr =	sadd.s32 s0, s3;
	s0 =	sld [smem:$0x3FAC]  }
0x30: {  	s3 =	sld [smem:$0x3FAF]  }
0x31: {  	[smem:$0x3FB8] =	sst s10  }
0x32: {  	s10 =	sld [smem:$0x3FB6];
	_ =	sdelay $0x3  }
0x33: {  	p0 =	seq.s32 s10, $0x1;
	s10 =	sld [smem:$0x3FB8];
	_ =	sdelay $0x3  }
0x34: {  	[smem:$0x3FB8] =	sst s10  }
0x35: {  	s10 =	sld [smem:$0x3FB7];
	_ =	sdelay $0x3  }
0x36: {  	p1 =	seq.s32 s10, $0x1;
	s10 =	sld [smem:$0x3FB8];
	_ =	sdelay $0x3  }
0x37: {  	[smem:$0x3FB8] =	sst s10  }
0x38: {  	s10 =	sld [smem:$0x3FB9]  }
0x39: {  	_ = 	snop;
	(pc) =	sbr.ind lr, $3  }
0x3a: {  	_ = 	snop  }
0x3b: {  	_ = 	snop  }
0x3c: {  	p2 =	seq.s32 s10, $0x1;
	s10 =	sld [smem:$0x3FB8]  }
0x3d: {  	_ =	shalt  }
0x3e: {  	_ =	shalt  }
0x3f: {  	_ =	shalt  }
0x40: {  	_ =	shalt  }
0x41: {  	_ =	shalt  }
0x42: {  	_ =	shalt  }
0x43: {  	_ =	shalt  }
0x44: {  	_ =	shalt  }
0x45: {  	_ =	shalt  }
0x46: {  	_ =	shalt  }
0x47: {  	_ =	shalt  }
0x48: {  	_ =	shalt  }
0x49: {  	_ =	shalt  }
0x4a: {  	_ =	shalt  }
0x4b: {  	_ =	shalt  }
0x4c: {  	_ =	shalt  }
0x4d: {  	_ =	shalt  }
0x4e: {  	_ =	shalt  }
0x4f: {  	_ =	shalt  }
0x50: {  	_ =	shalt  }
0x51: {  	_ =	shalt  }
0x52: {  	_ =	shalt  }
0x53: {  	_ =	shalt  }
0x54: {  	_ =	shalt  }
0x55: {  	_ =	shalt  }
0x56: {  	_ =	shalt  }
0x57: {  	_ =	shalt  }
0x58: {  	_ =	shalt  }
0x59: {  	_ =	shalt  }
0x5a: {  	_ =	shalt  }
0x5b: {  	_ =	shalt  }
0x5c: {  	_ =	shalt  }
0x5d: {  	_ =	shalt  }
0x5e: {  	_ =	shalt  }
0x5f: {  	_ =	shalt  }
0x60: {  	_ =	shalt  }
0x61: {  	_ =	shalt  }
0x62: {  	_ =	shalt  }
0x63: {  	_ =	shalt  }
0x64: {  	_ =	shalt  }
0x65: {  	_ =	shalt  }
0x66: {  	_ =	shalt  }
0x67: {  	_ =	shalt  }
0x68: {  	_ =	shalt  }
0x69: {  	_ =	shalt  }
0x6a: {  	_ =	shalt  }
0x6b: {  	_ =	shalt  }
0x6c: {  	_ =	shalt  }
0x6d: {  	_ =	shalt  }
0x6e: {  	_ =	shalt  }
0x6f: {  	_ =	shalt  }
0x70: {  	_ =	shalt  }
0x71: {  	_ =	shalt  }
0x72: {  	_ =	shalt  }
0x73: {  	_ =	shalt  }
0x74: {  	_ =	shalt  }
0x75: {  	_ =	shalt  }
0x76: {  	_ =	shalt  }
0x77: {  	_ =	shalt  }
0x78: {  	_ =	shalt  }
0x79: {  	_ =	shalt  }
0x7a: {  	_ =	shalt  }
0x7b: {  	_ =	shalt  }
0x7c: {  	_ =	shalt  }
0x7d: {  	_ =	shalt  }
0x7e: {  	_ =	shalt  }
0x7f: {  	_ =	shalt  }
0x80: {  	_ =	shalt  }
0x81: {  	_ =	shalt  }
0x82: {  	_ =	shalt  }
0x83: {  	_ =	shalt  }
0x84: {  	_ =	shalt  }
0x85: {  	_ =	shalt  }
0x86: {  	_ =	shalt  }
0x87: {  	_ =	shalt  }
.Lfunc_end0:
.L_simem_size_0:
called_computation.2_lowered:
.L_overlay_start_0:
0x88: {  	s2 =	sld [smem:$0x3FD9]  }
0x89: {  	s3 =	sld [smem:$0x3FFE];
	_ =	sdelay $0x1  }
0x8a: {  	s1 =	srdreg.scid  }
0x8b: {  	s0 =	sand.u32 $0x1, s1  }
0x8c: {  	s17 =	sshll.u32 s0, $0xA;
	s2 =	sadd.s32 s3, s2  }
0x8d: {  	s2 =	sadd.s32 s2, s17  }
0x8e: {  	[smem:$0x3FC4] =	sst s2  }
0x8f: {  	_ = 	snop  }
0x90: {  	s2 =	sld [smem:$0x3FD0];
	(tm) =	ssettm $0x1  }
0x91: {  	s18 =	sld [smem:$0x3FFB];
	_ =	sdelay $0x3  }
0x92: {  	_ =	strace s18  }
0x93: {  	s3 =	sld [smem:$0x3FFC];
	_ =	sdelay $0x3  }
0x94: {  	_ =	strace s3  }
0x95: {  	s3 =	sld [smem:$0x3FFD];
	_ =	sdelay $0x3  }
0x96: {  	_ =	strace s3  }
0x97: {  	_ =	strace $0x8FFFFFFF  }
0x98: {  	s19 =	sld [smem:$0x3FDB];
	_ =	sdelay $0x1  }
0x99: {  	s4 =	simm.s32 $_scs_section_size  }
0x9a: {  	s5 =	simm.s32 $_size__tile_overlayer_lowered;
	s6 =	simm.s32 $_tile_overlayer_lowered  }
0x9b: {  	s22 =	simm.s32 $0x1BFF;
	s21 =	sshll.u32 s6, $0x1;
	s3 =	sadd.s32 s4, s19  }
0x9c: {  	s7 =	simm.s32 $0x0;
	s20 =	sshll.u32 s5, $0x1;
	s5 =	sadd.s32 s21, s3  }
0x9d: {  	[timem:s7], [sflag:s22] =	dma.local [hbm:s5], s20  }
0x9e: {  	_ =	swait.ge [sflag:s22], s20  }
0x9f: {  	s4 =	ssub.s32 $0x0, s20;
	[sflag:s22] =	ssyncset.done $0x0  }
0xa0: {  	[sflag:s22] =	ssyncadd.s32 s4;
	_ =	sdelay $0x1  }
0xa1: {  	s23 =	simm.s32 $0x1B8B  }
0xa2: {  	_ =	swait.ge [sflag:s23], $0x1  }
0xa3: {  	[sflag:s23] =	ssyncset.done $0x0  }
0xa4: {  	s25 =	simm.s32 $0x1B8E;
	s24 =	sld [smem:$0x3FFE];
	[sflag:s23] =	ssyncadd.s32 $0xFFFFFFFF  }
0xa5: {  	s26 =	simm.s32 $execute0_lowered;
	[smem:$0x3FD2] =	sst s25  }
0xa6: {  	s5 =	sshll.u32 s26, $0x1;
	_ =	strace $0x8000004C;
	[dreg:$0x1] =	wrdreg $0xFFFFFFFF  }
0xa7: {  	s28 =	simm.s32 $_size_execute0_lowered;
	s3 =	sadd.s32 s3, s5;
	[dreg:$0x0] =	wrdreg $0x0  }
0xa8: {  	s5 =	sshll.u32 s28, $0x1;
	[dreg:$0x2] =	wrdreg s3  }
0xa9: {  	[dreg:$0x3] =	wrdreg s5  }
0xaa: {  	[dreg:$0x4] =	wrdreg $0xC0  }
0xab: {  	_ =	task [dreg:s7], $0x5FFFF  }
0xac: {  	[dreg:$0x1] =	wrdreg $0xFFFFFFFF  }
0xad: {  	[dreg:$0x0] =	wrdreg $0x60  }
0xae: {  	[dreg:$0x2] =	wrdreg s2  }
0xaf: {  	[dreg:$0x3] =	wrdreg s24  }
0xb0: {  	[dreg:$0x4] =	wrdreg $0x98000  }
0xb1: {  	[dreg:$0x5] =	wrdreg $0x9  }
0xb2: {  	_ =	task.clear_ibuf [dreg:s7], $0x6FFFF;
	_ =	strace $0x9000004C  }
0xb3: {  	s29 =	simm.s32 $0x9;
	_ =	strace $0x8000004E  }
0xb4: {  	_ =	swait.ge [sflag:s29], $0x1  }
0xb5: {  	[sflag:s29] =	ssyncadd.s32 $0xFFFFFFFF  }
0xb6: {  	_ =	strace $0x9000004E  }
0xb7: {  	_ =	sfence  }
0xb8: {  	s30 =	sld [smem:$0x0];
	_ =	sdelay $0x2  }
0xb9: {  	s31 =	sshll.u32 s1, $0xD;
	s1 =	sshrl.u32 s1, $0x2  }
0xba: {  	s3 =	sand.u32 $0x4000, s31;
	s1 =	sadd.s32 s1, s30  }
0xbb: {  	s0 =	sor.u32 s3, s0;
	s1 =	sshll.u32 s1, $0x11  }
0xbc: {  	s0 =	sor.u32 s1, s0  }
0xbd: {  	s0 =	sadd.s32 $0x8F2B, s0  }
0xbe: {  	[sflag:s0] =	ssyncadd.remote.s32 $0x1  }
0xbf: {  	_ =	sfence.sel $0xFFFF  }
0xc0: {  	[dreg:$0x0] =	wrdreg $0xFFFFFFFF;
	(pc) =	sbr.abs _section_cstart, $3  }
0xc1: {  	[dreg:$0x1] =	wrdreg $0xFFFFFFFF  }
0xc2: {  	_ =	task.clear_ibuf [dreg:s7], $0x2FFFF;
	_ =	strace $0x9FFFFFFF  }
0xc3: {  	(tm) =	ssettm $0x7FFFFFFF  }
tec
execute0_lowered:
.L_overlay_start_1:
0x0: {  	(tag) =	ssettag $0x1  }
0x1: {  	s6 =	rddreg [dreg:$0x0]  }
0x2: {  	s5 =	rddreg [dreg:$0x1]  }
0x3: {  	s1 =	rddreg [dreg:$0x2]  }
0x4: {  	s3 =	simm.s32 $0x0;
	s4 =	srdreg.scid;
	s0 =	stileid.u32  }
0x5: {  	s17 =	simm.s32 $0x13800;
	s18 =	simm.s32 $0x80;
	s19 =	simm.s32 $0x15800  }
0x6: {  	s21 =	simm.s32 $0x17800;
	s22 =	simm.s32 $0x180;
	s23 =	simm.s32 $0x19800  }
0x7: {  	s24 =	simm.s32 $0x1;
	s25 =	simm.s32 $0x2;
	s26 =	simm.s32 $0x3  }
0x8: {  	s28 =	simm.s32 $0x4;
	s7 =	sand.u32 $0x1, s4;
	s4 =	smul.u32 $0x98, s0  }
0x9: {  	s29 =	simm.s32 $0x0;
	[smem:$0x7FF] =	sst s3;
	s9 =	smul.u32 $0xA000, s0  }
0xa: {  	s8 =	sshll.u32 s0, $0x3;
	s12 =	smul.u32 $0x28000, s0;
	p0 =	seq.s32 s7, $0x0  }
0xb: {  	s8 =	sor.u32 $0x980, s8;
	s10 =	smul.u32 $0xA0000, s7;
	_ =	strace $0x8000004D  }
0xc: {  	s7 =	ssub.s32 $0x2, s7;
	s8 =	smov.u32 @p0 s4;
	s4 =	sadd.s32 $0x3F000, s5  }
0xd: {  	s30 =	sshrl.u32 s7, $0x1;
	s31 =	sshrl.u32 s12, $0x2;
	s8 =	sshll.u32 s8, $0x4  }
0xe: {  	s10 =	sadd.s32 s9, s10;
	s14 =	ssub.s32 s7, s30;
	s12 =	sadd.s32 s31, s1  }
0xf: {  	s11 =	sadd.s32 s8, s5;
	s10 =	sshrl.u32 s10, $0x3;
	s6 =	sadd.s32 s6, s8  }
0x10: {  	s8 =	sadd.s32 s9, s1;
	s13 =	sadd.s32 s10, s5;
	s5 =	simm.s32 $0x98  }
0x11: {  	s9 =	sadd.s32 $0x2000, s12;
	s14 =	smax.u32 s14, $0x1;
	s5 =	simm.s32 @!p0 $0x8  }
0x12: {  	s7 =	sadd.s32 $0xC600, s11;
	s10 =	sadd.s32 $0x4000, s12;
	s15 =	sshll.u32 s5, $0x9  }
0x13: {  	s11 =	sadd.s32 $0x6000, s12;
	s12 =	sadd.s32 $0x8000, s12;
	s15 =	sadd.s32 $0xFFFFF800, s15  }
0x14: {  	v0 =	vimm.f32 $0.0e+00;
	s13 =	sadd.s32 $0x53000, s13;
	[dreg:$0x4] =	wrdreg s15;
	s15 =	simm.s32 $0x5  }
.LBB2_1:
0x15: {  	[tilespmem:s3], [sflag:$0x5] =	stream.linear.gather [hbm4b:s6+s3], $0x4C00, $0x38;
	[tilespmem:$0x1B800] =	vst v63  }
0x16: {  	_ =	swait.ge [sflag:s15], $0x4C00  }
0x17: {  	[sflag:s15] =	ssyncset.done $0x0  }
0x18: {  	s0 =	simm.s32 $0x4C00;
	[sflag:s15] =	ssyncadd.s32 $0xFFFFB400  }
0x19: {  	[tilespmem:s0], [sflag:$0x5] =	stream.linear.gather [hbm4b:s7+s3], $0x4C00, $0x38;
	[tilespmem:$0x1B800] =	vst v63  }
0x1a: {  	_ =	swait.ge [sflag:s15], $0x4C00  }
0x1b: {  	[sflag:s15] =	ssyncset.done $0x0  }
0x1c: {  	s31 =	simm.s32 $0x100;
	s30 =	simm.s32 $0x0;
	[sflag:s15] =	ssyncadd.s32 $0xFFFFB400  }
.LBB2_2:
0x1d: {  	p0 =	sne.s32 s31, $0x7F00;
	[tilespmem:s30+$0x13830] =	vst v0;
	s0 =	smov.u32 s31;
	s31 =	sadd.s32 $0x100, s31  }
.Ltmp0:
0x1e: {  	[tilespmem:s30+$0x13820] =	vst v0;
	(pc) =	sbr.rel @p0 .LBB2_2-.Ltmp0, $3  }
0x1f: {  	[tilespmem:s30+$0x13800] =	vst v0  }
0x20: {  	[tilespmem:s30+$0x13810] =	vst v0;
	_ =	sdelay $0x1  }
0x21: {  	s30 =	sshra.s32 s0, $0x2  }
0x22: {  	[tilespmem:s30+$0x13830] =	vst v0  }
0x23: {  	[tilespmem:s30+$0x13820] =	vst v0  }
0x24: {  	[tilespmem:s30+$0x13800] =	vst v0  }
0x25: {  	[tilespmem:s30+$0x13810] =	vst v0  }
0x26: {  	[spmem:s8] =	stream.linear.scatter [tilespmem:s17], [sflag:$0x5], $0x2000, $0x38;
	[tilespmem:$0x1B800] =	vst v63  }
0x27: {  	_ =	swait.ge [sflag:s15], $0x2000  }
0x28: {  	[sflag:s15] =	ssyncset.done $0x0  }
0x29: {  	[sflag:s15] =	ssyncadd.s32 $0xFFFFE000  }
0x2a: {  	[spmem:s9] =	stream.linear.scatter [tilespmem:s17], [sflag:$0x5], $0x2000, $0x38;
	[tilespmem:$0x1B800] =	vst v63  }
0x2b: {  	_ =	swait.ge [sflag:s15], $0x2000  }
0x2c: {  	[sflag:s15] =	ssyncset.done $0x0  }
0x2d: {  	[sflag:s15] =	ssyncadd.s32 $0xFFFFE000  }
0x2e: {  	[spmem:s10] =	stream.linear.scatter [tilespmem:s17], [sflag:$0x5], $0x2000, $0x38;
	[tilespmem:$0x1B800] =	vst v63  }
0x2f: {  	_ =	swait.ge [sflag:s15], $0x2000  }
0x30: {  	[sflag:s15] =	ssyncset.done $0x0  }
0x31: {  	[sflag:s15] =	ssyncadd.s32 $0xFFFFE000  }
0x32: {  	[spmem:s11] =	stream.linear.scatter [tilespmem:s17], [sflag:$0x5], $0x2000, $0x38;
	[tilespmem:$0x1B800] =	vst v63  }
0x33: {  	_ =	swait.ge [sflag:s15], $0x2000  }
0x34: {  	[sflag:s15] =	ssyncset.done $0x0  }
0x35: {  	[sflag:s15] =	ssyncadd.s32 $0xFFFFE000  }
0x36: {  	[spmem:s12] =	stream.linear.scatter [tilespmem:s17], [sflag:$0x5], $0x2000, $0x38;
	[tilespmem:$0x1B800] =	vst v63  }
0x37: {  	_ =	swait.ge [sflag:s15], $0x2000  }
0x38: {  	[sflag:s15] =	ssyncset.done $0x0  }
0x39: {  	[sflag:s15] =	ssyncadd.s32 $0xFFFFE000  }
0x3a: {  	s30 =	simm.s32 $0x0;
	[bflag:$0x0] =	sbarrier.arrive $0xFFFF  }
0x3b: {  	[tilespmem:s17], [sflag:$0x1] =	stream.indirect.gather [hbm4b:s4+s18], $0x40, s30, s18, $0xb8;
	[tilespmem:$0x1B800] =	vst v63  }
0x3c: {  	_ = 	snop  }
0x3d: {  	[tilespmem:s19], [sflag:$0x2] =	stream.indirect.gather [hbm4b:s4+s18], $0x40, s18, s18, $0xb8;
	[tilespmem:$0x1B800] =	vst v63  }
0x3e: {  	s0 =	simm.s32 $0x100  }
0x3f: {  	[tilespmem:s21], [sflag:$0x3] =	stream.indirect.gather [hbm4b:s4+s18], $0x40, s0, s18, $0xb8;
	[tilespmem:$0x1B800] =	vst v63  }
0x40: {  	s31 =	simm.s32 $0x7  }
0x41: {  	[tilespmem:s23], [sflag:$0x4] =	stream.indirect.gather [hbm4b:s4+s18], $0x40, s22, s18, $0xb8;
	[tilespmem:$0x1B800] =	vst v63  }
.LBB2_4:
0x42: {  	_ =	swait.ge [sflag:s24], $0x2000  }
0x43: {  	s0 =	sshra.s32 s30, $0x2;
	[sflag:s24] =	ssyncset.done $0x0  }
0x44: {  	s20 =	sadd.s32 $0xFFFFFFFD, s31;
	s2 =	sadd.s32 $0x4C00, s0;
	[sflag:s24] =	ssyncadd.s32 $0xFFFFE000  }
0x45: {  	[spmem:s1] =	stream.indirect.scatter.add.f32 [tilespmem:s17], [sflag:$0x5], $0x40, s2, s18, $0xb8;
	[tilespmem:$0x1B800] =	vst v63  }
0x46: {  	p0 =	sge.u32 s20, s5;
	_ =	swait.ge [sflag:s15], $0x2000  }
0x47: {  	s16 =	simm.s32 @!p0 $0x80;
	s2 =	sshra.s32 @!p0 s30, $0x2;
	[sflag:s15] =	ssyncset.done $0x0  }
0x48: {  	s20 =	simm.s32 @!p0 $0x13800;
	s2 =	sadd.s32 @!p0 $0x200, s2;
	[sflag:s15] =	ssyncadd.s32 $0xFFFFE000  }
0x49: {  	[tilespmem:s20], [sflag:$0x1] =	stream.indirect.gather @!p0 [hbm4b:s4+s16], $0x40, s2, s16, $0xb8;
	[tilespmem:$0x1B800] =	vst v63  }
0x4a: {  	_ =	swait.ge [sflag:s25], $0x2000  }
0x4b: {  	[sflag:s25] =	ssyncset.done $0x0  }
0x4c: {  	s16 =	sadd.s32 $0x4C80, s0;
	s20 =	sadd.s32 $0xFFFFFFFE, s31;
	[sflag:s25] =	ssyncadd.s32 $0xFFFFE000  }
0x4d: {  	[spmem:s1] =	stream.indirect.scatter.add.f32 [tilespmem:s19], [sflag:$0x5], $0x40, s16, s18, $0xb8;
	[tilespmem:$0x1B800] =	vst v63  }
0x4e: {  	p0 =	sge.u32 s20, s5;
	_ =	swait.ge [sflag:s15], $0x2000  }
0x4f: {  	s2 =	sshra.s32 @!p0 s30, $0x2;
	s20 =	simm.s32 @!p0 $0x15800;
	[sflag:s15] =	ssyncset.done $0x0  }
0x50: {  	s2 =	sadd.s32 @!p0 $0x280, s2;
	s16 =	simm.s32 @!p0 $0x80;
	[sflag:s15] =	ssyncadd.s32 $0xFFFFE000  }
0x51: {  	[tilespmem:s20], [sflag:$0x2] =	stream.indirect.gather @!p0 [hbm4b:s4+s16], $0x40, s2, s16, $0xb8;
	[tilespmem:$0x1B800] =	vst v63  }
0x52: {  	_ =	swait.ge [sflag:s26], $0x2000  }
0x53: {  	[sflag:s26] =	ssyncset.done $0x0  }
0x54: {  	s16 =	sadd.s32 $0x4D00, s0;
	s20 =	sadd.s32 $0xFFFFFFFF, s31;
	[sflag:s26] =	ssyncadd.s32 $0xFFFFE000  }
0x55: {  	[spmem:s1] =	stream.indirect.scatter.add.f32 [tilespmem:s21], [sflag:$0x5], $0x40, s16, s18, $0xb8;
	[tilespmem:$0x1B800] =	vst v63  }
0x56: {  	p0 =	sge.u32 s20, s5;
	_ =	swait.ge [sflag:s15], $0x2000  }
0x57: {  	s2 =	sshra.s32 @!p0 s30, $0x2;
	s20 =	simm.s32 @!p0 $0x17800;
	[sflag:s15] =	ssyncset.done $0x0  }
0x58: {  	s2 =	sadd.s32 @!p0 $0x300, s2;
	s16 =	simm.s32 @!p0 $0x80;
	[sflag:s15] =	ssyncadd.s32 $0xFFFFE000  }
0x59: {  	[tilespmem:s20], [sflag:$0x3] =	stream.indirect.gather @!p0 [hbm4b:s4+s16], $0x40, s2, s16, $0xb8;
	[tilespmem:$0x1B800] =	vst v63  }
0x5a: {  	_ =	swait.ge [sflag:s28], $0x2000  }
0x5b: {  	[sflag:s28] =	ssyncset.done $0x0  }
0x5c: {  	s0 =	sadd.s32 $0x4D80, s0;
	p0 =	sge.u32 s31, s5;
	[sflag:s28] =	ssyncadd.s32 $0xFFFFE000  }
0x5d: {  	[spmem:s1] =	stream.indirect.scatter.add.f32 [tilespmem:s23], [sflag:$0x5], $0x40, s0, s18, $0xb8;
	[tilespmem:$0x1B800] =	vst v63  }
0x5e: {  	s2 =	simm.s32 @!p0 $0x80;
	s16 =	simm.s32 @!p0 $0x19800;
	_ =	swait.ge [sflag:s15], $0x2000  }
0x5f: {  	s0 =	sshra.s32 @!p0 s30, $0x2;
	s30 =	sadd.s32 $0x800, s30;
	[sflag:s15] =	ssyncset.done $0x0  }
0x60: {  	s0 =	sadd.s32 @!p0 $0x380, s0;
	s20 =	rddreg [dreg:$0x4];
	[sflag:s15] =	ssyncadd.s32 $0xFFFFE000  }
0x61: {  	[tilespmem:s16], [sflag:$0x4] =	stream.indirect.gather @!p0 [hbm4b:s4+s2], $0x40, s0, s2, $0xb8;
	[tilespmem:$0x1B800] =	vst v63  }
0x62: {  	p0 =	sne.s32 s20, s30  }
.Ltmp1:
0x63: {  	_ = 	snop;
	(pc) =	sbr.rel @p0 .LBB2_4-.Ltmp1, $2  }
0x64: {  	_ =	sdelay $0x2  }
0x65: {  	s31 =	sadd.s32 $0x4, s31  }
0x66: {  	_ =	swait.ge [sflag:s24], $0x2000  }
0x67: {  	s0 =	sshra.s32 s30, $0x2;
	[sflag:s24] =	ssyncset.done $0x0  }
0x68: {  	s20 =	sadd.s32 $0xFFFFFFFD, s31;
	s2 =	sadd.s32 $0x4C00, s0;
	[sflag:s24] =	ssyncadd.s32 $0xFFFFE000  }
0x69: {  	[spmem:s1] =	stream.indirect.scatter.add.f32 [tilespmem:s17], [sflag:$0x5], $0x40, s2, s18, $0xb8;
	[tilespmem:$0x1B800] =	vst v63  }
0x6a: {  	p0 =	sge.u32 s20, s5;
	_ =	swait.ge [sflag:s15], $0x2000  }
0x6b: {  	s16 =	simm.s32 @!p0 $0x80;
	s2 =	sshra.s32 @!p0 s30, $0x2;
	[sflag:s15] =	ssyncset.done $0x0  }
0x6c: {  	s20 =	simm.s32 @!p0 $0x13800;
	s2 =	sadd.s32 @!p0 $0x200, s2;
	[sflag:s15] =	ssyncadd.s32 $0xFFFFE000  }
0x6d: {  	[tilespmem:s20], [sflag:$0x1] =	stream.indirect.gather @!p0 [hbm4b:s4+s16], $0x40, s2, s16, $0xb8;
	[tilespmem:$0x1B800] =	vst v63  }
0x6e: {  	_ =	swait.ge [sflag:s25], $0x2000  }
0x6f: {  	[sflag:s25] =	ssyncset.done $0x0  }
0x70: {  	s16 =	sadd.s32 $0x4C80, s0;
	s20 =	sadd.s32 $0xFFFFFFFE, s31;
	[sflag:s25] =	ssyncadd.s32 $0xFFFFE000  }
0x71: {  	[spmem:s1] =	stream.indirect.scatter.add.f32 [tilespmem:s19], [sflag:$0x5], $0x40, s16, s18, $0xb8;
	[tilespmem:$0x1B800] =	vst v63  }
0x72: {  	p0 =	sge.u32 s20, s5;
	_ =	swait.ge [sflag:s15], $0x2000  }
0x73: {  	s2 =	sshra.s32 @!p0 s30, $0x2;
	s20 =	simm.s32 @!p0 $0x15800;
	[sflag:s15] =	ssyncset.done $0x0  }
0x74: {  	s2 =	sadd.s32 @!p0 $0x280, s2;
	s16 =	simm.s32 @!p0 $0x80;
	[sflag:s15] =	ssyncadd.s32 $0xFFFFE000  }
0x75: {  	[tilespmem:s20], [sflag:$0x2] =	stream.indirect.gather @!p0 [hbm4b:s4+s16], $0x40, s2, s16, $0xb8;
	[tilespmem:$0x1B800] =	vst v63  }
0x76: {  	_ =	swait.ge [sflag:s26], $0x2000  }
0x77: {  	[sflag:s26] =	ssyncset.done $0x0  }
0x78: {  	s16 =	sadd.s32 $0x4D00, s0;
	s20 =	sadd.s32 $0xFFFFFFFF, s31;
	[sflag:s26] =	ssyncadd.s32 $0xFFFFE000  }
0x79: {  	[spmem:s1] =	stream.indirect.scatter.add.f32 [tilespmem:s21], [sflag:$0x5], $0x40, s16, s18, $0xb8;
	[tilespmem:$0x1B800] =	vst v63  }
0x7a: {  	p0 =	sge.u32 s20, s5;
	_ =	swait.ge [sflag:s15], $0x2000  }
0x7b: {  	s2 =	sshra.s32 @!p0 s30, $0x2;
	s20 =	simm.s32 @!p0 $0x17800;
	[sflag:s15] =	ssyncset.done $0x0  }
0x7c: {  	s2 =	sadd.s32 @!p0 $0x300, s2;
	s16 =	simm.s32 @!p0 $0x80;
	[sflag:s15] =	ssyncadd.s32 $0xFFFFE000  }
0x7d: {  	[tilespmem:s20], [sflag:$0x3] =	stream.indirect.gather @!p0 [hbm4b:s4+s16], $0x40, s2, s16, $0xb8;
	[tilespmem:$0x1B800] =	vst v63  }
0x7e: {  	_ =	swait.ge [sflag:s28], $0x2000  }
0x7f: {  	[sflag:s28] =	ssyncset.done $0x0  }
0x80: {  	s0 =	sadd.s32 $0x4D80, s0;
	p0 =	sge.u32 s31, s5;
	[sflag:s28] =	ssyncadd.s32 $0xFFFFE000  }
0x81: {  	[spmem:s1] =	stream.indirect.scatter.add.f32 [tilespmem:s23], [sflag:$0x5], $0x40, s0, s18, $0xb8;
	[tilespmem:$0x1B800] =	vst v63  }
0x82: {  	s29 =	sadd.s32 $0x1, s29;
	s2 =	simm.s32 @!p0 $0x80;
	_ =	swait.ge [sflag:s15], $0x2000  }
0x83: {  	s16 =	simm.s32 @!p0 $0x19800;
	s0 =	sshra.s32 @!p0 s30, $0x2;
	[sflag:s15] =	ssyncset.done $0x0  }
0x84: {  	s30 =	stileid.u32;
	s0 =	sadd.s32 @!p0 $0x380, s0;
	[sflag:s15] =	ssyncadd.s32 $0xFFFFE000  }
0x85: {  	[tilespmem:s16], [sflag:$0x4] =	stream.indirect.gather @!p0 [hbm4b:s4+s2], $0x40, s0, s2, $0xb8;
	[tilespmem:$0x1B800] =	vst v63  }
0x86: {  	s31 =	sshrl.u32 s8, $0x3;
	s0 =	sshll.u32 s30, $0x6;
	p0 =	sne.s32 s29, s14  }
.Ltmp2:
0x87: {  	[bflag:$0x0] =	sbarrier.arrive $0xFFFF;
	s0 =	sor.u32 $0x1C05, s0;
	(pc) =	sbr.rel @p0 .LBB2_1-.Ltmp2, $4  }
0x88: {  	[hbm:s13], [sflag:s0] =	dma.local [spmem:s31], $0x1400  }
0x89: {  	_ =	swait.ge [sflag:s15], $0x1400  }
0x8a: {  	[sflag:s15] =	ssyncset.done $0x0  }
0x8b: {  	[sflag:s15] =	ssyncadd.s32 $0xFFFFEC00  }
0x8c: {  	_ =	sfence.sel $0x180000  }
0x8d: {  	[bflag:$0x0] =	sbarrier.arrive $0xFFFF  }
0x8e: {  	_ =	strace $0x9000004D  }
0x8f: {  	s0 =	stileid.u32;
	[bflag:$0x2] =	sbarrier.arrive $0xFFFF  }
0x90: {  	p0 =	sne.s32 s0, $0x0;
	s0 =	rddreg [dreg:$0x3]  }
0x91: {  	s0 =	sadd.s32 @!p0 $0x100000, s0  }
0x92: {  	[sflag:s0] =	ssyncadd.tile.s32 @!p0 $0x1;
	_ =	shalt  }
.Lfunc_end2:
_tile_overlayer_lowered:
.L_overlay_start_2:
0x93: {  	(tag) =	ssettag $0x2  }
0x94: {  	s0 =	rddreg [dreg:$0x0];
	s2 =	stileid.u32  }
0x95: {  	s1 =	rddreg [dreg:$0x1];
	p0 =	sne.s32 s2, $0x0  }
0x96: {  	s3 =	rddreg [dreg:$0x2];
	[bflag:$0x3] =	sbarrier.arrive $0xFFFF;
	s2 =	simm.s32 @!p0 $0x1C05  }
0x97: {  	[timem:s3], [sflag:s2] =	dma.local @!p0 [hbm:s0], s1  }
0x98: {  	s0 =	simm.s32 @!p0 $0x5  }
0x99: {  	_ =	swait.ge @!p0 [sflag:s0], s1  }
0x9a: {  	s1 =	ssub.s32 @!p0 $0x0, s1;
	[sflag:s0] =	ssyncset.done @!p0 $0x0  }
0x9b: {  	[sflag:s0] =	ssyncadd.s32 @!p0 s1  }
0x9c: {  	[bflag:$0x3] =	sbarrier.arrive $0xFFFF  }
0x9d: {  	_ =	shalt  }

// kernel: kernel.8.cloned.1.call-start
scs
__scs_entry_jumppad:
0x0: {  	(pc) =	sbr.rel $0x88, $3  }
0x1: {  	(tag) =	ssettag $0x0;
	lr =	simm.s32 $0x1  }
0x2: {  	[smem:$0x3F9D] =	sst lr;
	_ =	strace $0xD0000000  }
0x3: {  	_ = 	snop  }
0x4: {  	_ = 	snop  }
0x5: {  	_ = 	snop  }
0x6: {  	_ = 	snop  }
0x7: {  	_ = 	snop  }
__scs_overlays_trampoline_lowered:
0x8: {  	[smem:$0x3FAC] =	sst s0  }
0x9: {  	[smem:$0x3FAD] =	sst s1  }
0xa: {  	[smem:$0x3FAE] =	sst s2  }
0xb: {  	[smem:$0x3FAF] =	sst s3  }
0xc: {  	[smem:$0x3FB0] =	sst s4  }
0xd: {  	[smem:$0x3FB1] =	sst s5  }
0xe: {  	[smem:$0x3FB2] =	sst s6  }
0xf: {  	[smem:$0x3FB3] =	sst s7  }
0x10: {  	[smem:$0x3FB4] =	sst s8  }
0x11: {  	[smem:$0x3FB5] =	sst s9;
	s0 =	simm.s32 @!p0 $0x0  }
0x12: {  	s1 =	sld [smem:$0x3F9B];
	s0 =	simm.s32 @p0 $0x1  }
0x13: {  	[smem:$0x3FB6] =	sst s0;
	s0 =	simm.s32 @!p1 $0x0  }
0x14: {  	s2 =	sld [smem:$0x3F9A];
	s0 =	simm.s32 @p1 $0x1  }
0x15: {  	[smem:$0x3FB7] =	sst s0;
	s0 =	simm.s32 @!p2 $0x0  }
0x16: {  	s3 =	sld [smem:$0x3FDB];
	s0 =	simm.s32 @p2 $0x1  }
0x17: {  	s4 =	simm.s32 $0x1BF5;
	[smem:$0x3FB9] =	sst s0  }
0x18: {  	s0 =	sld [smem:$0x3F9C];
	_ =	swait.ge [sflag:s4], $0x0  }
0x19: {  	s7 =	sld [smem:$0x3F9D]  }
0x1a: {  	s8 =	sadd.s32 $0xFFFFE003, lr  }
0x1b: {  	s9 =	sadd.s32 $0xFFFFFEF7, lr;
	s5 =	simm.s32 $0xFFFFFFFF;
	p2 =	slt.u32 s8, $0xFFFFF086  }
0x1c: {  	p1 =	slt.u32 s9, $0xF7A;
	s5 =	simm.s32 @!p2 $0x0  }
0x1d: {  	s5 =	simm.s32 @p1 $0x1;
	p0 =	seq.s32 s7, s2  }
0x1e: {  	s7 =	smul.u32 @!p0 $0xF7A, s2;
	p2 =	seq.s32 @!p0 s5, $0x0  }
0x1f: {  	s9 =	smul.u32 $0xF7A, s1;
	s8 =	simm.s32 @!p0 $0x1BF5;
	p2 =	por !p2, p0  }
0x20: {  	[sflag:s8] =	ssyncset.s32 @!p0 $0xFFFFF086;
	s6 =	sadd.s32 @!p0 s3, s7;
	s7 =	simm.s32 @!p0 $0x108  }
0x21: {  	s3 =	sadd.s32 s3, s9;
	s6 =	sadd.s32 @!p0 $0x88, s6;
	s7 =	simm.s32 @p2 $0x1082  }
0x22: {  	[simem:s7], [sflag:s8] =	dma.local @!p0 [hbm:s6], $0xF7A  }
0x23: {  	s9 =	sor.u32 $0xD0000000, s2;
	s6 =	simm.s32 $0x108;
	_ =	swait.ge @!p0 [sflag:s8], $0x0  }
0x24: {  	s3 =	sadd.s32 $0x88, s3;
	s6 =	simm.s32 @!p1 $0x1082;
	[sflag:s4] =	ssyncset.s32 $0xFFFFF086  }
0x25: {  	[simem:s6], [sflag:s4] =	dma.local [hbm:s3], $0xF7A  }
0x26: {  	[smem:$0x3F9D] =	sst s1;
	(tag) =	ssettag s2;
	_ =	strace s9  }
0x27: {  	s1 =	sld [smem:$0x3FAD]  }
0x28: {  	s2 =	sld [smem:$0x3FAE]  }
0x29: {  	s4 =	sld [smem:$0x3FB0]  }
0x2a: {  	p0 =	seq.s32 s5, $0x0;
	s5 =	sld [smem:$0x3FB1]  }
0x2b: {  	s6 =	sld [smem:$0x3FB2]  }
0x2c: {  	s7 =	sld [smem:$0x3FB3]  }
0x2d: {  	s3 =	simm.s32 $0x108;
	s8 =	sld [smem:$0x3FB4]  }
0x2e: {  	s3 =	simm.s32 @!p0 $0x1082;
	s9 =	sld [smem:$0x3FB5]  }
0x2f: {  	lr =	sadd.s32 s0, s3;
	s0 =	sld [smem:$0x3FAC]  }
0x30: {  	s3 =	sld [smem:$0x3FAF]  }
0x31: {  	[smem:$0x3FB8] =	sst s10  }
0x32: {  	s10 =	sld [smem:$0x3FB6];
	_ =	sdelay $0x3  }
0x33: {  	p0 =	seq.s32 s10, $0x1;
	s10 =	sld [smem:$0x3FB8];
	_ =	sdelay $0x3  }
0x34: {  	[smem:$0x3FB8] =	sst s10  }
0x35: {  	s10 =	sld [smem:$0x3FB7];
	_ =	sdelay $0x3  }
0x36: {  	p1 =	seq.s32 s10, $0x1;
	s10 =	sld [smem:$0x3FB8];
	_ =	sdelay $0x3  }
0x37: {  	[smem:$0x3FB8] =	sst s10  }
0x38: {  	s10 =	sld [smem:$0x3FB9]  }
0x39: {  	_ = 	snop;
	(pc) =	sbr.ind lr, $3  }
0x3a: {  	_ = 	snop  }
0x3b: {  	_ = 	snop  }
0x3c: {  	p2 =	seq.s32 s10, $0x1;
	s10 =	sld [smem:$0x3FB8]  }
0x3d: {  	_ =	shalt  }
0x3e: {  	_ =	shalt  }
0x3f: {  	_ =	shalt  }
0x40: {  	_ =	shalt  }
0x41: {  	_ =	shalt  }
0x42: {  	_ =	shalt  }
0x43: {  	_ =	shalt  }
0x44: {  	_ =	shalt  }
0x45: {  	_ =	shalt  }
0x46: {  	_ =	shalt  }
0x47: {  	_ =	shalt  }
0x48: {  	_ =	shalt  }
0x49: {  	_ =	shalt  }
0x4a: {  	_ =	shalt  }
0x4b: {  	_ =	shalt  }
0x4c: {  	_ =	shalt  }
0x4d: {  	_ =	shalt  }
0x4e: {  	_ =	shalt  }
0x4f: {  	_ =	shalt  }
0x50: {  	_ =	shalt  }
0x51: {  	_ =	shalt  }
0x52: {  	_ =	shalt  }
0x53: {  	_ =	shalt  }
0x54: {  	_ =	shalt  }
0x55: {  	_ =	shalt  }
0x56: {  	_ =	shalt  }
0x57: {  	_ =	shalt  }
0x58: {  	_ =	shalt  }
0x59: {  	_ =	shalt  }
0x5a: {  	_ =	shalt  }
0x5b: {  	_ =	shalt  }
0x5c: {  	_ =	shalt  }
0x5d: {  	_ =	shalt  }
0x5e: {  	_ =	shalt  }
0x5f: {  	_ =	shalt  }
0x60: {  	_ =	shalt  }
0x61: {  	_ =	shalt  }
0x62: {  	_ =	shalt  }
0x63: {  	_ =	shalt  }
0x64: {  	_ =	shalt  }
0x65: {  	_ =	shalt  }
0x66: {  	_ =	shalt  }
0x67: {  	_ =	shalt  }
0x68: {  	_ =	shalt  }
0x69: {  	_ =	shalt  }
0x6a: {  	_ =	shalt  }
0x6b: {  	_ =	shalt  }
0x6c: {  	_ =	shalt  }
0x6d: {  	_ =	shalt  }
0x6e: {  	_ =	shalt  }
0x6f: {  	_ =	shalt  }
0x70: {  	_ =	shalt  }
0x71: {  	_ =	shalt  }
0x72: {  	_ =	shalt  }
0x73: {  	_ =	shalt  }
0x74: {  	_ =	shalt  }
0x75: {  	_ =	shalt  }
0x76: {  	_ =	shalt  }
0x77: {  	_ =	shalt  }
0x78: {  	_ =	shalt  }
0x79: {  	_ =	shalt  }
0x7a: {  	_ =	shalt  }
0x7b: {  	_ =	shalt  }
0x7c: {  	_ =	shalt  }
0x7d: {  	_ =	shalt  }
0x7e: {  	_ =	shalt  }
0x7f: {  	_ =	shalt  }
0x80: {  	_ =	shalt  }
0x81: {  	_ =	shalt  }
0x82: {  	_ =	shalt  }
0x83: {  	_ =	shalt  }
0x84: {  	_ =	shalt  }
0x85: {  	_ =	shalt  }
0x86: {  	_ =	shalt  }
0x87: {  	_ =	shalt  }
.Lfunc_end0:
.L_simem_size_0:
called_computation_lowered:
.L_overlay_start_0:
0x88: {  	s2 =	sld [smem:$0x3FD9]  }
0x89: {  	s3 =	sld [smem:$0x3FFE];
	_ =	sdelay $0x1  }
0x8a: {  	s1 =	srdreg.scid  }
0x8b: {  	s0 =	sand.u32 $0x1, s1  }
0x8c: {  	s16 =	sshll.u32 s0, $0xA;
	s2 =	sadd.s32 s3, s2  }
0x8d: {  	s2 =	sadd.s32 s2, s16  }
0x8e: {  	[smem:$0x3FC4] =	sst s2  }
0x8f: {  	_ = 	snop  }
0x90: {  	(tm) =	ssettm $0x1  }
0x91: {  	s17 =	sld [smem:$0x3FFB];
	_ =	sdelay $0x3  }
0x92: {  	_ =	strace s17  }
0x93: {  	s2 =	sld [smem:$0x3FFC];
	_ =	sdelay $0x3  }
0x94: {  	_ =	strace s2  }
0x95: {  	s2 =	sld [smem:$0x3FFD];
	_ =	sdelay $0x3  }
0x96: {  	_ =	strace s2  }
0x97: {  	_ =	strace $0x8FFFFFFF  }
0x98: {  	s18 =	sld [smem:$0x3FDB];
	_ =	sdelay $0x1  }
0x99: {  	s19 =	simm.s32 $_scs_section_size  }
0x9a: {  	s4 =	simm.s32 $_size__tile_overlayer_lowered;
	s5 =	simm.s32 $_tile_overlayer_lowered  }
0x9b: {  	s22 =	simm.s32 $0x1BFF;
	s21 =	sshll.u32 s5, $0x1;
	s2 =	sadd.s32 s19, s18  }
0x9c: {  	s6 =	simm.s32 $0x0;
	s20 =	sshll.u32 s4, $0x1;
	s4 =	sadd.s32 s21, s2  }
0x9d: {  	[timem:s6], [sflag:s22] =	dma.local [hbm:s4], s20  }
0x9e: {  	_ =	swait.ge [sflag:s22], s20  }
0x9f: {  	s3 =	ssub.s32 $0x0, s20;
	[sflag:s22] =	ssyncset.done $0x0  }
0xa0: {  	[sflag:s22] =	ssyncadd.s32 s3;
	_ =	sdelay $0x1  }
0xa1: {  	s23 =	simm.s32 $0x1B8B  }
0xa2: {  	_ =	swait.ge [sflag:s23], $0x1  }
0xa3: {  	[sflag:s23] =	ssyncset.done $0x0  }
0xa4: {  	s25 =	simm.s32 $0x1B8E;
	s24 =	sld [smem:$0x3FFE];
	[sflag:s23] =	ssyncadd.s32 $0xFFFFFFFF  }
0xa5: {  	s26 =	simm.s32 $execute0_lowered;
	[smem:$0x3FD2] =	sst s25  }
0xa6: {  	s4 =	sshll.u32 s26, $0x1;
	_ =	strace $0x80000046;
	[dreg:$0x1] =	wrdreg $0xFFFFFFFF  }
0xa7: {  	s28 =	simm.s32 $_size_execute0_lowered;
	s2 =	sadd.s32 s2, s4;
	[dreg:$0x0] =	wrdreg $0x0  }
0xa8: {  	s4 =	sshll.u32 s28, $0x1;
	[dreg:$0x2] =	wrdreg s2  }
0xa9: {  	[dreg:$0x3] =	wrdreg s4  }
0xaa: {  	[dreg:$0x4] =	wrdreg $0xC0  }
0xab: {  	_ =	task [dreg:s6], $0x5FFFF  }
0xac: {  	[dreg:$0x1] =	wrdreg $0xFFFFFFFF  }
0xad: {  	[dreg:$0x0] =	wrdreg $0x60  }
0xae: {  	[dreg:$0x2] =	wrdreg s24  }
0xaf: {  	[dreg:$0x3] =	wrdreg $0x7A800  }
0xb0: {  	[dreg:$0x4] =	wrdreg $0x9  }
0xb1: {  	_ =	task.clear_ibuf [dreg:s6], $0x5FFFF;
	_ =	strace $0x90000046  }
0xb2: {  	s29 =	simm.s32 $0x9;
	_ =	strace $0x80000048  }
0xb3: {  	_ =	swait.ge [sflag:s29], $0x1  }
0xb4: {  	[sflag:s29] =	ssyncadd.s32 $0xFFFFFFFF  }
0xb5: {  	_ =	strace $0x90000048  }
0xb6: {  	_ =	sfence  }
0xb7: {  	s30 =	sld [smem:$0x0];
	_ =	sdelay $0x2  }
0xb8: {  	s31 =	sshll.u32 s1, $0xD;
	s1 =	sshrl.u32 s1, $0x2  }
0xb9: {  	s3 =	sand.u32 $0x4000, s31;
	s1 =	sadd.s32 s1, s30  }
0xba: {  	s0 =	sor.u32 s3, s0;
	s1 =	sshll.u32 s1, $0x11  }
0xbb: {  	s0 =	sor.u32 s1, s0  }
0xbc: {  	s0 =	sadd.s32 $0x8F2B, s0  }
0xbd: {  	[sflag:s0] =	ssyncadd.remote.s32 $0x1  }
0xbe: {  	_ =	sfence.sel $0xFFFF  }
0xbf: {  	[dreg:$0x0] =	wrdreg $0xFFFFFFFF;
	(pc) =	sbr.abs _section_cstart, $3  }
0xc0: {  	[dreg:$0x1] =	wrdreg $0xFFFFFFFF  }
0xc1: {  	_ =	task.clear_ibuf [dreg:s6], $0x2FFFF;
	_ =	strace $0x9FFFFFFF  }
0xc2: {  	(tm) =	ssettm $0x7FFFFFFF  }
0xc3: {  	_ =	shalt  }
tec
execute0_lowered:
.L_overlay_start_1:
0x0: {  	(tag) =	ssettag $0x1  }
0x1: {  	s0 =	srdreg.scid  }
0x2: {  	s7 =	stileid.u32;
	s1 =	rddreg [dreg:$0x0]  }
0x3: {  	s3 =	rddreg [dreg:$0x1];
	s4 =	simm.s32 $0x0;
	s0 =	sand.u32 $0x1, s0  }
0x4: {  	s2 =	sshll.u32 s7, $0x1;
	[smem:$0x7FF] =	sst s4;
	s12 =	smul.u32 $0x500, s7  }
0x5: {  	s13 =	sshrl.u32 s7, $0x3;
	s6 =	smul.u32 $0x5000, s7;
	s15 =	sshll.u32 s7, $0x7  }
0x6: {  	s2 =	sor.u32 s0, s2;
	_ =	strace $0x80000047;
	s5 =	sshll.u32 s0, $0x7  }
0x7: {  	s0 =	ssub.s32 $0x2, s0;
	s2 =	smul.u32 $0x500, s2;
	s4 =	sor.u32 s5, s12  }
0x8: {  	s5 =	smul.u32 $0x50000, s13;
	s14 =	sshrl.u32 s0, $0x1;
	s6 =	sshrl.u32 s6, $0x2  }
0x9: {  	s4 =	sshrl.u32 s4, $0x3;
	s0 =	ssub.s32 s0, s14;
	s2 =	sadd.s32 s2, s1  }
0xa: {  	s1 =	sadd.s32 s4, s1;
	s5 =	sshrl.u32 s5, $0x2;
	s0 =	smax.u32 s0, $0x1  }
0xb: {  	s4 =	sand.u32 $0x380, s15;
	s2 =	sadd.s32 $0x1C00, s2;
	[dreg:$0x15] =	wrdreg s0  }
0xc: {  	s5 =	sadd.s32 s5, s3;
	s1 =	sadd.s32 $0xBC00, s1;
	[dreg:$0x3] =	wrdreg s2  }
0xd: {  	s16 =	sadd.s32 s4, s5;
	s5 =	sadd.s32 s6, s3;
	[dreg:$0x14] =	wrdreg s1  }
0xe: {  	[dreg:$0x4] =	wrdreg s16;
	s17 =	sadd.s32 $0x80, s5  }
0xf: {  	s18 =	sadd.s32 $0x100, s5;
	[dreg:$0x5] =	wrdreg s17  }
0x10: {  	s19 =	sadd.s32 $0x180, s5;
	[dreg:$0x6] =	wrdreg s18  }
0x11: {  	s20 =	sadd.s32 $0x200, s5;
	[dreg:$0x7] =	wrdreg s19  }
0x12: {  	s21 =	sadd.s32 $0x280, s5;
	[dreg:$0x8] =	wrdreg s20  }
0x13: {  	s22 =	sadd.s32 $0x300, s5;
	[dreg:$0x9] =	wrdreg s21  }
0x14: {  	s23 =	sadd.s32 $0x380, s5;
	[dreg:$0xa] =	wrdreg s22  }
0x15: {  	s24 =	sadd.s32 $0x14000, s5;
	[dreg:$0xb] =	wrdreg s23  }
0x16: {  	s25 =	sadd.s32 $0x14080, s5;
	[dreg:$0xc] =	wrdreg s24  }
0x17: {  	s26 =	sadd.s32 $0x14100, s5;
	[dreg:$0xd] =	wrdreg s25  }
0x18: {  	s3 =	sadd.s32 $0x14180, s5;
	[dreg:$0xe] =	wrdreg s26  }
0x19: {  	s4 =	sadd.s32 $0x14200, s5;
	[dreg:$0xf] =	wrdreg s3  }
0x1a: {  	s6 =	sadd.s32 $0x14280, s5;
	[dreg:$0x10] =	wrdreg s4  }
0x1b: {  	s7 =	sadd.s32 $0x14300, s5;
	[dreg:$0x11] =	wrdreg s6  }
0x1c: {  	s8 =	sadd.s32 $0x14380, s5;
	[dreg:$0x12] =	wrdreg s7  }
0x1d: {  	s9 =	sadd.s32 $0x400, s5;
	[dreg:$0x13] =	wrdreg s8  }
0x1e: {  	s10 =	sadd.s32 $0x800, s5;
	[dreg:$0x16] =	wrdreg s9  }
0x1f: {  	s11 =	sadd.s32 $0xC00, s5;
	[dreg:$0x17] =	wrdreg s10  }
0x20: {  	s12 =	sadd.s32 $0x1000, s5;
	[dreg:$0x18] =	wrdreg s11  }
0x21: {  	s13 =	sadd.s32 $0x480, s5;
	[dreg:$0x19] =	wrdreg s12  }
0x22: {  	s14 =	sadd.s32 $0x880, s5;
	[dreg:$0x1a] =	wrdreg s13  }
0x23: {  	s15 =	sadd.s32 $0xC80, s5;
	[dreg:$0x1b] =	wrdreg s14  }
0x24: {  	s16 =	sadd.s32 $0x1080, s5;
	[dreg:$0x1c] =	wrdreg s15  }
0x25: {  	s1 =	sadd.s32 $0xE00, s5;
	[dreg:$0x1d] =	wrdreg s16  }
0x26: {  	s2 =	sadd.s32 $0x1200, s5;
	[smem:$0x7E5] =	sst s1  }
0x27: {  	s17 =	sadd.s32 $0x500, s5;
	[smem:$0x7E6] =	sst s2  }
0x28: {  	s18 =	sadd.s32 $0x900, s5;
	[dreg:$0x1e] =	wrdreg s17  }
0x29: {  	s19 =	sadd.s32 $0xD00, s5;
	[dreg:$0x1f] =	wrdreg s18  }
0x2a: {  	s20 =	sadd.s32 $0x1100, s5;
	[smem:$0x7DD] =	sst s19  }
0x2b: {  	s21 =	sadd.s32 $0x580, s5;
	[smem:$0x7DE] =	sst s20  }
0x2c: {  	s22 =	sadd.s32 $0x980, s5;
	[smem:$0x7DF] =	sst s21  }
0x2d: {  	s23 =	sadd.s32 $0xD80, s5;
	[smem:$0x7E0] =	sst s22  }
0x2e: {  	s24 =	sadd.s32 $0x1180, s5;
	[smem:$0x7E1] =	sst s23  }
0x2f: {  	s25 =	sadd.s32 $0x600, s5;
	[smem:$0x7E2] =	sst s24  }
0x30: {  	s26 =	sadd.s32 $0xA00, s5;
	[smem:$0x7E3] =	sst s25  }
0x31: {  	s3 =	sadd.s32 $0x680, s5;
	[smem:$0x7E4] =	sst s26  }
0x32: {  	s4 =	sadd.s32 $0xA80, s5;
	[smem:$0x7E7] =	sst s3  }
0x33: {  	s6 =	sadd.s32 $0xE80, s5;
	[smem:$0x7E8] =	sst s4  }
0x34: {  	s7 =	sadd.s32 $0x1280, s5;
	[smem:$0x7E9] =	sst s6  }
0x35: {  	s8 =	sadd.s32 $0x700, s5;
	[smem:$0x7EA] =	sst s7  }
0x36: {  	s9 =	sadd.s32 $0xB00, s5;
	[smem:$0x7EB] =	sst s8  }
0x37: {  	s10 =	sadd.s32 $0xF00, s5;
	[smem:$0x7EC] =	sst s9  }
0x38: {  	s11 =	sadd.s32 $0x1300, s5;
	[smem:$0x7ED] =	sst s10  }
0x39: {  	s12 =	sadd.s32 $0x780, s5;
	[smem:$0x7EE] =	sst s11  }
0x3a: {  	s28 =	simm.s32 $0x1;
	s13 =	sadd.s32 $0xB80, s5;
	[smem:$0x7EF] =	sst s12  }
0x3b: {  	s29 =	simm.s32 $0x2800;
	s14 =	sadd.s32 $0xF80, s5;
	[smem:$0x7F0] =	sst s13  }
0x3c: {  	s30 =	simm.s32 $0x80;
	s15 =	sadd.s32 $0x1380, s5;
	[smem:$0x7F1] =	sst s14  }
0x3d: {  	s31 =	simm.s32 $0x0;
	s16 =	sadd.s32 $0x14400, s5;
	[smem:$0x7F2] =	sst s15  }
0x3e: {  	[smem:$0x7F3] =	sst s16;
	s17 =	sadd.s32 $0x14800, s5;
	s18 =	sadd.s32 $0x14C00, s5  }
0x3f: {  	s19 =	sadd.s32 $0x15000, s5;
	s20 =	sadd.s32 $0x14480, s5;
	[smem:$0x7F4] =	sst s17  }
0x40: {  	s21 =	sadd.s32 $0x14880, s5;
	s22 =	sadd.s32 $0x14C80, s5;
	[smem:$0x7F5] =	sst s18  }
0x41: {  	s23 =	sadd.s32 $0x15080, s5;
	s24 =	sadd.s32 $0x14500, s5;
	[smem:$0x7F6] =	sst s19  }
0x42: {  	s25 =	sadd.s32 $0x14900, s5;
	s26 =	sadd.s32 $0x14D00, s5;
	[smem:$0x7F7] =	sst s20  }
0x43: {  	s6 =	sadd.s32 $0x15100, s5;
	s7 =	sadd.s32 $0x14580, s5;
	[smem:$0x7F8] =	sst s21  }
0x44: {  	s8 =	sadd.s32 $0x14980, s5;
	s9 =	sadd.s32 $0x14D80, s5;
	[smem:$0x7F9] =	sst s22  }
0x45: {  	s10 =	sadd.s32 $0x15180, s5;
	s11 =	sadd.s32 $0x14600, s5;
	[smem:$0x7FA] =	sst s23  }
0x46: {  	s12 =	sadd.s32 $0x14A00, s5;
	s13 =	sadd.s32 $0x14E00, s5;
	[smem:$0x7FB] =	sst s24  }
0x47: {  	s14 =	sadd.s32 $0x15200, s5;
	s15 =	sadd.s32 $0x14680, s5;
	[smem:$0x7FC] =	sst s25  }
0x48: {  	s16 =	sadd.s32 $0x14A80, s5;
	[smem:$0x7FD] =	sst s26;
	s17 =	sadd.s32 $0x14E80, s5  }
0x49: {  	s18 =	sadd.s32 $0x15280, s5;
	s19 =	sadd.s32 $0x14700, s5;
	s20 =	sadd.s32 $0x14B00, s5  }
0x4a: {  	s21 =	sadd.s32 $0x14F00, s5;
	s22 =	sadd.s32 $0x15300, s5;
	s23 =	sadd.s32 $0x14780, s5  }
0x4b: {  	v0 =	vimm.f32 $0.0e+00;
	v1 =	vimm.f32 $1.000000000e+00;
	s24 =	sadd.s32 $0x14B80, s5;
	s25 =	sadd.s32 $0x14F80, s5;
	s26 =	sadd.s32 $0x15380, s5  }
.LBB2_1:
0x4c: {  	s0 =	simm.s32 $0x0;
	s1 =	rddreg [dreg:$0x3]  }
0x4d: {  	[tilespmem:s0], [sflag:$0x1] =	stream.linear.gather [hbm4b:s1+s0], $0x2800, $0x38;
	[tilespmem:$0xA280] =	vst v63  }
0x4e: {  	_ =	swait.ge [sflag:s28], $0x2800  }
0x4f: {  	[sflag:s28] =	ssyncset.done $0x0  }
0x50: {  	s0 =	simm.s32 $0x0;
	[sflag:s28] =	ssyncadd.s32 $0xFFFFD800  }
.LBB2_2:
0x51: {  	p0 =	sne.s32 s0, $0x9FC0  }
.Ltmp0:
0x52: {  	_ = 	snop;
	(pc) =	sbr.rel @p0 .LBB2_2-.Ltmp0, $3  }
0x53: {  	_ =	sdelay $0x1  }
0x54: {  	s1 =	sshra.s32 s0, $0x2  }
0x55: {  	s0 =	sadd.s32 $0x40, s0;
	[tilespmem:s1+$0x2800] =	vst v0  }
0x56: {  	s0 =	simm.s32 $0x0  }
.LBB2_4:
0x57: {  	s1 =	sshra.s32 s0, $0x2  }
0x58: {  	v2 =	vld [tilespmem:s1+$0x0];
	_ =	sdelay $0x7  }
0x59: {  	[tilespmem:v2+s29+$0x0] =	vst.idx.add.f32.msk $0xffff, v1  }
0x5a: {  	v2 =	vld [tilespmem:s1+$0x10];
	_ =	sdelay $0x7  }
0x5b: {  	[tilespmem:v2+s29+$0x0] =	vst.idx.add.f32.msk $0xffff, v1  }
0x5c: {  	v2 =	vld [tilespmem:s1+$0x20];
	_ =	sdelay $0x7  }
0x5d: {  	[tilespmem:v2+s29+$0x0] =	vst.idx.add.f32.msk $0xffff, v1  }
0x5e: {  	v2 =	vld [tilespmem:s1+$0x30];
	_ =	sdelay $0x7  }
0x5f: {  	[tilespmem:v2+s29+$0x0] =	vst.idx.add.f32.msk $0xffff, v1  }
0x60: {  	v2 =	vld [tilespmem:s1+$0x40];
	_ =	sdelay $0x7  }
0x61: {  	[tilespmem:v2+s29+$0x0] =	vst.idx.add.f32.msk $0xffff, v1  }
0x62: {  	v2 =	vld [tilespmem:s1+$0x50];
	_ =	sdelay $0x7  }
0x63: {  	[tilespmem:v2+s29+$0x0] =	vst.idx.add.f32.msk $0xffff, v1  }
0x64: {  	v2 =	vld [tilespmem:s1+$0x60];
	_ =	sdelay $0x7  }
0x65: {  	[tilespmem:v2+s29+$0x0] =	vst.idx.add.f32.msk $0xffff, v1  }
0x66: {  	v2 =	vld [tilespmem:s1+$0x70];
	_ =	sdelay $0x2  }
0x67: {  	p0 =	sne.s32 s0, $0x9E00  }
.Ltmp1:
0x68: {  	_ = 	snop;
	(pc) =	sbr.rel @p0 .LBB2_4-.Ltmp1, $2  }
0x69: {  	_ =	sdelay $0x2  }
0x6a: {  	s0 =	sadd.s32 $0x200, s0;
	[tilespmem:v2+s29+$0x0] =	vst.idx.add.f32.msk $0xffff, v1  }
0x6b: {  	s0 =	rddreg [dreg:$0x4];
	s1 =	simm.s32 $0x400  }
0x6c: {  	[spmem:s0] =	stream.strided.scatter [tilespmem:s29], [sflag:$0x1], $0x2800, s1, s30, $0x38;
	[tilespmem:$0xA280] =	vst v63  }
0x6d: {  	_ =	swait.ge [sflag:s28], $0x2800  }
0x6e: {  	[sflag:s28] =	ssyncset.done $0x0  }
0x6f: {  	[sflag:s28] =	ssyncadd.s32 $0xFFFFD800  }
0x70: {  	s2 =	simm.s32 $0x5000;
	[bflag:$0x0] =	sbarrier.arrive $0xFFFF  }
0x71: {  	[tilespmem:s2], [sflag:$0x1] =	stream.linear.gather [spmem:s5], $0x80, $0x38;
	[tilespmem:$0xA280] =	vst v63  }
0x72: {  	s4 =	simm.s32 $0x5400;
	s3 =	rddreg [dreg:$0x16]  }
0x73: {  	[tilespmem:s4], [sflag:$0x1] =	stream.linear.gather [spmem:s3], $0x80, $0x38;
	[tilespmem:$0xA280] =	vst v63  }
0x74: {  	s1 =	rddreg [dreg:$0x17];
	s2 =	simm.s32 $0x5800  }
0x75: {  	[tilespmem:s2], [sflag:$0x1] =	stream.linear.gather [spmem:s1], $0x80, $0x38;
	[tilespmem:$0xA280] =	vst v63  }
0x76: {  	s3 =	rddreg [dreg:$0x18];
	s4 =	simm.s32 $0x5C00  }
0x77: {  	[tilespmem:s4], [sflag:$0x1] =	stream.linear.gather [spmem:s3], $0x80, $0x38;
	[tilespmem:$0xA280] =	vst v63  }
0x78: {  	s1 =	rddreg [dreg:$0x19];
	s2 =	simm.s32 $0x6000  }
0x79: {  	[tilespmem:s2], [sflag:$0x1] =	stream.linear.gather [spmem:s1], $0x80, $0x38;
	[tilespmem:$0xA280] =	vst v63  }
0x7a: {  	_ =	swait.ge [sflag:s28], $0x280  }
0x7b: {  	[sflag:s28] =	ssyncset.done $0x0  }
0x7c: {  	s4 =	simm.s32 $0x5080;
	s3 =	rddreg [dreg:$0x5];
	[sflag:s28] =	ssyncadd.s32 $0xFFFFFD80  }
0x7d: {  	[tilespmem:s4], [sflag:$0x1] =	stream.linear.gather [spmem:s3], $0x80, $0x38;
	[tilespmem:$0xA280] =	vst v63  }
0x7e: {  	s2 =	simm.s32 $0x5480;
	s1 =	rddreg [dreg:$0x1a]  }
0x7f: {  	[tilespmem:s2], [sflag:$0x1] =	stream.linear.gather [spmem:s1], $0x80, $0x38;
	[tilespmem:$0xA280] =	vst v63  }
0x80: {  	s3 =	rddreg [dreg:$0x1b];
	s4 =	simm.s32 $0x5880  }
0x81: {  	[tilespmem:s4], [sflag:$0x1] =	stream.linear.gather [spmem:s3], $0x80, $0x38;
	[tilespmem:$0xA280] =	vst v63  }
0x82: {  	s1 =	rddreg [dreg:$0x1c];
	s2 =	simm.s32 $0x5C80  }
0x83: {  	[tilespmem:s2], [sflag:$0x1] =	stream.linear.gather [spmem:s1], $0x80, $0x38;
	[tilespmem:$0xA280] =	vst v63  }
0x84: {  	s3 =	rddreg [dreg:$0x1d];
	s4 =	simm.s32 $0x6080  }
0x85: {  	[tilespmem:s4], [sflag:$0x1] =	stream.linear.gather [spmem:s3], $0x80, $0x38;
	[tilespmem:$0xA280] =	vst v63  }
0x86: {  	_ =	swait.ge [sflag:s28], $0x280  }
0x87: {  	[sflag:s28] =	ssyncset.done $0x0;
	s1 =	rddreg [dreg:$0x6]  }
0x88: {  	s2 =	simm.s32 $0x5100;
	s3 =	rddreg [dreg:$0x1e];
	[sflag:s28] =	ssyncadd.s32 $0xFFFFFD80  }
0x89: {  	[tilespmem:s2], [sflag:$0x1] =	stream.linear.gather [spmem:s1], $0x80, $0x38;
	[tilespmem:$0xA280] =	vst v63  }
0x8a: {  	s4 =	simm.s32 $0x5500;
	s1 =	rddreg [dreg:$0x1f]  }
0x8b: {  	[tilespmem:s4], [sflag:$0x1] =	stream.linear.gather [spmem:s3], $0x80, $0x38;
	[tilespmem:$0xA280] =	vst v63  }
0x8c: {  	s2 =	simm.s32 $0x5900;
	s3 =	sld [smem:$0x7DD]  }
0x8d: {  	[tilespmem:s2], [sflag:$0x1] =	stream.linear.gather [spmem:s1], $0x80, $0x38;
	[tilespmem:$0xA280] =	vst v63  }
0x8e: {  	s4 =	simm.s32 $0x5D00;
	s1 =	sld [smem:$0x7DE]  }
0x8f: {  	[tilespmem:s4], [sflag:$0x1] =	stream.linear.gather [spmem:s3], $0x80, $0x38;
	[tilespmem:$0xA280] =	vst v63  }
0x90: {  	s2 =	simm.s32 $0x6100  }
0x91: {  	[tilespmem:s2], [sflag:$0x1] =	stream.linear.gather [spmem:s1], $0x80, $0x38;
	[tilespmem:$0xA280] =	vst v63  }
0x92: {  	_ =	swait.ge [sflag:s28], $0x280  }
0x93: {  	[sflag:s28] =	ssyncset.done $0x0;
	s3 =	rddreg [dreg:$0x7]  }
0x94: {  	s4 =	simm.s32 $0x5180;
	s1 =	sld [smem:$0x7DF];
	[sflag:s28] =	ssyncadd.s32 $0xFFFFFD80  }
0x95: {  	[tilespmem:s4], [sflag:$0x1] =	stream.linear.gather [spmem:s3], $0x80, $0x38;
	[tilespmem:$0xA280] =	vst v63  }
0x96: {  	s2 =	simm.s32 $0x5580;
	s3 =	sld [smem:$0x7E0]  }
0x97: {  	[tilespmem:s2], [sflag:$0x1] =	stream.linear.gather [spmem:s1], $0x80, $0x38;
	[tilespmem:$0xA280] =	vst v63  }
0x98: {  	s4 =	simm.s32 $0x5980;
	s1 =	sld [smem:$0x7E1]  }
0x99: {  	[tilespmem:s4], [sflag:$0x1] =	stream.linear.gather [spmem:s3], $0x80, $0x38;
	[tilespmem:$0xA280] =	vst v63  }
0x9a: {  	s2 =	simm.s32 $0x5D80;
	s3 =	sld [smem:$0x7E2]  }
0x9b: {  	[tilespmem:s2], [sflag:$0x1] =	stream.linear.gather [spmem:s1], $0x80, $0x38;
	[tilespmem:$0xA280] =	vst v63  }
0x9c: {  	s4 =	simm.s32 $0x6180  }
0x9d: {  	[tilespmem:s4], [sflag:$0x1] =	stream.linear.gather [spmem:s3], $0x80, $0x38;
	[tilespmem:$0xA280] =	vst v63  }
0x9e: {  	_ =	swait.ge [sflag:s28], $0x280  }
0x9f: {  	[sflag:s28] =	ssyncset.done $0x0;
	s1 =	rddreg [dreg:$0x8]  }
0xa0: {  	s2 =	simm.s32 $0x5200;
	s3 =	sld [smem:$0x7E3];
	[sflag:s28] =	ssyncadd.s32 $0xFFFFFD80  }
0xa1: {  	[tilespmem:s2], [sflag:$0x1] =	stream.linear.gather [spmem:s1], $0x80, $0x38;
	[tilespmem:$0xA280] =	vst v63  }
0xa2: {  	s4 =	simm.s32 $0x5600;
	s1 =	sld [smem:$0x7E4]  }
0xa3: {  	[tilespmem:s4], [sflag:$0x1] =	stream.linear.gather [spmem:s3], $0x80, $0x38;
	[tilespmem:$0xA280] =	vst v63  }
0xa4: {  	s2 =	simm.s32 $0x5A00;
	s3 =	sld [smem:$0x7E5]  }
0xa5: {  	[tilespmem:s2], [sflag:$0x1] =	stream.linear.gather [spmem:s1], $0x80, $0x38;
	[tilespmem:$0xA280] =	vst v63  }
0xa6: {  	s4 =	simm.s32 $0x5E00;
	s1 =	sld [smem:$0x7E6]  }
0xa7: {  	[tilespmem:s4], [sflag:$0x1] =	stream.linear.gather [spmem:s3], $0x80, $0x38;
	[tilespmem:$0xA280] =	vst v63  }
0xa8: {  	s2 =	simm.s32 $0x6200  }
0xa9: {  	[tilespmem:s2], [sflag:$0x1] =	stream.linear.gather [spmem:s1], $0x80, $0x38;
	[tilespmem:$0xA280] =	vst v63  }
0xaa: {  	_ =	swait.ge [sflag:s28], $0x280  }
0xab: {  	[sflag:s28] =	ssyncset.done $0x0;
	s3 =	rddreg [dreg:$0x9]  }
0xac: {  	s4 =	simm.s32 $0x5280;
	s1 =	sld [smem:$0x7E7];
	[sflag:s28] =	ssyncadd.s32 $0xFFFFFD80  }
0xad: {  	[tilespmem:s4], [sflag:$0x1] =	stream.linear.gather [spmem:s3], $0x80, $0x38;
	[tilespmem:$0xA280] =	vst v63  }
0xae: {  	s2 =	simm.s32 $0x5680;
	s3 =	sld [smem:$0x7E8]  }
0xaf: {  	[tilespmem:s2], [sflag:$0x1] =	stream.linear.gather [spmem:s1], $0x80, $0x38;
	[tilespmem:$0xA280] =	vst v63  }
0xb0: {  	s4 =	simm.s32 $0x5A80;
	s1 =	sld [smem:$0x7E9]  }
0xb1: {  	[tilespmem:s4], [sflag:$0x1] =	stream.linear.gather [spmem:s3], $0x80, $0x38;
	[tilespmem:$0xA280] =	vst v63  }
0xb2: {  	s2 =	simm.s32 $0x5E80;
	s3 =	sld [smem:$0x7EA]  }
0xb3: {  	[tilespmem:s2], [sflag:$0x1] =	stream.linear.gather [spmem:s1], $0x80, $0x38;
	[tilespmem:$0xA280] =	vst v63  }
0xb4: {  	s4 =	simm.s32 $0x6280  }
0xb5: {  	[tilespmem:s4], [sflag:$0x1] =	stream.linear.gather [spmem:s3], $0x80, $0x38;
	[tilespmem:$0xA280] =	vst v63  }
0xb6: {  	_ =	swait.ge [sflag:s28], $0x280  }
0xb7: {  	[sflag:s28] =	ssyncset.done $0x0;
	s1 =	rddreg [dreg:$0xa]  }
0xb8: {  	s2 =	simm.s32 $0x5300;
	s3 =	sld [smem:$0x7EB];
	[sflag:s28] =	ssyncadd.s32 $0xFFFFFD80  }
0xb9: {  	[tilespmem:s2], [sflag:$0x1] =	stream.linear.gather [spmem:s1], $0x80, $0x38;
	[tilespmem:$0xA280] =	vst v63  }
0xba: {  	s4 =	simm.s32 $0x5700;
	s1 =	sld [smem:$0x7EC]  }
0xbb: {  	[tilespmem:s4], [sflag:$0x1] =	stream.linear.gather [spmem:s3], $0x80, $0x38;
	[tilespmem:$0xA280] =	vst v63  }
0xbc: {  	s2 =	simm.s32 $0x5B00;
	s3 =	sld [smem:$0x7ED]  }
0xbd: {  	[tilespmem:s2], [sflag:$0x1] =	stream.linear.gather [spmem:s1], $0x80, $0x38;
	[tilespmem:$0xA280] =	vst v63  }
0xbe: {  	s4 =	simm.s32 $0x5F00;
	s1 =	sld [smem:$0x7EE]  }
0xbf: {  	[tilespmem:s4], [sflag:$0x1] =	stream.linear.gather [spmem:s3], $0x80, $0x38;
	[tilespmem:$0xA280] =	vst v63  }
0xc0: {  	s2 =	simm.s32 $0x6300  }
0xc1: {  	[tilespmem:s2], [sflag:$0x1] =	stream.linear.gather [spmem:s1], $0x80, $0x38;
	[tilespmem:$0xA280] =	vst v63  }
0xc2: {  	_ =	swait.ge [sflag:s28], $0x280  }
0xc3: {  	[sflag:s28] =	ssyncset.done $0x0;
	s3 =	rddreg [dreg:$0xb]  }
0xc4: {  	s4 =	simm.s32 $0x5380;
	s1 =	sld [smem:$0x7EF];
	[sflag:s28] =	ssyncadd.s32 $0xFFFFFD80  }
0xc5: {  	[tilespmem:s4], [sflag:$0x1] =	stream.linear.gather [spmem:s3], $0x80, $0x38;
	[tilespmem:$0xA280] =	vst v63  }
0xc6: {  	s2 =	simm.s32 $0x5780;
	s3 =	sld [smem:$0x7F0]  }
0xc7: {  	[tilespmem:s2], [sflag:$0x1] =	stream.linear.gather [spmem:s1], $0x80, $0x38;
	[tilespmem:$0xA280] =	vst v63  }
0xc8: {  	s4 =	simm.s32 $0x5B80;
	s1 =	sld [smem:$0x7F1]  }
0xc9: {  	[tilespmem:s4], [sflag:$0x1] =	stream.linear.gather [spmem:s3], $0x80, $0x38;
	[tilespmem:$0xA280] =	vst v63  }
0xca: {  	s2 =	simm.s32 $0x5F80;
	s3 =	sld [smem:$0x7F2]  }
0xcb: {  	[tilespmem:s2], [sflag:$0x1] =	stream.linear.gather [spmem:s1], $0x80, $0x38;
	[tilespmem:$0xA280] =	vst v63  }
0xcc: {  	s4 =	simm.s32 $0x6380  }
0xcd: {  	[tilespmem:s4], [sflag:$0x1] =	stream.linear.gather [spmem:s3], $0x80, $0x38;
	[tilespmem:$0xA280] =	vst v63  }
0xce: {  	_ =	swait.ge [sflag:s28], $0x280  }
0xcf: {  	[sflag:s28] =	ssyncset.done $0x0;
	s1 =	rddreg [dreg:$0xc]  }
0xd0: {  	s2 =	simm.s32 $0x6400;
	s3 =	sld [smem:$0x7F3];
	[sflag:s28] =	ssyncadd.s32 $0xFFFFFD80  }
0xd1: {  	[tilespmem:s2], [sflag:$0x1] =	stream.linear.gather [spmem:s1], $0x80, $0x38;
	[tilespmem:$0xA280] =	vst v63  }
0xd2: {  	s4 =	simm.s32 $0x6800;
	s1 =	sld [smem:$0x7F4]  }
0xd3: {  	[tilespmem:s4], [sflag:$0x1] =	stream.linear.gather [spmem:s3], $0x80, $0x38;
	[tilespmem:$0xA280] =	vst v63  }
0xd4: {  	s2 =	simm.s32 $0x6C00;
	s3 =	sld [smem:$0x7F5]  }
0xd5: {  	[tilespmem:s2], [sflag:$0x1] =	stream.linear.gather [spmem:s1], $0x80, $0x38;
	[tilespmem:$0xA280] =	vst v63  }
0xd6: {  	s4 =	simm.s32 $0x7000;
	s1 =	sld [smem:$0x7F6]  }
0xd7: {  	[tilespmem:s4], [sflag:$0x1] =	stream.linear.gather [spmem:s3], $0x80, $0x38;
	[tilespmem:$0xA280] =	vst v63  }
0xd8: {  	s2 =	simm.s32 $0x7400  }
0xd9: {  	[tilespmem:s2], [sflag:$0x1] =	stream.linear.gather [spmem:s1], $0x80, $0x38;
	[tilespmem:$0xA280] =	vst v63  }
0xda: {  	_ =	swait.ge [sflag:s28], $0x280  }
0xdb: {  	[sflag:s28] =	ssyncset.done $0x0;
	s3 =	rddreg [dreg:$0xd]  }
0xdc: {  	s4 =	simm.s32 $0x6480;
	s1 =	sld [smem:$0x7F7];
	[sflag:s28] =	ssyncadd.s32 $0xFFFFFD80  }
0xdd: {  	[tilespmem:s4], [sflag:$0x1] =	stream.linear.gather [spmem:s3], $0x80, $0x38;
	[tilespmem:$0xA280] =	vst v63  }
0xde: {  	s2 =	simm.s32 $0x6880;
	s3 =	sld [smem:$0x7F8]  }
0xdf: {  	[tilespmem:s2], [sflag:$0x1] =	stream.linear.gather [spmem:s1], $0x80, $0x38;
	[tilespmem:$0xA280] =	vst v63  }
0xe0: {  	s4 =	simm.s32 $0x6C80;
	s1 =	sld [smem:$0x7F9]  }
0xe1: {  	[tilespmem:s4], [sflag:$0x1] =	stream.linear.gather [spmem:s3], $0x80, $0x38;
	[tilespmem:$0xA280] =	vst v63  }
0xe2: {  	s2 =	simm.s32 $0x7080;
	s3 =	sld [smem:$0x7FA]  }
0xe3: {  	[tilespmem:s2], [sflag:$0x1] =	stream.linear.gather [spmem:s1], $0x80, $0x38;
	[tilespmem:$0xA280] =	vst v63  }
0xe4: {  	s4 =	simm.s32 $0x7480  }
0xe5: {  	[tilespmem:s4], [sflag:$0x1] =	stream.linear.gather [spmem:s3], $0x80, $0x38;
	[tilespmem:$0xA280] =	vst v63  }
0xe6: {  	_ =	swait.ge [sflag:s28], $0x280  }
0xe7: {  	[sflag:s28] =	ssyncset.done $0x0;
	s1 =	rddreg [dreg:$0xe]  }
0xe8: {  	s2 =	simm.s32 $0x6500;
	s3 =	sld [smem:$0x7FB];
	[sflag:s28] =	ssyncadd.s32 $0xFFFFFD80  }
0xe9: {  	[tilespmem:s2], [sflag:$0x1] =	stream.linear.gather [spmem:s1], $0x80, $0x38;
	[tilespmem:$0xA280] =	vst v63  }
0xea: {  	s4 =	simm.s32 $0x6900;
	s1 =	sld [smem:$0x7FC]  }
0xeb: {  	[tilespmem:s4], [sflag:$0x1] =	stream.linear.gather [spmem:s3], $0x80, $0x38;
	[tilespmem:$0xA280] =	vst v63  }
0xec: {  	s2 =	simm.s32 $0x6D00;
	s3 =	sld [smem:$0x7FD]  }
0xed: {  	[tilespmem:s2], [sflag:$0x1] =	stream.linear.gather [spmem:s1], $0x80, $0x38;
	[tilespmem:$0xA280] =	vst v63  }
0xee: {  	s4 =	simm.s32 $0x7100  }
0xef: {  	[tilespmem:s4], [sflag:$0x1] =	stream.linear.gather [spmem:s3], $0x80, $0x38;
	[tilespmem:$0xA280] =	vst v63  }
0xf0: {  	s2 =	simm.s32 $0x7500  }
0xf1: {  	[tilespmem:s2], [sflag:$0x1] =	stream.linear.gather [spmem:s6], $0x80, $0x38;
	[tilespmem:$0xA280] =	vst v63  }
0xf2: {  	_ =	swait.ge [sflag:s28], $0x280  }
0xf3: {  	[sflag:s28] =	ssyncset.done $0x0  }
0xf4: {  	s4 =	simm.s32 $0x6580;
	s3 =	rddreg [dreg:$0xf];
	[sflag:s28] =	ssyncadd.s32 $0xFFFFFD80  }
0xf5: {  	[tilespmem:s4], [sflag:$0x1] =	stream.linear.gather [spmem:s3], $0x80, $0x38;
	[tilespmem:$0xA280] =	vst v63  }
0xf6: {  	s1 =	simm.s32 $0x6980  }
0xf7: {  	[tilespmem:s1], [sflag:$0x1] =	stream.linear.gather [spmem:s7], $0x80, $0x38;
	[tilespmem:$0xA280] =	vst v63  }
0xf8: {  	s2 =	simm.s32 $0x6D80  }
0xf9: {  	[tilespmem:s2], [sflag:$0x1] =	stream.linear.gather [spmem:s8], $0x80, $0x38;
	[tilespmem:$0xA280] =	vst v63  }
0xfa: {  	s3 =	simm.s32 $0x7180  }
0xfb: {  	[tilespmem:s3], [sflag:$0x1] =	stream.linear.gather [spmem:s9], $0x80, $0x38;
	[tilespmem:$0xA280] =	vst v63  }
0xfc: {  	s4 =	simm.s32 $0x7580  }
0xfd: {  	[tilespmem:s4], [sflag:$0x1] =	stream.linear.gather [spmem:s10], $0x80, $0x38;
	[tilespmem:$0xA280] =	vst v63  }
0xfe: {  	_ =	swait.ge [sflag:s28], $0x280  }
0xff: {  	[sflag:s28] =	ssyncset.done $0x0  }
0x100: {  	s2 =	simm.s32 $0x6600;
	s1 =	rddreg [dreg:$0x10];
	[sflag:s28] =	ssyncadd.s32 $0xFFFFFD80  }
0x101: {  	[tilespmem:s2], [sflag:$0x1] =	stream.linear.gather [spmem:s1], $0x80, $0x38;
	[tilespmem:$0xA280] =	vst v63  }
0x102: {  	s3 =	simm.s32 $0x6A00  }
0x103: {  	[tilespmem:s3], [sflag:$0x1] =	stream.linear.gather [spmem:s11], $0x80, $0x38;
	[tilespmem:$0xA280] =	vst v63  }
0x104: {  	s4 =	simm.s32 $0x6E00  }
0x105: {  	[tilespmem:s4], [sflag:$0x1] =	stream.linear.gather [spmem:s12], $0x80, $0x38;
	[tilespmem:$0xA280] =	vst v63  }
0x106: {  	s1 =	simm.s32 $0x7200  }
0x107: {  	[tilespmem:s1], [sflag:$0x1] =	stream.linear.gather [spmem:s13], $0x80, $0x38;
	[tilespmem:$0xA280] =	vst v63  }
0x108: {  	s2 =	simm.s32 $0x7600  }
0x109: {  	[tilespmem:s2], [sflag:$0x1] =	stream.linear.gather [spmem:s14], $0x80, $0x38;
	[tilespmem:$0xA280] =	vst v63  }
0x10a: {  	_ =	swait.ge [sflag:s28], $0x280  }
0x10b: {  	[sflag:s28] =	ssyncset.done $0x0  }
0x10c: {  	s4 =	simm.s32 $0x6680;
	s3 =	rddreg [dreg:$0x11];
	[sflag:s28] =	ssyncadd.s32 $0xFFFFFD80  }
0x10d: {  	[tilespmem:s4], [sflag:$0x1] =	stream.linear.gather [spmem:s3], $0x80, $0x38;
	[tilespmem:$0xA280] =	vst v63  }
0x10e: {  	s1 =	simm.s32 $0x6A80  }
0x10f: {  	[tilespmem:s1], [sflag:$0x1] =	stream.linear.gather [spmem:s15], $0x80, $0x38;
	[tilespmem:$0xA280] =	vst v63  }
0x110: {  	s2 =	simm.s32 $0x6E80  }
0x111: {  	[tilespmem:s2], [sflag:$0x1] =	stream.linear.gather [spmem:s16], $0x80, $0x38;
	[tilespmem:$0xA280] =	vst v63  }
0x112: {  	s3 =	simm.s32 $0x7280  }
0x113: {  	[tilespmem:s3], [sflag:$0x1] =	stream.linear.gather [spmem:s17], $0x80, $0x38;
	[tilespmem:$0xA280] =	vst v63  }
0x114: {  	s4 =	simm.s32 $0x7680  }
0x115: {  	[tilespmem:s4], [sflag:$0x1] =	stream.linear.gather [spmem:s18], $0x80, $0x38;
	[tilespmem:$0xA280] =	vst v63  }
0x116: {  	_ =	swait.ge [sflag:s28], $0x280  }
0x117: {  	[sflag:s28] =	ssyncset.done $0x0  }
0x118: {  	s2 =	simm.s32 $0x6700;
	s1 =	rddreg [dreg:$0x12];
	[sflag:s28] =	ssyncadd.s32 $0xFFFFFD80  }
0x119: {  	[tilespmem:s2], [sflag:$0x1] =	stream.linear.gather [spmem:s1], $0x80, $0x38;
	[tilespmem:$0xA280] =	vst v63  }
0x11a: {  	s3 =	simm.s32 $0x6B00  }
0x11b: {  	[tilespmem:s3], [sflag:$0x1] =	stream.linear.gather [spmem:s19], $0x80, $0x38;
	[tilespmem:$0xA280] =	vst v63  }
0x11c: {  	s4 =	simm.s32 $0x6F00  }
0x11d: {  	[tilespmem:s4], [sflag:$0x1] =	stream.linear.gather [spmem:s20], $0x80, $0x38;
	[tilespmem:$0xA280] =	vst v63  }
0x11e: {  	s1 =	simm.s32 $0x7300  }
0x11f: {  	[tilespmem:s1], [sflag:$0x1] =	stream.linear.gather [spmem:s21], $0x80, $0x38;
	[tilespmem:$0xA280] =	vst v63  }
0x120: {  	s2 =	simm.s32 $0x7700  }
0x121: {  	[tilespmem:s2], [sflag:$0x1] =	stream.linear.gather [spmem:s22], $0x80, $0x38;
	[tilespmem:$0xA280] =	vst v63  }
0x122: {  	_ =	swait.ge [sflag:s28], $0x280  }
0x123: {  	[sflag:s28] =	ssyncset.done $0x0  }
0x124: {  	s4 =	simm.s32 $0x6780;
	s3 =	rddreg [dreg:$0x13];
	[sflag:s28] =	ssyncadd.s32 $0xFFFFFD80  }
0x125: {  	[tilespmem:s4], [sflag:$0x1] =	stream.linear.gather [spmem:s3], $0x80, $0x38;
	[tilespmem:$0xA280] =	vst v63  }
0x126: {  	s2 =	simm.s32 $0x6B80  }
0x127: {  	[tilespmem:s2], [sflag:$0x1] =	stream.linear.gather [spmem:s23], $0x80, $0x38;
	[tilespmem:$0xA280] =	vst v63  }
0x128: {  	s3 =	simm.s32 $0x6F80  }
0x129: {  	[tilespmem:s3], [sflag:$0x1] =	stream.linear.gather [spmem:s24], $0x80, $0x38;
	[tilespmem:$0xA280] =	vst v63  }
0x12a: {  	s4 =	simm.s32 $0x7380  }
0x12b: {  	[tilespmem:s4], [sflag:$0x1] =	stream.linear.gather [spmem:s25], $0x80, $0x38;
	[tilespmem:$0xA280] =	vst v63  }
0x12c: {  	s1 =	simm.s32 $0x7780  }
0x12d: {  	[tilespmem:s1], [sflag:$0x1] =	stream.linear.gather [spmem:s26], $0x80, $0x38;
	[tilespmem:$0xA280] =	vst v63  }
0x12e: {  	s2 =	simm.s32 $0x0;
	_ =	swait.ge [sflag:s28], $0x280  }
0x12f: {  	s0 =	sand.u32 $0x1C00, s2;
	s3 =	sand.u32 $0x70, s2;
	[sflag:s28] =	ssyncset.done $0x0  }
0x130: {  	s0 =	sor.u32 s3, s0;
	[sflag:s28] =	ssyncadd.s32 $0xFFFFFD80  }
0x131: {  	v2 =	vld [tilespmem:s0+$0x5080]  }
0x132: {  	v3 =	vld [tilespmem:s0+$0x5000];
	_ =	sdelay $0x1  }
0x133: {  	v4 =	vld [tilespmem:s0+$0x5100];
	_ =	sdelay $0x1  }
0x134: {  	v5 =	vld [tilespmem:s0+$0x5180]  }
0x135: {  	v2 =	vadd.f32 v2, v3  }
0x136: {  	v3 =	vld [tilespmem:s0+$0x5200]  }
0x137: {  	v2 =	vadd.f32 v4, v2  }
0x138: {  	v56 =	vld [tilespmem:s0+$0x5280]  }
0x139: {  	v2 =	vadd.f32 v5, v2  }
0x13a: {  	v57 =	vld [tilespmem:s0+$0x5300]  }
0x13b: {  	v2 =	vadd.f32 v3, v2  }
0x13c: {  	v3 =	vld [tilespmem:s0+$0x5380]  }
0x13d: {  	v2 =	vadd.f32 v56, v2  }
0x13e: {  	v58 =	vld [tilespmem:s0+$0x6400]  }
0x13f: {  	v2 =	vadd.f32 v57, v2  }
0x140: {  	v59 =	vld [tilespmem:s0+$0x6480]  }
0x141: {  	v2 =	vadd.f32 v3, v2  }
0x142: {  	v3 =	vld [tilespmem:s0+$0x6500]  }
0x143: {  	v2 =	vadd.f32 v58, v2  }
0x144: {  	v60 =	vld [tilespmem:s0+$0x6580]  }
0x145: {  	v2 =	vadd.f32 v59, v2  }
0x146: {  	v61 =	vld [tilespmem:s0+$0x6600]  }
0x147: {  	v2 =	vadd.f32 v3, v2  }
0x148: {  	v3 =	vld [tilespmem:s0+$0x6680]  }
0x149: {  	v2 =	vadd.f32 v60, v2  }
0x14a: {  	v62 =	vld [tilespmem:s0+$0x6700]  }
0x14b: {  	v2 =	vadd.f32 v61, v2  }
0x14c: {  	v63 =	vld [tilespmem:s0+$0x6780]  }
0x14d: {  	v2 =	vadd.f32 v3, v2;
	_ =	sdelay $0x1  }
0x14e: {  	v2 =	vadd.f32 v62, v2;
	_ =	sdelay $0x1  }
0x14f: {  	s2 =	simm.s32 $0x80;
	s4 =	simm.s32 $0x10;
	v2 =	vadd.f32 v63, v2  }
0x150: {  	s3 =	sand.u32 $0x1C00, s2;
	s1 =	simm.s32 $0x7800;
	s0 =	sand.u32 $0x70, s4  }
0x151: {  	s0 =	sor.u32 s0, s3;
	s3 =	simm.s32 $0x20;
	[tilespmem:s1+$0x0] =	vst v2  }
.LBB2_6:
0x152: {  	p0 =	sne.s32 s3, $0x270;
	v2 =	vld [tilespmem:s0+$0x5080]  }
0x153: {  	v3 =	vld [tilespmem:s0+$0x5000];
	_ =	sdelay $0x1  }
0x154: {  	v4 =	vld [tilespmem:s0+$0x5100];
	_ =	sdelay $0x1  }
0x155: {  	v5 =	vld [tilespmem:s0+$0x5180]  }
0x156: {  	v2 =	vadd.f32 v2, v3  }
0x157: {  	v3 =	vld [tilespmem:s0+$0x5200]  }
0x158: {  	v2 =	vadd.f32 v4, v2  }
0x159: {  	v4 =	vld [tilespmem:s0+$0x5280]  }
0x15a: {  	v2 =	vadd.f32 v5, v2  }
0x15b: {  	v5 =	vld [tilespmem:s0+$0x5300]  }
0x15c: {  	v2 =	vadd.f32 v3, v2  }
0x15d: {  	v3 =	vld [tilespmem:s0+$0x5380]  }
0x15e: {  	v2 =	vadd.f32 v4, v2  }
0x15f: {  	v4 =	vld [tilespmem:s0+$0x6400]  }
0x160: {  	v2 =	vadd.f32 v5, v2  }
0x161: {  	v5 =	vld [tilespmem:s0+$0x6480]  }
0x162: {  	v2 =	vadd.f32 v3, v2  }
0x163: {  	v3 =	vld [tilespmem:s0+$0x6500]  }
0x164: {  	v2 =	vadd.f32 v4, v2  }
0x165: {  	v4 =	vld [tilespmem:s0+$0x6580]  }
0x166: {  	v2 =	vadd.f32 v5, v2  }
0x167: {  	v5 =	vld [tilespmem:s0+$0x6600]  }
0x168: {  	v2 =	vadd.f32 v3, v2  }
0x169: {  	v3 =	vld [tilespmem:s0+$0x6680]  }
0x16a: {  	v2 =	vadd.f32 v4, v2  }
0x16b: {  	v4 =	vld [tilespmem:s0+$0x6700]  }
0x16c: {  	v2 =	vadd.f32 v5, v2  }
0x16d: {  	v5 =	vld [tilespmem:s0+$0x6780]  }
0x16e: {  	v2 =	vadd.f32 v3, v2;
	_ =	sdelay $0x1  }
.Ltmp2:
0x16f: {  	v2 =	vadd.f32 v4, v2;
	(pc) =	sbr.rel @p0 .LBB2_6-.Ltmp2, $4  }
0x170: {  	_ = 	snop  }
0x171: {  	s2 =	sadd.s32 $0x80, s2;
	v2 =	vadd.f32 v5, v2  }
0x172: {  	s1 =	sadd.s32 $0x10, s1;
	s4 =	sand.u32 $0x1C00, s2;
	s0 =	sand.u32 $0x70, s3  }
0x173: {  	s3 =	sadd.s32 $0x10, s3;
	s0 =	sor.u32 s0, s4;
	[tilespmem:s1+$0x0] =	vst v2  }
0x174: {  	v2 =	vld [tilespmem:s0+$0x5080]  }
0x175: {  	v3 =	vld [tilespmem:s0+$0x5000];
	_ =	sdelay $0x1  }
0x176: {  	v4 =	vld [tilespmem:s0+$0x5100];
	_ =	sdelay $0x1  }
0x177: {  	v5 =	vld [tilespmem:s0+$0x5180]  }
0x178: {  	v2 =	vadd.f32 v2, v3  }
0x179: {  	v3 =	vld [tilespmem:s0+$0x5200]  }
0x17a: {  	v2 =	vadd.f32 v4, v2  }
0x17b: {  	v56 =	vld [tilespmem:s0+$0x5280]  }
0x17c: {  	v2 =	vadd.f32 v5, v2  }
0x17d: {  	v57 =	vld [tilespmem:s0+$0x5300]  }
0x17e: {  	v2 =	vadd.f32 v3, v2  }
0x17f: {  	v3 =	vld [tilespmem:s0+$0x5380]  }
0x180: {  	v2 =	vadd.f32 v56, v2  }
0x181: {  	v58 =	vld [tilespmem:s0+$0x6400]  }
0x182: {  	v2 =	vadd.f32 v57, v2  }
0x183: {  	v59 =	vld [tilespmem:s0+$0x6480]  }
0x184: {  	v2 =	vadd.f32 v3, v2  }
0x185: {  	v3 =	vld [tilespmem:s0+$0x6500]  }
0x186: {  	v2 =	vadd.f32 v58, v2  }
0x187: {  	v60 =	vld [tilespmem:s0+$0x6580]  }
0x188: {  	v2 =	vadd.f32 v59, v2  }
0x189: {  	v61 =	vld [tilespmem:s0+$0x6600]  }
0x18a: {  	v2 =	vadd.f32 v3, v2  }
0x18b: {  	v3 =	vld [tilespmem:s0+$0x6680]  }
0x18c: {  	v2 =	vadd.f32 v60, v2  }
0x18d: {  	v62 =	vld [tilespmem:s0+$0x6700]  }
0x18e: {  	v2 =	vadd.f32 v61, v2  }
0x18f: {  	v63 =	vld [tilespmem:s0+$0x6780]  }
0x190: {  	v2 =	vadd.f32 v3, v2;
	_ =	sdelay $0x1  }
0x191: {  	v2 =	vadd.f32 v62, v2;
	_ =	sdelay $0x1  }
0x192: {  	v2 =	vadd.f32 v63, v2  }
0x193: {  	s4 =	sadd.s32 $0x10, s1  }
0x194: {  	s1 =	rddreg [dreg:$0x14];
	s3 =	simm.s32 $0x100;
	s2 =	simm.s32 $0x7800;
	[tilespmem:s4+$0x0] =	vst v2  }
0x195: {  	[hbm4b:s1+s30] =	stream.strided.scatter [tilespmem:s2], [sflag:$0x1], $0x280, s3, s30, $0x38;
	[tilespmem:$0xA280] =	vst v63  }
0x196: {  	_ =	swait.ge [sflag:s28], $0x280  }
0x197: {  	s31 =	sadd.s32 $0x1, s31;
	s4 =	rddreg [dreg:$0x15]  }
0x198: {  	p0 =	sne.s32 s31, s4  }
.Ltmp3:
0x199: {  	_ = 	snop;
	(pc) =	sbr.rel @p0 .LBB2_1-.Ltmp3, $3  }
0x19a: {  	_ =	sdelay $0x1  }
0x19b: {  	[sflag:s28] =	ssyncset.done $0x0  }
0x19c: {  	[sflag:s28] =	ssyncadd.s32 $0xFFFFFD80  }
0x19d: {  	_ =	sfence.sel $0x180000  }
0x19e: {  	[bflag:$0x0] =	sbarrier.arrive $0xFFFF  }
0x19f: {  	_ =	strace $0x90000047  }
0x1a0: {  	s0 =	stileid.u32;
	[bflag:$0x2] =	sbarrier.arrive $0xFFFF  }
0x1a1: {  	p0 =	sne.s32 s0, $0x0;
	s0 =	rddreg [dreg:$0x2]  }
0x1a2: {  	s0 =	sadd.s32 @!p0 $0x100000, s0  }
0x1a3: {  	[sflag:s0] =	ssyncadd.tile.s32 @!p0 $0x1;
	_ =	shalt  }
.Lfunc_end2:
_tile_overlayer_lowered:
.L_overlay_start_2:
0x1a4: {  	(tag) =	ssettag $0x2  }
0x1a5: {  	s0 =	rddreg [dreg:$0x0];
	s2 =	stileid.u32  }
0x1a6: {  	s1 =	rddreg [dreg:$0x1];
	p0 =	sne.s32 s2, $0x0  }
0x1a7: {  	s3 =	rddreg [dreg:$0x2];
	[bflag:$0x3] =	sbarrier.arrive $0xFFFF;
	s2 =	simm.s32 @!p0 $0x1C01  }
0x1a8: {  	[timem:s3], [sflag:s2] =	dma.local @!p0 [hbm:s0], s1  }
0x1a9: {  	s0 =	simm.s32 @!p0 $0x1  }
0x1aa: {  	_ =	swait.ge @!p0 [sflag:s0], s1  }
0x1ab: {  	s1 =	ssub.s32 @!p0 $0x0, s1;
	[sflag:s0] =	ssyncset.done @!p0 $0x0  }
0x1ac: {  	[sflag:s0] =	ssyncadd.s32 @!p0 s1  }
0x1ad: {  	[bflag:$0x3] =	sbarrier.arrive $0xFFFF  }
0x1ae: {  	_ =	shalt  }

</sc_bundles>
